<compile_context>
chip_gen: v7x
topology: tpu7x:2x2x1
jax: 0.10.2.dev20260603
libtpu: 0.0.44.dev20260713+nightly
codegen_flags: <defaults>
</compile_context>

<pallas_src>
import functools

import jax
import jax.numpy as jnp
from jax import lax
from jax.experimental import pallas as pl
from jax.experimental.pallas import tpu as pltpu
from jax.experimental.pallas import tpu_sc as plsc

N_NODES = 10000
N_EDGES = 320000
D = 128

N_PAD = 10240
ROWS_PER_TILE = N_PAD // 16
CHUNK = 128
C0 = 80
C1 = 80
CMAX = max(C0, C1)
E0 = 16 * C0 * CHUNK
E1 = 16 * C1 * CHUNK
E_PAD = E0 + E1

_MESH = plsc.VectorSubcoreMesh(
    core_axis_name="c", subcore_axis_name="s", num_cores=2, num_subcores=16
)
_MESH1 = plsc.VectorSubcoreMesh(
    core_axis_name="c", subcore_axis_name="s", num_cores=1, num_subcores=16
)



@functools.partial(
    pl.kernel,
    out_type=jax.ShapeDtypeStruct((2, N_PAD), jnp.float32),
    mesh=_MESH,
    scratch_types=[
        pltpu.VMEM((CMAX, CHUNK), jnp.int32),
        pltpu.VMEM((CHUNK,), jnp.float32),
        pltpu.VMEM_SHARED((N_PAD,), jnp.float32),
    ],
)
def _sc_degree(d0_hbm, d1_hbm, ones_hbm, deg_out, idx_v, ones_v, acc):
    c = lax.axis_index("c")
    s = lax.axis_index("s")
    pltpu.sync_copy(ones_hbm.at[pl.ds(s * ROWS_PER_TILE, ROWS_PER_TILE)],
                    acc.at[pl.ds(s * ROWS_PER_TILE, ROWS_PER_TILE)])
    pltpu.sync_copy(ones_hbm.at[pl.ds(0, CHUNK)], ones_v)

    @pl.when(c == 0)
    def _():
        pltpu.sync_copy(d0_hbm.at[s], idx_v.at[pl.ds(0, C0)])

    @pl.when(c == 1)
    def _():
        pltpu.sync_copy(d1_hbm.at[s], idx_v.at[pl.ds(0, C1)])

    plsc.subcore_barrier()
    n = jnp.where(c == 0, C0, C1)

    def body(j, carry):
        pltpu.sync_copy(ones_v, acc.at[idx_v.at[j]], add=True)
        return carry

    lax.fori_loop(0, n, body, 0)
    plsc.subcore_barrier()
    pltpu.sync_copy(acc.at[pl.ds(s * ROWS_PER_TILE, ROWS_PER_TILE)],
                    deg_out.at[c, pl.ds(s * ROWS_PER_TILE, ROWS_PER_TILE)])


def _make_sc_aggregate(n_chunks):
    assert n_chunks % 4 == 0

    @functools.partial(
        pl.kernel,
        out_type=jax.ShapeDtypeStruct((N_PAD, D), jnp.float32),
        mesh=_MESH1,
        scratch_types=[
            pltpu.VMEM((n_chunks, CHUNK), jnp.int32),
            [pltpu.VMEM((1, CHUNK), jnp.int32)] * 4,
            [pltpu.VMEM((CHUNK, D), jnp.float32)] * 2,
            pltpu.VMEM_SHARED((N_PAD, D), jnp.float32),
            [pltpu.SemaphoreType.DMA] * 2,
            [pltpu.SemaphoreType.DMA] * 2,
            [pltpu.SemaphoreType.DMA] * 4,
        ],
    )
    def agg(hp_hbm, src_hbm, dst_hbm, out_hbm, sidx, dds, bufs, acc,
            gsem, ssem, dsem):
        s = lax.axis_index("s")
        pltpu.sync_copy(hp_hbm.at[pl.ds(s * ROWS_PER_TILE, ROWS_PER_TILE)],
                        acc.at[pl.ds(s * ROWS_PER_TILE, ROWS_PER_TILE)])
        pltpu.sync_copy(src_hbm.at[s], sidx)
        plsc.subcore_barrier()

        def gather(j, b):
            pltpu.async_copy(hp_hbm.at[sidx.at[j]], bufs[b], gsem[b])

        def gather_wait(j, b):
            pltpu.make_async_copy(hp_hbm.at[sidx.at[j]], bufs[b],
                                  gsem[b]).wait()

        def scatter(j, b, q):
            pltpu.async_copy(bufs[b], acc.at[dds[q].at[0]], ssem[b], add=True)

        def scatter_wait(j, b, q):
            pltpu.make_async_copy(bufs[b], acc.at[dds[q].at[0]],
                                  ssem[b]).wait()

        def dload(j, q):
            pltpu.async_copy(dst_hbm.at[s, pl.ds(j, 1)], dds[q], dsem[q])

        def dload_wait(j, q):
            pltpu.make_async_copy(dst_hbm.at[s, pl.ds(j, 1)], dds[q],
                                  dsem[q]).wait()

        for q in range(4):
            dload(q, q)
        gather(0, 0)
        for j in range(4):
            b, q = j % 2, j % 4
            gather_wait(j, b)
            dload_wait(j, q)
            if j > 0:
                scatter_wait(j - 1, 1 - b, (j - 1) % 4)
            scatter(j, b, q)
            if j + 2 >= 4:
                dload(j + 2, (j + 2) % 4)
            gather(j + 1, 1 - b)

        def outer(g, carry):
            jb = 4 * g
            for k in range(4):
                j = jb + k
                b, q = k % 2, k % 4
                gather_wait(j, b)
                dload_wait(j, q)
                scatter_wait(j - 1, 1 - b, (k - 1) % 4)
                scatter(j, b, q)
                dload(j + 2, (k + 2) % 4)
                gather(j + 1, 1 - b)
            return carry

        lax.fori_loop(1, n_chunks // 4 - 1, outer, 0)

        for k in range(4):
            j = n_chunks - 4 + k
            b, q = j % 2, j % 4
            gather_wait(j, b)
            dload_wait(j, q)
            scatter_wait(j - 1, 1 - b, (j - 1) % 4)
            scatter(j, b, q)
            if j + 2 < n_chunks:
                dload(j + 2, (j + 2) % 4)
            if j + 1 < n_chunks:
                gather(j + 1, 1 - b)
        scatter_wait(n_chunks - 1, (n_chunks - 1) % 2, (n_chunks - 1) % 4)

        plsc.subcore_barrier()
        pltpu.sync_copy(acc.at[pl.ds(s * ROWS_PER_TILE, ROWS_PER_TILE)],
                        out_hbm.at[pl.ds(s * ROWS_PER_TILE, ROWS_PER_TILE)])

    return agg


_sc_aggregate_a = _make_sc_aggregate(C0)
_sc_aggregate_b = _make_sc_aggregate(C1)



_BLK = 512
_GRID = N_PAD // _BLK


_XBLK = 400
_XGRID = N_NODES // _XBLK


def _tc_matmul_body(x_ref, w_ref, h_ref):
    h_ref[...] = jnp.dot(x_ref[...], w_ref[...],
                         preferred_element_type=jnp.float32)


def _tc_matmul(x, W1):
    return pl.pallas_call(
        _tc_matmul_body,
        grid=(_XGRID,),
        in_specs=[
            pl.BlockSpec((_XBLK, D), lambda i: (i, 0)),
            pl.BlockSpec((D, D), lambda i: (0, 0)),
        ],
        out_specs=pl.BlockSpec((_XBLK, D), lambda i: (i, 0)),
        out_shape=jax.ShapeDtypeStruct((N_PAD, D), jnp.float32),
    )(x, W1)


def _tc_prescale_body(h_ref, degp_ref, hp_ref, dis_ref):
    deg = degp_ref[0] + degp_ref[1]
    dis = lax.rsqrt(deg)
    hp_ref[...] = h_ref[...] * dis
    dis_ref[...] = dis


def _tc_prescale(h1, deg_p):
    return pl.pallas_call(
        _tc_prescale_body,
        grid=(_XGRID,),
        in_specs=[
            pl.BlockSpec((_XBLK, D), lambda i: (i, 0)),
            pl.BlockSpec((2, _XBLK, 1), lambda i: (0, i, 0)),
        ],
        out_specs=[
            pl.BlockSpec((_XBLK, D), lambda i: (i, 0)),
            pl.BlockSpec((_XBLK, 1), lambda i: (i, 0)),
        ],
        out_shape=[
            jax.ShapeDtypeStruct((N_PAD, D), jnp.float32),
            jax.ShapeDtypeStruct((N_PAD, 1), jnp.float32),
        ],
    )(h1, deg_p)


def _tc_mid_body(pa_ref, pb_ref, hp_ref, dis_ref, b1_ref, w2_ref, hp2_ref):
    dis = dis_ref[...]
    agg = (pa_ref[...] + pb_ref[...] - hp_ref[...]) * dis + b1_ref[...]
    t = jnp.maximum(agg, 0.0)
    hp2_ref[...] = jnp.dot(t, w2_ref[...], preferred_element_type=jnp.float32) * dis


def _tc_mid(pa, pb, hp, dis, b1, W2):
    return pl.pallas_call(
        _tc_mid_body,
        grid=(_GRID,),
        in_specs=[
            pl.BlockSpec((_BLK, D), lambda i: (i, 0)),
            pl.BlockSpec((_BLK, D), lambda i: (i, 0)),
            pl.BlockSpec((_BLK, D), lambda i: (i, 0)),
            pl.BlockSpec((_BLK, 1), lambda i: (i, 0)),
            pl.BlockSpec((1, D), lambda i: (0, 0)),
            pl.BlockSpec((D, D), lambda i: (0, 0)),
        ],
        out_specs=pl.BlockSpec((_BLK, D), lambda i: (i, 0)),
        out_shape=jax.ShapeDtypeStruct((N_PAD, D), jnp.float32),
    )(pa, pb, hp, dis, b1, W2)


def _tc_final_body(qa_ref, qb_ref, hp_ref, dis_ref, b2_ref, out_ref):
    g = (qa_ref[...] + qb_ref[...] - hp_ref[...]) * dis_ref[...] + b2_ref[...]
    m = jnp.max(g, axis=1, keepdims=True)
    e = jnp.exp(g - m)
    lse = jnp.log(jnp.sum(e, axis=1, keepdims=True)) + m
    out_ref[...] = g - lse


def _tc_final(qa, qb, hp, dis, b2):
    return pl.pallas_call(
        _tc_final_body,
        grid=(_GRID,),
        in_specs=[
            pl.BlockSpec((_BLK, D), lambda i: (i, 0)),
            pl.BlockSpec((_BLK, D), lambda i: (i, 0)),
            pl.BlockSpec((_BLK, D), lambda i: (i, 0)),
            pl.BlockSpec((_BLK, 1), lambda i: (i, 0)),
            pl.BlockSpec((1, D), lambda i: (0, 0)),
        ],
        out_specs=pl.BlockSpec((_BLK, D), lambda i: (i, 0)),
        out_shape=jax.ShapeDtypeStruct((N_PAD, D), jnp.float32),
    )(qa, qb, hp, dis, b2)



@jax.jit
def kernel(x, edge_index, W1, b1, W2, b2):
    ei = edge_index.astype(jnp.int32)
    n_pad_edges = E_PAD - N_EDGES
    ar = jnp.arange(n_pad_edges, dtype=jnp.int32)
    src = jnp.concatenate([ei[0], ar % N_NODES])
    dst = jnp.concatenate([ei[1], N_NODES + ar % (N_PAD - N_NODES)])
    s0 = src[:E0].reshape(16, C0, CHUNK)
    d0 = dst[:E0].reshape(16, C0, CHUNK)
    s1 = src[E0:].reshape(16, C1, CHUNK)
    d1 = dst[E0:].reshape(16, C1, CHUNK)

    ones = jnp.ones((N_PAD,), jnp.float32)

    h1 = _tc_matmul(x, W1)
    deg_p = _sc_degree(d0, d1, ones)
    hp1, dis = _tc_prescale(h1, deg_p.reshape(2, N_PAD, 1))
    p1a = _sc_aggregate_a(hp1, s0, d0)
    p1b = _sc_aggregate_b(hp1, s1, d1)
    hp2 = _tc_mid(p1a, p1b, hp1, dis, b1.reshape(1, D), W2)
    p2a = _sc_aggregate_a(hp2, s0, d0)
    p2b = _sc_aggregate_b(hp2, s1, d1)
    out = _tc_final(p2a, p2b, hp2, dis, b2.reshape(1, D))
    return out[:N_NODES]

# --- scband reference (transcript-rebuilt; emitter-appended) ---
"""Pipeline reference for scband-gcnmodel-71244917506718 (READ-ONLY COPY).

The authoritative reference and input builder live on the scoring server;
editing this copy changes nothing except your own understanding.
"""

import jax, jax.numpy as jnp
import numpy as np

N_NODES = 10000
N_EDGES = 320000
D_IN = 128
D_HID = 128
D_OUT = 128


def setup_inputs(seed: int = 0) -> dict:
    key = jax.random.key(seed)
    kx, ke, kw1, kb1, kw2, kb2 = jax.random.split(key, 6)
    x = jax.random.normal(kx, (N_NODES, D_IN), dtype=jnp.float32)
    edge_index = jax.random.randint(ke, (2, N_EDGES), 0, N_NODES, dtype=jnp.int64)
    # Glorot-style init for GCNConv weights, zeros for bias (PyG default)
    s1 = float(np.sqrt(6.0 / (D_IN + D_HID)))
    s2 = float(np.sqrt(6.0 / (D_HID + D_OUT)))
    W1 = jax.random.uniform(kw1, (D_IN, D_HID), dtype=jnp.float32, minval=-s1, maxval=s1)
    b1 = jnp.zeros((D_HID,), dtype=jnp.float32)
    W2 = jax.random.uniform(kw2, (D_HID, D_OUT), dtype=jnp.float32, minval=-s2, maxval=s2)
    b2 = jnp.zeros((D_OUT,), dtype=jnp.float32)
    return {"x": x, "edge_index": edge_index, "W1": W1, "b1": b1, "W2": W2, "b2": b2}


def _gcn_conv(x, src, dst, W, b, num_nodes):
    # PyG GCNConv: add self-loops, symmetric normalization D^-1/2 A_hat D^-1/2 X W + b
    h = x @ W
    deg = jnp.zeros((num_nodes,), dtype=h.dtype).at[dst].add(1.0)
    deg_inv_sqrt = jnp.where(deg > 0, 1.0 / jnp.sqrt(deg), 0.0)
    norm = deg_inv_sqrt[src] * deg_inv_sqrt[dst]
    msgs = jnp.take(h, src, axis=0) * norm[:, None]
    out = jnp.zeros((num_nodes, h.shape[1]), dtype=h.dtype).at[dst].add(msgs)
    return out + b


def reference(x, edge_index, W1, b1, W2, b2):
    num_nodes = x.shape[0]
    loops = jnp.arange(num_nodes, dtype=edge_index.dtype)
    src = jnp.concatenate([edge_index[0], loops])
    dst = jnp.concatenate([edge_index[1], loops])
    h = _gcn_conv(x, src, dst, W1, b1, num_nodes)
    h = jax.nn.relu(h)
    h = _gcn_conv(h, src, dst, W2, b2, num_nodes)
    return jax.nn.log_softmax(h, axis=1)

if __name__ == "__main__":
    import jax
    _d = setup_inputs()
    print(jax.jit(kernel)(*tuple(_d.values())))

</pallas_src>

<mosaic_0001>
#map = affine_map<(d0, d1) -> (0, 0)>
#map1 = affine_map<(d0, d1) -> (0, 0, 0)>
module attributes {stable_mosaic.version = 14 : i64} {
  func.func @agg(%arg0: i32, %arg1: i32, %arg2: memref<10240x128xf32, #tpu.memory_space<hbm>>, %arg3: memref<16x80x128xi32, #tpu.memory_space<hbm>>, %arg4: memref<16x80x128xi32, #tpu.memory_space<hbm>>, %arg5: memref<10240x128xf32, #tpu.memory_space<hbm>>, %arg6: memref<80x128xi32, #tpu.memory_space<vmem>>, %arg7: memref<1x128xi32, #tpu.memory_space<vmem>>, %arg8: memref<1x128xi32, #tpu.memory_space<vmem>>, %arg9: memref<1x128xi32, #tpu.memory_space<vmem>>, %arg10: memref<1x128xi32, #tpu.memory_space<vmem>>, %arg11: memref<128x128xf32, #tpu.memory_space<vmem>>, %arg12: memref<128x128xf32, #tpu.memory_space<vmem>>, %arg13: memref<10240x128xf32, #tpu.memory_space<vmem_shared>>, %arg14: memref<!tpu.dma_semaphore, #tpu.memory_space<semaphore_mem>>, %arg15: memref<!tpu.dma_semaphore, #tpu.memory_space<semaphore_mem>>, %arg16: memref<!tpu.dma_semaphore, #tpu.memory_space<semaphore_mem>>, %arg17: memref<!tpu.dma_semaphore, #tpu.memory_space<semaphore_mem>>, %arg18: memref<!tpu.dma_semaphore, #tpu.memory_space<semaphore_mem>>, %arg19: memref<!tpu.dma_semaphore, #tpu.memory_space<semaphore_mem>>, %arg20: memref<!tpu.dma_semaphore, #tpu.memory_space<semaphore_mem>>, %arg21: memref<!tpu.dma_semaphore, #tpu.memory_space<semaphore_mem>>) attributes {dimension_semantics = [#tpu.dimension_semantics<core_parallel>, #tpu.dimension_semantics<subcore_parallel>], iteration_bounds = array<i64: 1, 16>, scalar_prefetch = 0 : i64, scratch_operands = 16 : i64, tpu.core_type = #tpu.core_type<sc_vector_subcore>, window_params = [{transform_indices = #map}, {transform_indices = #map1}, {transform_indices = #map1}, {transform_indices = #map}]} {
    %mul3A = arith.constant 640 : i32
    %mul3A_0 = arith.muli %arg1, %mul3A : i32
    %mul3A_1 = arith.constant 640 : i32
    %mul3A_2 = arith.muli %arg1, %mul3A_1 : i32
    "tpu.region"() ({
      %run_scoped3A = tpu.sem_alloc : memref<!tpu.dma_semaphore, #tpu.memory_space<semaphore_mem>>
      %dma_start3A_363 = arith.constant 0 : i32
      %dma_start3A_364 = tpu.memref_slice %arg13[%mul3A_2, %dma_start3A_363] : memref<10240x128xf32, #tpu.memory_space<vmem_shared>> -> memref<640x128xf32, #tpu.memory_space<vmem_shared>>
      %dma_start3A_365 = arith.constant 0 : i32
      %dma_start3A_366 = tpu.memref_slice %arg2[%mul3A_0, %dma_start3A_365] : memref<10240x128xf32, #tpu.memory_space<hbm>> -> memref<640x128xf32, #tpu.memory_space<hbm>>
      tpu.enqueue_dma source(%dma_start3A_366 : memref<640x128xf32, #tpu.memory_space<hbm>>) target(%dma_start3A_364 : memref<640x128xf32, #tpu.memory_space<vmem_shared>>) target_semaphore(%run_scoped3A : memref<!tpu.dma_semaphore, #tpu.memory_space<semaphore_mem>>)
      %dma_wait3A_367 = arith.constant 0 : i32
      %dma_wait3A_368 = tpu.memref_slice %arg13[%mul3A_2, %dma_wait3A_367] : memref<10240x128xf32, #tpu.memory_space<vmem_shared>> -> memref<640x128xf32, #tpu.memory_space<vmem_shared>>
      %dma_wait3A_369 = arith.constant 0 : i32
      %dma_wait3A_370 = tpu.memref_slice %arg2[%mul3A_0, %dma_wait3A_369] : memref<10240x128xf32, #tpu.memory_space<hbm>> -> memref<640x128xf32, #tpu.memory_space<hbm>>
      tpu.wait_dma2 semaphore(%run_scoped3A : memref<!tpu.dma_semaphore, #tpu.memory_space<semaphore_mem>>) src(%dma_wait3A_370 : memref<640x128xf32, #tpu.memory_space<hbm>>) dst(%dma_wait3A_368 : memref<640x128xf32, #tpu.memory_space<vmem_shared>>)
      tpu.yield
    }) : () -> ()
    "tpu.region"() ({
      %run_scoped3A = tpu.sem_alloc : memref<!tpu.dma_semaphore, #tpu.memory_space<semaphore_mem>>
      %dma_start3A_363 = arith.constant 0 : i32
      %dma_start3A_364 = arith.constant 0 : i32
      %dma_start3A_365 = tpu.memref_slice %arg3[%arg1, %dma_start3A_363, %dma_start3A_364] : memref<16x80x128xi32, #tpu.memory_space<hbm>> -> memref<1x80x128xi32, #tpu.memory_space<hbm>>
      %dma_start3A_366 = tpu.memref_squeeze %dma_start3A_365 : memref<1x80x128xi32, #tpu.memory_space<hbm>> -> memref<80x128xi32, #tpu.memory_space<hbm>>
      %dma_start3A_367 = arith.constant 0 : i32
      %dma_start3A_368 = arith.constant 0 : i32
      %dma_start3A_369 = tpu.memref_slice %arg3[%arg1, %dma_start3A_367, %dma_start3A_368] : memref<16x80x128xi32, #tpu.memory_space<hbm>> -> memref<1x80x128xi32, #tpu.memory_space<hbm>>
      %dma_start3A_370 = tpu.memref_squeeze %dma_start3A_369 : memref<1x80x128xi32, #tpu.memory_space<hbm>> -> memref<80x128xi32, #tpu.memory_space<hbm>>
      tpu.enqueue_dma source(%dma_start3A_370 : memref<80x128xi32, #tpu.memory_space<hbm>>) target(%arg6 : memref<80x128xi32, #tpu.memory_space<vmem>>) target_semaphore(%run_scoped3A : memref<!tpu.dma_semaphore, #tpu.memory_space<semaphore_mem>>)
      %dma_wait3A_371 = arith.constant 0 : i32
      %dma_wait3A_372 = arith.constant 0 : i32
      %dma_wait3A_373 = tpu.memref_slice %arg3[%arg1, %dma_wait3A_371, %dma_wait3A_372] : memref<16x80x128xi32, #tpu.memory_space<hbm>> -> memref<1x80x128xi32, #tpu.memory_space<hbm>>
      %dma_wait3A_374 = tpu.memref_squeeze %dma_wait3A_373 : memref<1x80x128xi32, #tpu.memory_space<hbm>> -> memref<80x128xi32, #tpu.memory_space<hbm>>
      %dma_wait3A_375 = arith.constant 0 : i32
      %dma_wait3A_376 = arith.constant 0 : i32
      %dma_wait3A_377 = tpu.memref_slice %arg3[%arg1, %dma_wait3A_375, %dma_wait3A_376] : memref<16x80x128xi32, #tpu.memory_space<hbm>> -> memref<1x80x128xi32, #tpu.memory_space<hbm>>
      %dma_wait3A_378 = tpu.memref_squeeze %dma_wait3A_377 : memref<1x80x128xi32, #tpu.memory_space<hbm>> -> memref<80x128xi32, #tpu.memory_space<hbm>>
      tpu.wait_dma2 semaphore(%run_scoped3A : memref<!tpu.dma_semaphore, #tpu.memory_space<semaphore_mem>>) src(%dma_wait3A_378 : memref<80x128xi32, #tpu.memory_space<hbm>>) dst(%arg6 : memref<80x128xi32, #tpu.memory_space<vmem>>)
      tpu.yield
    }) : () -> ()
    %barrier3A = arith.constant 0 : index
    tpu.barrier barrier_id(%barrier3A)
    %dma_start3A = arith.constant 0 : i32
    %dma_start3A_3 = arith.constant 0 : i32
    %dma_start3A_4 = tpu.memref_slice %arg4[%arg1, %dma_start3A, %dma_start3A_3] : memref<16x80x128xi32, #tpu.memory_space<hbm>> -> memref<1x1x128xi32, #tpu.memory_space<hbm>>
    %dma_start3A_5 = tpu.memref_squeeze %dma_start3A_4 : memref<1x1x128xi32, #tpu.memory_space<hbm>> -> memref<1x128xi32, #tpu.memory_space<hbm>>
    %dma_start3A_6 = arith.constant 0 : i32
    %dma_start3A_7 = arith.constant 0 : i32
    %dma_start3A_8 = tpu.memref_slice %arg4[%arg1, %dma_start3A_6, %dma_start3A_7] : memref<16x80x128xi32, #tpu.memory_space<hbm>> -> memref<1x1x128xi32, #tpu.memory_space<hbm>>
    %dma_start3A_9 = tpu.memref_squeeze %dma_start3A_8 : memref<1x1x128xi32, #tpu.memory_space<hbm>> -> memref<1x128xi32, #tpu.memory_space<hbm>>
    tpu.enqueue_dma source(%dma_start3A_9 : memref<1x128xi32, #tpu.memory_space<hbm>>) target(%arg7 : memref<1x128xi32, #tpu.memory_space<vmem>>) target_semaphore(%arg18 : memref<!tpu.dma_semaphore, #tpu.memory_space<semaphore_mem>>)
    %dma_start3A_10 = arith.constant 1 : i32
    %dma_start3A_11 = arith.constant 0 : i32
    %dma_start3A_12 = tpu.memref_slice %arg4[%arg1, %dma_start3A_10, %dma_start3A_11] : memref<16x80x128xi32, #tpu.memory_space<hbm>> -> memref<1x1x128xi32, #tpu.memory_space<hbm>>
    %dma_start3A_13 = tpu.memref_squeeze %dma_start3A_12 : memref<1x1x128xi32, #tpu.memory_space<hbm>> -> memref<1x128xi32, #tpu.memory_space<hbm>>
    %dma_start3A_14 = arith.constant 1 : i32
    %dma_start3A_15 = arith.constant 0 : i32
    %dma_start3A_16 = tpu.memref_slice %arg4[%arg1, %dma_start3A_14, %dma_start3A_15] : memref<16x80x128xi32, #tpu.memory_space<hbm>> -> memref<1x1x128xi32, #tpu.memory_space<hbm>>
    %dma_start3A_17 = tpu.memref_squeeze %dma_start3A_16 : memref<1x1x128xi32, #tpu.memory_space<hbm>> -> memref<1x128xi32, #tpu.memory_space<hbm>>
    tpu.enqueue_dma source(%dma_start3A_17 : memref<1x128xi32, #tpu.memory_space<hbm>>) target(%arg8 : memref<1x128xi32, #tpu.memory_space<vmem>>) target_semaphore(%arg19 : memref<!tpu.dma_semaphore, #tpu.memory_space<semaphore_mem>>)
    %dma_start3A_18 = arith.constant 2 : i32
    %dma_start3A_19 = arith.constant 0 : i32
    %dma_start3A_20 = tpu.memref_slice %arg4[%arg1, %dma_start3A_18, %dma_start3A_19] : memref<16x80x128xi32, #tpu.memory_space<hbm>> -> memref<1x1x128xi32, #tpu.memory_space<hbm>>
    %dma_start3A_21 = tpu.memref_squeeze %dma_start3A_20 : memref<1x1x128xi32, #tpu.memory_space<hbm>> -> memref<1x128xi32, #tpu.memory_space<hbm>>
    %dma_start3A_22 = arith.constant 2 : i32
    %dma_start3A_23 = arith.constant 0 : i32
    %dma_start3A_24 = tpu.memref_slice %arg4[%arg1, %dma_start3A_22, %dma_start3A_23] : memref<16x80x128xi32, #tpu.memory_space<hbm>> -> memref<1x1x128xi32, #tpu.memory_space<hbm>>
    %dma_start3A_25 = tpu.memref_squeeze %dma_start3A_24 : memref<1x1x128xi32, #tpu.memory_space<hbm>> -> memref<1x128xi32, #tpu.memory_space<hbm>>
    tpu.enqueue_dma source(%dma_start3A_25 : memref<1x128xi32, #tpu.memory_space<hbm>>) target(%arg9 : memref<1x128xi32, #tpu.memory_space<vmem>>) target_semaphore(%arg20 : memref<!tpu.dma_semaphore, #tpu.memory_space<semaphore_mem>>)
    %dma_start3A_26 = arith.constant 3 : i32
    %dma_start3A_27 = arith.constant 0 : i32
    %dma_start3A_28 = tpu.memref_slice %arg4[%arg1, %dma_start3A_26, %dma_start3A_27] : memref<16x80x128xi32, #tpu.memory_space<hbm>> -> memref<1x1x128xi32, #tpu.memory_space<hbm>>
    %dma_start3A_29 = tpu.memref_squeeze %dma_start3A_28 : memref<1x1x128xi32, #tpu.memory_space<hbm>> -> memref<1x128xi32, #tpu.memory_space<hbm>>
    %dma_start3A_30 = arith.constant 3 : i32
    %dma_start3A_31 = arith.constant 0 : i32
    %dma_start3A_32 = tpu.memref_slice %arg4[%arg1, %dma_start3A_30, %dma_start3A_31] : memref<16x80x128xi32, #tpu.memory_space<hbm>> -> memref<1x1x128xi32, #tpu.memory_space<hbm>>
    %dma_start3A_33 = tpu.memref_squeeze %dma_start3A_32 : memref<1x1x128xi32, #tpu.memory_space<hbm>> -> memref<1x128xi32, #tpu.memory_space<hbm>>
    tpu.enqueue_dma source(%dma_start3A_33 : memref<1x128xi32, #tpu.memory_space<hbm>>) target(%arg10 : memref<1x128xi32, #tpu.memory_space<vmem>>) target_semaphore(%arg21 : memref<!tpu.dma_semaphore, #tpu.memory_space<semaphore_mem>>)
    %dma_start3A_34 = arith.constant 0 : i32
    %dma_start3A_35 = arith.constant 0 : i32
    %dma_start3A_36 = tpu.memref_slice %arg6[%dma_start3A_34, %dma_start3A_35] : memref<80x128xi32, #tpu.memory_space<vmem>> -> memref<1x128xi32, #tpu.memory_space<vmem>>
    %dma_start3A_37 = tpu.memref_squeeze %dma_start3A_36 : memref<1x128xi32, #tpu.memory_space<vmem>> -> memref<128xi32, #tpu.memory_space<vmem>>
    %dma_start3A_38 = arith.constant 0 : i32
    %dma_start3A_39 = arith.constant 0 : i32
    %dma_start3A_40 = tpu.memref_slice %arg2[%dma_start3A_38, %dma_start3A_39] : memref<10240x128xf32, #tpu.memory_space<hbm>> -> memref<10240x128xf32, #tpu.memory_space<hbm>>
    tpu.enqueue_indirect_dma source(%dma_start3A_40 : memref<10240x128xf32, #tpu.memory_space<hbm>>) target(%arg11 : memref<128x128xf32, #tpu.memory_space<vmem>>) offsets(%dma_start3A_37 : memref<128xi32, #tpu.memory_space<vmem>>) semaphore(%arg14 : memref<!tpu.dma_semaphore, #tpu.memory_space<semaphore_mem>>)
    %dma_wait3A = arith.constant 0 : i32
    %dma_wait3A_41 = arith.constant 0 : i32
    %dma_wait3A_42 = tpu.memref_slice %arg6[%dma_wait3A, %dma_wait3A_41] : memref<80x128xi32, #tpu.memory_space<vmem>> -> memref<1x128xi32, #tpu.memory_space<vmem>>
    %dma_wait3A_43 = tpu.memref_squeeze %dma_wait3A_42 : memref<1x128xi32, #tpu.memory_space<vmem>> -> memref<128xi32, #tpu.memory_space<vmem>>
    %dma_wait3A_44 = arith.constant 0 : i32
    %dma_wait3A_45 = arith.constant 0 : i32
    %dma_wait3A_46 = tpu.memref_slice %arg2[%dma_wait3A_44, %dma_wait3A_45] : memref<10240x128xf32, #tpu.memory_space<hbm>> -> memref<10240x128xf32, #tpu.memory_space<hbm>>
    tpu.wait_indirect_dma semaphore(%arg14 : memref<!tpu.dma_semaphore, #tpu.memory_space<semaphore_mem>>) src(%dma_wait3A_46 : memref<10240x128xf32, #tpu.memory_space<hbm>>) dst(%arg11 : memref<128x128xf32, #tpu.memory_space<vmem>>)
    %dma_wait3A_47 = arith.constant 0 : i32
    %dma_wait3A_48 = arith.constant 0 : i32
    %dma_wait3A_49 = tpu.memref_slice %arg4[%arg1, %dma_wait3A_47, %dma_wait3A_48] : memref<16x80x128xi32, #tpu.memory_space<hbm>> -> memref<1x1x128xi32, #tpu.memory_space<hbm>>
    %dma_wait3A_50 = tpu.memref_squeeze %dma_wait3A_49 : memref<1x1x128xi32, #tpu.memory_space<hbm>> -> memref<1x128xi32, #tpu.memory_space<hbm>>
    %dma_wait3A_51 = arith.constant 0 : i32
    %dma_wait3A_52 = arith.constant 0 : i32
    %dma_wait3A_53 = tpu.memref_slice %arg4[%arg1, %dma_wait3A_51, %dma_wait3A_52] : memref<16x80x128xi32, #tpu.memory_space<hbm>> -> memref<1x1x128xi32, #tpu.memory_space<hbm>>
    %dma_wait3A_54 = tpu.memref_squeeze %dma_wait3A_53 : memref<1x1x128xi32, #tpu.memory_space<hbm>> -> memref<1x128xi32, #tpu.memory_space<hbm>>
    tpu.wait_dma2 semaphore(%arg18 : memref<!tpu.dma_semaphore, #tpu.memory_space<semaphore_mem>>) src(%dma_wait3A_54 : memref<1x128xi32, #tpu.memory_space<hbm>>) dst(%arg7 : memref<1x128xi32, #tpu.memory_space<vmem>>)
    %dma_start3A_55 = arith.constant 0 : i32
    %dma_start3A_56 = arith.constant 0 : i32
    %dma_start3A_57 = tpu.memref_slice %arg7[%dma_start3A_55, %dma_start3A_56] : memref<1x128xi32, #tpu.memory_space<vmem>> -> memref<1x128xi32, #tpu.memory_space<vmem>>
    %dma_start3A_58 = tpu.memref_squeeze %dma_start3A_57 : memref<1x128xi32, #tpu.memory_space<vmem>> -> memref<128xi32, #tpu.memory_space<vmem>>
    %dma_start3A_59 = arith.constant 0 : i32
    %dma_start3A_60 = arith.constant 0 : i32
    %dma_start3A_61 = tpu.memref_slice %arg13[%dma_start3A_59, %dma_start3A_60] : memref<10240x128xf32, #tpu.memory_space<vmem_shared>> -> memref<10240x128xf32, #tpu.memory_space<vmem_shared>>
    tpu.enqueue_indirect_dma source(%arg11 : memref<128x128xf32, #tpu.memory_space<vmem>>) target(%dma_start3A_61 : memref<10240x128xf32, #tpu.memory_space<vmem_shared>>) offsets(%dma_start3A_58 : memref<128xi32, #tpu.memory_space<vmem>>) semaphore(%arg16 : memref<!tpu.dma_semaphore, #tpu.memory_space<semaphore_mem>>) {add = true}
    %dma_start3A_62 = arith.constant 1 : i32
    %dma_start3A_63 = arith.constant 0 : i32
    %dma_start3A_64 = tpu.memref_slice %arg6[%dma_start3A_62, %dma_start3A_63] : memref<80x128xi32, #tpu.memory_space<vmem>> -> memref<1x128xi32, #tpu.memory_space<vmem>>
    %dma_start3A_65 = tpu.memref_squeeze %dma_start3A_64 : memref<1x128xi32, #tpu.memory_space<vmem>> -> memref<128xi32, #tpu.memory_space<vmem>>
    %dma_start3A_66 = arith.constant 0 : i32
    %dma_start3A_67 = arith.constant 0 : i32
    %dma_start3A_68 = tpu.memref_slice %arg2[%dma_start3A_66, %dma_start3A_67] : memref<10240x128xf32, #tpu.memory_space<hbm>> -> memref<10240x128xf32, #tpu.memory_space<hbm>>
    tpu.enqueue_indirect_dma source(%dma_start3A_68 : memref<10240x128xf32, #tpu.memory_space<hbm>>) target(%arg12 : memref<128x128xf32, #tpu.memory_space<vmem>>) offsets(%dma_start3A_65 : memref<128xi32, #tpu.memory_space<vmem>>) semaphore(%arg15 : memref<!tpu.dma_semaphore, #tpu.memory_space<semaphore_mem>>)
    %dma_wait3A_69 = arith.constant 1 : i32
    %dma_wait3A_70 = arith.constant 0 : i32
    %dma_wait3A_71 = tpu.memref_slice %arg6[%dma_wait3A_69, %dma_wait3A_70] : memref<80x128xi32, #tpu.memory_space<vmem>> -> memref<1x128xi32, #tpu.memory_space<vmem>>
    %dma_wait3A_72 = tpu.memref_squeeze %dma_wait3A_71 : memref<1x128xi32, #tpu.memory_space<vmem>> -> memref<128xi32, #tpu.memory_space<vmem>>
    %dma_wait3A_73 = arith.constant 0 : i32
    %dma_wait3A_74 = arith.constant 0 : i32
    %dma_wait3A_75 = tpu.memref_slice %arg2[%dma_wait3A_73, %dma_wait3A_74] : memref<10240x128xf32, #tpu.memory_space<hbm>> -> memref<10240x128xf32, #tpu.memory_space<hbm>>
    tpu.wait_indirect_dma semaphore(%arg15 : memref<!tpu.dma_semaphore, #tpu.memory_space<semaphore_mem>>) src(%dma_wait3A_75 : memref<10240x128xf32, #tpu.memory_space<hbm>>) dst(%arg12 : memref<128x128xf32, #tpu.memory_space<vmem>>)
    %dma_wait3A_76 = arith.constant 1 : i32
    %dma_wait3A_77 = arith.constant 0 : i32
    %dma_wait3A_78 = tpu.memref_slice %arg4[%arg1, %dma_wait3A_76, %dma_wait3A_77] : memref<16x80x128xi32, #tpu.memory_space<hbm>> -> memref<1x1x128xi32, #tpu.memory_space<hbm>>
    %dma_wait3A_79 = tpu.memref_squeeze %dma_wait3A_78 : memref<1x1x128xi32, #tpu.memory_space<hbm>> -> memref<1x128xi32, #tpu.memory_space<hbm>>
    %dma_wait3A_80 = arith.constant 1 : i32
    %dma_wait3A_81 = arith.constant 0 : i32
    %dma_wait3A_82 = tpu.memref_slice %arg4[%arg1, %dma_wait3A_80, %dma_wait3A_81] : memref<16x80x128xi32, #tpu.memory_space<hbm>> -> memref<1x1x128xi32, #tpu.memory_space<hbm>>
    %dma_wait3A_83 = tpu.memref_squeeze %dma_wait3A_82 : memref<1x1x128xi32, #tpu.memory_space<hbm>> -> memref<1x128xi32, #tpu.memory_space<hbm>>
    tpu.wait_dma2 semaphore(%arg19 : memref<!tpu.dma_semaphore, #tpu.memory_space<semaphore_mem>>) src(%dma_wait3A_83 : memref<1x128xi32, #tpu.memory_space<hbm>>) dst(%arg8 : memref<1x128xi32, #tpu.memory_space<vmem>>)
    %dma_wait3A_84 = arith.constant 0 : i32
    %dma_wait3A_85 = arith.constant 0 : i32
    %dma_wait3A_86 = tpu.memref_slice %arg7[%dma_wait3A_84, %dma_wait3A_85] : memref<1x128xi32, #tpu.memory_space<vmem>> -> memref<1x128xi32, #tpu.memory_space<vmem>>
    %dma_wait3A_87 = tpu.memref_squeeze %dma_wait3A_86 : memref<1x128xi32, #tpu.memory_space<vmem>> -> memref<128xi32, #tpu.memory_space<vmem>>
    %dma_wait3A_88 = arith.constant 0 : i32
    %dma_wait3A_89 = arith.constant 0 : i32
    %dma_wait3A_90 = tpu.memref_slice %arg13[%dma_wait3A_88, %dma_wait3A_89] : memref<10240x128xf32, #tpu.memory_space<vmem_shared>> -> memref<10240x128xf32, #tpu.memory_space<vmem_shared>>
    tpu.wait_indirect_dma semaphore(%arg16 : memref<!tpu.dma_semaphore, #tpu.memory_space<semaphore_mem>>) src(%arg11 : memref<128x128xf32, #tpu.memory_space<vmem>>) dst(%dma_wait3A_90 : memref<10240x128xf32, #tpu.memory_space<vmem_shared>>)
    %dma_start3A_91 = arith.constant 0 : i32
    %dma_start3A_92 = arith.constant 0 : i32
    %dma_start3A_93 = tpu.memref_slice %arg8[%dma_start3A_91, %dma_start3A_92] : memref<1x128xi32, #tpu.memory_space<vmem>> -> memref<1x128xi32, #tpu.memory_space<vmem>>
    %dma_start3A_94 = tpu.memref_squeeze %dma_start3A_93 : memref<1x128xi32, #tpu.memory_space<vmem>> -> memref<128xi32, #tpu.memory_space<vmem>>
    %dma_start3A_95 = arith.constant 0 : i32
    %dma_start3A_96 = arith.constant 0 : i32
    %dma_start3A_97 = tpu.memref_slice %arg13[%dma_start3A_95, %dma_start3A_96] : memref<10240x128xf32, #tpu.memory_space<vmem_shared>> -> memref<10240x128xf32, #tpu.memory_space<vmem_shared>>
    tpu.enqueue_indirect_dma source(%arg12 : memref<128x128xf32, #tpu.memory_space<vmem>>) target(%dma_start3A_97 : memref<10240x128xf32, #tpu.memory_space<vmem_shared>>) offsets(%dma_start3A_94 : memref<128xi32, #tpu.memory_space<vmem>>) semaphore(%arg17 : memref<!tpu.dma_semaphore, #tpu.memory_space<semaphore_mem>>) {add = true}
    %dma_start3A_98 = arith.constant 2 : i32
    %dma_start3A_99 = arith.constant 0 : i32
    %dma_start3A_100 = tpu.memref_slice %arg6[%dma_start3A_98, %dma_start3A_99] : memref<80x128xi32, #tpu.memory_space<vmem>> -> memref<1x128xi32, #tpu.memory_space<vmem>>
    %dma_start3A_101 = tpu.memref_squeeze %dma_start3A_100 : memref<1x128xi32, #tpu.memory_space<vmem>> -> memref<128xi32, #tpu.memory_space<vmem>>
    %dma_start3A_102 = arith.constant 0 : i32
    %dma_start3A_103 = arith.constant 0 : i32
    %dma_start3A_104 = tpu.memref_slice %arg2[%dma_start3A_102, %dma_start3A_103] : memref<10240x128xf32, #tpu.memory_space<hbm>> -> memref<10240x128xf32, #tpu.memory_space<hbm>>
    tpu.enqueue_indirect_dma source(%dma_start3A_104 : memref<10240x128xf32, #tpu.memory_space<hbm>>) target(%arg11 : memref<128x128xf32, #tpu.memory_space<vmem>>) offsets(%dma_start3A_101 : memref<128xi32, #tpu.memory_space<vmem>>) semaphore(%arg14 : memref<!tpu.dma_semaphore, #tpu.memory_space<semaphore_mem>>)
    %dma_wait3A_105 = arith.constant 2 : i32
    %dma_wait3A_106 = arith.constant 0 : i32
    %dma_wait3A_107 = tpu.memref_slice %arg6[%dma_wait3A_105, %dma_wait3A_106] : memref<80x128xi32, #tpu.memory_space<vmem>> -> memref<1x128xi32, #tpu.memory_space<vmem>>
    %dma_wait3A_108 = tpu.memref_squeeze %dma_wait3A_107 : memref<1x128xi32, #tpu.memory_space<vmem>> -> memref<128xi32, #tpu.memory_space<vmem>>
    %dma_wait3A_109 = arith.constant 0 : i32
    %dma_wait3A_110 = arith.constant 0 : i32
    %dma_wait3A_111 = tpu.memref_slice %arg2[%dma_wait3A_109, %dma_wait3A_110] : memref<10240x128xf32, #tpu.memory_space<hbm>> -> memref<10240x128xf32, #tpu.memory_space<hbm>>
    tpu.wait_indirect_dma semaphore(%arg14 : memref<!tpu.dma_semaphore, #tpu.memory_space<semaphore_mem>>) src(%dma_wait3A_111 : memref<10240x128xf32, #tpu.memory_space<hbm>>) dst(%arg11 : memref<128x128xf32, #tpu.memory_space<vmem>>)
    %dma_wait3A_112 = arith.constant 2 : i32
    %dma_wait3A_113 = arith.constant 0 : i32
    %dma_wait3A_114 = tpu.memref_slice %arg4[%arg1, %dma_wait3A_112, %dma_wait3A_113] : memref<16x80x128xi32, #tpu.memory_space<hbm>> -> memref<1x1x128xi32, #tpu.memory_space<hbm>>
    %dma_wait3A_115 = tpu.memref_squeeze %dma_wait3A_114 : memref<1x1x128xi32, #tpu.memory_space<hbm>> -> memref<1x128xi32, #tpu.memory_space<hbm>>
    %dma_wait3A_116 = arith.constant 2 : i32
    %dma_wait3A_117 = arith.constant 0 : i32
    %dma_wait3A_118 = tpu.memref_slice %arg4[%arg1, %dma_wait3A_116, %dma_wait3A_117] : memref<16x80x128xi32, #tpu.memory_space<hbm>> -> memref<1x1x128xi32, #tpu.memory_space<hbm>>
    %dma_wait3A_119 = tpu.memref_squeeze %dma_wait3A_118 : memref<1x1x128xi32, #tpu.memory_space<hbm>> -> memref<1x128xi32, #tpu.memory_space<hbm>>
    tpu.wait_dma2 semaphore(%arg20 : memref<!tpu.dma_semaphore, #tpu.memory_space<semaphore_mem>>) src(%dma_wait3A_119 : memref<1x128xi32, #tpu.memory_space<hbm>>) dst(%arg9 : memref<1x128xi32, #tpu.memory_space<vmem>>)
    %dma_wait3A_120 = arith.constant 0 : i32
    %dma_wait3A_121 = arith.constant 0 : i32
    %dma_wait3A_122 = tpu.memref_slice %arg8[%dma_wait3A_120, %dma_wait3A_121] : memref<1x128xi32, #tpu.memory_space<vmem>> -> memref<1x128xi32, #tpu.memory_space<vmem>>
    %dma_wait3A_123 = tpu.memref_squeeze %dma_wait3A_122 : memref<1x128xi32, #tpu.memory_space<vmem>> -> memref<128xi32, #tpu.memory_space<vmem>>
    %dma_wait3A_124 = arith.constant 0 : i32
    %dma_wait3A_125 = arith.constant 0 : i32
    %dma_wait3A_126 = tpu.memref_slice %arg13[%dma_wait3A_124, %dma_wait3A_125] : memref<10240x128xf32, #tpu.memory_space<vmem_shared>> -> memref<10240x128xf32, #tpu.memory_space<vmem_shared>>
    tpu.wait_indirect_dma semaphore(%arg17 : memref<!tpu.dma_semaphore, #tpu.memory_space<semaphore_mem>>) src(%arg12 : memref<128x128xf32, #tpu.memory_space<vmem>>) dst(%dma_wait3A_126 : memref<10240x128xf32, #tpu.memory_space<vmem_shared>>)
    %dma_start3A_127 = arith.constant 0 : i32
    %dma_start3A_128 = arith.constant 0 : i32
    %dma_start3A_129 = tpu.memref_slice %arg9[%dma_start3A_127, %dma_start3A_128] : memref<1x128xi32, #tpu.memory_space<vmem>> -> memref<1x128xi32, #tpu.memory_space<vmem>>
    %dma_start3A_130 = tpu.memref_squeeze %dma_start3A_129 : memref<1x128xi32, #tpu.memory_space<vmem>> -> memref<128xi32, #tpu.memory_space<vmem>>
    %dma_start3A_131 = arith.constant 0 : i32
    %dma_start3A_132 = arith.constant 0 : i32
    %dma_start3A_133 = tpu.memref_slice %arg13[%dma_start3A_131, %dma_start3A_132] : memref<10240x128xf32, #tpu.memory_space<vmem_shared>> -> memref<10240x128xf32, #tpu.memory_space<vmem_shared>>
    tpu.enqueue_indirect_dma source(%arg11 : memref<128x128xf32, #tpu.memory_space<vmem>>) target(%dma_start3A_133 : memref<10240x128xf32, #tpu.memory_space<vmem_shared>>) offsets(%dma_start3A_130 : memref<128xi32, #tpu.memory_space<vmem>>) semaphore(%arg16 : memref<!tpu.dma_semaphore, #tpu.memory_space<semaphore_mem>>) {add = true}
    %dma_start3A_134 = arith.constant 4 : i32
    %dma_start3A_135 = arith.constant 0 : i32
    %dma_start3A_136 = tpu.memref_slice %arg4[%arg1, %dma_start3A_134, %dma_start3A_135] : memref<16x80x128xi32, #tpu.memory_space<hbm>> -> memref<1x1x128xi32, #tpu.memory_space<hbm>>
    %dma_start3A_137 = tpu.memref_squeeze %dma_start3A_136 : memref<1x1x128xi32, #tpu.memory_space<hbm>> -> memref<1x128xi32, #tpu.memory_space<hbm>>
    %dma_start3A_138 = arith.constant 4 : i32
    %dma_start3A_139 = arith.constant 0 : i32
    %dma_start3A_140 = tpu.memref_slice %arg4[%arg1, %dma_start3A_138, %dma_start3A_139] : memref<16x80x128xi32, #tpu.memory_space<hbm>> -> memref<1x1x128xi32, #tpu.memory_space<hbm>>
    %dma_start3A_141 = tpu.memref_squeeze %dma_start3A_140 : memref<1x1x128xi32, #tpu.memory_space<hbm>> -> memref<1x128xi32, #tpu.memory_space<hbm>>
    tpu.enqueue_dma source(%dma_start3A_141 : memref<1x128xi32, #tpu.memory_space<hbm>>) target(%arg7 : memref<1x128xi32, #tpu.memory_space<vmem>>) target_semaphore(%arg18 : memref<!tpu.dma_semaphore, #tpu.memory_space<semaphore_mem>>)
    %dma_start3A_142 = arith.constant 3 : i32
    %dma_start3A_143 = arith.constant 0 : i32
    %dma_start3A_144 = tpu.memref_slice %arg6[%dma_start3A_142, %dma_start3A_143] : memref<80x128xi32, #tpu.memory_space<vmem>> -> memref<1x128xi32, #tpu.memory_space<vmem>>
    %dma_start3A_145 = tpu.memref_squeeze %dma_start3A_144 : memref<1x128xi32, #tpu.memory_space<vmem>> -> memref<128xi32, #tpu.memory_space<vmem>>
    %dma_start3A_146 = arith.constant 0 : i32
    %dma_start3A_147 = arith.constant 0 : i32
    %dma_start3A_148 = tpu.memref_slice %arg2[%dma_start3A_146, %dma_start3A_147] : memref<10240x128xf32, #tpu.memory_space<hbm>> -> memref<10240x128xf32, #tpu.memory_space<hbm>>
    tpu.enqueue_indirect_dma source(%dma_start3A_148 : memref<10240x128xf32, #tpu.memory_space<hbm>>) target(%arg12 : memref<128x128xf32, #tpu.memory_space<vmem>>) offsets(%dma_start3A_145 : memref<128xi32, #tpu.memory_space<vmem>>) semaphore(%arg15 : memref<!tpu.dma_semaphore, #tpu.memory_space<semaphore_mem>>)
    %dma_wait3A_149 = arith.constant 3 : i32
    %dma_wait3A_150 = arith.constant 0 : i32
    %dma_wait3A_151 = tpu.memref_slice %arg6[%dma_wait3A_149, %dma_wait3A_150] : memref<80x128xi32, #tpu.memory_space<vmem>> -> memref<1x128xi32, #tpu.memory_space<vmem>>
    %dma_wait3A_152 = tpu.memref_squeeze %dma_wait3A_151 : memref<1x128xi32, #tpu.memory_space<vmem>> -> memref<128xi32, #tpu.memory_space<vmem>>
    %dma_wait3A_153 = arith.constant 0 : i32
    %dma_wait3A_154 = arith.constant 0 : i32
    %dma_wait3A_155 = tpu.memref_slice %arg2[%dma_wait3A_153, %dma_wait3A_154] : memref<10240x128xf32, #tpu.memory_space<hbm>> -> memref<10240x128xf32, #tpu.memory_space<hbm>>
    tpu.wait_indirect_dma semaphore(%arg15 : memref<!tpu.dma_semaphore, #tpu.memory_space<semaphore_mem>>) src(%dma_wait3A_155 : memref<10240x128xf32, #tpu.memory_space<hbm>>) dst(%arg12 : memref<128x128xf32, #tpu.memory_space<vmem>>)
    %dma_wait3A_156 = arith.constant 3 : i32
    %dma_wait3A_157 = arith.constant 0 : i32
    %dma_wait3A_158 = tpu.memref_slice %arg4[%arg1, %dma_wait3A_156, %dma_wait3A_157] : memref<16x80x128xi32, #tpu.memory_space<hbm>> -> memref<1x1x128xi32, #tpu.memory_space<hbm>>
    %dma_wait3A_159 = tpu.memref_squeeze %dma_wait3A_158 : memref<1x1x128xi32, #tpu.memory_space<hbm>> -> memref<1x128xi32, #tpu.memory_space<hbm>>
    %dma_wait3A_160 = arith.constant 3 : i32
    %dma_wait3A_161 = arith.constant 0 : i32
    %dma_wait3A_162 = tpu.memref_slice %arg4[%arg1, %dma_wait3A_160, %dma_wait3A_161] : memref<16x80x128xi32, #tpu.memory_space<hbm>> -> memref<1x1x128xi32, #tpu.memory_space<hbm>>
    %dma_wait3A_163 = tpu.memref_squeeze %dma_wait3A_162 : memref<1x1x128xi32, #tpu.memory_space<hbm>> -> memref<1x128xi32, #tpu.memory_space<hbm>>
    tpu.wait_dma2 semaphore(%arg21 : memref<!tpu.dma_semaphore, #tpu.memory_space<semaphore_mem>>) src(%dma_wait3A_163 : memref<1x128xi32, #tpu.memory_space<hbm>>) dst(%arg10 : memref<1x128xi32, #tpu.memory_space<vmem>>)
    %dma_wait3A_164 = arith.constant 0 : i32
    %dma_wait3A_165 = arith.constant 0 : i32
    %dma_wait3A_166 = tpu.memref_slice %arg9[%dma_wait3A_164, %dma_wait3A_165] : memref<1x128xi32, #tpu.memory_space<vmem>> -> memref<1x128xi32, #tpu.memory_space<vmem>>
    %dma_wait3A_167 = tpu.memref_squeeze %dma_wait3A_166 : memref<1x128xi32, #tpu.memory_space<vmem>> -> memref<128xi32, #tpu.memory_space<vmem>>
    %dma_wait3A_168 = arith.constant 0 : i32
    %dma_wait3A_169 = arith.constant 0 : i32
    %dma_wait3A_170 = tpu.memref_slice %arg13[%dma_wait3A_168, %dma_wait3A_169] : memref<10240x128xf32, #tpu.memory_space<vmem_shared>> -> memref<10240x128xf32, #tpu.memory_space<vmem_shared>>
    tpu.wait_indirect_dma semaphore(%arg16 : memref<!tpu.dma_semaphore, #tpu.memory_space<semaphore_mem>>) src(%arg11 : memref<128x128xf32, #tpu.memory_space<vmem>>) dst(%dma_wait3A_170 : memref<10240x128xf32, #tpu.memory_space<vmem_shared>>)
    %dma_start3A_171 = arith.constant 0 : i32
    %dma_start3A_172 = arith.constant 0 : i32
    %dma_start3A_173 = tpu.memref_slice %arg10[%dma_start3A_171, %dma_start3A_172] : memref<1x128xi32, #tpu.memory_space<vmem>> -> memref<1x128xi32, #tpu.memory_space<vmem>>
    %dma_start3A_174 = tpu.memref_squeeze %dma_start3A_173 : memref<1x128xi32, #tpu.memory_space<vmem>> -> memref<128xi32, #tpu.memory_space<vmem>>
    %dma_start3A_175 = arith.constant 0 : i32
    %dma_start3A_176 = arith.constant 0 : i32
    %dma_start3A_177 = tpu.memref_slice %arg13[%dma_start3A_175, %dma_start3A_176] : memref<10240x128xf32, #tpu.memory_space<vmem_shared>> -> memref<10240x128xf32, #tpu.memory_space<vmem_shared>>
    tpu.enqueue_indirect_dma source(%arg12 : memref<128x128xf32, #tpu.memory_space<vmem>>) target(%dma_start3A_177 : memref<10240x128xf32, #tpu.memory_space<vmem_shared>>) offsets(%dma_start3A_174 : memref<128xi32, #tpu.memory_space<vmem>>) semaphore(%arg17 : memref<!tpu.dma_semaphore, #tpu.memory_space<semaphore_mem>>) {add = true}
    %dma_start3A_178 = arith.constant 5 : i32
    %dma_start3A_179 = arith.constant 0 : i32
    %dma_start3A_180 = tpu.memref_slice %arg4[%arg1, %dma_start3A_178, %dma_start3A_179] : memref<16x80x128xi32, #tpu.memory_space<hbm>> -> memref<1x1x128xi32, #tpu.memory_space<hbm>>
    %dma_start3A_181 = tpu.memref_squeeze %dma_start3A_180 : memref<1x1x128xi32, #tpu.memory_space<hbm>> -> memref<1x128xi32, #tpu.memory_space<hbm>>
    %dma_start3A_182 = arith.constant 5 : i32
    %dma_start3A_183 = arith.constant 0 : i32
    %dma_start3A_184 = tpu.memref_slice %arg4[%arg1, %dma_start3A_182, %dma_start3A_183] : memref<16x80x128xi32, #tpu.memory_space<hbm>> -> memref<1x1x128xi32, #tpu.memory_space<hbm>>
    %dma_start3A_185 = tpu.memref_squeeze %dma_start3A_184 : memref<1x1x128xi32, #tpu.memory_space<hbm>> -> memref<1x128xi32, #tpu.memory_space<hbm>>
    tpu.enqueue_dma source(%dma_start3A_185 : memref<1x128xi32, #tpu.memory_space<hbm>>) target(%arg8 : memref<1x128xi32, #tpu.memory_space<vmem>>) target_semaphore(%arg19 : memref<!tpu.dma_semaphore, #tpu.memory_space<semaphore_mem>>)
    %dma_start3A_186 = arith.constant 4 : i32
    %dma_start3A_187 = arith.constant 0 : i32
    %dma_start3A_188 = tpu.memref_slice %arg6[%dma_start3A_186, %dma_start3A_187] : memref<80x128xi32, #tpu.memory_space<vmem>> -> memref<1x128xi32, #tpu.memory_space<vmem>>
    %dma_start3A_189 = tpu.memref_squeeze %dma_start3A_188 : memref<1x128xi32, #tpu.memory_space<vmem>> -> memref<128xi32, #tpu.memory_space<vmem>>
    %dma_start3A_190 = arith.constant 0 : i32
    %dma_start3A_191 = arith.constant 0 : i32
    %dma_start3A_192 = tpu.memref_slice %arg2[%dma_start3A_190, %dma_start3A_191] : memref<10240x128xf32, #tpu.memory_space<hbm>> -> memref<10240x128xf32, #tpu.memory_space<hbm>>
    tpu.enqueue_indirect_dma source(%dma_start3A_192 : memref<10240x128xf32, #tpu.memory_space<hbm>>) target(%arg11 : memref<128x128xf32, #tpu.memory_space<vmem>>) offsets(%dma_start3A_189 : memref<128xi32, #tpu.memory_space<vmem>>) semaphore(%arg14 : memref<!tpu.dma_semaphore, #tpu.memory_space<semaphore_mem>>)
    %scan3A = arith.constant 0 : i32
    %scan3A_193 = arith.constant 1 : i32
    %scan3A_194 = arith.constant 18 : i32
    %scan3A_195 = arith.addi %scan3A_193, %scan3A_194 : i32
    %scan3A_196 = arith.constant 1 : i32
    scf.for %scan3A_363 = %scan3A_193 to %scan3A_195 step %scan3A_196  : i32 {
      %mul3A_364 = arith.constant 4 : i32
      %mul3A_365 = arith.muli %mul3A_364, %scan3A_363 : i32
      %add3A = arith.constant 0 : i32
      %add3A_366 = arith.addi %mul3A_365, %add3A : i32
      %dma_wait3A_367 = arith.constant 0 : i32
      %dma_wait3A_368 = tpu.memref_slice %arg6[%add3A_366, %dma_wait3A_367] : memref<80x128xi32, #tpu.memory_space<vmem>> -> memref<1x128xi32, #tpu.memory_space<vmem>>
      %dma_wait3A_369 = tpu.memref_squeeze %dma_wait3A_368 : memref<1x128xi32, #tpu.memory_space<vmem>> -> memref<128xi32, #tpu.memory_space<vmem>>
      %dma_wait3A_370 = arith.constant 0 : i32
      %dma_wait3A_371 = arith.constant 0 : i32
      %dma_wait3A_372 = tpu.memref_slice %arg2[%dma_wait3A_370, %dma_wait3A_371] : memref<10240x128xf32, #tpu.memory_space<hbm>> -> memref<10240x128xf32, #tpu.memory_space<hbm>>
      tpu.wait_indirect_dma semaphore(%arg14 : memref<!tpu.dma_semaphore, #tpu.memory_space<semaphore_mem>>) src(%dma_wait3A_372 : memref<10240x128xf32, #tpu.memory_space<hbm>>) dst(%arg11 : memref<128x128xf32, #tpu.memory_space<vmem>>)
      %dma_wait3A_373 = arith.constant 0 : i32
      %dma_wait3A_374 = tpu.memref_slice %arg4[%arg1, %add3A_366, %dma_wait3A_373] : memref<16x80x128xi32, #tpu.memory_space<hbm>> -> memref<1x1x128xi32, #tpu.memory_space<hbm>>
      %dma_wait3A_375 = tpu.memref_squeeze %dma_wait3A_374 : memref<1x1x128xi32, #tpu.memory_space<hbm>> -> memref<1x128xi32, #tpu.memory_space<hbm>>
      %dma_wait3A_376 = arith.constant 0 : i32
      %dma_wait3A_377 = tpu.memref_slice %arg4[%arg1, %add3A_366, %dma_wait3A_376] : memref<16x80x128xi32, #tpu.memory_space<hbm>> -> memref<1x1x128xi32, #tpu.memory_space<hbm>>
      %dma_wait3A_378 = tpu.memref_squeeze %dma_wait3A_377 : memref<1x1x128xi32, #tpu.memory_space<hbm>> -> memref<1x128xi32, #tpu.memory_space<hbm>>
      tpu.wait_dma2 semaphore(%arg18 : memref<!tpu.dma_semaphore, #tpu.memory_space<semaphore_mem>>) src(%dma_wait3A_378 : memref<1x128xi32, #tpu.memory_space<hbm>>) dst(%arg7 : memref<1x128xi32, #tpu.memory_space<vmem>>)
      %sub3A = arith.constant 1 : i32
      %sub3A_379 = arith.subi %add3A_366, %sub3A : i32
      %dma_wait3A_380 = arith.constant 0 : i32
      %dma_wait3A_381 = arith.constant 0 : i32
      %dma_wait3A_382 = tpu.memref_slice %arg10[%dma_wait3A_380, %dma_wait3A_381] : memref<1x128xi32, #tpu.memory_space<vmem>> -> memref<1x128xi32, #tpu.memory_space<vmem>>
      %dma_wait3A_383 = tpu.memref_squeeze %dma_wait3A_382 : memref<1x128xi32, #tpu.memory_space<vmem>> -> memref<128xi32, #tpu.memory_space<vmem>>
      %dma_wait3A_384 = arith.constant 0 : i32
      %dma_wait3A_385 = arith.constant 0 : i32
      %dma_wait3A_386 = tpu.memref_slice %arg13[%dma_wait3A_384, %dma_wait3A_385] : memref<10240x128xf32, #tpu.memory_space<vmem_shared>> -> memref<10240x128xf32, #tpu.memory_space<vmem_shared>>
      tpu.wait_indirect_dma semaphore(%arg17 : memref<!tpu.dma_semaphore, #tpu.memory_space<semaphore_mem>>) src(%arg12 : memref<128x128xf32, #tpu.memory_space<vmem>>) dst(%dma_wait3A_386 : memref<10240x128xf32, #tpu.memory_space<vmem_shared>>)
      %dma_start3A_387 = arith.constant 0 : i32
      %dma_start3A_388 = arith.constant 0 : i32
      %dma_start3A_389 = tpu.memref_slice %arg7[%dma_start3A_387, %dma_start3A_388] : memref<1x128xi32, #tpu.memory_space<vmem>> -> memref<1x128xi32, #tpu.memory_space<vmem>>
      %dma_start3A_390 = tpu.memref_squeeze %dma_start3A_389 : memref<1x128xi32, #tpu.memory_space<vmem>> -> memref<128xi32, #tpu.memory_space<vmem>>
      %dma_start3A_391 = arith.constant 0 : i32
      %dma_start3A_392 = arith.constant 0 : i32
      %dma_start3A_393 = tpu.memref_slice %arg13[%dma_start3A_391, %dma_start3A_392] : memref<10240x128xf32, #tpu.memory_space<vmem_shared>> -> memref<10240x128xf32, #tpu.memory_space<vmem_shared>>
      tpu.enqueue_indirect_dma source(%arg11 : memref<128x128xf32, #tpu.memory_space<vmem>>) target(%dma_start3A_393 : memref<10240x128xf32, #tpu.memory_space<vmem_shared>>) offsets(%dma_start3A_390 : memref<128xi32, #tpu.memory_space<vmem>>) semaphore(%arg16 : memref<!tpu.dma_semaphore, #tpu.memory_space<semaphore_mem>>) {add = true}
      %add3A_394 = arith.constant 2 : i32
      %add3A_395 = arith.addi %add3A_366, %add3A_394 : i32
      %dma_start3A_396 = arith.constant 0 : i32
      %dma_start3A_397 = tpu.memref_slice %arg4[%arg1, %add3A_395, %dma_start3A_396] : memref<16x80x128xi32, #tpu.memory_space<hbm>> -> memref<1x1x128xi32, #tpu.memory_space<hbm>>
      %dma_start3A_398 = tpu.memref_squeeze %dma_start3A_397 : memref<1x1x128xi32, #tpu.memory_space<hbm>> -> memref<1x128xi32, #tpu.memory_space<hbm>>
      %dma_start3A_399 = arith.constant 0 : i32
      %dma_start3A_400 = tpu.memref_slice %arg4[%arg1, %add3A_395, %dma_start3A_399] : memref<16x80x128xi32, #tpu.memory_space<hbm>> -> memref<1x1x128xi32, #tpu.memory_space<hbm>>
      %dma_start3A_401 = tpu.memref_squeeze %dma_start3A_400 : memref<1x1x128xi32, #tpu.memory_space<hbm>> -> memref<1x128xi32, #tpu.memory_space<hbm>>
      tpu.enqueue_dma source(%dma_start3A_401 : memref<1x128xi32, #tpu.memory_space<hbm>>) target(%arg9 : memref<1x128xi32, #tpu.memory_space<vmem>>) target_semaphore(%arg20 : memref<!tpu.dma_semaphore, #tpu.memory_space<semaphore_mem>>)
      %add3A_402 = arith.constant 1 : i32
      %add3A_403 = arith.addi %add3A_366, %add3A_402 : i32
      %dma_start3A_404 = arith.constant 0 : i32
      %dma_start3A_405 = tpu.memref_slice %arg6[%add3A_403, %dma_start3A_404] : memref<80x128xi32, #tpu.memory_space<vmem>> -> memref<1x128xi32, #tpu.memory_space<vmem>>
      %dma_start3A_406 = tpu.memref_squeeze %dma_start3A_405 : memref<1x128xi32, #tpu.memory_space<vmem>> -> memref<128xi32, #tpu.memory_space<vmem>>
      %dma_start3A_407 = arith.constant 0 : i32
      %dma_start3A_408 = arith.constant 0 : i32
      %dma_start3A_409 = tpu.memref_slice %arg2[%dma_start3A_407, %dma_start3A_408] : memref<10240x128xf32, #tpu.memory_space<hbm>> -> memref<10240x128xf32, #tpu.memory_space<hbm>>
      tpu.enqueue_indirect_dma source(%dma_start3A_409 : memref<10240x128xf32, #tpu.memory_space<hbm>>) target(%arg12 : memref<128x128xf32, #tpu.memory_space<vmem>>) offsets(%dma_start3A_406 : memref<128xi32, #tpu.memory_space<vmem>>) semaphore(%arg15 : memref<!tpu.dma_semaphore, #tpu.memory_space<semaphore_mem>>)
      %add3A_410 = arith.constant 1 : i32
      %add3A_411 = arith.addi %mul3A_365, %add3A_410 : i32
      %dma_wait3A_412 = arith.constant 0 : i32
      %dma_wait3A_413 = tpu.memref_slice %arg6[%add3A_411, %dma_wait3A_412] : memref<80x128xi32, #tpu.memory_space<vmem>> -> memref<1x128xi32, #tpu.memory_space<vmem>>
      %dma_wait3A_414 = tpu.memref_squeeze %dma_wait3A_413 : memref<1x128xi32, #tpu.memory_space<vmem>> -> memref<128xi32, #tpu.memory_space<vmem>>
      %dma_wait3A_415 = arith.constant 0 : i32
      %dma_wait3A_416 = arith.constant 0 : i32
      %dma_wait3A_417 = tpu.memref_slice %arg2[%dma_wait3A_415, %dma_wait3A_416] : memref<10240x128xf32, #tpu.memory_space<hbm>> -> memref<10240x128xf32, #tpu.memory_space<hbm>>
      tpu.wait_indirect_dma semaphore(%arg15 : memref<!tpu.dma_semaphore, #tpu.memory_space<semaphore_mem>>) src(%dma_wait3A_417 : memref<10240x128xf32, #tpu.memory_space<hbm>>) dst(%arg12 : memref<128x128xf32, #tpu.memory_space<vmem>>)
      %dma_wait3A_418 = arith.constant 0 : i32
      %dma_wait3A_419 = tpu.memref_slice %arg4[%arg1, %add3A_411, %dma_wait3A_418] : memref<16x80x128xi32, #tpu.memory_space<hbm>> -> memref<1x1x128xi32, #tpu.memory_space<hbm>>
      %dma_wait3A_420 = tpu.memref_squeeze %dma_wait3A_419 : memref<1x1x128xi32, #tpu.memory_space<hbm>> -> memref<1x128xi32, #tpu.memory_space<hbm>>
      %dma_wait3A_421 = arith.constant 0 : i32
      %dma_wait3A_422 = tpu.memref_slice %arg4[%arg1, %add3A_411, %dma_wait3A_421] : memref<16x80x128xi32, #tpu.memory_space<hbm>> -> memref<1x1x128xi32, #tpu.memory_space<hbm>>
      %dma_wait3A_423 = tpu.memref_squeeze %dma_wait3A_422 : memref<1x1x128xi32, #tpu.memory_space<hbm>> -> memref<1x128xi32, #tpu.memory_space<hbm>>
      tpu.wait_dma2 semaphore(%arg19 : memref<!tpu.dma_semaphore, #tpu.memory_space<semaphore_mem>>) src(%dma_wait3A_423 : memref<1x128xi32, #tpu.memory_space<hbm>>) dst(%arg8 : memref<1x128xi32, #tpu.memory_space<vmem>>)
      %sub3A_424 = arith.constant 1 : i32
      %sub3A_425 = arith.subi %add3A_411, %sub3A_424 : i32
      %dma_wait3A_426 = arith.constant 0 : i32
      %dma_wait3A_427 = arith.constant 0 : i32
      %dma_wait3A_428 = tpu.memref_slice %arg7[%dma_wait3A_426, %dma_wait3A_427] : memref<1x128xi32, #tpu.memory_space<vmem>> -> memref<1x128xi32, #tpu.memory_space<vmem>>
      %dma_wait3A_429 = tpu.memref_squeeze %dma_wait3A_428 : memref<1x128xi32, #tpu.memory_space<vmem>> -> memref<128xi32, #tpu.memory_space<vmem>>
      %dma_wait3A_430 = arith.constant 0 : i32
      %dma_wait3A_431 = arith.constant 0 : i32
      %dma_wait3A_432 = tpu.memref_slice %arg13[%dma_wait3A_430, %dma_wait3A_431] : memref<10240x128xf32, #tpu.memory_space<vmem_shared>> -> memref<10240x128xf32, #tpu.memory_space<vmem_shared>>
      tpu.wait_indirect_dma semaphore(%arg16 : memref<!tpu.dma_semaphore, #tpu.memory_space<semaphore_mem>>) src(%arg11 : memref<128x128xf32, #tpu.memory_space<vmem>>) dst(%dma_wait3A_432 : memref<10240x128xf32, #tpu.memory_space<vmem_shared>>)
      %dma_start3A_433 = arith.constant 0 : i32
      %dma_start3A_434 = arith.constant 0 : i32
      %dma_start3A_435 = tpu.memref_slice %arg8[%dma_start3A_433, %dma_start3A_434] : memref<1x128xi32, #tpu.memory_space<vmem>> -> memref<1x128xi32, #tpu.memory_space<vmem>>
      %dma_start3A_436 = tpu.memref_squeeze %dma_start3A_435 : memref<1x128xi32, #tpu.memory_space<vmem>> -> memref<128xi32, #tpu.memory_space<vmem>>
      %dma_start3A_437 = arith.constant 0 : i32
      %dma_start3A_438 = arith.constant 0 : i32
      %dma_start3A_439 = tpu.memref_slice %arg13[%dma_start3A_437, %dma_start3A_438] : memref<10240x128xf32, #tpu.memory_space<vmem_shared>> -> memref<10240x128xf32, #tpu.memory_space<vmem_shared>>
      tpu.enqueue_indirect_dma source(%arg12 : memref<128x128xf32, #tpu.memory_space<vmem>>) target(%dma_start3A_439 : memref<10240x128xf32, #tpu.memory_space<vmem_shared>>) offsets(%dma_start3A_436 : memref<128xi32, #tpu.memory_space<vmem>>) semaphore(%arg17 : memref<!tpu.dma_semaphore, #tpu.memory_space<semaphore_mem>>) {add = true}
      %add3A_440 = arith.constant 2 : i32
      %add3A_441 = arith.addi %add3A_411, %add3A_440 : i32
      %dma_start3A_442 = arith.constant 0 : i32
      %dma_start3A_443 = tpu.memref_slice %arg4[%arg1, %add3A_441, %dma_start3A_442] : memref<16x80x128xi32, #tpu.memory_space<hbm>> -> memref<1x1x128xi32, #tpu.memory_space<hbm>>
      %dma_start3A_444 = tpu.memref_squeeze %dma_start3A_443 : memref<1x1x128xi32, #tpu.memory_space<hbm>> -> memref<1x128xi32, #tpu.memory_space<hbm>>
      %dma_start3A_445 = arith.constant 0 : i32
      %dma_start3A_446 = tpu.memref_slice %arg4[%arg1, %add3A_441, %dma_start3A_445] : memref<16x80x128xi32, #tpu.memory_space<hbm>> -> memref<1x1x128xi32, #tpu.memory_space<hbm>>
      %dma_start3A_447 = tpu.memref_squeeze %dma_start3A_446 : memref<1x1x128xi32, #tpu.memory_space<hbm>> -> memref<1x128xi32, #tpu.memory_space<hbm>>
      tpu.enqueue_dma source(%dma_start3A_447 : memref<1x128xi32, #tpu.memory_space<hbm>>) target(%arg10 : memref<1x128xi32, #tpu.memory_space<vmem>>) target_semaphore(%arg21 : memref<!tpu.dma_semaphore, #tpu.memory_space<semaphore_mem>>)
      %add3A_448 = arith.constant 1 : i32
      %add3A_449 = arith.addi %add3A_411, %add3A_448 : i32
      %dma_start3A_450 = arith.constant 0 : i32
      %dma_start3A_451 = tpu.memref_slice %arg6[%add3A_449, %dma_start3A_450] : memref<80x128xi32, #tpu.memory_space<vmem>> -> memref<1x128xi32, #tpu.memory_space<vmem>>
      %dma_start3A_452 = tpu.memref_squeeze %dma_start3A_451 : memref<1x128xi32, #tpu.memory_space<vmem>> -> memref<128xi32, #tpu.memory_space<vmem>>
      %dma_start3A_453 = arith.constant 0 : i32
      %dma_start3A_454 = arith.constant 0 : i32
      %dma_start3A_455 = tpu.memref_slice %arg2[%dma_start3A_453, %dma_start3A_454] : memref<10240x128xf32, #tpu.memory_space<hbm>> -> memref<10240x128xf32, #tpu.memory_space<hbm>>
      tpu.enqueue_indirect_dma source(%dma_start3A_455 : memref<10240x128xf32, #tpu.memory_space<hbm>>) target(%arg11 : memref<128x128xf32, #tpu.memory_space<vmem>>) offsets(%dma_start3A_452 : memref<128xi32, #tpu.memory_space<vmem>>) semaphore(%arg14 : memref<!tpu.dma_semaphore, #tpu.memory_space<semaphore_mem>>)
      %add3A_456 = arith.constant 2 : i32
      %add3A_457 = arith.addi %mul3A_365, %add3A_456 : i32
      %dma_wait3A_458 = arith.constant 0 : i32
      %dma_wait3A_459 = tpu.memref_slice %arg6[%add3A_457, %dma_wait3A_458] : memref<80x128xi32, #tpu.memory_space<vmem>> -> memref<1x128xi32, #tpu.memory_space<vmem>>
      %dma_wait3A_460 = tpu.memref_squeeze %dma_wait3A_459 : memref<1x128xi32, #tpu.memory_space<vmem>> -> memref<128xi32, #tpu.memory_space<vmem>>
      %dma_wait3A_461 = arith.constant 0 : i32
      %dma_wait3A_462 = arith.constant 0 : i32
      %dma_wait3A_463 = tpu.memref_slice %arg2[%dma_wait3A_461, %dma_wait3A_462] : memref<10240x128xf32, #tpu.memory_space<hbm>> -> memref<10240x128xf32, #tpu.memory_space<hbm>>
      tpu.wait_indirect_dma semaphore(%arg14 : memref<!tpu.dma_semaphore, #tpu.memory_space<semaphore_mem>>) src(%dma_wait3A_463 : memref<10240x128xf32, #tpu.memory_space<hbm>>) dst(%arg11 : memref<128x128xf32, #tpu.memory_space<vmem>>)
      %dma_wait3A_464 = arith.constant 0 : i32
      %dma_wait3A_465 = tpu.memref_slice %arg4[%arg1, %add3A_457, %dma_wait3A_464] : memref<16x80x128xi32, #tpu.memory_space<hbm>> -> memref<1x1x128xi32, #tpu.memory_space<hbm>>
      %dma_wait3A_466 = tpu.memref_squeeze %dma_wait3A_465 : memref<1x1x128xi32, #tpu.memory_space<hbm>> -> memref<1x128xi32, #tpu.memory_space<hbm>>
      %dma_wait3A_467 = arith.constant 0 : i32
      %dma_wait3A_468 = tpu.memref_slice %arg4[%arg1, %add3A_457, %dma_wait3A_467] : memref<16x80x128xi32, #tpu.memory_space<hbm>> -> memref<1x1x128xi32, #tpu.memory_space<hbm>>
      %dma_wait3A_469 = tpu.memref_squeeze %dma_wait3A_468 : memref<1x1x128xi32, #tpu.memory_space<hbm>> -> memref<1x128xi32, #tpu.memory_space<hbm>>
      tpu.wait_dma2 semaphore(%arg20 : memref<!tpu.dma_semaphore, #tpu.memory_space<semaphore_mem>>) src(%dma_wait3A_469 : memref<1x128xi32, #tpu.memory_space<hbm>>) dst(%arg9 : memref<1x128xi32, #tpu.memory_space<vmem>>)
      %sub3A_470 = arith.constant 1 : i32
      %sub3A_471 = arith.subi %add3A_457, %sub3A_470 : i32
      %dma_wait3A_472 = arith.constant 0 : i32
      %dma_wait3A_473 = arith.constant 0 : i32
      %dma_wait3A_474 = tpu.memref_slice %arg8[%dma_wait3A_472, %dma_wait3A_473] : memref<1x128xi32, #tpu.memory_space<vmem>> -> memref<1x128xi32, #tpu.memory_space<vmem>>
      %dma_wait3A_475 = tpu.memref_squeeze %dma_wait3A_474 : memref<1x128xi32, #tpu.memory_space<vmem>> -> memref<128xi32, #tpu.memory_space<vmem>>
      %dma_wait3A_476 = arith.constant 0 : i32
      %dma_wait3A_477 = arith.constant 0 : i32
      %dma_wait3A_478 = tpu.memref_slice %arg13[%dma_wait3A_476, %dma_wait3A_477] : memref<10240x128xf32, #tpu.memory_space<vmem_shared>> -> memref<10240x128xf32, #tpu.memory_space<vmem_shared>>
      tpu.wait_indirect_dma semaphore(%arg17 : memref<!tpu.dma_semaphore, #tpu.memory_space<semaphore_mem>>) src(%arg12 : memref<128x128xf32, #tpu.memory_space<vmem>>) dst(%dma_wait3A_478 : memref<10240x128xf32, #tpu.memory_space<vmem_shared>>)
      %dma_start3A_479 = arith.constant 0 : i32
      %dma_start3A_480 = arith.constant 0 : i32
      %dma_start3A_481 = tpu.memref_slice %arg9[%dma_start3A_479, %dma_start3A_480] : memref<1x128xi32, #tpu.memory_space<vmem>> -> memref<1x128xi32, #tpu.memory_space<vmem>>
      %dma_start3A_482 = tpu.memref_squeeze %dma_start3A_481 : memref<1x128xi32, #tpu.memory_space<vmem>> -> memref<128xi32, #tpu.memory_space<vmem>>
      %dma_start3A_483 = arith.constant 0 : i32
      %dma_start3A_484 = arith.constant 0 : i32
      %dma_start3A_485 = tpu.memref_slice %arg13[%dma_start3A_483, %dma_start3A_484] : memref<10240x128xf32, #tpu.memory_space<vmem_shared>> -> memref<10240x128xf32, #tpu.memory_space<vmem_shared>>
      tpu.enqueue_indirect_dma source(%arg11 : memref<128x128xf32, #tpu.memory_space<vmem>>) target(%dma_start3A_485 : memref<10240x128xf32, #tpu.memory_space<vmem_shared>>) offsets(%dma_start3A_482 : memref<128xi32, #tpu.memory_space<vmem>>) semaphore(%arg16 : memref<!tpu.dma_semaphore, #tpu.memory_space<semaphore_mem>>) {add = true}
      %add3A_486 = arith.constant 2 : i32
      %add3A_487 = arith.addi %add3A_457, %add3A_486 : i32
      %dma_start3A_488 = arith.constant 0 : i32
      %dma_start3A_489 = tpu.memref_slice %arg4[%arg1, %add3A_487, %dma_start3A_488] : memref<16x80x128xi32, #tpu.memory_space<hbm>> -> memref<1x1x128xi32, #tpu.memory_space<hbm>>
      %dma_start3A_490 = tpu.memref_squeeze %dma_start3A_489 : memref<1x1x128xi32, #tpu.memory_space<hbm>> -> memref<1x128xi32, #tpu.memory_space<hbm>>
      %dma_start3A_491 = arith.constant 0 : i32
      %dma_start3A_492 = tpu.memref_slice %arg4[%arg1, %add3A_487, %dma_start3A_491] : memref<16x80x128xi32, #tpu.memory_space<hbm>> -> memref<1x1x128xi32, #tpu.memory_space<hbm>>
      %dma_start3A_493 = tpu.memref_squeeze %dma_start3A_492 : memref<1x1x128xi32, #tpu.memory_space<hbm>> -> memref<1x128xi32, #tpu.memory_space<hbm>>
      tpu.enqueue_dma source(%dma_start3A_493 : memref<1x128xi32, #tpu.memory_space<hbm>>) target(%arg7 : memref<1x128xi32, #tpu.memory_space<vmem>>) target_semaphore(%arg18 : memref<!tpu.dma_semaphore, #tpu.memory_space<semaphore_mem>>)
      %add3A_494 = arith.constant 1 : i32
      %add3A_495 = arith.addi %add3A_457, %add3A_494 : i32
      %dma_start3A_496 = arith.constant 0 : i32
      %dma_start3A_497 = tpu.memref_slice %arg6[%add3A_495, %dma_start3A_496] : memref<80x128xi32, #tpu.memory_space<vmem>> -> memref<1x128xi32, #tpu.memory_space<vmem>>
      %dma_start3A_498 = tpu.memref_squeeze %dma_start3A_497 : memref<1x128xi32, #tpu.memory_space<vmem>> -> memref<128xi32, #tpu.memory_space<vmem>>
      %dma_start3A_499 = arith.constant 0 : i32
      %dma_start3A_500 = arith.constant 0 : i32
      %dma_start3A_501 = tpu.memref_slice %arg2[%dma_start3A_499, %dma_start3A_500] : memref<10240x128xf32, #tpu.memory_space<hbm>> -> memref<10240x128xf32, #tpu.memory_space<hbm>>
      tpu.enqueue_indirect_dma source(%dma_start3A_501 : memref<10240x128xf32, #tpu.memory_space<hbm>>) target(%arg12 : memref<128x128xf32, #tpu.memory_space<vmem>>) offsets(%dma_start3A_498 : memref<128xi32, #tpu.memory_space<vmem>>) semaphore(%arg15 : memref<!tpu.dma_semaphore, #tpu.memory_space<semaphore_mem>>)
      %add3A_502 = arith.constant 3 : i32
      %add3A_503 = arith.addi %mul3A_365, %add3A_502 : i32
      %dma_wait3A_504 = arith.constant 0 : i32
      %dma_wait3A_505 = tpu.memref_slice %arg6[%add3A_503, %dma_wait3A_504] : memref<80x128xi32, #tpu.memory_space<vmem>> -> memref<1x128xi32, #tpu.memory_space<vmem>>
      %dma_wait3A_506 = tpu.memref_squeeze %dma_wait3A_505 : memref<1x128xi32, #tpu.memory_space<vmem>> -> memref<128xi32, #tpu.memory_space<vmem>>
      %dma_wait3A_507 = arith.constant 0 : i32
      %dma_wait3A_508 = arith.constant 0 : i32
      %dma_wait3A_509 = tpu.memref_slice %arg2[%dma_wait3A_507, %dma_wait3A_508] : memref<10240x128xf32, #tpu.memory_space<hbm>> -> memref<10240x128xf32, #tpu.memory_space<hbm>>
      tpu.wait_indirect_dma semaphore(%arg15 : memref<!tpu.dma_semaphore, #tpu.memory_space<semaphore_mem>>) src(%dma_wait3A_509 : memref<10240x128xf32, #tpu.memory_space<hbm>>) dst(%arg12 : memref<128x128xf32, #tpu.memory_space<vmem>>)
      %dma_wait3A_510 = arith.constant 0 : i32
      %dma_wait3A_511 = tpu.memref_slice %arg4[%arg1, %add3A_503, %dma_wait3A_510] : memref<16x80x128xi32, #tpu.memory_space<hbm>> -> memref<1x1x128xi32, #tpu.memory_space<hbm>>
      %dma_wait3A_512 = tpu.memref_squeeze %dma_wait3A_511 : memref<1x1x128xi32, #tpu.memory_space<hbm>> -> memref<1x128xi32, #tpu.memory_space<hbm>>
      %dma_wait3A_513 = arith.constant 0 : i32
      %dma_wait3A_514 = tpu.memref_slice %arg4[%arg1, %add3A_503, %dma_wait3A_513] : memref<16x80x128xi32, #tpu.memory_space<hbm>> -> memref<1x1x128xi32, #tpu.memory_space<hbm>>
      %dma_wait3A_515 = tpu.memref_squeeze %dma_wait3A_514 : memref<1x1x128xi32, #tpu.memory_space<hbm>> -> memref<1x128xi32, #tpu.memory_space<hbm>>
      tpu.wait_dma2 semaphore(%arg21 : memref<!tpu.dma_semaphore, #tpu.memory_space<semaphore_mem>>) src(%dma_wait3A_515 : memref<1x128xi32, #tpu.memory_space<hbm>>) dst(%arg10 : memref<1x128xi32, #tpu.memory_space<vmem>>)
      %sub3A_516 = arith.constant 1 : i32
      %sub3A_517 = arith.subi %add3A_503, %sub3A_516 : i32
      %dma_wait3A_518 = arith.constant 0 : i32
      %dma_wait3A_519 = arith.constant 0 : i32
      %dma_wait3A_520 = tpu.memref_slice %arg9[%dma_wait3A_518, %dma_wait3A_519] : memref<1x128xi32, #tpu.memory_space<vmem>> -> memref<1x128xi32, #tpu.memory_space<vmem>>
      %dma_wait3A_521 = tpu.memref_squeeze %dma_wait3A_520 : memref<1x128xi32, #tpu.memory_space<vmem>> -> memref<128xi32, #tpu.memory_space<vmem>>
      %dma_wait3A_522 = arith.constant 0 : i32
      %dma_wait3A_523 = arith.constant 0 : i32
      %dma_wait3A_524 = tpu.memref_slice %arg13[%dma_wait3A_522, %dma_wait3A_523] : memref<10240x128xf32, #tpu.memory_space<vmem_shared>> -> memref<10240x128xf32, #tpu.memory_space<vmem_shared>>
      tpu.wait_indirect_dma semaphore(%arg16 : memref<!tpu.dma_semaphore, #tpu.memory_space<semaphore_mem>>) src(%arg11 : memref<128x128xf32, #tpu.memory_space<vmem>>) dst(%dma_wait3A_524 : memref<10240x128xf32, #tpu.memory_space<vmem_shared>>)
      %dma_start3A_525 = arith.constant 0 : i32
      %dma_start3A_526 = arith.constant 0 : i32
      %dma_start3A_527 = tpu.memref_slice %arg10[%dma_start3A_525, %dma_start3A_526] : memref<1x128xi32, #tpu.memory_space<vmem>> -> memref<1x128xi32, #tpu.memory_space<vmem>>
      %dma_start3A_528 = tpu.memref_squeeze %dma_start3A_527 : memref<1x128xi32, #tpu.memory_space<vmem>> -> memref<128xi32, #tpu.memory_space<vmem>>
      %dma_start3A_529 = arith.constant 0 : i32
      %dma_start3A_530 = arith.constant 0 : i32
      %dma_start3A_531 = tpu.memref_slice %arg13[%dma_start3A_529, %dma_start3A_530] : memref<10240x128xf32, #tpu.memory_space<vmem_shared>> -> memref<10240x128xf32, #tpu.memory_space<vmem_shared>>
      tpu.enqueue_indirect_dma source(%arg12 : memref<128x128xf32, #tpu.memory_space<vmem>>) target(%dma_start3A_531 : memref<10240x128xf32, #tpu.memory_space<vmem_shared>>) offsets(%dma_start3A_528 : memref<128xi32, #tpu.memory_space<vmem>>) semaphore(%arg17 : memref<!tpu.dma_semaphore, #tpu.memory_space<semaphore_mem>>) {add = true}
      %add3A_532 = arith.constant 2 : i32
      %add3A_533 = arith.addi %add3A_503, %add3A_532 : i32
      %dma_start3A_534 = arith.constant 0 : i32
      %dma_start3A_535 = tpu.memref_slice %arg4[%arg1, %add3A_533, %dma_start3A_534] : memref<16x80x128xi32, #tpu.memory_space<hbm>> -> memref<1x1x128xi32, #tpu.memory_space<hbm>>
      %dma_start3A_536 = tpu.memref_squeeze %dma_start3A_535 : memref<1x1x128xi32, #tpu.memory_space<hbm>> -> memref<1x128xi32, #tpu.memory_space<hbm>>
      %dma_start3A_537 = arith.constant 0 : i32
      %dma_start3A_538 = tpu.memref_slice %arg4[%arg1, %add3A_533, %dma_start3A_537] : memref<16x80x128xi32, #tpu.memory_space<hbm>> -> memref<1x1x128xi32, #tpu.memory_space<hbm>>
      %dma_start3A_539 = tpu.memref_squeeze %dma_start3A_538 : memref<1x1x128xi32, #tpu.memory_space<hbm>> -> memref<1x128xi32, #tpu.memory_space<hbm>>
      tpu.enqueue_dma source(%dma_start3A_539 : memref<1x128xi32, #tpu.memory_space<hbm>>) target(%arg8 : memref<1x128xi32, #tpu.memory_space<vmem>>) target_semaphore(%arg19 : memref<!tpu.dma_semaphore, #tpu.memory_space<semaphore_mem>>)
      %add3A_540 = arith.constant 1 : i32
      %add3A_541 = arith.addi %add3A_503, %add3A_540 : i32
      %dma_start3A_542 = arith.constant 0 : i32
      %dma_start3A_543 = tpu.memref_slice %arg6[%add3A_541, %dma_start3A_542] : memref<80x128xi32, #tpu.memory_space<vmem>> -> memref<1x128xi32, #tpu.memory_space<vmem>>
      %dma_start3A_544 = tpu.memref_squeeze %dma_start3A_543 : memref<1x128xi32, #tpu.memory_space<vmem>> -> memref<128xi32, #tpu.memory_space<vmem>>
      %dma_start3A_545 = arith.constant 0 : i32
      %dma_start3A_546 = arith.constant 0 : i32
      %dma_start3A_547 = tpu.memref_slice %arg2[%dma_start3A_545, %dma_start3A_546] : memref<10240x128xf32, #tpu.memory_space<hbm>> -> memref<10240x128xf32, #tpu.memory_space<hbm>>
      tpu.enqueue_indirect_dma source(%dma_start3A_547 : memref<10240x128xf32, #tpu.memory_space<hbm>>) target(%arg11 : memref<128x128xf32, #tpu.memory_space<vmem>>) offsets(%dma_start3A_544 : memref<128xi32, #tpu.memory_space<vmem>>) semaphore(%arg14 : memref<!tpu.dma_semaphore, #tpu.memory_space<semaphore_mem>>)
    }
    %scan3A_197 = arith.constant 18 : i32
    %dma_wait3A_198 = arith.constant 76 : i32
    %dma_wait3A_199 = arith.constant 0 : i32
    %dma_wait3A_200 = tpu.memref_slice %arg6[%dma_wait3A_198, %dma_wait3A_199] : memref<80x128xi32, #tpu.memory_space<vmem>> -> memref<1x128xi32, #tpu.memory_space<vmem>>
    %dma_wait3A_201 = tpu.memref_squeeze %dma_wait3A_200 : memref<1x128xi32, #tpu.memory_space<vmem>> -> memref<128xi32, #tpu.memory_space<vmem>>
    %dma_wait3A_202 = arith.constant 0 : i32
    %dma_wait3A_203 = arith.constant 0 : i32
    %dma_wait3A_204 = tpu.memref_slice %arg2[%dma_wait3A_202, %dma_wait3A_203] : memref<10240x128xf32, #tpu.memory_space<hbm>> -> memref<10240x128xf32, #tpu.memory_space<hbm>>
    tpu.wait_indirect_dma semaphore(%arg14 : memref<!tpu.dma_semaphore, #tpu.memory_space<semaphore_mem>>) src(%dma_wait3A_204 : memref<10240x128xf32, #tpu.memory_space<hbm>>) dst(%arg11 : memref<128x128xf32, #tpu.memory_space<vmem>>)
    %dma_wait3A_205 = arith.constant 76 : i32
    %dma_wait3A_206 = arith.constant 0 : i32
    %dma_wait3A_207 = tpu.memref_slice %arg4[%arg1, %dma_wait3A_205, %dma_wait3A_206] : memref<16x80x128xi32, #tpu.memory_space<hbm>> -> memref<1x1x128xi32, #tpu.memory_space<hbm>>
    %dma_wait3A_208 = tpu.memref_squeeze %dma_wait3A_207 : memref<1x1x128xi32, #tpu.memory_space<hbm>> -> memref<1x128xi32, #tpu.memory_space<hbm>>
    %dma_wait3A_209 = arith.constant 76 : i32
    %dma_wait3A_210 = arith.constant 0 : i32
    %dma_wait3A_211 = tpu.memref_slice %arg4[%arg1, %dma_wait3A_209, %dma_wait3A_210] : memref<16x80x128xi32, #tpu.memory_space<hbm>> -> memref<1x1x128xi32, #tpu.memory_space<hbm>>
    %dma_wait3A_212 = tpu.memref_squeeze %dma_wait3A_211 : memref<1x1x128xi32, #tpu.memory_space<hbm>> -> memref<1x128xi32, #tpu.memory_space<hbm>>
    tpu.wait_dma2 semaphore(%arg18 : memref<!tpu.dma_semaphore, #tpu.memory_space<semaphore_mem>>) src(%dma_wait3A_212 : memref<1x128xi32, #tpu.memory_space<hbm>>) dst(%arg7 : memref<1x128xi32, #tpu.memory_space<vmem>>)
    %dma_wait3A_213 = arith.constant 0 : i32
    %dma_wait3A_214 = arith.constant 0 : i32
    %dma_wait3A_215 = tpu.memref_slice %arg10[%dma_wait3A_213, %dma_wait3A_214] : memref<1x128xi32, #tpu.memory_space<vmem>> -> memref<1x128xi32, #tpu.memory_space<vmem>>
    %dma_wait3A_216 = tpu.memref_squeeze %dma_wait3A_215 : memref<1x128xi32, #tpu.memory_space<vmem>> -> memref<128xi32, #tpu.memory_space<vmem>>
    %dma_wait3A_217 = arith.constant 0 : i32
    %dma_wait3A_218 = arith.constant 0 : i32
    %dma_wait3A_219 = tpu.memref_slice %arg13[%dma_wait3A_217, %dma_wait3A_218] : memref<10240x128xf32, #tpu.memory_space<vmem_shared>> -> memref<10240x128xf32, #tpu.memory_space<vmem_shared>>
    tpu.wait_indirect_dma semaphore(%arg17 : memref<!tpu.dma_semaphore, #tpu.memory_space<semaphore_mem>>) src(%arg12 : memref<128x128xf32, #tpu.memory_space<vmem>>) dst(%dma_wait3A_219 : memref<10240x128xf32, #tpu.memory_space<vmem_shared>>)
    %dma_start3A_220 = arith.constant 0 : i32
    %dma_start3A_221 = arith.constant 0 : i32
    %dma_start3A_222 = tpu.memref_slice %arg7[%dma_start3A_220, %dma_start3A_221] : memref<1x128xi32, #tpu.memory_space<vmem>> -> memref<1x128xi32, #tpu.memory_space<vmem>>
    %dma_start3A_223 = tpu.memref_squeeze %dma_start3A_222 : memref<1x128xi32, #tpu.memory_space<vmem>> -> memref<128xi32, #tpu.memory_space<vmem>>
    %dma_start3A_224 = arith.constant 0 : i32
    %dma_start3A_225 = arith.constant 0 : i32
    %dma_start3A_226 = tpu.memref_slice %arg13[%dma_start3A_224, %dma_start3A_225] : memref<10240x128xf32, #tpu.memory_space<vmem_shared>> -> memref<10240x128xf32, #tpu.memory_space<vmem_shared>>
    tpu.enqueue_indirect_dma source(%arg11 : memref<128x128xf32, #tpu.memory_space<vmem>>) target(%dma_start3A_226 : memref<10240x128xf32, #tpu.memory_space<vmem_shared>>) offsets(%dma_start3A_223 : memref<128xi32, #tpu.memory_space<vmem>>) semaphore(%arg16 : memref<!tpu.dma_semaphore, #tpu.memory_space<semaphore_mem>>) {add = true}
    %dma_start3A_227 = arith.constant 78 : i32
    %dma_start3A_228 = arith.constant 0 : i32
    %dma_start3A_229 = tpu.memref_slice %arg4[%arg1, %dma_start3A_227, %dma_start3A_228] : memref<16x80x128xi32, #tpu.memory_space<hbm>> -> memref<1x1x128xi32, #tpu.memory_space<hbm>>
    %dma_start3A_230 = tpu.memref_squeeze %dma_start3A_229 : memref<1x1x128xi32, #tpu.memory_space<hbm>> -> memref<1x128xi32, #tpu.memory_space<hbm>>
    %dma_start3A_231 = arith.constant 78 : i32
    %dma_start3A_232 = arith.constant 0 : i32
    %dma_start3A_233 = tpu.memref_slice %arg4[%arg1, %dma_start3A_231, %dma_start3A_232] : memref<16x80x128xi32, #tpu.memory_space<hbm>> -> memref<1x1x128xi32, #tpu.memory_space<hbm>>
    %dma_start3A_234 = tpu.memref_squeeze %dma_start3A_233 : memref<1x1x128xi32, #tpu.memory_space<hbm>> -> memref<1x128xi32, #tpu.memory_space<hbm>>
    tpu.enqueue_dma source(%dma_start3A_234 : memref<1x128xi32, #tpu.memory_space<hbm>>) target(%arg9 : memref<1x128xi32, #tpu.memory_space<vmem>>) target_semaphore(%arg20 : memref<!tpu.dma_semaphore, #tpu.memory_space<semaphore_mem>>)
    %dma_start3A_235 = arith.constant 77 : i32
    %dma_start3A_236 = arith.constant 0 : i32
    %dma_start3A_237 = tpu.memref_slice %arg6[%dma_start3A_235, %dma_start3A_236] : memref<80x128xi32, #tpu.memory_space<vmem>> -> memref<1x128xi32, #tpu.memory_space<vmem>>
    %dma_start3A_238 = tpu.memref_squeeze %dma_start3A_237 : memref<1x128xi32, #tpu.memory_space<vmem>> -> memref<128xi32, #tpu.memory_space<vmem>>
    %dma_start3A_239 = arith.constant 0 : i32
    %dma_start3A_240 = arith.constant 0 : i32
    %dma_start3A_241 = tpu.memref_slice %arg2[%dma_start3A_239, %dma_start3A_240] : memref<10240x128xf32, #tpu.memory_space<hbm>> -> memref<10240x128xf32, #tpu.memory_space<hbm>>
    tpu.enqueue_indirect_dma source(%dma_start3A_241 : memref<10240x128xf32, #tpu.memory_space<hbm>>) target(%arg12 : memref<128x128xf32, #tpu.memory_space<vmem>>) offsets(%dma_start3A_238 : memref<128xi32, #tpu.memory_space<vmem>>) semaphore(%arg15 : memref<!tpu.dma_semaphore, #tpu.memory_space<semaphore_mem>>)
    %dma_wait3A_242 = arith.constant 77 : i32
    %dma_wait3A_243 = arith.constant 0 : i32
    %dma_wait3A_244 = tpu.memref_slice %arg6[%dma_wait3A_242, %dma_wait3A_243] : memref<80x128xi32, #tpu.memory_space<vmem>> -> memref<1x128xi32, #tpu.memory_space<vmem>>
    %dma_wait3A_245 = tpu.memref_squeeze %dma_wait3A_244 : memref<1x128xi32, #tpu.memory_space<vmem>> -> memref<128xi32, #tpu.memory_space<vmem>>
    %dma_wait3A_246 = arith.constant 0 : i32
    %dma_wait3A_247 = arith.constant 0 : i32
    %dma_wait3A_248 = tpu.memref_slice %arg2[%dma_wait3A_246, %dma_wait3A_247] : memref<10240x128xf32, #tpu.memory_space<hbm>> -> memref<10240x128xf32, #tpu.memory_space<hbm>>
    tpu.wait_indirect_dma semaphore(%arg15 : memref<!tpu.dma_semaphore, #tpu.memory_space<semaphore_mem>>) src(%dma_wait3A_248 : memref<10240x128xf32, #tpu.memory_space<hbm>>) dst(%arg12 : memref<128x128xf32, #tpu.memory_space<vmem>>)
    %dma_wait3A_249 = arith.constant 77 : i32
    %dma_wait3A_250 = arith.constant 0 : i32
    %dma_wait3A_251 = tpu.memref_slice %arg4[%arg1, %dma_wait3A_249, %dma_wait3A_250] : memref<16x80x128xi32, #tpu.memory_space<hbm>> -> memref<1x1x128xi32, #tpu.memory_space<hbm>>
    %dma_wait3A_252 = tpu.memref_squeeze %dma_wait3A_251 : memref<1x1x128xi32, #tpu.memory_space<hbm>> -> memref<1x128xi32, #tpu.memory_space<hbm>>
    %dma_wait3A_253 = arith.constant 77 : i32
    %dma_wait3A_254 = arith.constant 0 : i32
    %dma_wait3A_255 = tpu.memref_slice %arg4[%arg1, %dma_wait3A_253, %dma_wait3A_254] : memref<16x80x128xi32, #tpu.memory_space<hbm>> -> memref<1x1x128xi32, #tpu.memory_space<hbm>>
    %dma_wait3A_256 = tpu.memref_squeeze %dma_wait3A_255 : memref<1x1x128xi32, #tpu.memory_space<hbm>> -> memref<1x128xi32, #tpu.memory_space<hbm>>
    tpu.wait_dma2 semaphore(%arg19 : memref<!tpu.dma_semaphore, #tpu.memory_space<semaphore_mem>>) src(%dma_wait3A_256 : memref<1x128xi32, #tpu.memory_space<hbm>>) dst(%arg8 : memref<1x128xi32, #tpu.memory_space<vmem>>)
    %dma_wait3A_257 = arith.constant 0 : i32
    %dma_wait3A_258 = arith.constant 0 : i32
    %dma_wait3A_259 = tpu.memref_slice %arg7[%dma_wait3A_257, %dma_wait3A_258] : memref<1x128xi32, #tpu.memory_space<vmem>> -> memref<1x128xi32, #tpu.memory_space<vmem>>
    %dma_wait3A_260 = tpu.memref_squeeze %dma_wait3A_259 : memref<1x128xi32, #tpu.memory_space<vmem>> -> memref<128xi32, #tpu.memory_space<vmem>>
    %dma_wait3A_261 = arith.constant 0 : i32
    %dma_wait3A_262 = arith.constant 0 : i32
    %dma_wait3A_263 = tpu.memref_slice %arg13[%dma_wait3A_261, %dma_wait3A_262] : memref<10240x128xf32, #tpu.memory_space<vmem_shared>> -> memref<10240x128xf32, #tpu.memory_space<vmem_shared>>
    tpu.wait_indirect_dma semaphore(%arg16 : memref<!tpu.dma_semaphore, #tpu.memory_space<semaphore_mem>>) src(%arg11 : memref<128x128xf32, #tpu.memory_space<vmem>>) dst(%dma_wait3A_263 : memref<10240x128xf32, #tpu.memory_space<vmem_shared>>)
    %dma_start3A_264 = arith.constant 0 : i32
    %dma_start3A_265 = arith.constant 0 : i32
    %dma_start3A_266 = tpu.memref_slice %arg8[%dma_start3A_264, %dma_start3A_265] : memref<1x128xi32, #tpu.memory_space<vmem>> -> memref<1x128xi32, #tpu.memory_space<vmem>>
    %dma_start3A_267 = tpu.memref_squeeze %dma_start3A_266 : memref<1x128xi32, #tpu.memory_space<vmem>> -> memref<128xi32, #tpu.memory_space<vmem>>
    %dma_start3A_268 = arith.constant 0 : i32
    %dma_start3A_269 = arith.constant 0 : i32
    %dma_start3A_270 = tpu.memref_slice %arg13[%dma_start3A_268, %dma_start3A_269] : memref<10240x128xf32, #tpu.memory_space<vmem_shared>> -> memref<10240x128xf32, #tpu.memory_space<vmem_shared>>
    tpu.enqueue_indirect_dma source(%arg12 : memref<128x128xf32, #tpu.memory_space<vmem>>) target(%dma_start3A_270 : memref<10240x128xf32, #tpu.memory_space<vmem_shared>>) offsets(%dma_start3A_267 : memref<128xi32, #tpu.memory_space<vmem>>) semaphore(%arg17 : memref<!tpu.dma_semaphore, #tpu.memory_space<semaphore_mem>>) {add = true}
    %dma_start3A_271 = arith.constant 79 : i32
    %dma_start3A_272 = arith.constant 0 : i32
    %dma_start3A_273 = tpu.memref_slice %arg4[%arg1, %dma_start3A_271, %dma_start3A_272] : memref<16x80x128xi32, #tpu.memory_space<hbm>> -> memref<1x1x128xi32, #tpu.memory_space<hbm>>
    %dma_start3A_274 = tpu.memref_squeeze %dma_start3A_273 : memref<1x1x128xi32, #tpu.memory_space<hbm>> -> memref<1x128xi32, #tpu.memory_space<hbm>>
    %dma_start3A_275 = arith.constant 79 : i32
    %dma_start3A_276 = arith.constant 0 : i32
    %dma_start3A_277 = tpu.memref_slice %arg4[%arg1, %dma_start3A_275, %dma_start3A_276] : memref<16x80x128xi32, #tpu.memory_space<hbm>> -> memref<1x1x128xi32, #tpu.memory_space<hbm>>
    %dma_start3A_278 = tpu.memref_squeeze %dma_start3A_277 : memref<1x1x128xi32, #tpu.memory_space<hbm>> -> memref<1x128xi32, #tpu.memory_space<hbm>>
    tpu.enqueue_dma source(%dma_start3A_278 : memref<1x128xi32, #tpu.memory_space<hbm>>) target(%arg10 : memref<1x128xi32, #tpu.memory_space<vmem>>) target_semaphore(%arg21 : memref<!tpu.dma_semaphore, #tpu.memory_space<semaphore_mem>>)
    %dma_start3A_279 = arith.constant 78 : i32
    %dma_start3A_280 = arith.constant 0 : i32
    %dma_start3A_281 = tpu.memref_slice %arg6[%dma_start3A_279, %dma_start3A_280] : memref<80x128xi32, #tpu.memory_space<vmem>> -> memref<1x128xi32, #tpu.memory_space<vmem>>
    %dma_start3A_282 = tpu.memref_squeeze %dma_start3A_281 : memref<1x128xi32, #tpu.memory_space<vmem>> -> memref<128xi32, #tpu.memory_space<vmem>>
    %dma_start3A_283 = arith.constant 0 : i32
    %dma_start3A_284 = arith.constant 0 : i32
    %dma_start3A_285 = tpu.memref_slice %arg2[%dma_start3A_283, %dma_start3A_284] : memref<10240x128xf32, #tpu.memory_space<hbm>> -> memref<10240x128xf32, #tpu.memory_space<hbm>>
    tpu.enqueue_indirect_dma source(%dma_start3A_285 : memref<10240x128xf32, #tpu.memory_space<hbm>>) target(%arg11 : memref<128x128xf32, #tpu.memory_space<vmem>>) offsets(%dma_start3A_282 : memref<128xi32, #tpu.memory_space<vmem>>) semaphore(%arg14 : memref<!tpu.dma_semaphore, #tpu.memory_space<semaphore_mem>>)
    %dma_wait3A_286 = arith.constant 78 : i32
    %dma_wait3A_287 = arith.constant 0 : i32
    %dma_wait3A_288 = tpu.memref_slice %arg6[%dma_wait3A_286, %dma_wait3A_287] : memref<80x128xi32, #tpu.memory_space<vmem>> -> memref<1x128xi32, #tpu.memory_space<vmem>>
    %dma_wait3A_289 = tpu.memref_squeeze %dma_wait3A_288 : memref<1x128xi32, #tpu.memory_space<vmem>> -> memref<128xi32, #tpu.memory_space<vmem>>
    %dma_wait3A_290 = arith.constant 0 : i32
    %dma_wait3A_291 = arith.constant 0 : i32
    %dma_wait3A_292 = tpu.memref_slice %arg2[%dma_wait3A_290, %dma_wait3A_291] : memref<10240x128xf32, #tpu.memory_space<hbm>> -> memref<10240x128xf32, #tpu.memory_space<hbm>>
    tpu.wait_indirect_dma semaphore(%arg14 : memref<!tpu.dma_semaphore, #tpu.memory_space<semaphore_mem>>) src(%dma_wait3A_292 : memref<10240x128xf32, #tpu.memory_space<hbm>>) dst(%arg11 : memref<128x128xf32, #tpu.memory_space<vmem>>)
    %dma_wait3A_293 = arith.constant 78 : i32
    %dma_wait3A_294 = arith.constant 0 : i32
    %dma_wait3A_295 = tpu.memref_slice %arg4[%arg1, %dma_wait3A_293, %dma_wait3A_294] : memref<16x80x128xi32, #tpu.memory_space<hbm>> -> memref<1x1x128xi32, #tpu.memory_space<hbm>>
    %dma_wait3A_296 = tpu.memref_squeeze %dma_wait3A_295 : memref<1x1x128xi32, #tpu.memory_space<hbm>> -> memref<1x128xi32, #tpu.memory_space<hbm>>
    %dma_wait3A_297 = arith.constant 78 : i32
    %dma_wait3A_298 = arith.constant 0 : i32
    %dma_wait3A_299 = tpu.memref_slice %arg4[%arg1, %dma_wait3A_297, %dma_wait3A_298] : memref<16x80x128xi32, #tpu.memory_space<hbm>> -> memref<1x1x128xi32, #tpu.memory_space<hbm>>
    %dma_wait3A_300 = tpu.memref_squeeze %dma_wait3A_299 : memref<1x1x128xi32, #tpu.memory_space<hbm>> -> memref<1x128xi32, #tpu.memory_space<hbm>>
    tpu.wait_dma2 semaphore(%arg20 : memref<!tpu.dma_semaphore, #tpu.memory_space<semaphore_mem>>) src(%dma_wait3A_300 : memref<1x128xi32, #tpu.memory_space<hbm>>) dst(%arg9 : memref<1x128xi32, #tpu.memory_space<vmem>>)
    %dma_wait3A_301 = arith.constant 0 : i32
    %dma_wait3A_302 = arith.constant 0 : i32
    %dma_wait3A_303 = tpu.memref_slice %arg8[%dma_wait3A_301, %dma_wait3A_302] : memref<1x128xi32, #tpu.memory_space<vmem>> -> memref<1x128xi32, #tpu.memory_space<vmem>>
    %dma_wait3A_304 = tpu.memref_squeeze %dma_wait3A_303 : memref<1x128xi32, #tpu.memory_space<vmem>> -> memref<128xi32, #tpu.memory_space<vmem>>
    %dma_wait3A_305 = arith.constant 0 : i32
    %dma_wait3A_306 = arith.constant 0 : i32
    %dma_wait3A_307 = tpu.memref_slice %arg13[%dma_wait3A_305, %dma_wait3A_306] : memref<10240x128xf32, #tpu.memory_space<vmem_shared>> -> memref<10240x128xf32, #tpu.memory_space<vmem_shared>>
    tpu.wait_indirect_dma semaphore(%arg17 : memref<!tpu.dma_semaphore, #tpu.memory_space<semaphore_mem>>) src(%arg12 : memref<128x128xf32, #tpu.memory_space<vmem>>) dst(%dma_wait3A_307 : memref<10240x128xf32, #tpu.memory_space<vmem_shared>>)
    %dma_start3A_308 = arith.constant 0 : i32
    %dma_start3A_309 = arith.constant 0 : i32
    %dma_start3A_310 = tpu.memref_slice %arg9[%dma_start3A_308, %dma_start3A_309] : memref<1x128xi32, #tpu.memory_space<vmem>> -> memref<1x128xi32, #tpu.memory_space<vmem>>
    %dma_start3A_311 = tpu.memref_squeeze %dma_start3A_310 : memref<1x128xi32, #tpu.memory_space<vmem>> -> memref<128xi32, #tpu.memory_space<vmem>>
    %dma_start3A_312 = arith.constant 0 : i32
    %dma_start3A_313 = arith.constant 0 : i32
    %dma_start3A_314 = tpu.memref_slice %arg13[%dma_start3A_312, %dma_start3A_313] : memref<10240x128xf32, #tpu.memory_space<vmem_shared>> -> memref<10240x128xf32, #tpu.memory_space<vmem_shared>>
    tpu.enqueue_indirect_dma source(%arg11 : memref<128x128xf32, #tpu.memory_space<vmem>>) target(%dma_start3A_314 : memref<10240x128xf32, #tpu.memory_space<vmem_shared>>) offsets(%dma_start3A_311 : memref<128xi32, #tpu.memory_space<vmem>>) semaphore(%arg16 : memref<!tpu.dma_semaphore, #tpu.memory_space<semaphore_mem>>) {add = true}
    %dma_start3A_315 = arith.constant 79 : i32
    %dma_start3A_316 = arith.constant 0 : i32
    %dma_start3A_317 = tpu.memref_slice %arg6[%dma_start3A_315, %dma_start3A_316] : memref<80x128xi32, #tpu.memory_space<vmem>> -> memref<1x128xi32, #tpu.memory_space<vmem>>
    %dma_start3A_318 = tpu.memref_squeeze %dma_start3A_317 : memref<1x128xi32, #tpu.memory_space<vmem>> -> memref<128xi32, #tpu.memory_space<vmem>>
    %dma_start3A_319 = arith.constant 0 : i32
    %dma_start3A_320 = arith.constant 0 : i32
    %dma_start3A_321 = tpu.memref_slice %arg2[%dma_start3A_319, %dma_start3A_320] : memref<10240x128xf32, #tpu.memory_space<hbm>> -> memref<10240x128xf32, #tpu.memory_space<hbm>>
    tpu.enqueue_indirect_dma source(%dma_start3A_321 : memref<10240x128xf32, #tpu.memory_space<hbm>>) target(%arg12 : memref<128x128xf32, #tpu.memory_space<vmem>>) offsets(%dma_start3A_318 : memref<128xi32, #tpu.memory_space<vmem>>) semaphore(%arg15 : memref<!tpu.dma_semaphore, #tpu.memory_space<semaphore_mem>>)
    %dma_wait3A_322 = arith.constant 79 : i32
    %dma_wait3A_323 = arith.constant 0 : i32
    %dma_wait3A_324 = tpu.memref_slice %arg6[%dma_wait3A_322, %dma_wait3A_323] : memref<80x128xi32, #tpu.memory_space<vmem>> -> memref<1x128xi32, #tpu.memory_space<vmem>>
    %dma_wait3A_325 = tpu.memref_squeeze %dma_wait3A_324 : memref<1x128xi32, #tpu.memory_space<vmem>> -> memref<128xi32, #tpu.memory_space<vmem>>
    %dma_wait3A_326 = arith.constant 0 : i32
    %dma_wait3A_327 = arith.constant 0 : i32
    %dma_wait3A_328 = tpu.memref_slice %arg2[%dma_wait3A_326, %dma_wait3A_327] : memref<10240x128xf32, #tpu.memory_space<hbm>> -> memref<10240x128xf32, #tpu.memory_space<hbm>>
    tpu.wait_indirect_dma semaphore(%arg15 : memref<!tpu.dma_semaphore, #tpu.memory_space<semaphore_mem>>) src(%dma_wait3A_328 : memref<10240x128xf32, #tpu.memory_space<hbm>>) dst(%arg12 : memref<128x128xf32, #tpu.memory_space<vmem>>)
    %dma_wait3A_329 = arith.constant 79 : i32
    %dma_wait3A_330 = arith.constant 0 : i32
    %dma_wait3A_331 = tpu.memref_slice %arg4[%arg1, %dma_wait3A_329, %dma_wait3A_330] : memref<16x80x128xi32, #tpu.memory_space<hbm>> -> memref<1x1x128xi32, #tpu.memory_space<hbm>>
    %dma_wait3A_332 = tpu.memref_squeeze %dma_wait3A_331 : memref<1x1x128xi32, #tpu.memory_space<hbm>> -> memref<1x128xi32, #tpu.memory_space<hbm>>
    %dma_wait3A_333 = arith.constant 79 : i32
    %dma_wait3A_334 = arith.constant 0 : i32
    %dma_wait3A_335 = tpu.memref_slice %arg4[%arg1, %dma_wait3A_333, %dma_wait3A_334] : memref<16x80x128xi32, #tpu.memory_space<hbm>> -> memref<1x1x128xi32, #tpu.memory_space<hbm>>
    %dma_wait3A_336 = tpu.memref_squeeze %dma_wait3A_335 : memref<1x1x128xi32, #tpu.memory_space<hbm>> -> memref<1x128xi32, #tpu.memory_space<hbm>>
    tpu.wait_dma2 semaphore(%arg21 : memref<!tpu.dma_semaphore, #tpu.memory_space<semaphore_mem>>) src(%dma_wait3A_336 : memref<1x128xi32, #tpu.memory_space<hbm>>) dst(%arg10 : memref<1x128xi32, #tpu.memory_space<vmem>>)
    %dma_wait3A_337 = arith.constant 0 : i32
    %dma_wait3A_338 = arith.constant 0 : i32
    %dma_wait3A_339 = tpu.memref_slice %arg9[%dma_wait3A_337, %dma_wait3A_338] : memref<1x128xi32, #tpu.memory_space<vmem>> -> memref<1x128xi32, #tpu.memory_space<vmem>>
    %dma_wait3A_340 = tpu.memref_squeeze %dma_wait3A_339 : memref<1x128xi32, #tpu.memory_space<vmem>> -> memref<128xi32, #tpu.memory_space<vmem>>
    %dma_wait3A_341 = arith.constant 0 : i32
    %dma_wait3A_342 = arith.constant 0 : i32
    %dma_wait3A_343 = tpu.memref_slice %arg13[%dma_wait3A_341, %dma_wait3A_342] : memref<10240x128xf32, #tpu.memory_space<vmem_shared>> -> memref<10240x128xf32, #tpu.memory_space<vmem_shared>>
    tpu.wait_indirect_dma semaphore(%arg16 : memref<!tpu.dma_semaphore, #tpu.memory_space<semaphore_mem>>) src(%arg11 : memref<128x128xf32, #tpu.memory_space<vmem>>) dst(%dma_wait3A_343 : memref<10240x128xf32, #tpu.memory_space<vmem_shared>>)
    %dma_start3A_344 = arith.constant 0 : i32
    %dma_start3A_345 = arith.constant 0 : i32
    %dma_start3A_346 = tpu.memref_slice %arg10[%dma_start3A_344, %dma_start3A_345] : memref<1x128xi32, #tpu.memory_space<vmem>> -> memref<1x128xi32, #tpu.memory_space<vmem>>
    %dma_start3A_347 = tpu.memref_squeeze %dma_start3A_346 : memref<1x128xi32, #tpu.memory_space<vmem>> -> memref<128xi32, #tpu.memory_space<vmem>>
    %dma_start3A_348 = arith.constant 0 : i32
    %dma_start3A_349 = arith.constant 0 : i32
    %dma_start3A_350 = tpu.memref_slice %arg13[%dma_start3A_348, %dma_start3A_349] : memref<10240x128xf32, #tpu.memory_space<vmem_shared>> -> memref<10240x128xf32, #tpu.memory_space<vmem_shared>>
    tpu.enqueue_indirect_dma source(%arg12 : memref<128x128xf32, #tpu.memory_space<vmem>>) target(%dma_start3A_350 : memref<10240x128xf32, #tpu.memory_space<vmem_shared>>) offsets(%dma_start3A_347 : memref<128xi32, #tpu.memory_space<vmem>>) semaphore(%arg17 : memref<!tpu.dma_semaphore, #tpu.memory_space<semaphore_mem>>) {add = true}
    %dma_wait3A_351 = arith.constant 0 : i32
    %dma_wait3A_352 = arith.constant 0 : i32
    %dma_wait3A_353 = tpu.memref_slice %arg10[%dma_wait3A_351, %dma_wait3A_352] : memref<1x128xi32, #tpu.memory_space<vmem>> -> memref<1x128xi32, #tpu.memory_space<vmem>>
    %dma_wait3A_354 = tpu.memref_squeeze %dma_wait3A_353 : memref<1x128xi32, #tpu.memory_space<vmem>> -> memref<128xi32, #tpu.memory_space<vmem>>
    %dma_wait3A_355 = arith.constant 0 : i32
    %dma_wait3A_356 = arith.constant 0 : i32
    %dma_wait3A_357 = tpu.memref_slice %arg13[%dma_wait3A_355, %dma_wait3A_356] : memref<10240x128xf32, #tpu.memory_space<vmem_shared>> -> memref<10240x128xf32, #tpu.memory_space<vmem_shared>>
    tpu.wait_indirect_dma semaphore(%arg17 : memref<!tpu.dma_semaphore, #tpu.memory_space<semaphore_mem>>) src(%arg12 : memref<128x128xf32, #tpu.memory_space<vmem>>) dst(%dma_wait3A_357 : memref<10240x128xf32, #tpu.memory_space<vmem_shared>>)
    %barrier3A_358 = arith.constant 0 : index
    tpu.barrier barrier_id(%barrier3A_358)
    %mul3A_359 = arith.constant 640 : i32
    %mul3A_360 = arith.muli %arg1, %mul3A_359 : i32
    %mul3A_361 = arith.constant 640 : i32
    %mul3A_362 = arith.muli %arg1, %mul3A_361 : i32
    "tpu.region"() ({
      %run_scoped3A = tpu.sem_alloc : memref<!tpu.dma_semaphore, #tpu.memory_space<semaphore_mem>>
      %dma_start3A_363 = arith.constant 0 : i32
      %dma_start3A_364 = tpu.memref_slice %arg5[%mul3A_362, %dma_start3A_363] : memref<10240x128xf32, #tpu.memory_space<hbm>> -> memref<640x128xf32, #tpu.memory_space<hbm>>
      %dma_start3A_365 = arith.constant 0 : i32
      %dma_start3A_366 = tpu.memref_slice %arg13[%mul3A_360, %dma_start3A_365] : memref<10240x128xf32, #tpu.memory_space<vmem_shared>> -> memref<640x128xf32, #tpu.memory_space<vmem_shared>>
      tpu.enqueue_dma source(%dma_start3A_366 : memref<640x128xf32, #tpu.memory_space<vmem_shared>>) target(%dma_start3A_364 : memref<640x128xf32, #tpu.memory_space<hbm>>) target_semaphore(%run_scoped3A : memref<!tpu.dma_semaphore, #tpu.memory_space<semaphore_mem>>)
      %dma_wait3A_367 = arith.constant 0 : i32
      %dma_wait3A_368 = tpu.memref_slice %arg5[%mul3A_362, %dma_wait3A_367] : memref<10240x128xf32, #tpu.memory_space<hbm>> -> memref<640x128xf32, #tpu.memory_space<hbm>>
      %dma_wait3A_369 = arith.constant 0 : i32
      %dma_wait3A_370 = tpu.memref_slice %arg13[%mul3A_360, %dma_wait3A_369] : memref<10240x128xf32, #tpu.memory_space<vmem_shared>> -> memref<640x128xf32, #tpu.memory_space<vmem_shared>>
      tpu.wait_dma2 semaphore(%run_scoped3A : memref<!tpu.dma_semaphore, #tpu.memory_space<semaphore_mem>>) src(%dma_wait3A_370 : memref<640x128xf32, #tpu.memory_space<vmem_shared>>) dst(%dma_wait3A_368 : memref<640x128xf32, #tpu.memory_space<hbm>>)
      tpu.yield
    }) : () -> ()
    return
  }
}

#map = affine_map<(d0, d1) -> (0, 0)>
#map1 = affine_map<(d0, d1) -> (0, 0, 0)>
module attributes {stable_mosaic.version = 14 : i64} {
  func.func @agg(%arg0: i32, %arg1: i32, %arg2: memref<10240x128xf32, #tpu.memory_space<hbm>>, %arg3: memref<16x80x128xi32, #tpu.memory_space<hbm>>, %arg4: memref<16x80x128xi32, #tpu.memory_space<hbm>>, %arg5: memref<10240x128xf32, #tpu.memory_space<hbm>>, %arg6: memref<80x128xi32, #tpu.memory_space<vmem>>, %arg7: memref<1x128xi32, #tpu.memory_space<vmem>>, %arg8: memref<1x128xi32, #tpu.memory_space<vmem>>, %arg9: memref<1x128xi32, #tpu.memory_space<vmem>>, %arg10: memref<1x128xi32, #tpu.memory_space<vmem>>, %arg11: memref<128x128xf32, #tpu.memory_space<vmem>>, %arg12: memref<128x128xf32, #tpu.memory_space<vmem>>, %arg13: memref<10240x128xf32, #tpu.memory_space<vmem_shared>>, %arg14: memref<!tpu.dma_semaphore, #tpu.memory_space<semaphore_mem>>, %arg15: memref<!tpu.dma_semaphore, #tpu.memory_space<semaphore_mem>>, %arg16: memref<!tpu.dma_semaphore, #tpu.memory_space<semaphore_mem>>, %arg17: memref<!tpu.dma_semaphore, #tpu.memory_space<semaphore_mem>>, %arg18: memref<!tpu.dma_semaphore, #tpu.memory_space<semaphore_mem>>, %arg19: memref<!tpu.dma_semaphore, #tpu.memory_space<semaphore_mem>>, %arg20: memref<!tpu.dma_semaphore, #tpu.memory_space<semaphore_mem>>, %arg21: memref<!tpu.dma_semaphore, #tpu.memory_space<semaphore_mem>>) attributes {dimension_semantics = [#tpu.dimension_semantics<core_parallel>, #tpu.dimension_semantics<subcore_parallel>], iteration_bounds = array<i64: 1, 16>, scalar_prefetch = 0 : i64, scratch_operands = 16 : i64, tpu.core_type = #tpu.core_type<sc_vector_subcore>, window_params = [{transform_indices = #map}, {transform_indices = #map1}, {transform_indices = #map1}, {transform_indices = #map}]} {
    %mul3A = arith.constant 640 : i32
    %mul3A_0 = arith.muli %arg1, %mul3A : i32
    %mul3A_1 = arith.constant 640 : i32
    %mul3A_2 = arith.muli %arg1, %mul3A_1 : i32
    "tpu.region"() ({
      %run_scoped3A = tpu.sem_alloc : memref<!tpu.dma_semaphore, #tpu.memory_space<semaphore_mem>>
      %dma_start3A_363 = arith.constant 0 : i32
      %dma_start3A_364 = tpu.memref_slice %arg13[%mul3A_2, %dma_start3A_363] : memref<10240x128xf32, #tpu.memory_space<vmem_shared>> -> memref<640x128xf32, #tpu.memory_space<vmem_shared>>
      %dma_start3A_365 = arith.constant 0 : i32
      %dma_start3A_366 = tpu.memref_slice %arg2[%mul3A_0, %dma_start3A_365] : memref<10240x128xf32, #tpu.memory_space<hbm>> -> memref<640x128xf32, #tpu.memory_space<hbm>>
      tpu.enqueue_dma source(%dma_start3A_366 : memref<640x128xf32, #tpu.memory_space<hbm>>) target(%dma_start3A_364 : memref<640x128xf32, #tpu.memory_space<vmem_shared>>) target_semaphore(%run_scoped3A : memref<!tpu.dma_semaphore, #tpu.memory_space<semaphore_mem>>)
      %dma_wait3A_367 = arith.constant 0 : i32
      %dma_wait3A_368 = tpu.memref_slice %arg13[%mul3A_2, %dma_wait3A_367] : memref<10240x128xf32, #tpu.memory_space<vmem_shared>> -> memref<640x128xf32, #tpu.memory_space<vmem_shared>>
      %dma_wait3A_369 = arith.constant 0 : i32
      %dma_wait3A_370 = tpu.memref_slice %arg2[%mul3A_0, %dma_wait3A_369] : memref<10240x128xf32, #tpu.memory_space<hbm>> -> memref<640x128xf32, #tpu.memory_space<hbm>>
      tpu.wait_dma2 semaphore(%run_scoped3A : memref<!tpu.dma_semaphore, #tpu.memory_space<semaphore_mem>>) src(%dma_wait3A_370 : memref<640x128xf32, #tpu.memory_space<hbm>>) dst(%dma_wait3A_368 : memref<640x128xf32, #tpu.memory_space<vmem_shared>>)
      tpu.yield
    }) : () -> ()
    "tpu.region"() ({
      %run_scoped3A = tpu.sem_alloc : memref<!tpu.dma_semaphore, #tpu.memory_space<semaphore_mem>>
      %dma_start3A_363 = arith.constant 0 : i32
      %dma_start3A_364 = arith.constant 0 : i32
      %dma_start3A_365 = tpu.memref_slice %arg3[%arg1, %dma_start3A_363, %dma_start3A_364] : memref<16x80x128xi32, #tpu.memory_space<hbm>> -> memref<1x80x128xi32, #tpu.memory_space<hbm>>
      %dma_start3A_366 = tpu.memref_squeeze %dma_start3A_365 : memref<1x80x128xi32, #tpu.memory_space<hbm>> -> memref<80x128xi32, #tpu.memory_space<hbm>>
      %dma_start3A_367 = arith.constant 0 : i32
      %dma_start3A_368 = arith.constant 0 : i32
      %dma_start3A_369 = tpu.memref_slice %arg3[%arg1, %dma_start3A_367, %dma_start3A_368] : memref<16x80x128xi32, #tpu.memory_space<hbm>> -> memref<1x80x128xi32, #tpu.memory_space<hbm>>
      %dma_start3A_370 = tpu.memref_squeeze %dma_start3A_369 : memref<1x80x128xi32, #tpu.memory_space<hbm>> -> memref<80x128xi32, #tpu.memory_space<hbm>>
      tpu.enqueue_dma source(%dma_start3A_370 : memref<80x128xi32, #tpu.memory_space<hbm>>) target(%arg6 : memref<80x128xi32, #tpu.memory_space<vmem>>) target_semaphore(%run_scoped3A : memref<!tpu.dma_semaphore, #tpu.memory_space<semaphore_mem>>)
      %dma_wait3A_371 = arith.constant 0 : i32
      %dma_wait3A_372 = arith.constant 0 : i32
      %dma_wait3A_373 = tpu.memref_slice %arg3[%arg1, %dma_wait3A_371, %dma_wait3A_372] : memref<16x80x128xi32, #tpu.memory_space<hbm>> -> memref<1x80x128xi32, #tpu.memory_space<hbm>>
      %dma_wait3A_374 = tpu.memref_squeeze %dma_wait3A_373 : memref<1x80x128xi32, #tpu.memory_space<hbm>> -> memref<80x128xi32, #tpu.memory_space<hbm>>
      %dma_wait3A_375 = arith.constant 0 : i32
      %dma_wait3A_376 = arith.constant 0 : i32
      %dma_wait3A_377 = tpu.memref_slice %arg3[%arg1, %dma_wait3A_375, %dma_wait3A_376] : memref<16x80x128xi32, #tpu.memory_space<hbm>> -> memref<1x80x128xi32, #tpu.memory_space<hbm>>
      %dma_wait3A_378 = tpu.memref_squeeze %dma_wait3A_377 : memref<1x80x128xi32, #tpu.memory_space<hbm>> -> memref<80x128xi32, #tpu.memory_space<hbm>>
      tpu.wait_dma2 semaphore(%run_scoped3A : memref<!tpu.dma_semaphore, #tpu.memory_space<semaphore_mem>>) src(%dma_wait3A_378 : memref<80x128xi32, #tpu.memory_space<hbm>>) dst(%arg6 : memref<80x128xi32, #tpu.memory_space<vmem>>)
      tpu.yield
    }) : () -> ()
    %barrier3A = arith.constant 0 : index
    tpu.barrier barrier_id(%barrier3A)
    %dma_start3A = arith.constant 0 : i32
    %dma_start3A_3 = arith.constant 0 : i32
    %dma_start3A_4 = tpu.memref_slice %arg4[%arg1, %dma_start3A, %dma_start3A_3] : memref<16x80x128xi32, #tpu.memory_space<hbm>> -> memref<1x1x128xi32, #tpu.memory_space<hbm>>
    %dma_start3A_5 = tpu.memref_squeeze %dma_start3A_4 : memref<1x1x128xi32, #tpu.memory_space<hbm>> -> memref<1x128xi32, #tpu.memory_space<hbm>>
    %dma_start3A_6 = arith.constant 0 : i32
    %dma_start3A_7 = arith.constant 0 : i32
    %dma_start3A_8 = tpu.memref_slice %arg4[%arg1, %dma_start3A_6, %dma_start3A_7] : memref<16x80x128xi32, #tpu.memory_space<hbm>> -> memref<1x1x128xi32, #tpu.memory_space<hbm>>
    %dma_start3A_9 = tpu.memref_squeeze %dma_start3A_8 : memref<1x1x128xi32, #tpu.memory_space<hbm>> -> memref<1x128xi32, #tpu.memory_space<hbm>>
    tpu.enqueue_dma source(%dma_start3A_9 : memref<1x128xi32, #tpu.memory_space<hbm>>) target(%arg7 : memref<1x128xi32, #tpu.memory_space<vmem>>) target_semaphore(%arg18 : memref<!tpu.dma_semaphore, #tpu.memory_space<semaphore_mem>>)
    %dma_start3A_10 = arith.constant 1 : i32
    %dma_start3A_11 = arith.constant 0 : i32
    %dma_start3A_12 = tpu.memref_slice %arg4[%arg1, %dma_start3A_10, %dma_start3A_11] : memref<16x80x128xi32, #tpu.memory_space<hbm>> -> memref<1x1x128xi32, #tpu.memory_space<hbm>>
    %dma_start3A_13 = tpu.memref_squeeze %dma_start3A_12 : memref<1x1x128xi32, #tpu.memory_space<hbm>> -> memref<1x128xi32, #tpu.memory_space<hbm>>
    %dma_start3A_14 = arith.constant 1 : i32
    %dma_start3A_15 = arith.constant 0 : i32
    %dma_start3A_16 = tpu.memref_slice %arg4[%arg1, %dma_start3A_14, %dma_start3A_15] : memref<16x80x128xi32, #tpu.memory_space<hbm>> -> memref<1x1x128xi32, #tpu.memory_space<hbm>>
    %dma_start3A_17 = tpu.memref_squeeze %dma_start3A_16 : memref<1x1x128xi32, #tpu.memory_space<hbm>> -> memref<1x128xi32, #tpu.memory_space<hbm>>
    tpu.enqueue_dma source(%dma_start3A_17 : memref<1x128xi32, #tpu.memory_space<hbm>>) target(%arg8 : memref<1x128xi32, #tpu.memory_space<vmem>>) target_semaphore(%arg19 : memref<!tpu.dma_semaphore, #tpu.memory_space<semaphore_mem>>)
    %dma_start3A_18 = arith.constant 2 : i32
    %dma_start3A_19 = arith.constant 0 : i32
    %dma_start3A_20 = tpu.memref_slice %arg4[%arg1, %dma_start3A_18, %dma_start3A_19] : memref<16x80x128xi32, #tpu.memory_space<hbm>> -> memref<1x1x128xi32, #tpu.memory_space<hbm>>
    %dma_start3A_21 = tpu.memref_squeeze %dma_start3A_20 : memref<1x1x128xi32, #tpu.memory_space<hbm>> -> memref<1x128xi32, #tpu.memory_space<hbm>>
    %dma_start3A_22 = arith.constant 2 : i32
    %dma_start3A_23 = arith.constant 0 : i32
    %dma_start3A_24 = tpu.memref_slice %arg4[%arg1, %dma_start3A_22, %dma_start3A_23] : memref<16x80x128xi32, #tpu.memory_space<hbm>> -> memref<1x1x128xi32, #tpu.memory_space<hbm>>
    %dma_start3A_25 = tpu.memref_squeeze %dma_start3A_24 : memref<1x1x128xi32, #tpu.memory_space<hbm>> -> memref<1x128xi32, #tpu.memory_space<hbm>>
    tpu.enqueue_dma source(%dma_start3A_25 : memref<1x128xi32, #tpu.memory_space<hbm>>) target(%arg9 : memref<1x128xi32, #tpu.memory_space<vmem>>) target_semaphore(%arg20 : memref<!tpu.dma_semaphore, #tpu.memory_space<semaphore_mem>>)
    %dma_start3A_26 = arith.constant 3 : i32
    %dma_start3A_27 = arith.constant 0 : i32
    %dma_start3A_28 = tpu.memref_slice %arg4[%arg1, %dma_start3A_26, %dma_start3A_27] : memref<16x80x128xi32, #tpu.memory_space<hbm>> -> memref<1x1x128xi32, #tpu.memory_space<hbm>>
    %dma_start3A_29 = tpu.memref_squeeze %dma_start3A_28 : memref<1x1x128xi32, #tpu.memory_space<hbm>> -> memref<1x128xi32, #tpu.memory_space<hbm>>
    %dma_start3A_30 = arith.constant 3 : i32
    %dma_start3A_31 = arith.constant 0 : i32
    %dma_start3A_32 = tpu.memref_slice %arg4[%arg1, %dma_start3A_30, %dma_start3A_31] : memref<16x80x128xi32, #tpu.memory_space<hbm>> -> memref<1x1x128xi32, #tpu.memory_space<hbm>>
    %dma_start3A_33 = tpu.memref_squeeze %dma_start3A_32 : memref<1x1x128xi32, #tpu.memory_space<hbm>> -> memref<1x128xi32, #tpu.memory_space<hbm>>
    tpu.enqueue_dma source(%dma_start3A_33 : memref<1x128xi32, #tpu.memory_space<hbm>>) target(%arg10 : memref<1x128xi32, #tpu.memory_space<vmem>>) target_semaphore(%arg21 : memref<!tpu.dma_semaphore, #tpu.memory_space<semaphore_mem>>)
    %dma_start3A_34 = arith.constant 0 : i32
    %dma_start3A_35 = arith.constant 0 : i32
    %dma_start3A_36 = tpu.memref_slice %arg6[%dma_start3A_34, %dma_start3A_35] : memref<80x128xi32, #tpu.memory_space<vmem>> -> memref<1x128xi32, #tpu.memory_space<vmem>>
    %dma_start3A_37 = tpu.memref_squeeze %dma_start3A_36 : memref<1x128xi32, #tpu.memory_space<vmem>> -> memref<128xi32, #tpu.memory_space<vmem>>
    %dma_start3A_38 = arith.constant 0 : i32
    %dma_start3A_39 = arith.constant 0 : i32
    %dma_start3A_40 = tpu.memref_slice %arg2[%dma_start3A_38, %dma_start3A_39] : memref<10240x128xf32, #tpu.memory_space<hbm>> -> memref<10240x128xf32, #tpu.memory_space<hbm>>
    tpu.enqueue_indirect_dma source(%dma_start3A_40 : memref<10240x128xf32, #tpu.memory_space<hbm>>) target(%arg11 : memref<128x128xf32, #tpu.memory_space<vmem>>) offsets(%dma_start3A_37 : memref<128xi32, #tpu.memory_space<vmem>>) semaphore(%arg14 : memref<!tpu.dma_semaphore, #tpu.memory_space<semaphore_mem>>)
    %dma_wait3A = arith.constant 0 : i32
    %dma_wait3A_41 = arith.constant 0 : i32
    %dma_wait3A_42 = tpu.memref_slice %arg6[%dma_wait3A, %dma_wait3A_41] : memref<80x128xi32, #tpu.memory_space<vmem>> -> memref<1x128xi32, #tpu.memory_space<vmem>>
    %dma_wait3A_43 = tpu.memref_squeeze %dma_wait3A_42 : memref<1x128xi32, #tpu.memory_space<vmem>> -> memref<128xi32, #tpu.memory_space<vmem>>
    %dma_wait3A_44 = arith.constant 0 : i32
    %dma_wait3A_45 = arith.constant 0 : i32
    %dma_wait3A_46 = tpu.memref_slice %arg2[%dma_wait3A_44, %dma_wait3A_45] : memref<10240x128xf32, #tpu.memory_space<hbm>> -> memref<10240x128xf32, #tpu.memory_space<hbm>>
    tpu.wait_indirect_dma semaphore(%arg14 : memref<!tpu.dma_semaphore, #tpu.memory_space<semaphore_mem>>) src(%dma_wait3A_46 : memref<10240x128xf32, #tpu.memory_space<hbm>>) dst(%arg11 : memref<128x128xf32, #tpu.memory_space<vmem>>)
    %dma_wait3A_47 = arith.constant 0 : i32
    %dma_wait3A_48 = arith.constant 0 : i32
    %dma_wait3A_49 = tpu.memref_slice %arg4[%arg1, %dma_wait3A_47, %dma_wait3A_48] : memref<16x80x128xi32, #tpu.memory_space<hbm>> -> memref<1x1x128xi32, #tpu.memory_space<hbm>>
    %dma_wait3A_50 = tpu.memref_squeeze %dma_wait3A_49 : memref<1x1x128xi32, #tpu.memory_space<hbm>> -> memref<1x128xi32, #tpu.memory_space<hbm>>
    %dma_wait3A_51 = arith.constant 0 : i32
    %dma_wait3A_52 = arith.constant 0 : i32
    %dma_wait3A_53 = tpu.memref_slice %arg4[%arg1, %dma_wait3A_51, %dma_wait3A_52] : memref<16x80x128xi32, #tpu.memory_space<hbm>> -> memref<1x1x128xi32, #tpu.memory_space<hbm>>
    %dma_wait3A_54 = tpu.memref_squeeze %dma_wait3A_53 : memref<1x1x128xi32, #tpu.memory_space<hbm>> -> memref<1x128xi32, #tpu.memory_space<hbm>>
    tpu.wait_dma2 semaphore(%arg18 : memref<!tpu.dma_semaphore, #tpu.memory_space<semaphore_mem>>) src(%dma_wait3A_54 : memref<1x128xi32, #tpu.memory_space<hbm>>) dst(%arg7 : memref<1x128xi32, #tpu.memory_space<vmem>>)
    %dma_start3A_55 = arith.constant 0 : i32
    %dma_start3A_56 = arith.constant 0 : i32
    %dma_start3A_57 = tpu.memref_slice %arg7[%dma_start3A_55, %dma_start3A_56] : memref<1x128xi32, #tpu.memory_space<vmem>> -> memref<1x128xi32, #tpu.memory_space<vmem>>
    %dma_start3A_58 = tpu.memref_squeeze %dma_start3A_57 : memref<1x128xi32, #tpu.memory_space<vmem>> -> memref<128xi32, #tpu.memory_space<vmem>>
    %dma_start3A_59 = arith.constant 0 : i32
    %dma_start3A_60 = arith.constant 0 : i32
    %dma_start3A_61 = tpu.memref_slice %arg13[%dma_start3A_59, %dma_start3A_60] : memref<10240x128xf32, #tpu.memory_space<vmem_shared>> -> memref<10240x128xf32, #tpu.memory_space<vmem_shared>>
    tpu.enqueue_indirect_dma source(%arg11 : memref<128x128xf32, #tpu.memory_space<vmem>>) target(%dma_start3A_61 : memref<10240x128xf32, #tpu.memory_space<vmem_shared>>) offsets(%dma_start3A_58 : memref<128xi32, #tpu.memory_space<vmem>>) semaphore(%arg16 : memref<!tpu.dma_semaphore, #tpu.memory_space<semaphore_mem>>) {add = true}
    %dma_start3A_62 = arith.constant 1 : i32
    %dma_start3A_63 = arith.constant 0 : i32
    %dma_start3A_64 = tpu.memref_slice %arg6[%dma_start3A_62, %dma_start3A_63] : memref<80x128xi32, #tpu.memory_space<vmem>> -> memref<1x128xi32, #tpu.memory_space<vmem>>
    %dma_start3A_65 = tpu.memref_squeeze %dma_start3A_64 : memref<1x128xi32, #tpu.memory_space<vmem>> -> memref<128xi32, #tpu.memory_space<vmem>>
    %dma_start3A_66 = arith.constant 0 : i32
    %dma_start3A_67 = arith.constant 0 : i32
    %dma_start3A_68 = tpu.memref_slice %arg2[%dma_start3A_66, %dma_start3A_67] : memref<10240x128xf32, #tpu.memory_space<hbm>> -> memref<10240x128xf32, #tpu.memory_space<hbm>>
    tpu.enqueue_indirect_dma source(%dma_start3A_68 : memref<10240x128xf32, #tpu.memory_space<hbm>>) target(%arg12 : memref<128x128xf32, #tpu.memory_space<vmem>>) offsets(%dma_start3A_65 : memref<128xi32, #tpu.memory_space<vmem>>) semaphore(%arg15 : memref<!tpu.dma_semaphore, #tpu.memory_space<semaphore_mem>>)
    %dma_wait3A_69 = arith.constant 1 : i32
    %dma_wait3A_70 = arith.constant 0 : i32
    %dma_wait3A_71 = tpu.memref_slice %arg6[%dma_wait3A_69, %dma_wait3A_70] : memref<80x128xi32, #tpu.memory_space<vmem>> -> memref<1x128xi32, #tpu.memory_space<vmem>>
    %dma_wait3A_72 = tpu.memref_squeeze %dma_wait3A_71 : memref<1x128xi32, #tpu.memory_space<vmem>> -> memref<128xi32, #tpu.memory_space<vmem>>
    %dma_wait3A_73 = arith.constant 0 : i32
    %dma_wait3A_74 = arith.constant 0 : i32
    %dma_wait3A_75 = tpu.memref_slice %arg2[%dma_wait3A_73, %dma_wait3A_74] : memref<10240x128xf32, #tpu.memory_space<hbm>> -> memref<10240x128xf32, #tpu.memory_space<hbm>>
    tpu.wait_indirect_dma semaphore(%arg15 : memref<!tpu.dma_semaphore, #tpu.memory_space<semaphore_mem>>) src(%dma_wait3A_75 : memref<10240x128xf32, #tpu.memory_space<hbm>>) dst(%arg12 : memref<128x128xf32, #tpu.memory_space<vmem>>)
    %dma_wait3A_76 = arith.constant 1 : i32
    %dma_wait3A_77 = arith.constant 0 : i32
    %dma_wait3A_78 = tpu.memref_slice %arg4[%arg1, %dma_wait3A_76, %dma_wait3A_77] : memref<16x80x128xi32, #tpu.memory_space<hbm>> -> memref<1x1x128xi32, #tpu.memory_space<hbm>>
    %dma_wait3A_79 = tpu.memref_squeeze %dma_wait3A_78 : memref<1x1x128xi32, #tpu.memory_space<hbm>> -> memref<1x128xi32, #tpu.memory_space<hbm>>
    %dma_wait3A_80 = arith.constant 1 : i32
    %dma_wait3A_81 = arith.constant 0 : i32
    %dma_wait3A_82 = tpu.memref_slice %arg4[%arg1, %dma_wait3A_80, %dma_wait3A_81] : memref<16x80x128xi32, #tpu.memory_space<hbm>> -> memref<1x1x128xi32, #tpu.memory_space<hbm>>
    %dma_wait3A_83 = tpu.memref_squeeze %dma_wait3A_82 : memref<1x1x128xi32, #tpu.memory_space<hbm>> -> memref<1x128xi32, #tpu.memory_space<hbm>>
    tpu.wait_dma2 semaphore(%arg19 : memref<!tpu.dma_semaphore, #tpu.memory_space<semaphore_mem>>) src(%dma_wait3A_83 : memref<1x128xi32, #tpu.memory_space<hbm>>) dst(%arg8 : memref<1x128xi32, #tpu.memory_space<vmem>>)
    %dma_wait3A_84 = arith.constant 0 : i32
    %dma_wait3A_85 = arith.constant 0 : i32
    %dma_wait3A_86 = tpu.memref_slice %arg7[%dma_wait3A_84, %dma_wait3A_85] : memref<1x128xi32, #tpu.memory_space<vmem>> -> memref<1x128xi32, #tpu.memory_space<vmem>>
    %dma_wait3A_87 = tpu.memref_squeeze %dma_wait3A_86 : memref<1x128xi32, #tpu.memory_space<vmem>> -> memref<128xi32, #tpu.memory_space<vmem>>
    %dma_wait3A_88 = arith.constant 0 : i32
    %dma_wait3A_89 = arith.constant 0 : i32
    %dma_wait3A_90 = tpu.memref_slice %arg13[%dma_wait3A_88, %dma_wait3A_89] : memref<10240x128xf32, #tpu.memory_space<vmem_shared>> -> memref<10240x128xf32, #tpu.memory_space<vmem_shared>>
    tpu.wait_indirect_dma semaphore(%arg16 : memref<!tpu.dma_semaphore, #tpu.memory_space<semaphore_mem>>) src(%arg11 : memref<128x128xf32, #tpu.memory_space<vmem>>) dst(%dma_wait3A_90 : memref<10240x128xf32, #tpu.memory_space<vmem_shared>>)
    %dma_start3A_91 = arith.constant 0 : i32
    %dma_start3A_92 = arith.constant 0 : i32
    %dma_start3A_93 = tpu.memref_slice %arg8[%dma_start3A_91, %dma_start3A_92] : memref<1x128xi32, #tpu.memory_space<vmem>> -> memref<1x128xi32, #tpu.memory_space<vmem>>
    %dma_start3A_94 = tpu.memref_squeeze %dma_start3A_93 : memref<1x128xi32, #tpu.memory_space<vmem>> -> memref<128xi32, #tpu.memory_space<vmem>>
    %dma_start3A_95 = arith.constant 0 : i32
    %dma_start3A_96 = arith.constant 0 : i32
    %dma_start3A_97 = tpu.memref_slice %arg13[%dma_start3A_95, %dma_start3A_96] : memref<10240x128xf32, #tpu.memory_space<vmem_shared>> -> memref<10240x128xf32, #tpu.memory_space<vmem_shared>>
    tpu.enqueue_indirect_dma source(%arg12 : memref<128x128xf32, #tpu.memory_space<vmem>>) target(%dma_start3A_97 : memref<10240x128xf32, #tpu.memory_space<vmem_shared>>) offsets(%dma_start3A_94 : memref<128xi32, #tpu.memory_space<vmem>>) semaphore(%arg17 : memref<!tpu.dma_semaphore, #tpu.memory_space<semaphore_mem>>) {add = true}
    %dma_start3A_98 = arith.constant 2 : i32
    %dma_start3A_99 = arith.constant 0 : i32
    %dma_start3A_100 = tpu.memref_slice %arg6[%dma_start3A_98, %dma_start3A_99] : memref<80x128xi32, #tpu.memory_space<vmem>> -> memref<1x128xi32, #tpu.memory_space<vmem>>
    %dma_start3A_101 = tpu.memref_squeeze %dma_start3A_100 : memref<1x128xi32, #tpu.memory_space<vmem>> -> memref<128xi32, #tpu.memory_space<vmem>>
    %dma_start3A_102 = arith.constant 0 : i32
    %dma_start3A_103 = arith.constant 0 : i32
    %dma_start3A_104 = tpu.memref_slice %arg2[%dma_start3A_102, %dma_start3A_103] : memref<10240x128xf32, #tpu.memory_space<hbm>> -> memref<10240x128xf32, #tpu.memory_space<hbm>>
    tpu.enqueue_indirect_dma source(%dma_start3A_104 : memref<10240x128xf32, #tpu.memory_space<hbm>>) target(%arg11 : memref<128x128xf32, #tpu.memory_space<vmem>>) offsets(%dma_start3A_101 : memref<128xi32, #tpu.memory_space<vmem>>) semaphore(%arg14 : memref<!tpu.dma_semaphore, #tpu.memory_space<semaphore_mem>>)
    %dma_wait3A_105 = arith.constant 2 : i32
    %dma_wait3A_106 = arith.constant 0 : i32
    %dma_wait3A_107 = tpu.memref_slice %arg6[%dma_wait3A_105, %dma_wait3A_106] : memref<80x128xi32, #tpu.memory_space<vmem>> -> memref<1x128xi32, #tpu.memory_space<vmem>>
    %dma_wait3A_108 = tpu.memref_squeeze %dma_wait3A_107 : memref<1x128xi32, #tpu.memory_space<vmem>> -> memref<128xi32, #tpu.memory_space<vmem>>
    %dma_wait3A_109 = arith.constant 0 : i32
    %dma_wait3A_110 = arith.constant 0 : i32
    %dma_wait3A_111 = tpu.memref_slice %arg2[%dma_wait3A_109, %dma_wait3A_110] : memref<10240x128xf32, #tpu.memory_space<hbm>> -> memref<10240x128xf32, #tpu.memory_space<hbm>>
    tpu.wait_indirect_dma semaphore(%arg14 : memref<!tpu.dma_semaphore, #tpu.memory_space<semaphore_mem>>) src(%dma_wait3A_111 : memref<10240x128xf32, #tpu.memory_space<hbm>>) dst(%arg11 : memref<128x128xf32, #tpu.memory_space<vmem>>)
    %dma_wait3A_112 = arith.constant 2 : i32
    %dma_wait3A_113 = arith.constant 0 : i32
    %dma_wait3A_114 = tpu.memref_slice %arg4[%arg1, %dma_wait3A_112, %dma_wait3A_113] : memref<16x80x128xi32, #tpu.memory_space<hbm>> -> memref<1x1x128xi32, #tpu.memory_space<hbm>>
    %dma_wait3A_115 = tpu.memref_squeeze %dma_wait3A_114 : memref<1x1x128xi32, #tpu.memory_space<hbm>> -> memref<1x128xi32, #tpu.memory_space<hbm>>
    %dma_wait3A_116 = arith.constant 2 : i32
    %dma_wait3A_117 = arith.constant 0 : i32
    %dma_wait3A_118 = tpu.memref_slice %arg4[%arg1, %dma_wait3A_116, %dma_wait3A_117] : memref<16x80x128xi32, #tpu.memory_space<hbm>> -> memref<1x1x128xi32, #tpu.memory_space<hbm>>
    %dma_wait3A_119 = tpu.memref_squeeze %dma_wait3A_118 : memref<1x1x128xi32, #tpu.memory_space<hbm>> -> memref<1x128xi32, #tpu.memory_space<hbm>>
    tpu.wait_dma2 semaphore(%arg20 : memref<!tpu.dma_semaphore, #tpu.memory_space<semaphore_mem>>) src(%dma_wait3A_119 : memref<1x128xi32, #tpu.memory_space<hbm>>) dst(%arg9 : memref<1x128xi32, #tpu.memory_space<vmem>>)
    %dma_wait3A_120 = arith.constant 0 : i32
    %dma_wait3A_121 = arith.constant 0 : i32
    %dma_wait3A_122 = tpu.memref_slice %arg8[%dma_wait3A_120, %dma_wait3A_121] : memref<1x128xi32, #tpu.memory_space<vmem>> -> memref<1x128xi32, #tpu.memory_space<vmem>>
    %dma_wait3A_123 = tpu.memref_squeeze %dma_wait3A_122 : memref<1x128xi32, #tpu.memory_space<vmem>> -> memref<128xi32, #tpu.memory_space<vmem>>
    %dma_wait3A_124 = arith.constant 0 : i32
    %dma_wait3A_125 = arith.constant 0 : i32
    %dma_wait3A_126 = tpu.memref_slice %arg13[%dma_wait3A_124, %dma_wait3A_125] : memref<10240x128xf32, #tpu.memory_space<vmem_shared>> -> memref<10240x128xf32, #tpu.memory_space<vmem_shared>>
    tpu.wait_indirect_dma semaphore(%arg17 : memref<!tpu.dma_semaphore, #tpu.memory_space<semaphore_mem>>) src(%arg12 : memref<128x128xf32, #tpu.memory_space<vmem>>) dst(%dma_wait3A_126 : memref<10240x128xf32, #tpu.memory_space<vmem_shared>>)
    %dma_start3A_127 = arith.constant 0 : i32
    %dma_start3A_128 = arith.constant 0 : i32
    %dma_start3A_129 = tpu.memref_slice %arg9[%dma_start3A_127, %dma_start3A_128] : memref<1x128xi32, #tpu.memory_space<vmem>> -> memref<1x128xi32, #tpu.memory_space<vmem>>
    %dma_start3A_130 = tpu.memref_squeeze %dma_start3A_129 : memref<1x128xi32, #tpu.memory_space<vmem>> -> memref<128xi32, #tpu.memory_space<vmem>>
    %dma_start3A_131 = arith.constant 0 : i32
    %dma_start3A_132 = arith.constant 0 : i32
    %dma_start3A_133 = tpu.memref_slice %arg13[%dma_start3A_131, %dma_start3A_132] : memref<10240x128xf32, #tpu.memory_space<vmem_shared>> -> memref<10240x128xf32, #tpu.memory_space<vmem_shared>>
    tpu.enqueue_indirect_dma source(%arg11 : memref<128x128xf32, #tpu.memory_space<vmem>>) target(%dma_start3A_133 : memref<10240x128xf32, #tpu.memory_space<vmem_shared>>) offsets(%dma_start3A_130 : memref<128xi32, #tpu.memory_space<vmem>>) semaphore(%arg16 : memref<!tpu.dma_semaphore, #tpu.memory_space<semaphore_mem>>) {add = true}
    %dma_start3A_134 = arith.constant 4 : i32
    %dma_start3A_135 = arith.constant 0 : i32
    %dma_start3A_136 = tpu.memref_slice %arg4[%arg1, %dma_start3A_134, %dma_start3A_135] : memref<16x80x128xi32, #tpu.memory_space<hbm>> -> memref<1x1x128xi32, #tpu.memory_space<hbm>>
    %dma_start3A_137 = tpu.memref_squeeze %dma_start3A_136 : memref<1x1x128xi32, #tpu.memory_space<hbm>> -> memref<1x128xi32, #tpu.memory_space<hbm>>
    %dma_start3A_138 = arith.constant 4 : i32
    %dma_start3A_139 = arith.constant 0 : i32
    %dma_start3A_140 = tpu.memref_slice %arg4[%arg1, %dma_start3A_138, %dma_start3A_139] : memref<16x80x128xi32, #tpu.memory_space<hbm>> -> memref<1x1x128xi32, #tpu.memory_space<hbm>>
    %dma_start3A_141 = tpu.memref_squeeze %dma_start3A_140 : memref<1x1x128xi32, #tpu.memory_space<hbm>> -> memref<1x128xi32, #tpu.memory_space<hbm>>
    tpu.enqueue_dma source(%dma_start3A_141 : memref<1x128xi32, #tpu.memory_space<hbm>>) target(%arg7 : memref<1x128xi32, #tpu.memory_space<vmem>>) target_semaphore(%arg18 : memref<!tpu.dma_semaphore, #tpu.memory_space<semaphore_mem>>)
    %dma_start3A_142 = arith.constant 3 : i32
    %dma_start3A_143 = arith.constant 0 : i32
    %dma_start3A_144 = tpu.memref_slice %arg6[%dma_start3A_142, %dma_start3A_143] : memref<80x128xi32, #tpu.memory_space<vmem>> -> memref<1x128xi32, #tpu.memory_space<vmem>>
    %dma_start3A_145 = tpu.memref_squeeze %dma_start3A_144 : memref<1x128xi32, #tpu.memory_space<vmem>> -> memref<128xi32, #tpu.memory_space<vmem>>
    %dma_start3A_146 = arith.constant 0 : i32
    %dma_start3A_147 = arith.constant 0 : i32
    %dma_start3A_148 = tpu.memref_slice %arg2[%dma_start3A_146, %dma_start3A_147] : memref<10240x128xf32, #tpu.memory_space<hbm>> -> memref<10240x128xf32, #tpu.memory_space<hbm>>
    tpu.enqueue_indirect_dma source(%dma_start3A_148 : memref<10240x128xf32, #tpu.memory_space<hbm>>) target(%arg12 : memref<128x128xf32, #tpu.memory_space<vmem>>) offsets(%dma_start3A_145 : memref<128xi32, #tpu.memory_space<vmem>>) semaphore(%arg15 : memref<!tpu.dma_semaphore, #tpu.memory_space<semaphore_mem>>)
    %dma_wait3A_149 = arith.constant 3 : i32
    %dma_wait3A_150 = arith.constant 0 : i32
    %dma_wait3A_151 = tpu.memref_slice %arg6[%dma_wait3A_149, %dma_wait3A_150] : memref<80x128xi32, #tpu.memory_space<vmem>> -> memref<1x128xi32, #tpu.memory_space<vmem>>
    %dma_wait3A_152 = tpu.memref_squeeze %dma_wait3A_151 : memref<1x128xi32, #tpu.memory_space<vmem>> -> memref<128xi32, #tpu.memory_space<vmem>>
    %dma_wait3A_153 = arith.constant 0 : i32
    %dma_wait3A_154 = arith.constant 0 : i32
    %dma_wait3A_155 = tpu.memref_slice %arg2[%dma_wait3A_153, %dma_wait3A_154] : memref<10240x128xf32, #tpu.memory_space<hbm>> -> memref<10240x128xf32, #tpu.memory_space<hbm>>
    tpu.wait_indirect_dma semaphore(%arg15 : memref<!tpu.dma_semaphore, #tpu.memory_space<semaphore_mem>>) src(%dma_wait3A_155 : memref<10240x128xf32, #tpu.memory_space<hbm>>) dst(%arg12 : memref<128x128xf32, #tpu.memory_space<vmem>>)
    %dma_wait3A_156 = arith.constant 3 : i32
    %dma_wait3A_157 = arith.constant 0 : i32
    %dma_wait3A_158 = tpu.memref_slice %arg4[%arg1, %dma_wait3A_156, %dma_wait3A_157] : memref<16x80x128xi32, #tpu.memory_space<hbm>> -> memref<1x1x128xi32, #tpu.memory_space<hbm>>
    %dma_wait3A_159 = tpu.memref_squeeze %dma_wait3A_158 : memref<1x1x128xi32, #tpu.memory_space<hbm>> -> memref<1x128xi32, #tpu.memory_space<hbm>>
    %dma_wait3A_160 = arith.constant 3 : i32
    %dma_wait3A_161 = arith.constant 0 : i32
    %dma_wait3A_162 = tpu.memref_slice %arg4[%arg1, %dma_wait3A_160, %dma_wait3A_161] : memref<16x80x128xi32, #tpu.memory_space<hbm>> -> memref<1x1x128xi32, #tpu.memory_space<hbm>>
    %dma_wait3A_163 = tpu.memref_squeeze %dma_wait3A_162 : memref<1x1x128xi32, #tpu.memory_space<hbm>> -> memref<1x128xi32, #tpu.memory_space<hbm>>
    tpu.wait_dma2 semaphore(%arg21 : memref<!tpu.dma_semaphore, #tpu.memory_space<semaphore_mem>>) src(%dma_wait3A_163 : memref<1x128xi32, #tpu.memory_space<hbm>>) dst(%arg10 : memref<1x128xi32, #tpu.memory_space<vmem>>)
    %dma_wait3A_164 = arith.constant 0 : i32
    %dma_wait3A_165 = arith.constant 0 : i32
    %dma_wait3A_166 = tpu.memref_slice %arg9[%dma_wait3A_164, %dma_wait3A_165] : memref<1x128xi32, #tpu.memory_space<vmem>> -> memref<1x128xi32, #tpu.memory_space<vmem>>
    %dma_wait3A_167 = tpu.memref_squeeze %dma_wait3A_166 : memref<1x128xi32, #tpu.memory_space<vmem>> -> memref<128xi32, #tpu.memory_space<vmem>>
    %dma_wait3A_168 = arith.constant 0 : i32
    %dma_wait3A_169 = arith.constant 0 : i32
    %dma_wait3A_170 = tpu.memref_slice %arg13[%dma_wait3A_168, %dma_wait3A_169] : memref<10240x128xf32, #tpu.memory_space<vmem_shared>> -> memref<10240x128xf32, #tpu.memory_space<vmem_shared>>
    tpu.wait_indirect_dma semaphore(%arg16 : memref<!tpu.dma_semaphore, #tpu.memory_space<semaphore_mem>>) src(%arg11 : memref<128x128xf32, #tpu.memory_space<vmem>>) dst(%dma_wait3A_170 : memref<10240x128xf32, #tpu.memory_space<vmem_shared>>)
    %dma_start3A_171 = arith.constant 0 : i32
    %dma_start3A_172 = arith.constant 0 : i32
    %dma_start3A_173 = tpu.memref_slice %arg10[%dma_start3A_171, %dma_start3A_172] : memref<1x128xi32, #tpu.memory_space<vmem>> -> memref<1x128xi32, #tpu.memory_space<vmem>>
    %dma_start3A_174 = tpu.memref_squeeze %dma_start3A_173 : memref<1x128xi32, #tpu.memory_space<vmem>> -> memref<128xi32, #tpu.memory_space<vmem>>
    %dma_start3A_175 = arith.constant 0 : i32
    %dma_start3A_176 = arith.constant 0 : i32
    %dma_start3A_177 = tpu.memref_slice %arg13[%dma_start3A_175, %dma_start3A_176] : memref<10240x128xf32, #tpu.memory_space<vmem_shared>> -> memref<10240x128xf32, #tpu.memory_space<vmem_shared>>
    tpu.enqueue_indirect_dma source(%arg12 : memref<128x128xf32, #tpu.memory_space<vmem>>) target(%dma_start3A_177 : memref<10240x128xf32, #tpu.memory_space<vmem_shared>>) offsets(%dma_start3A_174 : memref<128xi32, #tpu.memory_space<vmem>>) semaphore(%arg17 : memref<!tpu.dma_semaphore, #tpu.memory_space<semaphore_mem>>) {add = true}
    %dma_start3A_178 = arith.constant 5 : i32
    %dma_start3A_179 = arith.constant 0 : i32
    %dma_start3A_180 = tpu.memref_slice %arg4[%arg1, %dma_start3A_178, %dma_start3A_179] : memref<16x80x128xi32, #tpu.memory_space<hbm>> -> memref<1x1x128xi32, #tpu.memory_space<hbm>>
    %dma_start3A_181 = tpu.memref_squeeze %dma_start3A_180 : memref<1x1x128xi32, #tpu.memory_space<hbm>> -> memref<1x128xi32, #tpu.memory_space<hbm>>
    %dma_start3A_182 = arith.constant 5 : i32
    %dma_start3A_183 = arith.constant 0 : i32
    %dma_start3A_184 = tpu.memref_slice %arg4[%arg1, %dma_start3A_182, %dma_start3A_183] : memref<16x80x128xi32, #tpu.memory_space<hbm>> -> memref<1x1x128xi32, #tpu.memory_space<hbm>>
    %dma_start3A_185 = tpu.memref_squeeze %dma_start3A_184 : memref<1x1x128xi32, #tpu.memory_space<hbm>> -> memref<1x128xi32, #tpu.memory_space<hbm>>
    tpu.enqueue_dma source(%dma_start3A_185 : memref<1x128xi32, #tpu.memory_space<hbm>>) target(%arg8 : memref<1x128xi32, #tpu.memory_space<vmem>>) target_semaphore(%arg19 : memref<!tpu.dma_semaphore, #tpu.memory_space<semaphore_mem>>)
    %dma_start3A_186 = arith.constant 4 : i32
    %dma_start3A_187 = arith.constant 0 : i32
    %dma_start3A_188 = tpu.memref_slice %arg6[%dma_start3A_186, %dma_start3A_187] : memref<80x128xi32, #tpu.memory_space<vmem>> -> memref<1x128xi32, #tpu.memory_space<vmem>>
    %dma_start3A_189 = tpu.memref_squeeze %dma_start3A_188 : memref<1x128xi32, #tpu.memory_space<vmem>> -> memref<128xi32, #tpu.memory_space<vmem>>
    %dma_start3A_190 = arith.constant 0 : i32
    %dma_start3A_191 = arith.constant 0 : i32
    %dma_start3A_192 = tpu.memref_slice %arg2[%dma_start3A_190, %dma_start3A_191] : memref<10240x128xf32, #tpu.memory_space<hbm>> -> memref<10240x128xf32, #tpu.memory_space<hbm>>
    tpu.enqueue_indirect_dma source(%dma_start3A_192 : memref<10240x128xf32, #tpu.memory_space<hbm>>) target(%arg11 : memref<128x128xf32, #tpu.memory_space<vmem>>) offsets(%dma_start3A_189 : memref<128xi32, #tpu.memory_space<vmem>>) semaphore(%arg14 : memref<!tpu.dma_semaphore, #tpu.memory_space<semaphore_mem>>)
    %scan3A = arith.constant 0 : i32
    %scan3A_193 = arith.constant 1 : i32
    %scan3A_194 = arith.constant 18 : i32
    %scan3A_195 = arith.addi %scan3A_193, %scan3A_194 : i32
    %scan3A_196 = arith.constant 1 : i32
    scf.for %scan3A_363 = %scan3A_193 to %scan3A_195 step %scan3A_196  : i32 {
      %mul3A_364 = arith.constant 4 : i32
      %mul3A_365 = arith.muli %mul3A_364, %scan3A_363 : i32
      %add3A = arith.constant 0 : i32
      %add3A_366 = arith.addi %mul3A_365, %add3A : i32
      %dma_wait3A_367 = arith.constant 0 : i32
      %dma_wait3A_368 = tpu.memref_slice %arg6[%add3A_366, %dma_wait3A_367] : memref<80x128xi32, #tpu.memory_space<vmem>> -> memref<1x128xi32, #tpu.memory_space<vmem>>
      %dma_wait3A_369 = tpu.memref_squeeze %dma_wait3A_368 : memref<1x128xi32, #tpu.memory_space<vmem>> -> memref<128xi32, #tpu.memory_space<vmem>>
      %dma_wait3A_370 = arith.constant 0 : i32
      %dma_wait3A_371 = arith.constant 0 : i32
      %dma_wait3A_372 = tpu.memref_slice %arg2[%dma_wait3A_370, %dma_wait3A_371] : memref<10240x128xf32, #tpu.memory_space<hbm>> -> memref<10240x128xf32, #tpu.memory_space<hbm>>
      tpu.wait_indirect_dma semaphore(%arg14 : memref<!tpu.dma_semaphore, #tpu.memory_space<semaphore_mem>>) src(%dma_wait3A_372 : memref<10240x128xf32, #tpu.memory_space<hbm>>) dst(%arg11 : memref<128x128xf32, #tpu.memory_space<vmem>>)
      %dma_wait3A_373 = arith.constant 0 : i32
      %dma_wait3A_374 = tpu.memref_slice %arg4[%arg1, %add3A_366, %dma_wait3A_373] : memref<16x80x128xi32, #tpu.memory_space<hbm>> -> memref<1x1x128xi32, #tpu.memory_space<hbm>>
      %dma_wait3A_375 = tpu.memref_squeeze %dma_wait3A_374 : memref<1x1x128xi32, #tpu.memory_space<hbm>> -> memref<1x128xi32, #tpu.memory_space<hbm>>
      %dma_wait3A_376 = arith.constant 0 : i32
      %dma_wait3A_377 = tpu.memref_slice %arg4[%arg1, %add3A_366, %dma_wait3A_376] : memref<16x80x128xi32, #tpu.memory_space<hbm>> -> memref<1x1x128xi32, #tpu.memory_space<hbm>>
      %dma_wait3A_378 = tpu.memref_squeeze %dma_wait3A_377 : memref<1x1x128xi32, #tpu.memory_space<hbm>> -> memref<1x128xi32, #tpu.memory_space<hbm>>
      tpu.wait_dma2 semaphore(%arg18 : memref<!tpu.dma_semaphore, #tpu.memory_space<semaphore_mem>>) src(%dma_wait3A_378 : memref<1x128xi32, #tpu.memory_space<hbm>>) dst(%arg7 : memref<1x128xi32, #tpu.memory_space<vmem>>)
      %sub3A = arith.constant 1 : i32
      %sub3A_379 = arith.subi %add3A_366, %sub3A : i32
      %dma_wait3A_380 = arith.constant 0 : i32
      %dma_wait3A_381 = arith.constant 0 : i32
      %dma_wait3A_382 = tpu.memref_slice %arg10[%dma_wait3A_380, %dma_wait3A_381] : memref<1x128xi32, #tpu.memory_space<vmem>> -> memref<1x128xi32, #tpu.memory_space<vmem>>
      %dma_wait3A_383 = tpu.memref_squeeze %dma_wait3A_382 : memref<1x128xi32, #tpu.memory_space<vmem>> -> memref<128xi32, #tpu.memory_space<vmem>>
      %dma_wait3A_384 = arith.constant 0 : i32
      %dma_wait3A_385 = arith.constant 0 : i32
      %dma_wait3A_386 = tpu.memref_slice %arg13[%dma_wait3A_384, %dma_wait3A_385] : memref<10240x128xf32, #tpu.memory_space<vmem_shared>> -> memref<10240x128xf32, #tpu.memory_space<vmem_shared>>
      tpu.wait_indirect_dma semaphore(%arg17 : memref<!tpu.dma_semaphore, #tpu.memory_space<semaphore_mem>>) src(%arg12 : memref<128x128xf32, #tpu.memory_space<vmem>>) dst(%dma_wait3A_386 : memref<10240x128xf32, #tpu.memory_space<vmem_shared>>)
      %dma_start3A_387 = arith.constant 0 : i32
      %dma_start3A_388 = arith.constant 0 : i32
      %dma_start3A_389 = tpu.memref_slice %arg7[%dma_start3A_387, %dma_start3A_388] : memref<1x128xi32, #tpu.memory_space<vmem>> -> memref<1x128xi32, #tpu.memory_space<vmem>>
      %dma_start3A_390 = tpu.memref_squeeze %dma_start3A_389 : memref<1x128xi32, #tpu.memory_space<vmem>> -> memref<128xi32, #tpu.memory_space<vmem>>
      %dma_start3A_391 = arith.constant 0 : i32
      %dma_start3A_392 = arith.constant 0 : i32
      %dma_start3A_393 = tpu.memref_slice %arg13[%dma_start3A_391, %dma_start3A_392] : memref<10240x128xf32, #tpu.memory_space<vmem_shared>> -> memref<10240x128xf32, #tpu.memory_space<vmem_shared>>
      tpu.enqueue_indirect_dma source(%arg11 : memref<128x128xf32, #tpu.memory_space<vmem>>) target(%dma_start3A_393 : memref<10240x128xf32, #tpu.memory_space<vmem_shared>>) offsets(%dma_start3A_390 : memref<128xi32, #tpu.memory_space<vmem>>) semaphore(%arg16 : memref<!tpu.dma_semaphore, #tpu.memory_space<semaphore_mem>>) {add = true}
      %add3A_394 = arith.constant 2 : i32
      %add3A_395 = arith.addi %add3A_366, %add3A_394 : i32
      %dma_start3A_396 = arith.constant 0 : i32
      %dma_start3A_397 = tpu.memref_slice %arg4[%arg1, %add3A_395, %dma_start3A_396] : memref<16x80x128xi32, #tpu.memory_space<hbm>> -> memref<1x1x128xi32, #tpu.memory_space<hbm>>
      %dma_start3A_398 = tpu.memref_squeeze %dma_start3A_397 : memref<1x1x128xi32, #tpu.memory_space<hbm>> -> memref<1x128xi32, #tpu.memory_space<hbm>>
      %dma_start3A_399 = arith.constant 0 : i32
      %dma_start3A_400 = tpu.memref_slice %arg4[%arg1, %add3A_395, %dma_start3A_399] : memref<16x80x128xi32, #tpu.memory_space<hbm>> -> memref<1x1x128xi32, #tpu.memory_space<hbm>>
      %dma_start3A_401 = tpu.memref_squeeze %dma_start3A_400 : memref<1x1x128xi32, #tpu.memory_space<hbm>> -> memref<1x128xi32, #tpu.memory_space<hbm>>
      tpu.enqueue_dma source(%dma_start3A_401 : memref<1x128xi32, #tpu.memory_space<hbm>>) target(%arg9 : memref<1x128xi32, #tpu.memory_space<vmem>>) target_semaphore(%arg20 : memref<!tpu.dma_semaphore, #tpu.memory_space<semaphore_mem>>)
      %add3A_402 = arith.constant 1 : i32
      %add3A_403 = arith.addi %add3A_366, %add3A_402 : i32
      %dma_start3A_404 = arith.constant 0 : i32
      %dma_start3A_405 = tpu.memref_slice %arg6[%add3A_403, %dma_start3A_404] : memref<80x128xi32, #tpu.memory_space<vmem>> -> memref<1x128xi32, #tpu.memory_space<vmem>>
      %dma_start3A_406 = tpu.memref_squeeze %dma_start3A_405 : memref<1x128xi32, #tpu.memory_space<vmem>> -> memref<128xi32, #tpu.memory_space<vmem>>
      %dma_start3A_407 = arith.constant 0 : i32
      %dma_start3A_408 = arith.constant 0 : i32
      %dma_start3A_409 = tpu.memref_slice %arg2[%dma_start3A_407, %dma_start3A_408] : memref<10240x128xf32, #tpu.memory_space<hbm>> -> memref<10240x128xf32, #tpu.memory_space<hbm>>
      tpu.enqueue_indirect_dma source(%dma_start3A_409 : memref<10240x128xf32, #tpu.memory_space<hbm>>) target(%arg12 : memref<128x128xf32, #tpu.memory_space<vmem>>) offsets(%dma_start3A_406 : memref<128xi32, #tpu.memory_space<vmem>>) semaphore(%arg15 : memref<!tpu.dma_semaphore, #tpu.memory_space<semaphore_mem>>)
      %add3A_410 = arith.constant 1 : i32
      %add3A_411 = arith.addi %mul3A_365, %add3A_410 : i32
      %dma_wait3A_412 = arith.constant 0 : i32
      %dma_wait3A_413 = tpu.memref_slice %arg6[%add3A_411, %dma_wait3A_412] : memref<80x128xi32, #tpu.memory_space<vmem>> -> memref<1x128xi32, #tpu.memory_space<vmem>>
      %dma_wait3A_414 = tpu.memref_squeeze %dma_wait3A_413 : memref<1x128xi32, #tpu.memory_space<vmem>> -> memref<128xi32, #tpu.memory_space<vmem>>
      %dma_wait3A_415 = arith.constant 0 : i32
      %dma_wait3A_416 = arith.constant 0 : i32
      %dma_wait3A_417 = tpu.memref_slice %arg2[%dma_wait3A_415, %dma_wait3A_416] : memref<10240x128xf32, #tpu.memory_space<hbm>> -> memref<10240x128xf32, #tpu.memory_space<hbm>>
      tpu.wait_indirect_dma semaphore(%arg15 : memref<!tpu.dma_semaphore, #tpu.memory_space<semaphore_mem>>) src(%dma_wait3A_417 : memref<10240x128xf32, #tpu.memory_space<hbm>>) dst(%arg12 : memref<128x128xf32, #tpu.memory_space<vmem>>)
      %dma_wait3A_418 = arith.constant 0 : i32
      %dma_wait3A_419 = tpu.memref_slice %arg4[%arg1, %add3A_411, %dma_wait3A_418] : memref<16x80x128xi32, #tpu.memory_space<hbm>> -> memref<1x1x128xi32, #tpu.memory_space<hbm>>
      %dma_wait3A_420 = tpu.memref_squeeze %dma_wait3A_419 : memref<1x1x128xi32, #tpu.memory_space<hbm>> -> memref<1x128xi32, #tpu.memory_space<hbm>>
      %dma_wait3A_421 = arith.constant 0 : i32
      %dma_wait3A_422 = tpu.memref_slice %arg4[%arg1, %add3A_411, %dma_wait3A_421] : memref<16x80x128xi32, #tpu.memory_space<hbm>> -> memref<1x1x128xi32, #tpu.memory_space<hbm>>
      %dma_wait3A_423 = tpu.memref_squeeze %dma_wait3A_422 : memref<1x1x128xi32, #tpu.memory_space<hbm>> -> memref<1x128xi32, #tpu.memory_space<hbm>>
      tpu.wait_dma2 semaphore(%arg19 : memref<!tpu.dma_semaphore, #tpu.memory_space<semaphore_mem>>) src(%dma_wait3A_423 : memref<1x128xi32, #tpu.memory_space<hbm>>) dst(%arg8 : memref<1x128xi32, #tpu.memory_space<vmem>>)
      %sub3A_424 = arith.constant 1 : i32
      %sub3A_425 = arith.subi %add3A_411, %sub3A_424 : i32
      %dma_wait3A_426 = arith.constant 0 : i32
      %dma_wait3A_427 = arith.constant 0 : i32
      %dma_wait3A_428 = tpu.memref_slice %arg7[%dma_wait3A_426, %dma_wait3A_427] : memref<1x128xi32, #tpu.memory_space<vmem>> -> memref<1x128xi32, #tpu.memory_space<vmem>>
      %dma_wait3A_429 = tpu.memref_squeeze %dma_wait3A_428 : memref<1x128xi32, #tpu.memory_space<vmem>> -> memref<128xi32, #tpu.memory_space<vmem>>
      %dma_wait3A_430 = arith.constant 0 : i32
      %dma_wait3A_431 = arith.constant 0 : i32
      %dma_wait3A_432 = tpu.memref_slice %arg13[%dma_wait3A_430, %dma_wait3A_431] : memref<10240x128xf32, #tpu.memory_space<vmem_shared>> -> memref<10240x128xf32, #tpu.memory_space<vmem_shared>>
      tpu.wait_indirect_dma semaphore(%arg16 : memref<!tpu.dma_semaphore, #tpu.memory_space<semaphore_mem>>) src(%arg11 : memref<128x128xf32, #tpu.memory_space<vmem>>) dst(%dma_wait3A_432 : memref<10240x128xf32, #tpu.memory_space<vmem_shared>>)
      %dma_start3A_433 = arith.constant 0 : i32
      %dma_start3A_434 = arith.constant 0 : i32
      %dma_start3A_435 = tpu.memref_slice %arg8[%dma_start3A_433, %dma_start3A_434] : memref<1x128xi32, #tpu.memory_space<vmem>> -> memref<1x128xi32, #tpu.memory_space<vmem>>
      %dma_start3A_436 = tpu.memref_squeeze %dma_start3A_435 : memref<1x128xi32, #tpu.memory_space<vmem>> -> memref<128xi32, #tpu.memory_space<vmem>>
      %dma_start3A_437 = arith.constant 0 : i32
      %dma_start3A_438 = arith.constant 0 : i32
      %dma_start3A_439 = tpu.memref_slice %arg13[%dma_start3A_437, %dma_start3A_438] : memref<10240x128xf32, #tpu.memory_space<vmem_shared>> -> memref<10240x128xf32, #tpu.memory_space<vmem_shared>>
      tpu.enqueue_indirect_dma source(%arg12 : memref<128x128xf32, #tpu.memory_space<vmem>>) target(%dma_start3A_439 : memref<10240x128xf32, #tpu.memory_space<vmem_shared>>) offsets(%dma_start3A_436 : memref<128xi32, #tpu.memory_space<vmem>>) semaphore(%arg17 : memref<!tpu.dma_semaphore, #tpu.memory_space<semaphore_mem>>) {add = true}
      %add3A_440 = arith.constant 2 : i32
      %add3A_441 = arith.addi %add3A_411, %add3A_440 : i32
      %dma_start3A_442 = arith.constant 0 : i32
      %dma_start3A_443 = tpu.memref_slice %arg4[%arg1, %add3A_441, %dma_start3A_442] : memref<16x80x128xi32, #tpu.memory_space<hbm>> -> memref<1x1x128xi32, #tpu.memory_space<hbm>>
      %dma_start3A_444 = tpu.memref_squeeze %dma_start3A_443 : memref<1x1x128xi32, #tpu.memory_space<hbm>> -> memref<1x128xi32, #tpu.memory_space<hbm>>
      %dma_start3A_445 = arith.constant 0 : i32
      %dma_start3A_446 = tpu.memref_slice %arg4[%arg1, %add3A_441, %dma_start3A_445] : memref<16x80x128xi32, #tpu.memory_space<hbm>> -> memref<1x1x128xi32, #tpu.memory_space<hbm>>
      %dma_start3A_447 = tpu.memref_squeeze %dma_start3A_446 : memref<1x1x128xi32, #tpu.memory_space<hbm>> -> memref<1x128xi32, #tpu.memory_space<hbm>>
      tpu.enqueue_dma source(%dma_start3A_447 : memref<1x128xi32, #tpu.memory_space<hbm>>) target(%arg10 : memref<1x128xi32, #tpu.memory_space<vmem>>) target_semaphore(%arg21 : memref<!tpu.dma_semaphore, #tpu.memory_space<semaphore_mem>>)
      %add3A_448 = arith.constant 1 : i32
      %add3A_449 = arith.addi %add3A_411, %add3A_448 : i32
      %dma_start3A_450 = arith.constant 0 : i32
      %dma_start3A_451 = tpu.memref_slice %arg6[%add3A_449, %dma_start3A_450] : memref<80x128xi32, #tpu.memory_space<vmem>> -> memref<1x128xi32, #tpu.memory_space<vmem>>
      %dma_start3A_452 = tpu.memref_squeeze %dma_start3A_451 : memref<1x128xi32, #tpu.memory_space<vmem>> -> memref<128xi32, #tpu.memory_space<vmem>>
      %dma_start3A_453 = arith.constant 0 : i32
      %dma_start3A_454 = arith.constant 0 : i32
      %dma_start3A_455 = tpu.memref_slice %arg2[%dma_start3A_453, %dma_start3A_454] : memref<10240x128xf32, #tpu.memory_space<hbm>> -> memref<10240x128xf32, #tpu.memory_space<hbm>>
      tpu.enqueue_indirect_dma source(%dma_start3A_455 : memref<10240x128xf32, #tpu.memory_space<hbm>>) target(%arg11 : memref<128x128xf32, #tpu.memory_space<vmem>>) offsets(%dma_start3A_452 : memref<128xi32, #tpu.memory_space<vmem>>) semaphore(%arg14 : memref<!tpu.dma_semaphore, #tpu.memory_space<semaphore_mem>>)
      %add3A_456 = arith.constant 2 : i32
      %add3A_457 = arith.addi %mul3A_365, %add3A_456 : i32
      %dma_wait3A_458 = arith.constant 0 : i32
      %dma_wait3A_459 = tpu.memref_slice %arg6[%add3A_457, %dma_wait3A_458] : memref<80x128xi32, #tpu.memory_space<vmem>> -> memref<1x128xi32, #tpu.memory_space<vmem>>
      %dma_wait3A_460 = tpu.memref_squeeze %dma_wait3A_459 : memref<1x128xi32, #tpu.memory_space<vmem>> -> memref<128xi32, #tpu.memory_space<vmem>>
      %dma_wait3A_461 = arith.constant 0 : i32
      %dma_wait3A_462 = arith.constant 0 : i32
      %dma_wait3A_463 = tpu.memref_slice %arg2[%dma_wait3A_461, %dma_wait3A_462] : memref<10240x128xf32, #tpu.memory_space<hbm>> -> memref<10240x128xf32, #tpu.memory_space<hbm>>
      tpu.wait_indirect_dma semaphore(%arg14 : memref<!tpu.dma_semaphore, #tpu.memory_space<semaphore_mem>>) src(%dma_wait3A_463 : memref<10240x128xf32, #tpu.memory_space<hbm>>) dst(%arg11 : memref<128x128xf32, #tpu.memory_space<vmem>>)
      %dma_wait3A_464 = arith.constant 0 : i32
      %dma_wait3A_465 = tpu.memref_slice %arg4[%arg1, %add3A_457, %dma_wait3A_464] : memref<16x80x128xi32, #tpu.memory_space<hbm>> -> memref<1x1x128xi32, #tpu.memory_space<hbm>>
      %dma_wait3A_466 = tpu.memref_squeeze %dma_wait3A_465 : memref<1x1x128xi32, #tpu.memory_space<hbm>> -> memref<1x128xi32, #tpu.memory_space<hbm>>
      %dma_wait3A_467 = arith.constant 0 : i32
      %dma_wait3A_468 = tpu.memref_slice %arg4[%arg1, %add3A_457, %dma_wait3A_467] : memref<16x80x128xi32, #tpu.memory_space<hbm>> -> memref<1x1x128xi32, #tpu.memory_space<hbm>>
      %dma_wait3A_469 = tpu.memref_squeeze %dma_wait3A_468 : memref<1x1x128xi32, #tpu.memory_space<hbm>> -> memref<1x128xi32, #tpu.memory_space<hbm>>
      tpu.wait_dma2 semaphore(%arg20 : memref<!tpu.dma_semaphore, #tpu.memory_space<semaphore_mem>>) src(%dma_wait3A_469 : memref<1x128xi32, #tpu.memory_space<hbm>>) dst(%arg9 : memref<1x128xi32, #tpu.memory_space<vmem>>)
      %sub3A_470 = arith.constant 1 : i32
      %sub3A_471 = arith.subi %add3A_457, %sub3A_470 : i32
      %dma_wait3A_472 = arith.constant 0 : i32
      %dma_wait3A_473 = arith.constant 0 : i32
      %dma_wait3A_474 = tpu.memref_slice %arg8[%dma_wait3A_472, %dma_wait3A_473] : memref<1x128xi32, #tpu.memory_space<vmem>> -> memref<1x128xi32, #tpu.memory_space<vmem>>
      %dma_wait3A_475 = tpu.memref_squeeze %dma_wait3A_474 : memref<1x128xi32, #tpu.memory_space<vmem>> -> memref<128xi32, #tpu.memory_space<vmem>>
      %dma_wait3A_476 = arith.constant 0 : i32
      %dma_wait3A_477 = arith.constant 0 : i32
      %dma_wait3A_478 = tpu.memref_slice %arg13[%dma_wait3A_476, %dma_wait3A_477] : memref<10240x128xf32, #tpu.memory_space<vmem_shared>> -> memref<10240x128xf32, #tpu.memory_space<vmem_shared>>
      tpu.wait_indirect_dma semaphore(%arg17 : memref<!tpu.dma_semaphore, #tpu.memory_space<semaphore_mem>>) src(%arg12 : memref<128x128xf32, #tpu.memory_space<vmem>>) dst(%dma_wait3A_478 : memref<10240x128xf32, #tpu.memory_space<vmem_shared>>)
      %dma_start3A_479 = arith.constant 0 : i32
      %dma_start3A_480 = arith.constant 0 : i32
      %dma_start3A_481 = tpu.memref_slice %arg9[%dma_start3A_479, %dma_start3A_480] : memref<1x128xi32, #tpu.memory_space<vmem>> -> memref<1x128xi32, #tpu.memory_space<vmem>>
      %dma_start3A_482 = tpu.memref_squeeze %dma_start3A_481 : memref<1x128xi32, #tpu.memory_space<vmem>> -> memref<128xi32, #tpu.memory_space<vmem>>
      %dma_start3A_483 = arith.constant 0 : i32
      %dma_start3A_484 = arith.constant 0 : i32
      %dma_start3A_485 = tpu.memref_slice %arg13[%dma_start3A_483, %dma_start3A_484] : memref<10240x128xf32, #tpu.memory_space<vmem_shared>> -> memref<10240x128xf32, #tpu.memory_space<vmem_shared>>
      tpu.enqueue_indirect_dma source(%arg11 : memref<128x128xf32, #tpu.memory_space<vmem>>) target(%dma_start3A_485 : memref<10240x128xf32, #tpu.memory_space<vmem_shared>>) offsets(%dma_start3A_482 : memref<128xi32, #tpu.memory_space<vmem>>) semaphore(%arg16 : memref<!tpu.dma_semaphore, #tpu.memory_space<semaphore_mem>>) {add = true}
      %add3A_486 = arith.constant 2 : i32
      %add3A_487 = arith.addi %add3A_457, %add3A_486 : i32
      %dma_start3A_488 = arith.constant 0 : i32
      %dma_start3A_489 = tpu.memref_slice %arg4[%arg1, %add3A_487, %dma_start3A_488] : memref<16x80x128xi32, #tpu.memory_space<hbm>> -> memref<1x1x128xi32, #tpu.memory_space<hbm>>
      %dma_start3A_490 = tpu.memref_squeeze %dma_start3A_489 : memref<1x1x128xi32, #tpu.memory_space<hbm>> -> memref<1x128xi32, #tpu.memory_space<hbm>>
      %dma_start3A_491 = arith.constant 0 : i32
      %dma_start3A_492 = tpu.memref_slice %arg4[%arg1, %add3A_487, %dma_start3A_491] : memref<16x80x128xi32, #tpu.memory_space<hbm>> -> memref<1x1x128xi32, #tpu.memory_space<hbm>>
      %dma_start3A_493 = tpu.memref_squeeze %dma_start3A_492 : memref<1x1x128xi32, #tpu.memory_space<hbm>> -> memref<1x128xi32, #tpu.memory_space<hbm>>
      tpu.enqueue_dma source(%dma_start3A_493 : memref<1x128xi32, #tpu.memory_space<hbm>>) target(%arg7 : memref<1x128xi32, #tpu.memory_space<vmem>>) target_semaphore(%arg18 : memref<!tpu.dma_semaphore, #tpu.memory_space<semaphore_mem>>)
      %add3A_494 = arith.constant 1 : i32
      %add3A_495 = arith.addi %add3A_457, %add3A_494 : i32
      %dma_start3A_496 = arith.constant 0 : i32
      %dma_start3A_497 = tpu.memref_slice %arg6[%add3A_495, %dma_start3A_496] : memref<80x128xi32, #tpu.memory_space<vmem>> -> memref<1x128xi32, #tpu.memory_space<vmem>>
      %dma_start3A_498 = tpu.memref_squeeze %dma_start3A_497 : memref<1x128xi32, #tpu.memory_space<vmem>> -> memref<128xi32, #tpu.memory_space<vmem>>
      %dma_start3A_499 = arith.constant 0 : i32
      %dma_start3A_500 = arith.constant 0 : i32
      %dma_start3A_501 = tpu.memref_slice %arg2[%dma_start3A_499, %dma_start3A_500] : memref<10240x128xf32, #tpu.memory_space<hbm>> -> memref<10240x128xf32, #tpu.memory_space<hbm>>
      tpu.enqueue_indirect_dma source(%dma_start3A_501 : memref<10240x128xf32, #tpu.memory_space<hbm>>) target(%arg12 : memref<128x128xf32, #tpu.memory_space<vmem>>) offsets(%dma_start3A_498 : memref<128xi32, #tpu.memory_space<vmem>>) semaphore(%arg15 : memref<!tpu.dma_semaphore, #tpu.memory_space<semaphore_mem>>)
      %add3A_502 = arith.constant 3 : i32
      %add3A_503 = arith.addi %mul3A_365, %add3A_502 : i32
      %dma_wait3A_504 = arith.constant 0 : i32
      %dma_wait3A_505 = tpu.memref_slice %arg6[%add3A_503, %dma_wait3A_504] : memref<80x128xi32, #tpu.memory_space<vmem>> -> memref<1x128xi32, #tpu.memory_space<vmem>>
      %dma_wait3A_506 = tpu.memref_squeeze %dma_wait3A_505 : memref<1x128xi32, #tpu.memory_space<vmem>> -> memref<128xi32, #tpu.memory_space<vmem>>
      %dma_wait3A_507 = arith.constant 0 : i32
      %dma_wait3A_508 = arith.constant 0 : i32
      %dma_wait3A_509 = tpu.memref_slice %arg2[%dma_wait3A_507, %dma_wait3A_508] : memref<10240x128xf32, #tpu.memory_space<hbm>> -> memref<10240x128xf32, #tpu.memory_space<hbm>>
      tpu.wait_indirect_dma semaphore(%arg15 : memref<!tpu.dma_semaphore, #tpu.memory_space<semaphore_mem>>) src(%dma_wait3A_509 : memref<10240x128xf32, #tpu.memory_space<hbm>>) dst(%arg12 : memref<128x128xf32, #tpu.memory_space<vmem>>)
      %dma_wait3A_510 = arith.constant 0 : i32
      %dma_wait3A_511 = tpu.memref_slice %arg4[%arg1, %add3A_503, %dma_wait3A_510] : memref<16x80x128xi32, #tpu.memory_space<hbm>> -> memref<1x1x128xi32, #tpu.memory_space<hbm>>
      %dma_wait3A_512 = tpu.memref_squeeze %dma_wait3A_511 : memref<1x1x128xi32, #tpu.memory_space<hbm>> -> memref<1x128xi32, #tpu.memory_space<hbm>>
      %dma_wait3A_513 = arith.constant 0 : i32
      %dma_wait3A_514 = tpu.memref_slice %arg4[%arg1, %add3A_503, %dma_wait3A_513] : memref<16x80x128xi32, #tpu.memory_space<hbm>> -> memref<1x1x128xi32, #tpu.memory_space<hbm>>
      %dma_wait3A_515 = tpu.memref_squeeze %dma_wait3A_514 : memref<1x1x128xi32, #tpu.memory_space<hbm>> -> memref<1x128xi32, #tpu.memory_space<hbm>>
      tpu.wait_dma2 semaphore(%arg21 : memref<!tpu.dma_semaphore, #tpu.memory_space<semaphore_mem>>) src(%dma_wait3A_515 : memref<1x128xi32, #tpu.memory_space<hbm>>) dst(%arg10 : memref<1x128xi32, #tpu.memory_space<vmem>>)
      %sub3A_516 = arith.constant 1 : i32
      %sub3A_517 = arith.subi %add3A_503, %sub3A_516 : i32
      %dma_wait3A_518 = arith.constant 0 : i32
      %dma_wait3A_519 = arith.constant 0 : i32
      %dma_wait3A_520 = tpu.memref_slice %arg9[%dma_wait3A_518, %dma_wait3A_519] : memref<1x128xi32, #tpu.memory_space<vmem>> -> memref<1x128xi32, #tpu.memory_space<vmem>>
      %dma_wait3A_521 = tpu.memref_squeeze %dma_wait3A_520 : memref<1x128xi32, #tpu.memory_space<vmem>> -> memref<128xi32, #tpu.memory_space<vmem>>
      %dma_wait3A_522 = arith.constant 0 : i32
      %dma_wait3A_523 = arith.constant 0 : i32
      %dma_wait3A_524 = tpu.memref_slice %arg13[%dma_wait3A_522, %dma_wait3A_523] : memref<10240x128xf32, #tpu.memory_space<vmem_shared>> -> memref<10240x128xf32, #tpu.memory_space<vmem_shared>>
      tpu.wait_indirect_dma semaphore(%arg16 : memref<!tpu.dma_semaphore, #tpu.memory_space<semaphore_mem>>) src(%arg11 : memref<128x128xf32, #tpu.memory_space<vmem>>) dst(%dma_wait3A_524 : memref<10240x128xf32, #tpu.memory_space<vmem_shared>>)
      %dma_start3A_525 = arith.constant 0 : i32
      %dma_start3A_526 = arith.constant 0 : i32
      %dma_start3A_527 = tpu.memref_slice %arg10[%dma_start3A_525, %dma_start3A_526] : memref<1x128xi32, #tpu.memory_space<vmem>> -> memref<1x128xi32, #tpu.memory_space<vmem>>
      %dma_start3A_528 = tpu.memref_squeeze %dma_start3A_527 : memref<1x128xi32, #tpu.memory_space<vmem>> -> memref<128xi32, #tpu.memory_space<vmem>>
      %dma_start3A_529 = arith.constant 0 : i32
      %dma_start3A_530 = arith.constant 0 : i32
      %dma_start3A_531 = tpu.memref_slice %arg13[%dma_start3A_529, %dma_start3A_530] : memref<10240x128xf32, #tpu.memory_space<vmem_shared>> -> memref<10240x128xf32, #tpu.memory_space<vmem_shared>>
      tpu.enqueue_indirect_dma source(%arg12 : memref<128x128xf32, #tpu.memory_space<vmem>>) target(%dma_start3A_531 : memref<10240x128xf32, #tpu.memory_space<vmem_shared>>) offsets(%dma_start3A_528 : memref<128xi32, #tpu.memory_space<vmem>>) semaphore(%arg17 : memref<!tpu.dma_semaphore, #tpu.memory_space<semaphore_mem>>) {add = true}
      %add3A_532 = arith.constant 2 : i32
      %add3A_533 = arith.addi %add3A_503, %add3A_532 : i32
      %dma_start3A_534 = arith.constant 0 : i32
      %dma_start3A_535 = tpu.memref_slice %arg4[%arg1, %add3A_533, %dma_start3A_534] : memref<16x80x128xi32, #tpu.memory_space<hbm>> -> memref<1x1x128xi32, #tpu.memory_space<hbm>>
      %dma_start3A_536 = tpu.memref_squeeze %dma_start3A_535 : memref<1x1x128xi32, #tpu.memory_space<hbm>> -> memref<1x128xi32, #tpu.memory_space<hbm>>
      %dma_start3A_537 = arith.constant 0 : i32
      %dma_start3A_538 = tpu.memref_slice %arg4[%arg1, %add3A_533, %dma_start3A_537] : memref<16x80x128xi32, #tpu.memory_space<hbm>> -> memref<1x1x128xi32, #tpu.memory_space<hbm>>
      %dma_start3A_539 = tpu.memref_squeeze %dma_start3A_538 : memref<1x1x128xi32, #tpu.memory_space<hbm>> -> memref<1x128xi32, #tpu.memory_space<hbm>>
      tpu.enqueue_dma source(%dma_start3A_539 : memref<1x128xi32, #tpu.memory_space<hbm>>) target(%arg8 : memref<1x128xi32, #tpu.memory_space<vmem>>) target_semaphore(%arg19 : memref<!tpu.dma_semaphore, #tpu.memory_space<semaphore_mem>>)
      %add3A_540 = arith.constant 1 : i32
      %add3A_541 = arith.addi %add3A_503, %add3A_540 : i32
      %dma_start3A_542 = arith.constant 0 : i32
      %dma_start3A_543 = tpu.memref_slice %arg6[%add3A_541, %dma_start3A_542] : memref<80x128xi32, #tpu.memory_space<vmem>> -> memref<1x128xi32, #tpu.memory_space<vmem>>
      %dma_start3A_544 = tpu.memref_squeeze %dma_start3A_543 : memref<1x128xi32, #tpu.memory_space<vmem>> -> memref<128xi32, #tpu.memory_space<vmem>>
      %dma_start3A_545 = arith.constant 0 : i32
      %dma_start3A_546 = arith.constant 0 : i32
      %dma_start3A_547 = tpu.memref_slice %arg2[%dma_start3A_545, %dma_start3A_546] : memref<10240x128xf32, #tpu.memory_space<hbm>> -> memref<10240x128xf32, #tpu.memory_space<hbm>>
      tpu.enqueue_indirect_dma source(%dma_start3A_547 : memref<10240x128xf32, #tpu.memory_space<hbm>>) target(%arg11 : memref<128x128xf32, #tpu.memory_space<vmem>>) offsets(%dma_start3A_544 : memref<128xi32, #tpu.memory_space<vmem>>) semaphore(%arg14 : memref<!tpu.dma_semaphore, #tpu.memory_space<semaphore_mem>>)
    }
    %scan3A_197 = arith.constant 18 : i32
    %dma_wait3A_198 = arith.constant 76 : i32
    %dma_wait3A_199 = arith.constant 0 : i32
    %dma_wait3A_200 = tpu.memref_slice %arg6[%dma_wait3A_198, %dma_wait3A_199] : memref<80x128xi32, #tpu.memory_space<vmem>> -> memref<1x128xi32, #tpu.memory_space<vmem>>
    %dma_wait3A_201 = tpu.memref_squeeze %dma_wait3A_200 : memref<1x128xi32, #tpu.memory_space<vmem>> -> memref<128xi32, #tpu.memory_space<vmem>>
    %dma_wait3A_202 = arith.constant 0 : i32
    %dma_wait3A_203 = arith.constant 0 : i32
    %dma_wait3A_204 = tpu.memref_slice %arg2[%dma_wait3A_202, %dma_wait3A_203] : memref<10240x128xf32, #tpu.memory_space<hbm>> -> memref<10240x128xf32, #tpu.memory_space<hbm>>
    tpu.wait_indirect_dma semaphore(%arg14 : memref<!tpu.dma_semaphore, #tpu.memory_space<semaphore_mem>>) src(%dma_wait3A_204 : memref<10240x128xf32, #tpu.memory_space<hbm>>) dst(%arg11 : memref<128x128xf32, #tpu.memory_space<vmem>>)
    %dma_wait3A_205 = arith.constant 76 : i32
    %dma_wait3A_206 = arith.constant 0 : i32
    %dma_wait3A_207 = tpu.memref_slice %arg4[%arg1, %dma_wait3A_205, %dma_wait3A_206] : memref<16x80x128xi32, #tpu.memory_space<hbm>> -> memref<1x1x128xi32, #tpu.memory_space<hbm>>
    %dma_wait3A_208 = tpu.memref_squeeze %dma_wait3A_207 : memref<1x1x128xi32, #tpu.memory_space<hbm>> -> memref<1x128xi32, #tpu.memory_space<hbm>>
    %dma_wait3A_209 = arith.constant 76 : i32
    %dma_wait3A_210 = arith.constant 0 : i32
    %dma_wait3A_211 = tpu.memref_slice %arg4[%arg1, %dma_wait3A_209, %dma_wait3A_210] : memref<16x80x128xi32, #tpu.memory_space<hbm>> -> memref<1x1x128xi32, #tpu.memory_space<hbm>>
    %dma_wait3A_212 = tpu.memref_squeeze %dma_wait3A_211 : memref<1x1x128xi32, #tpu.memory_space<hbm>> -> memref<1x128xi32, #tpu.memory_space<hbm>>
    tpu.wait_dma2 semaphore(%arg18 : memref<!tpu.dma_semaphore, #tpu.memory_space<semaphore_mem>>) src(%dma_wait3A_212 : memref<1x128xi32, #tpu.memory_space<hbm>>) dst(%arg7 : memref<1x128xi32, #tpu.memory_space<vmem>>)
    %dma_wait3A_213 = arith.constant 0 : i32
    %dma_wait3A_214 = arith.constant 0 : i32
    %dma_wait3A_215 = tpu.memref_slice %arg10[%dma_wait3A_213, %dma_wait3A_214] : memref<1x128xi32, #tpu.memory_space<vmem>> -> memref<1x128xi32, #tpu.memory_space<vmem>>
    %dma_wait3A_216 = tpu.memref_squeeze %dma_wait3A_215 : memref<1x128xi32, #tpu.memory_space<vmem>> -> memref<128xi32, #tpu.memory_space<vmem>>
    %dma_wait3A_217 = arith.constant 0 : i32
    %dma_wait3A_218 = arith.constant 0 : i32
    %dma_wait3A_219 = tpu.memref_slice %arg13[%dma_wait3A_217, %dma_wait3A_218] : memref<10240x128xf32, #tpu.memory_space<vmem_shared>> -> memref<10240x128xf32, #tpu.memory_space<vmem_shared>>
    tpu.wait_indirect_dma semaphore(%arg17 : memref<!tpu.dma_semaphore, #tpu.memory_space<semaphore_mem>>) src(%arg12 : memref<128x128xf32, #tpu.memory_space<vmem>>) dst(%dma_wait3A_219 : memref<10240x128xf32, #tpu.memory_space<vmem_shared>>)
    %dma_start3A_220 = arith.constant 0 : i32
    %dma_start3A_221 = arith.constant 0 : i32
    %dma_start3A_222 = tpu.memref_slice %arg7[%dma_start3A_220, %dma_start3A_221] : memref<1x128xi32, #tpu.memory_space<vmem>> -> memref<1x128xi32, #tpu.memory_space<vmem>>
    %dma_start3A_223 = tpu.memref_squeeze %dma_start3A_222 : memref<1x128xi32, #tpu.memory_space<vmem>> -> memref<128xi32, #tpu.memory_space<vmem>>
    %dma_start3A_224 = arith.constant 0 : i32
    %dma_start3A_225 = arith.constant 0 : i32
    %dma_start3A_226 = tpu.memref_slice %arg13[%dma_start3A_224, %dma_start3A_225] : memref<10240x128xf32, #tpu.memory_space<vmem_shared>> -> memref<10240x128xf32, #tpu.memory_space<vmem_shared>>
    tpu.enqueue_indirect_dma source(%arg11 : memref<128x128xf32, #tpu.memory_space<vmem>>) target(%dma_start3A_226 : memref<10240x128xf32, #tpu.memory_space<vmem_shared>>) offsets(%dma_start3A_223 : memref<128xi32, #tpu.memory_space<vmem>>) semaphore(%arg16 : memref<!tpu.dma_semaphore, #tpu.memory_space<semaphore_mem>>) {add = true}
    %dma_start3A_227 = arith.constant 78 : i32
    %dma_start3A_228 = arith.constant 0 : i32
    %dma_start3A_229 = tpu.memref_slice %arg4[%arg1, %dma_start3A_227, %dma_start3A_228] : memref<16x80x128xi32, #tpu.memory_space<hbm>> -> memref<1x1x128xi32, #tpu.memory_space<hbm>>
    %dma_start3A_230 = tpu.memref_squeeze %dma_start3A_229 : memref<1x1x128xi32, #tpu.memory_space<hbm>> -> memref<1x128xi32, #tpu.memory_space<hbm>>
    %dma_start3A_231 = arith.constant 78 : i32
    %dma_start3A_232 = arith.constant 0 : i32
    %dma_start3A_233 = tpu.memref_slice %arg4[%arg1, %dma_start3A_231, %dma_start3A_232] : memref<16x80x128xi32, #tpu.memory_space<hbm>> -> memref<1x1x128xi32, #tpu.memory_space<hbm>>
    %dma_start3A_234 = tpu.memref_squeeze %dma_start3A_233 : memref<1x1x128xi32, #tpu.memory_space<hbm>> -> memref<1x128xi32, #tpu.memory_space<hbm>>
    tpu.enqueue_dma source(%dma_start3A_234 : memref<1x128xi32, #tpu.memory_space<hbm>>) target(%arg9 : memref<1x128xi32, #tpu.memory_space<vmem>>) target_semaphore(%arg20 : memref<!tpu.dma_semaphore, #tpu.memory_space<semaphore_mem>>)
    %dma_start3A_235 = arith.constant 77 : i32
    %dma_start3A_236 = arith.constant 0 : i32
    %dma_start3A_237 = tpu.memref_slice %arg6[%dma_start3A_235, %dma_start3A_236] : memref<80x128xi32, #tpu.memory_space<vmem>> -> memref<1x128xi32, #tpu.memory_space<vmem>>
    %dma_start3A_238 = tpu.memref_squeeze %dma_start3A_237 : memref<1x128xi32, #tpu.memory_space<vmem>> -> memref<128xi32, #tpu.memory_space<vmem>>
    %dma_start3A_239 = arith.constant 0 : i32
    %dma_start3A_240 = arith.constant 0 : i32
    %dma_start3A_241 = tpu.memref_slice %arg2[%dma_start3A_239, %dma_start3A_240] : memref<10240x128xf32, #tpu.memory_space<hbm>> -> memref<10240x128xf32, #tpu.memory_space<hbm>>
    tpu.enqueue_indirect_dma source(%dma_start3A_241 : memref<10240x128xf32, #tpu.memory_space<hbm>>) target(%arg12 : memref<128x128xf32, #tpu.memory_space<vmem>>) offsets(%dma_start3A_238 : memref<128xi32, #tpu.memory_space<vmem>>) semaphore(%arg15 : memref<!tpu.dma_semaphore, #tpu.memory_space<semaphore_mem>>)
    %dma_wait3A_242 = arith.constant 77 : i32
    %dma_wait3A_243 = arith.constant 0 : i32
    %dma_wait3A_244 = tpu.memref_slice %arg6[%dma_wait3A_242, %dma_wait3A_243] : memref<80x128xi32, #tpu.memory_space<vmem>> -> memref<1x128xi32, #tpu.memory_space<vmem>>
    %dma_wait3A_245 = tpu.memref_squeeze %dma_wait3A_244 : memref<1x128xi32, #tpu.memory_space<vmem>> -> memref<128xi32, #tpu.memory_space<vmem>>
    %dma_wait3A_246 = arith.constant 0 : i32
    %dma_wait3A_247 = arith.constant 0 : i32
    %dma_wait3A_248 = tpu.memref_slice %arg2[%dma_wait3A_246, %dma_wait3A_247] : memref<10240x128xf32, #tpu.memory_space<hbm>> -> memref<10240x128xf32, #tpu.memory_space<hbm>>
    tpu.wait_indirect_dma semaphore(%arg15 : memref<!tpu.dma_semaphore, #tpu.memory_space<semaphore_mem>>) src(%dma_wait3A_248 : memref<10240x128xf32, #tpu.memory_space<hbm>>) dst(%arg12 : memref<128x128xf32, #tpu.memory_space<vmem>>)
    %dma_wait3A_249 = arith.constant 77 : i32
    %dma_wait3A_250 = arith.constant 0 : i32
    %dma_wait3A_251 = tpu.memref_slice %arg4[%arg1, %dma_wait3A_249, %dma_wait3A_250] : memref<16x80x128xi32, #tpu.memory_space<hbm>> -> memref<1x1x128xi32, #tpu.memory_space<hbm>>
    %dma_wait3A_252 = tpu.memref_squeeze %dma_wait3A_251 : memref<1x1x128xi32, #tpu.memory_space<hbm>> -> memref<1x128xi32, #tpu.memory_space<hbm>>
    %dma_wait3A_253 = arith.constant 77 : i32
    %dma_wait3A_254 = arith.constant 0 : i32
    %dma_wait3A_255 = tpu.memref_slice %arg4[%arg1, %dma_wait3A_253, %dma_wait3A_254] : memref<16x80x128xi32, #tpu.memory_space<hbm>> -> memref<1x1x128xi32, #tpu.memory_space<hbm>>
    %dma_wait3A_256 = tpu.memref_squeeze %dma_wait3A_255 : memref<1x1x128xi32, #tpu.memory_space<hbm>> -> memref<1x128xi32, #tpu.memory_space<hbm>>
    tpu.wait_dma2 semaphore(%arg19 : memref<!tpu.dma_semaphore, #tpu.memory_space<semaphore_mem>>) src(%dma_wait3A_256 : memref<1x128xi32, #tpu.memory_space<hbm>>) dst(%arg8 : memref<1x128xi32, #tpu.memory_space<vmem>>)
    %dma_wait3A_257 = arith.constant 0 : i32
    %dma_wait3A_258 = arith.constant 0 : i32
    %dma_wait3A_259 = tpu.memref_slice %arg7[%dma_wait3A_257, %dma_wait3A_258] : memref<1x128xi32, #tpu.memory_space<vmem>> -> memref<1x128xi32, #tpu.memory_space<vmem>>
    %dma_wait3A_260 = tpu.memref_squeeze %dma_wait3A_259 : memref<1x128xi32, #tpu.memory_space<vmem>> -> memref<128xi32, #tpu.memory_space<vmem>>
    %dma_wait3A_261 = arith.constant 0 : i32
    %dma_wait3A_262 = arith.constant 0 : i32
    %dma_wait3A_263 = tpu.memref_slice %arg13[%dma_wait3A_261, %dma_wait3A_262] : memref<10240x128xf32, #tpu.memory_space<vmem_shared>> -> memref<10240x128xf32, #tpu.memory_space<vmem_shared>>
    tpu.wait_indirect_dma semaphore(%arg16 : memref<!tpu.dma_semaphore, #tpu.memory_space<semaphore_mem>>) src(%arg11 : memref<128x128xf32, #tpu.memory_space<vmem>>) dst(%dma_wait3A_263 : memref<10240x128xf32, #tpu.memory_space<vmem_shared>>)
    %dma_start3A_264 = arith.constant 0 : i32
    %dma_start3A_265 = arith.constant 0 : i32
    %dma_start3A_266 = tpu.memref_slice %arg8[%dma_start3A_264, %dma_start3A_265] : memref<1x128xi32, #tpu.memory_space<vmem>> -> memref<1x128xi32, #tpu.memory_space<vmem>>
    %dma_start3A_267 = tpu.memref_squeeze %dma_start3A_266 : memref<1x128xi32, #tpu.memory_space<vmem>> -> memref<128xi32, #tpu.memory_space<vmem>>
    %dma_start3A_268 = arith.constant 0 : i32
    %dma_start3A_269 = arith.constant 0 : i32
    %dma_start3A_270 = tpu.memref_slice %arg13[%dma_start3A_268, %dma_start3A_269] : memref<10240x128xf32, #tpu.memory_space<vmem_shared>> -> memref<10240x128xf32, #tpu.memory_space<vmem_shared>>
    tpu.enqueue_indirect_dma source(%arg12 : memref<128x128xf32, #tpu.memory_space<vmem>>) target(%dma_start3A_270 : memref<10240x128xf32, #tpu.memory_space<vmem_shared>>) offsets(%dma_start3A_267 : memref<128xi32, #tpu.memory_space<vmem>>) semaphore(%arg17 : memref<!tpu.dma_semaphore, #tpu.memory_space<semaphore_mem>>) {add = true}
    %dma_start3A_271 = arith.constant 79 : i32
    %dma_start3A_272 = arith.constant 0 : i32
    %dma_start3A_273 = tpu.memref_slice %arg4[%arg1, %dma_start3A_271, %dma_start3A_272] : memref<16x80x128xi32, #tpu.memory_space<hbm>> -> memref<1x1x128xi32, #tpu.memory_space<hbm>>
    %dma_start3A_274 = tpu.memref_squeeze %dma_start3A_273 : memref<1x1x128xi32, #tpu.memory_space<hbm>> -> memref<1x128xi32, #tpu.memory_space<hbm>>
    %dma_start3A_275 = arith.constant 79 : i32
    %dma_start3A_276 = arith.constant 0 : i32
    %dma_start3A_277 = tpu.memref_slice %arg4[%arg1, %dma_start3A_275, %dma_start3A_276] : memref<16x80x128xi32, #tpu.memory_space<hbm>> -> memref<1x1x128xi32, #tpu.memory_space<hbm>>
    %dma_start3A_278 = tpu.memref_squeeze %dma_start3A_277 : memref<1x1x128xi32, #tpu.memory_space<hbm>> -> memref<1x128xi32, #tpu.memory_space<hbm>>
    tpu.enqueue_dma source(%dma_start3A_278 : memref<1x128xi32, #tpu.memory_space<hbm>>) target(%arg10 : memref<1x128xi32, #tpu.memory_space<vmem>>) target_semaphore(%arg21 : memref<!tpu.dma_semaphore, #tpu.memory_space<semaphore_mem>>)
    %dma_start3A_279 = arith.constant 78 : i32
    %dma_start3A_280 = arith.constant 0 : i32
    %dma_start3A_281 = tpu.memref_slice %arg6[%dma_start3A_279, %dma_start3A_280] : memref<80x128xi32, #tpu.memory_space<vmem>> -> memref<1x128xi32, #tpu.memory_space<vmem>>
    %dma_start3A_282 = tpu.memref_squeeze %dma_start3A_281 : memref<1x128xi32, #tpu.memory_space<vmem>> -> memref<128xi32, #tpu.memory_space<vmem>>
    %dma_start3A_283 = arith.constant 0 : i32
    %dma_start3A_284 = arith.constant 0 : i32
    %dma_start3A_285 = tpu.memref_slice %arg2[%dma_start3A_283, %dma_start3A_284] : memref<10240x128xf32, #tpu.memory_space<hbm>> -> memref<10240x128xf32, #tpu.memory_space<hbm>>
    tpu.enqueue_indirect_dma source(%dma_start3A_285 : memref<10240x128xf32, #tpu.memory_space<hbm>>) target(%arg11 : memref<128x128xf32, #tpu.memory_space<vmem>>) offsets(%dma_start3A_282 : memref<128xi32, #tpu.memory_space<vmem>>) semaphore(%arg14 : memref<!tpu.dma_semaphore, #tpu.memory_space<semaphore_mem>>)
    %dma_wait3A_286 = arith.constant 78 : i32
    %dma_wait3A_287 = arith.constant 0 : i32
    %dma_wait3A_288 = tpu.memref_slice %arg6[%dma_wait3A_286, %dma_wait3A_287] : memref<80x128xi32, #tpu.memory_space<vmem>> -> memref<1x128xi32, #tpu.memory_space<vmem>>
    %dma_wait3A_289 = tpu.memref_squeeze %dma_wait3A_288 : memref<1x128xi32, #tpu.memory_space<vmem>> -> memref<128xi32, #tpu.memory_space<vmem>>
    %dma_wait3A_290 = arith.constant 0 : i32
    %dma_wait3A_291 = arith.constant 0 : i32
    %dma_wait3A_292 = tpu.memref_slice %arg2[%dma_wait3A_290, %dma_wait3A_291] : memref<10240x128xf32, #tpu.memory_space<hbm>> -> memref<10240x128xf32, #tpu.memory_space<hbm>>
    tpu.wait_indirect_dma semaphore(%arg14 : memref<!tpu.dma_semaphore, #tpu.memory_space<semaphore_mem>>) src(%dma_wait3A_292 : memref<10240x128xf32, #tpu.memory_space<hbm>>) dst(%arg11 : memref<128x128xf32, #tpu.memory_space<vmem>>)
    %dma_wait3A_293 = arith.constant 78 : i32
    %dma_wait3A_294 = arith.constant 0 : i32
    %dma_wait3A_295 = tpu.memref_slice %arg4[%arg1, %dma_wait3A_293, %dma_wait3A_294] : memref<16x80x128xi32, #tpu.memory_space<hbm>> -> memref<1x1x128xi32, #tpu.memory_space<hbm>>
    %dma_wait3A_296 = tpu.memref_squeeze %dma_wait3A_295 : memref<1x1x128xi32, #tpu.memory_space<hbm>> -> memref<1x128xi32, #tpu.memory_space<hbm>>
    %dma_wait3A_297 = arith.constant 78 : i32
    %dma_wait3A_298 = arith.constant 0 : i32
    %dma_wait3A_299 = tpu.memref_slice %arg4[%arg1, %dma_wait3A_297, %dma_wait3A_298] : memref<16x80x128xi32, #tpu.memory_space<hbm>> -> memref<1x1x128xi32, #tpu.memory_space<hbm>>
    %dma_wait3A_300 = tpu.memref_squeeze %dma_wait3A_299 : memref<1x1x128xi32, #tpu.memory_space<hbm>> -> memref<1x128xi32, #tpu.memory_space<hbm>>
    tpu.wait_dma2 semaphore(%arg20 : memref<!tpu.dma_semaphore, #tpu.memory_space<semaphore_mem>>) src(%dma_wait3A_300 : memref<1x128xi32, #tpu.memory_space<hbm>>) dst(%arg9 : memref<1x128xi32, #tpu.memory_space<vmem>>)
    %dma_wait3A_301 = arith.constant 0 : i32
    %dma_wait3A_302 = arith.constant 0 : i32
    %dma_wait3A_303 = tpu.memref_slice %arg8[%dma_wait3A_301, %dma_wait3A_302] : memref<1x128xi32, #tpu.memory_space<vmem>> -> memref<1x128xi32, #tpu.memory_space<vmem>>
    %dma_wait3A_304 = tpu.memref_squeeze %dma_wait3A_303 : memref<1x128xi32, #tpu.memory_space<vmem>> -> memref<128xi32, #tpu.memory_space<vmem>>
    %dma_wait3A_305 = arith.constant 0 : i32
    %dma_wait3A_306 = arith.constant 0 : i32
    %dma_wait3A_307 = tpu.memref_slice %arg13[%dma_wait3A_305, %dma_wait3A_306] : memref<10240x128xf32, #tpu.memory_space<vmem_shared>> -> memref<10240x128xf32, #tpu.memory_space<vmem_shared>>
    tpu.wait_indirect_dma semaphore(%arg17 : memref<!tpu.dma_semaphore, #tpu.memory_space<semaphore_mem>>) src(%arg12 : memref<128x128xf32, #tpu.memory_space<vmem>>) dst(%dma_wait3A_307 : memref<10240x128xf32, #tpu.memory_space<vmem_shared>>)
    %dma_start3A_308 = arith.constant 0 : i32
    %dma_start3A_309 = arith.constant 0 : i32
    %dma_start3A_310 = tpu.memref_slice %arg9[%dma_start3A_308, %dma_start3A_309] : memref<1x128xi32, #tpu.memory_space<vmem>> -> memref<1x128xi32, #tpu.memory_space<vmem>>
    %dma_start3A_311 = tpu.memref_squeeze %dma_start3A_310 : memref<1x128xi32, #tpu.memory_space<vmem>> -> memref<128xi32, #tpu.memory_space<vmem>>
    %dma_start3A_312 = arith.constant 0 : i32
    %dma_start3A_313 = arith.constant 0 : i32
    %dma_start3A_314 = tpu.memref_slice %arg13[%dma_start3A_312, %dma_start3A_313] : memref<10240x128xf32, #tpu.memory_space<vmem_shared>> -> memref<10240x128xf32, #tpu.memory_space<vmem_shared>>
    tpu.enqueue_indirect_dma source(%arg11 : memref<128x128xf32, #tpu.memory_space<vmem>>) target(%dma_start3A_314 : memref<10240x128xf32, #tpu.memory_space<vmem_shared>>) offsets(%dma_start3A_311 : memref<128xi32, #tpu.memory_space<vmem>>) semaphore(%arg16 : memref<!tpu.dma_semaphore, #tpu.memory_space<semaphore_mem>>) {add = true}
    %dma_start3A_315 = arith.constant 79 : i32
    %dma_start3A_316 = arith.constant 0 : i32
    %dma_start3A_317 = tpu.memref_slice %arg6[%dma_start3A_315, %dma_start3A_316] : memref<80x128xi32, #tpu.memory_space<vmem>> -> memref<1x128xi32, #tpu.memory_space<vmem>>
    %dma_start3A_318 = tpu.memref_squeeze %dma_start3A_317 : memref<1x128xi32, #tpu.memory_space<vmem>> -> memref<128xi32, #tpu.memory_space<vmem>>
    %dma_start3A_319 = arith.constant 0 : i32
    %dma_start3A_320 = arith.constant 0 : i32
    %dma_start3A_321 = tpu.memref_slice %arg2[%dma_start3A_319, %dma_start3A_320] : memref<10240x128xf32, #tpu.memory_space<hbm>> -> memref<10240x128xf32, #tpu.memory_space<hbm>>
    tpu.enqueue_indirect_dma source(%dma_start3A_321 : memref<10240x128xf32, #tpu.memory_space<hbm>>) target(%arg12 : memref<128x128xf32, #tpu.memory_space<vmem>>) offsets(%dma_start3A_318 : memref<128xi32, #tpu.memory_space<vmem>>) semaphore(%arg15 : memref<!tpu.dma_semaphore, #tpu.memory_space<semaphore_mem>>)
    %dma_wait3A_322 = arith.constant 79 : i32
    %dma_wait3A_323 = arith.constant 0 : i32
    %dma_wait3A_324 = tpu.memref_slice %arg6[%dma_wait3A_322, %dma_wait3A_323] : memref<80x128xi32, #tpu.memory_space<vmem>> -> memref<1x128xi32, #tpu.memory_space<vmem>>
    %dma_wait3A_325 = tpu.memref_squeeze %dma_wait3A_324 : memref<1x128xi32, #tpu.memory_space<vmem>> -> memref<128xi32, #tpu.memory_space<vmem>>
    %dma_wait3A_326 = arith.constant 0 : i32
    %dma_wait3A_327 = arith.constant 0 : i32
    %dma_wait3A_328 = tpu.memref_slice %arg2[%dma_wait3A_326, %dma_wait3A_327] : memref<10240x128xf32, #tpu.memory_space<hbm>> -> memref<10240x128xf32, #tpu.memory_space<hbm>>
    tpu.wait_indirect_dma semaphore(%arg15 : memref<!tpu.dma_semaphore, #tpu.memory_space<semaphore_mem>>) src(%dma_wait3A_328 : memref<10240x128xf32, #tpu.memory_space<hbm>>) dst(%arg12 : memref<128x128xf32, #tpu.memory_space<vmem>>)
    %dma_wait3A_329 = arith.constant 79 : i32
    %dma_wait3A_330 = arith.constant 0 : i32
    %dma_wait3A_331 = tpu.memref_slice %arg4[%arg1, %dma_wait3A_329, %dma_wait3A_330] : memref<16x80x128xi32, #tpu.memory_space<hbm>> -> memref<1x1x128xi32, #tpu.memory_space<hbm>>
    %dma_wait3A_332 = tpu.memref_squeeze %dma_wait3A_331 : memref<1x1x128xi32, #tpu.memory_space<hbm>> -> memref<1x128xi32, #tpu.memory_space<hbm>>
    %dma_wait3A_333 = arith.constant 79 : i32
    %dma_wait3A_334 = arith.constant 0 : i32
    %dma_wait3A_335 = tpu.memref_slice %arg4[%arg1, %dma_wait3A_333, %dma_wait3A_334] : memref<16x80x128xi32, #tpu.memory_space<hbm>> -> memref<1x1x128xi32, #tpu.memory_space<hbm>>
    %dma_wait3A_336 = tpu.memref_squeeze %dma_wait3A_335 : memref<1x1x128xi32, #tpu.memory_space<hbm>> -> memref<1x128xi32, #tpu.memory_space<hbm>>
    tpu.wait_dma2 semaphore(%arg21 : memref<!tpu.dma_semaphore, #tpu.memory_space<semaphore_mem>>) src(%dma_wait3A_336 : memref<1x128xi32, #tpu.memory_space<hbm>>) dst(%arg10 : memref<1x128xi32, #tpu.memory_space<vmem>>)
    %dma_wait3A_337 = arith.constant 0 : i32
    %dma_wait3A_338 = arith.constant 0 : i32
    %dma_wait3A_339 = tpu.memref_slice %arg9[%dma_wait3A_337, %dma_wait3A_338] : memref<1x128xi32, #tpu.memory_space<vmem>> -> memref<1x128xi32, #tpu.memory_space<vmem>>
    %dma_wait3A_340 = tpu.memref_squeeze %dma_wait3A_339 : memref<1x128xi32, #tpu.memory_space<vmem>> -> memref<128xi32, #tpu.memory_space<vmem>>
    %dma_wait3A_341 = arith.constant 0 : i32
    %dma_wait3A_342 = arith.constant 0 : i32
    %dma_wait3A_343 = tpu.memref_slice %arg13[%dma_wait3A_341, %dma_wait3A_342] : memref<10240x128xf32, #tpu.memory_space<vmem_shared>> -> memref<10240x128xf32, #tpu.memory_space<vmem_shared>>
    tpu.wait_indirect_dma semaphore(%arg16 : memref<!tpu.dma_semaphore, #tpu.memory_space<semaphore_mem>>) src(%arg11 : memref<128x128xf32, #tpu.memory_space<vmem>>) dst(%dma_wait3A_343 : memref<10240x128xf32, #tpu.memory_space<vmem_shared>>)
    %dma_start3A_344 = arith.constant 0 : i32
    %dma_start3A_345 = arith.constant 0 : i32
    %dma_start3A_346 = tpu.memref_slice %arg10[%dma_start3A_344, %dma_start3A_345] : memref<1x128xi32, #tpu.memory_space<vmem>> -> memref<1x128xi32, #tpu.memory_space<vmem>>
    %dma_start3A_347 = tpu.memref_squeeze %dma_start3A_346 : memref<1x128xi32, #tpu.memory_space<vmem>> -> memref<128xi32, #tpu.memory_space<vmem>>
    %dma_start3A_348 = arith.constant 0 : i32
    %dma_start3A_349 = arith.constant 0 : i32
    %dma_start3A_350 = tpu.memref_slice %arg13[%dma_start3A_348, %dma_start3A_349] : memref<10240x128xf32, #tpu.memory_space<vmem_shared>> -> memref<10240x128xf32, #tpu.memory_space<vmem_shared>>
    tpu.enqueue_indirect_dma source(%arg12 : memref<128x128xf32, #tpu.memory_space<vmem>>) target(%dma_start3A_350 : memref<10240x128xf32, #tpu.memory_space<vmem_shared>>) offsets(%dma_start3A_347 : memref<128xi32, #tpu.memory_space<vmem>>) semaphore(%arg17 : memref<!tpu.dma_semaphore, #tpu.memory_space<semaphore_mem>>) {add = true}
    %dma_wait3A_351 = arith.constant 0 : i32
    %dma_wait3A_352 = arith.constant 0 : i32
    %dma_wait3A_353 = tpu.memref_slice %arg10[%dma_wait3A_351, %dma_wait3A_352] : memref<1x128xi32, #tpu.memory_space<vmem>> -> memref<1x128xi32, #tpu.memory_space<vmem>>
    %dma_wait3A_354 = tpu.memref_squeeze %dma_wait3A_353 : memref<1x128xi32, #tpu.memory_space<vmem>> -> memref<128xi32, #tpu.memory_space<vmem>>
    %dma_wait3A_355 = arith.constant 0 : i32
    %dma_wait3A_356 = arith.constant 0 : i32
    %dma_wait3A_357 = tpu.memref_slice %arg13[%dma_wait3A_355, %dma_wait3A_356] : memref<10240x128xf32, #tpu.memory_space<vmem_shared>> -> memref<10240x128xf32, #tpu.memory_space<vmem_shared>>
    tpu.wait_indirect_dma semaphore(%arg17 : memref<!tpu.dma_semaphore, #tpu.memory_space<semaphore_mem>>) src(%arg12 : memref<128x128xf32, #tpu.memory_space<vmem>>) dst(%dma_wait3A_357 : memref<10240x128xf32, #tpu.memory_space<vmem_shared>>)
    %barrier3A_358 = arith.constant 0 : index
    tpu.barrier barrier_id(%barrier3A_358)
    %mul3A_359 = arith.constant 640 : i32
    %mul3A_360 = arith.muli %arg1, %mul3A_359 : i32
    %mul3A_361 = arith.constant 640 : i32
    %mul3A_362 = arith.muli %arg1, %mul3A_361 : i32
    "tpu.region"() ({
      %run_scoped3A = tpu.sem_alloc : memref<!tpu.dma_semaphore, #tpu.memory_space<semaphore_mem>>
      %dma_start3A_363 = arith.constant 0 : i32
      %dma_start3A_364 = tpu.memref_slice %arg5[%mul3A_362, %dma_start3A_363] : memref<10240x128xf32, #tpu.memory_space<hbm>> -> memref<640x128xf32, #tpu.memory_space<hbm>>
      %dma_start3A_365 = arith.constant 0 : i32
      %dma_start3A_366 = tpu.memref_slice %arg13[%mul3A_360, %dma_start3A_365] : memref<10240x128xf32, #tpu.memory_space<vmem_shared>> -> memref<640x128xf32, #tpu.memory_space<vmem_shared>>
      tpu.enqueue_dma source(%dma_start3A_366 : memref<640x128xf32, #tpu.memory_space<vmem_shared>>) target(%dma_start3A_364 : memref<640x128xf32, #tpu.memory_space<hbm>>) target_semaphore(%run_scoped3A : memref<!tpu.dma_semaphore, #tpu.memory_space<semaphore_mem>>)
      %dma_wait3A_367 = arith.constant 0 : i32
      %dma_wait3A_368 = tpu.memref_slice %arg5[%mul3A_362, %dma_wait3A_367] : memref<10240x128xf32, #tpu.memory_space<hbm>> -> memref<640x128xf32, #tpu.memory_space<hbm>>
      %dma_wait3A_369 = arith.constant 0 : i32
      %dma_wait3A_370 = tpu.memref_slice %arg13[%mul3A_360, %dma_wait3A_369] : memref<10240x128xf32, #tpu.memory_space<vmem_shared>> -> memref<640x128xf32, #tpu.memory_space<vmem_shared>>
      tpu.wait_dma2 semaphore(%run_scoped3A : memref<!tpu.dma_semaphore, #tpu.memory_space<semaphore_mem>>) src(%dma_wait3A_370 : memref<640x128xf32, #tpu.memory_space<vmem_shared>>) dst(%dma_wait3A_368 : memref<640x128xf32, #tpu.memory_space<hbm>>)
      tpu.yield
    }) : () -> ()
    return
  }
}

#map = affine_map<(d0, d1) -> (0, 0, 0)>
#map1 = affine_map<(d0, d1) -> (0)>
#map2 = affine_map<(d0, d1) -> (0, 0)>
module attributes {stable_mosaic.version = 14 : i64} {
  func.func @_sc_degree(%arg0: i32, %arg1: i32, %arg2: memref<16x80x128xi32, #tpu.memory_space<hbm>>, %arg3: memref<16x80x128xi32, #tpu.memory_space<hbm>>, %arg4: memref<10240xf32, #tpu.memory_space<hbm>>, %arg5: memref<2x10240xf32, #tpu.memory_space<hbm>>, %arg6: memref<80x128xi32, #tpu.memory_space<vmem>>, %arg7: memref<128xf32, #tpu.memory_space<vmem>>, %arg8: memref<10240xf32, #tpu.memory_space<vmem_shared>>) attributes {dimension_semantics = [#tpu.dimension_semantics<core_parallel>, #tpu.dimension_semantics<subcore_parallel>], iteration_bounds = array<i64: 2, 16>, scalar_prefetch = 0 : i64, scratch_operands = 3 : i64, tpu.core_type = #tpu.core_type<sc_vector_subcore>, window_params = [{transform_indices = #map}, {transform_indices = #map}, {transform_indices = #map1}, {transform_indices = #map2}]} {
    %mul3A = arith.constant 640 : i32
    %mul3A_0 = arith.muli %arg1, %mul3A : i32
    %mul3A_1 = arith.constant 640 : i32
    %mul3A_2 = arith.muli %arg1, %mul3A_1 : i32
    "tpu.region"() ({
      %run_scoped3A = tpu.sem_alloc : memref<!tpu.dma_semaphore, #tpu.memory_space<semaphore_mem>>
      %dma_start3A = tpu.memref_slice %arg8[%mul3A_2] : memref<10240xf32, #tpu.memory_space<vmem_shared>> -> memref<640xf32, #tpu.memory_space<vmem_shared>>
      %dma_start3A_27 = tpu.memref_slice %arg4[%mul3A_0] : memref<10240xf32, #tpu.memory_space<hbm>> -> memref<640xf32, #tpu.memory_space<hbm>>
      tpu.enqueue_dma source(%dma_start3A_27 : memref<640xf32, #tpu.memory_space<hbm>>) target(%dma_start3A : memref<640xf32, #tpu.memory_space<vmem_shared>>) target_semaphore(%run_scoped3A : memref<!tpu.dma_semaphore, #tpu.memory_space<semaphore_mem>>)
      %dma_wait3A = tpu.memref_slice %arg8[%mul3A_2] : memref<10240xf32, #tpu.memory_space<vmem_shared>> -> memref<640xf32, #tpu.memory_space<vmem_shared>>
      %dma_wait3A_28 = tpu.memref_slice %arg4[%mul3A_0] : memref<10240xf32, #tpu.memory_space<hbm>> -> memref<640xf32, #tpu.memory_space<hbm>>
      tpu.wait_dma2 semaphore(%run_scoped3A : memref<!tpu.dma_semaphore, #tpu.memory_space<semaphore_mem>>) src(%dma_wait3A_28 : memref<640xf32, #tpu.memory_space<hbm>>) dst(%dma_wait3A : memref<640xf32, #tpu.memory_space<vmem_shared>>)
      tpu.yield
    }) : () -> ()
    "tpu.region"() ({
      %run_scoped3A = tpu.sem_alloc : memref<!tpu.dma_semaphore, #tpu.memory_space<semaphore_mem>>
      %dma_start3A = arith.constant 0 : i32
      %dma_start3A_27 = tpu.memref_slice %arg4[%dma_start3A] : memref<10240xf32, #tpu.memory_space<hbm>> -> memref<128xf32, #tpu.memory_space<hbm>>
      %dma_start3A_28 = arith.constant 0 : i32
      %dma_start3A_29 = tpu.memref_slice %arg4[%dma_start3A_28] : memref<10240xf32, #tpu.memory_space<hbm>> -> memref<128xf32, #tpu.memory_space<hbm>>
      tpu.enqueue_dma source(%dma_start3A_29 : memref<128xf32, #tpu.memory_space<hbm>>) target(%arg7 : memref<128xf32, #tpu.memory_space<vmem>>) target_semaphore(%run_scoped3A : memref<!tpu.dma_semaphore, #tpu.memory_space<semaphore_mem>>)
      %dma_wait3A = arith.constant 0 : i32
      %dma_wait3A_30 = tpu.memref_slice %arg4[%dma_wait3A] : memref<10240xf32, #tpu.memory_space<hbm>> -> memref<128xf32, #tpu.memory_space<hbm>>
      %dma_wait3A_31 = arith.constant 0 : i32
      %dma_wait3A_32 = tpu.memref_slice %arg4[%dma_wait3A_31] : memref<10240xf32, #tpu.memory_space<hbm>> -> memref<128xf32, #tpu.memory_space<hbm>>
      tpu.wait_dma2 semaphore(%run_scoped3A : memref<!tpu.dma_semaphore, #tpu.memory_space<semaphore_mem>>) src(%dma_wait3A_32 : memref<128xf32, #tpu.memory_space<hbm>>) dst(%arg7 : memref<128xf32, #tpu.memory_space<vmem>>)
      tpu.yield
    }) : () -> ()
    %eq3A = arith.constant 0 : i32
    %eq3A_3 = arith.cmpi eq, %arg0, %eq3A : i32
    %convert_element_type3A = arith.extui %eq3A_3 : i1 to i32
    %cond3A = arith.constant 0 : i32
    %cond3A_4 = arith.cmpi ne, %convert_element_type3A, %cond3A : i32
    scf.if %cond3A_4 {
      "tpu.region"() ({
        %run_scoped3A = tpu.sem_alloc : memref<!tpu.dma_semaphore, #tpu.memory_space<semaphore_mem>>
        %dma_start3A = arith.constant 0 : i32
        %dma_start3A_27 = arith.constant 0 : i32
        %dma_start3A_28 = tpu.memref_slice %arg6[%dma_start3A, %dma_start3A_27] : memref<80x128xi32, #tpu.memory_space<vmem>> -> memref<80x128xi32, #tpu.memory_space<vmem>>
        %dma_start3A_29 = arith.constant 0 : i32
        %dma_start3A_30 = arith.constant 0 : i32
        %dma_start3A_31 = tpu.memref_slice %arg2[%arg1, %dma_start3A_29, %dma_start3A_30] : memref<16x80x128xi32, #tpu.memory_space<hbm>> -> memref<1x80x128xi32, #tpu.memory_space<hbm>>
        %dma_start3A_32 = tpu.memref_squeeze %dma_start3A_31 : memref<1x80x128xi32, #tpu.memory_space<hbm>> -> memref<80x128xi32, #tpu.memory_space<hbm>>
        %dma_start3A_33 = arith.constant 0 : i32
        %dma_start3A_34 = arith.constant 0 : i32
        %dma_start3A_35 = tpu.memref_slice %arg6[%dma_start3A_33, %dma_start3A_34] : memref<80x128xi32, #tpu.memory_space<vmem>> -> memref<80x128xi32, #tpu.memory_space<vmem>>
        %dma_start3A_36 = arith.constant 0 : i32
        %dma_start3A_37 = arith.constant 0 : i32
        %dma_start3A_38 = tpu.memref_slice %arg2[%arg1, %dma_start3A_36, %dma_start3A_37] : memref<16x80x128xi32, #tpu.memory_space<hbm>> -> memref<1x80x128xi32, #tpu.memory_space<hbm>>
        %dma_start3A_39 = tpu.memref_squeeze %dma_start3A_38 : memref<1x80x128xi32, #tpu.memory_space<hbm>> -> memref<80x128xi32, #tpu.memory_space<hbm>>
        tpu.enqueue_dma source(%dma_start3A_39 : memref<80x128xi32, #tpu.memory_space<hbm>>) target(%dma_start3A_35 : memref<80x128xi32, #tpu.memory_space<vmem>>) target_semaphore(%run_scoped3A : memref<!tpu.dma_semaphore, #tpu.memory_space<semaphore_mem>>)
        %dma_wait3A = arith.constant 0 : i32
        %dma_wait3A_40 = arith.constant 0 : i32
        %dma_wait3A_41 = tpu.memref_slice %arg6[%dma_wait3A, %dma_wait3A_40] : memref<80x128xi32, #tpu.memory_space<vmem>> -> memref<80x128xi32, #tpu.memory_space<vmem>>
        %dma_wait3A_42 = arith.constant 0 : i32
        %dma_wait3A_43 = arith.constant 0 : i32
        %dma_wait3A_44 = tpu.memref_slice %arg2[%arg1, %dma_wait3A_42, %dma_wait3A_43] : memref<16x80x128xi32, #tpu.memory_space<hbm>> -> memref<1x80x128xi32, #tpu.memory_space<hbm>>
        %dma_wait3A_45 = tpu.memref_squeeze %dma_wait3A_44 : memref<1x80x128xi32, #tpu.memory_space<hbm>> -> memref<80x128xi32, #tpu.memory_space<hbm>>
        %dma_wait3A_46 = arith.constant 0 : i32
        %dma_wait3A_47 = arith.constant 0 : i32
        %dma_wait3A_48 = tpu.memref_slice %arg6[%dma_wait3A_46, %dma_wait3A_47] : memref<80x128xi32, #tpu.memory_space<vmem>> -> memref<80x128xi32, #tpu.memory_space<vmem>>
        %dma_wait3A_49 = arith.constant 0 : i32
        %dma_wait3A_50 = arith.constant 0 : i32
        %dma_wait3A_51 = tpu.memref_slice %arg2[%arg1, %dma_wait3A_49, %dma_wait3A_50] : memref<16x80x128xi32, #tpu.memory_space<hbm>> -> memref<1x80x128xi32, #tpu.memory_space<hbm>>
        %dma_wait3A_52 = tpu.memref_squeeze %dma_wait3A_51 : memref<1x80x128xi32, #tpu.memory_space<hbm>> -> memref<80x128xi32, #tpu.memory_space<hbm>>
        tpu.wait_dma2 semaphore(%run_scoped3A : memref<!tpu.dma_semaphore, #tpu.memory_space<semaphore_mem>>) src(%dma_wait3A_52 : memref<80x128xi32, #tpu.memory_space<hbm>>) dst(%dma_wait3A_48 : memref<80x128xi32, #tpu.memory_space<vmem>>)
        tpu.yield
      }) : () -> ()
    } else {
    }
    %eq3A_5 = arith.constant 1 : i32
    %eq3A_6 = arith.cmpi eq, %arg0, %eq3A_5 : i32
    %convert_element_type3A_7 = arith.extui %eq3A_6 : i1 to i32
    %cond3A_8 = arith.constant 0 : i32
    %cond3A_9 = arith.cmpi ne, %convert_element_type3A_7, %cond3A_8 : i32
    scf.if %cond3A_9 {
      "tpu.region"() ({
        %run_scoped3A = tpu.sem_alloc : memref<!tpu.dma_semaphore, #tpu.memory_space<semaphore_mem>>
        %dma_start3A = arith.constant 0 : i32
        %dma_start3A_27 = arith.constant 0 : i32
        %dma_start3A_28 = tpu.memref_slice %arg6[%dma_start3A, %dma_start3A_27] : memref<80x128xi32, #tpu.memory_space<vmem>> -> memref<80x128xi32, #tpu.memory_space<vmem>>
        %dma_start3A_29 = arith.constant 0 : i32
        %dma_start3A_30 = arith.constant 0 : i32
        %dma_start3A_31 = tpu.memref_slice %arg3[%arg1, %dma_start3A_29, %dma_start3A_30] : memref<16x80x128xi32, #tpu.memory_space<hbm>> -> memref<1x80x128xi32, #tpu.memory_space<hbm>>
        %dma_start3A_32 = tpu.memref_squeeze %dma_start3A_31 : memref<1x80x128xi32, #tpu.memory_space<hbm>> -> memref<80x128xi32, #tpu.memory_space<hbm>>
        %dma_start3A_33 = arith.constant 0 : i32
        %dma_start3A_34 = arith.constant 0 : i32
        %dma_start3A_35 = tpu.memref_slice %arg6[%dma_start3A_33, %dma_start3A_34] : memref<80x128xi32, #tpu.memory_space<vmem>> -> memref<80x128xi32, #tpu.memory_space<vmem>>
        %dma_start3A_36 = arith.constant 0 : i32
        %dma_start3A_37 = arith.constant 0 : i32
        %dma_start3A_38 = tpu.memref_slice %arg3[%arg1, %dma_start3A_36, %dma_start3A_37] : memref<16x80x128xi32, #tpu.memory_space<hbm>> -> memref<1x80x128xi32, #tpu.memory_space<hbm>>
        %dma_start3A_39 = tpu.memref_squeeze %dma_start3A_38 : memref<1x80x128xi32, #tpu.memory_space<hbm>> -> memref<80x128xi32, #tpu.memory_space<hbm>>
        tpu.enqueue_dma source(%dma_start3A_39 : memref<80x128xi32, #tpu.memory_space<hbm>>) target(%dma_start3A_35 : memref<80x128xi32, #tpu.memory_space<vmem>>) target_semaphore(%run_scoped3A : memref<!tpu.dma_semaphore, #tpu.memory_space<semaphore_mem>>)
        %dma_wait3A = arith.constant 0 : i32
        %dma_wait3A_40 = arith.constant 0 : i32
        %dma_wait3A_41 = tpu.memref_slice %arg6[%dma_wait3A, %dma_wait3A_40] : memref<80x128xi32, #tpu.memory_space<vmem>> -> memref<80x128xi32, #tpu.memory_space<vmem>>
        %dma_wait3A_42 = arith.constant 0 : i32
        %dma_wait3A_43 = arith.constant 0 : i32
        %dma_wait3A_44 = tpu.memref_slice %arg3[%arg1, %dma_wait3A_42, %dma_wait3A_43] : memref<16x80x128xi32, #tpu.memory_space<hbm>> -> memref<1x80x128xi32, #tpu.memory_space<hbm>>
        %dma_wait3A_45 = tpu.memref_squeeze %dma_wait3A_44 : memref<1x80x128xi32, #tpu.memory_space<hbm>> -> memref<80x128xi32, #tpu.memory_space<hbm>>
        %dma_wait3A_46 = arith.constant 0 : i32
        %dma_wait3A_47 = arith.constant 0 : i32
        %dma_wait3A_48 = tpu.memref_slice %arg6[%dma_wait3A_46, %dma_wait3A_47] : memref<80x128xi32, #tpu.memory_space<vmem>> -> memref<80x128xi32, #tpu.memory_space<vmem>>
        %dma_wait3A_49 = arith.constant 0 : i32
        %dma_wait3A_50 = arith.constant 0 : i32
        %dma_wait3A_51 = tpu.memref_slice %arg3[%arg1, %dma_wait3A_49, %dma_wait3A_50] : memref<16x80x128xi32, #tpu.memory_space<hbm>> -> memref<1x80x128xi32, #tpu.memory_space<hbm>>
        %dma_wait3A_52 = tpu.memref_squeeze %dma_wait3A_51 : memref<1x80x128xi32, #tpu.memory_space<hbm>> -> memref<80x128xi32, #tpu.memory_space<hbm>>
        tpu.wait_dma2 semaphore(%run_scoped3A : memref<!tpu.dma_semaphore, #tpu.memory_space<semaphore_mem>>) src(%dma_wait3A_52 : memref<80x128xi32, #tpu.memory_space<hbm>>) dst(%dma_wait3A_48 : memref<80x128xi32, #tpu.memory_space<vmem>>)
        tpu.yield
      }) : () -> ()
    } else {
    }
    %barrier3A = arith.constant 0 : index
    tpu.barrier barrier_id(%barrier3A)
    %eq3A_10 = arith.constant 0 : i32
    %eq3A_11 = arith.cmpi eq, %arg0, %eq3A_10 : i32
    %jit3A = arith.constant 80 : i32
    %jit3A_12 = arith.constant 80 : i32
    %select_n3A = arith.select %eq3A_11, %jit3A, %jit3A_12 : i32
    %while3A = arith.constant 0 : i32
    %while3A_13 = arith.constant 0 : i32
    %while3A_14 = arith.subi %select_n3A, %while3A_13 : i32
    %while3A_15 = arith.addi %while3A_13, %while3A_14 : i32
    %while3A_16 = arith.constant 1 : i32
    %while3A_17 = arith.divsi %while3A_14, %while3A_16 : i32
    %while3A_18 = arith.muli %while3A_17, %while3A_16 : i32
    %while3A_19 = arith.addi %while3A_13, %while3A_18 : i32
    %while3A_20 = arith.constant 1 : i32
    scf.for %while3A_27 = %while3A_13 to %while3A_19 step %while3A_20  : i32 {
      "tpu.region"() ({
        %run_scoped3A = tpu.sem_alloc : memref<!tpu.dma_semaphore, #tpu.memory_space<semaphore_mem>>
        %dma_start3A = arith.constant 0 : i32
        %dma_start3A_28 = tpu.memref_slice %arg6[%while3A_27, %dma_start3A] : memref<80x128xi32, #tpu.memory_space<vmem>> -> memref<1x128xi32, #tpu.memory_space<vmem>>
        %dma_start3A_29 = tpu.memref_squeeze %dma_start3A_28 : memref<1x128xi32, #tpu.memory_space<vmem>> -> memref<128xi32, #tpu.memory_space<vmem>>
        %dma_start3A_30 = arith.constant 0 : i32
        %dma_start3A_31 = tpu.memref_slice %arg8[%dma_start3A_30] : memref<10240xf32, #tpu.memory_space<vmem_shared>> -> memref<10240xf32, #tpu.memory_space<vmem_shared>>
        tpu.enqueue_indirect_dma source(%arg7 : memref<128xf32, #tpu.memory_space<vmem>>) target(%dma_start3A_31 : memref<10240xf32, #tpu.memory_space<vmem_shared>>) offsets(%dma_start3A_29 : memref<128xi32, #tpu.memory_space<vmem>>) semaphore(%run_scoped3A : memref<!tpu.dma_semaphore, #tpu.memory_space<semaphore_mem>>) {add = true}
        %dma_wait3A = arith.constant 0 : i32
        %dma_wait3A_32 = tpu.memref_slice %arg6[%while3A_27, %dma_wait3A] : memref<80x128xi32, #tpu.memory_space<vmem>> -> memref<1x128xi32, #tpu.memory_space<vmem>>
        %dma_wait3A_33 = tpu.memref_squeeze %dma_wait3A_32 : memref<1x128xi32, #tpu.memory_space<vmem>> -> memref<128xi32, #tpu.memory_space<vmem>>
        %dma_wait3A_34 = arith.constant 0 : i32
        %dma_wait3A_35 = tpu.memref_slice %arg8[%dma_wait3A_34] : memref<10240xf32, #tpu.memory_space<vmem_shared>> -> memref<10240xf32, #tpu.memory_space<vmem_shared>>
        tpu.wait_indirect_dma semaphore(%run_scoped3A : memref<!tpu.dma_semaphore, #tpu.memory_space<semaphore_mem>>) src(%arg7 : memref<128xf32, #tpu.memory_space<vmem>>) dst(%dma_wait3A_35 : memref<10240xf32, #tpu.memory_space<vmem_shared>>)
        tpu.yield
      }) : () -> ()
    }
    %while3A_21 = arith.constant 1 : i32
    scf.for %while3A_27 = %while3A_19 to %while3A_15 step %while3A_21  : i32 {
      "tpu.region"() ({
        %run_scoped3A = tpu.sem_alloc : memref<!tpu.dma_semaphore, #tpu.memory_space<semaphore_mem>>
        %dma_start3A = arith.constant 0 : i32
        %dma_start3A_28 = tpu.memref_slice %arg6[%while3A_27, %dma_start3A] : memref<80x128xi32, #tpu.memory_space<vmem>> -> memref<1x128xi32, #tpu.memory_space<vmem>>
        %dma_start3A_29 = tpu.memref_squeeze %dma_start3A_28 : memref<1x128xi32, #tpu.memory_space<vmem>> -> memref<128xi32, #tpu.memory_space<vmem>>
        %dma_start3A_30 = arith.constant 0 : i32
        %dma_start3A_31 = tpu.memref_slice %arg8[%dma_start3A_30] : memref<10240xf32, #tpu.memory_space<vmem_shared>> -> memref<10240xf32, #tpu.memory_space<vmem_shared>>
        tpu.enqueue_indirect_dma source(%arg7 : memref<128xf32, #tpu.memory_space<vmem>>) target(%dma_start3A_31 : memref<10240xf32, #tpu.memory_space<vmem_shared>>) offsets(%dma_start3A_29 : memref<128xi32, #tpu.memory_space<vmem>>) semaphore(%run_scoped3A : memref<!tpu.dma_semaphore, #tpu.memory_space<semaphore_mem>>) {add = true}
        %dma_wait3A = arith.constant 0 : i32
        %dma_wait3A_32 = tpu.memref_slice %arg6[%while3A_27, %dma_wait3A] : memref<80x128xi32, #tpu.memory_space<vmem>> -> memref<1x128xi32, #tpu.memory_space<vmem>>
        %dma_wait3A_33 = tpu.memref_squeeze %dma_wait3A_32 : memref<1x128xi32, #tpu.memory_space<vmem>> -> memref<128xi32, #tpu.memory_space<vmem>>
        %dma_wait3A_34 = arith.constant 0 : i32
        %dma_wait3A_35 = tpu.memref_slice %arg8[%dma_wait3A_34] : memref<10240xf32, #tpu.memory_space<vmem_shared>> -> memref<10240xf32, #tpu.memory_space<vmem_shared>>
        tpu.wait_indirect_dma semaphore(%run_scoped3A : memref<!tpu.dma_semaphore, #tpu.memory_space<semaphore_mem>>) src(%arg7 : memref<128xf32, #tpu.memory_space<vmem>>) dst(%dma_wait3A_35 : memref<10240xf32, #tpu.memory_space<vmem_shared>>)
        tpu.yield
      }) : () -> ()
    }
    %barrier3A_22 = arith.constant 0 : index
    tpu.barrier barrier_id(%barrier3A_22)
    %mul3A_23 = arith.constant 640 : i32
    %mul3A_24 = arith.muli %arg1, %mul3A_23 : i32
    %mul3A_25 = arith.constant 640 : i32
    %mul3A_26 = arith.muli %arg1, %mul3A_25 : i32
    "tpu.region"() ({
      %run_scoped3A = tpu.sem_alloc : memref<!tpu.dma_semaphore, #tpu.memory_space<semaphore_mem>>
      %dma_start3A = tpu.memref_slice %arg5[%arg0, %mul3A_26] : memref<2x10240xf32, #tpu.memory_space<hbm>> -> memref<1x640xf32, #tpu.memory_space<hbm>>
      %dma_start3A_27 = tpu.memref_squeeze %dma_start3A : memref<1x640xf32, #tpu.memory_space<hbm>> -> memref<640xf32, #tpu.memory_space<hbm>>
      %dma_start3A_28 = tpu.memref_slice %arg8[%mul3A_24] : memref<10240xf32, #tpu.memory_space<vmem_shared>> -> memref<640xf32, #tpu.memory_space<vmem_shared>>
      tpu.enqueue_dma source(%dma_start3A_28 : memref<640xf32, #tpu.memory_space<vmem_shared>>) target(%dma_start3A_27 : memref<640xf32, #tpu.memory_space<hbm>>) target_semaphore(%run_scoped3A : memref<!tpu.dma_semaphore, #tpu.memory_space<semaphore_mem>>)
      %dma_wait3A = tpu.memref_slice %arg5[%arg0, %mul3A_26] : memref<2x10240xf32, #tpu.memory_space<hbm>> -> memref<1x640xf32, #tpu.memory_space<hbm>>
      %dma_wait3A_29 = tpu.memref_squeeze %dma_wait3A : memref<1x640xf32, #tpu.memory_space<hbm>> -> memref<640xf32, #tpu.memory_space<hbm>>
      %dma_wait3A_30 = tpu.memref_slice %arg8[%mul3A_24] : memref<10240xf32, #tpu.memory_space<vmem_shared>> -> memref<640xf32, #tpu.memory_space<vmem_shared>>
      tpu.wait_dma2 semaphore(%run_scoped3A : memref<!tpu.dma_semaphore, #tpu.memory_space<semaphore_mem>>) src(%dma_wait3A_30 : memref<640xf32, #tpu.memory_space<vmem_shared>>) dst(%dma_wait3A_29 : memref<640xf32, #tpu.memory_space<hbm>>)
      tpu.yield
    }) : () -> ()
    return
  }
}

#map = affine_map<(d0, d1) -> (0, 0)>
#map1 = affine_map<(d0, d1) -> (0, 0, 0)>
module attributes {stable_mosaic.version = 14 : i64} {
  func.func @agg(%arg0: i32, %arg1: i32, %arg2: memref<10240x128xf32, #tpu.memory_space<hbm>>, %arg3: memref<16x80x128xi32, #tpu.memory_space<hbm>>, %arg4: memref<16x80x128xi32, #tpu.memory_space<hbm>>, %arg5: memref<10240x128xf32, #tpu.memory_space<hbm>>, %arg6: memref<80x128xi32, #tpu.memory_space<vmem>>, %arg7: memref<1x128xi32, #tpu.memory_space<vmem>>, %arg8: memref<1x128xi32, #tpu.memory_space<vmem>>, %arg9: memref<1x128xi32, #tpu.memory_space<vmem>>, %arg10: memref<1x128xi32, #tpu.memory_space<vmem>>, %arg11: memref<128x128xf32, #tpu.memory_space<vmem>>, %arg12: memref<128x128xf32, #tpu.memory_space<vmem>>, %arg13: memref<10240x128xf32, #tpu.memory_space<vmem_shared>>, %arg14: memref<!tpu.dma_semaphore, #tpu.memory_space<semaphore_mem>>, %arg15: memref<!tpu.dma_semaphore, #tpu.memory_space<semaphore_mem>>, %arg16: memref<!tpu.dma_semaphore, #tpu.memory_space<semaphore_mem>>, %arg17: memref<!tpu.dma_semaphore, #tpu.memory_space<semaphore_mem>>, %arg18: memref<!tpu.dma_semaphore, #tpu.memory_space<semaphore_mem>>, %arg19: memref<!tpu.dma_semaphore, #tpu.memory_space<semaphore_mem>>, %arg20: memref<!tpu.dma_semaphore, #tpu.memory_space<semaphore_mem>>, %arg21: memref<!tpu.dma_semaphore, #tpu.memory_space<semaphore_mem>>) attributes {dimension_semantics = [#tpu.dimension_semantics<core_parallel>, #tpu.dimension_semantics<subcore_parallel>], iteration_bounds = array<i64: 1, 16>, scalar_prefetch = 0 : i64, scratch_operands = 16 : i64, tpu.core_type = #tpu.core_type<sc_vector_subcore>, window_params = [{transform_indices = #map}, {transform_indices = #map1}, {transform_indices = #map1}, {transform_indices = #map}]} {
    %mul3A = arith.constant 640 : i32
    %mul3A_0 = arith.muli %arg1, %mul3A : i32
    %mul3A_1 = arith.constant 640 : i32
    %mul3A_2 = arith.muli %arg1, %mul3A_1 : i32
    "tpu.region"() ({
      %run_scoped3A = tpu.sem_alloc : memref<!tpu.dma_semaphore, #tpu.memory_space<semaphore_mem>>
      %dma_start3A_363 = arith.constant 0 : i32
      %dma_start3A_364 = tpu.memref_slice %arg13[%mul3A_2, %dma_start3A_363] : memref<10240x128xf32, #tpu.memory_space<vmem_shared>> -> memref<640x128xf32, #tpu.memory_space<vmem_shared>>
      %dma_start3A_365 = arith.constant 0 : i32
      %dma_start3A_366 = tpu.memref_slice %arg2[%mul3A_0, %dma_start3A_365] : memref<10240x128xf32, #tpu.memory_space<hbm>> -> memref<640x128xf32, #tpu.memory_space<hbm>>
      tpu.enqueue_dma source(%dma_start3A_366 : memref<640x128xf32, #tpu.memory_space<hbm>>) target(%dma_start3A_364 : memref<640x128xf32, #tpu.memory_space<vmem_shared>>) target_semaphore(%run_scoped3A : memref<!tpu.dma_semaphore, #tpu.memory_space<semaphore_mem>>)
      %dma_wait3A_367 = arith.constant 0 : i32
      %dma_wait3A_368 = tpu.memref_slice %arg13[%mul3A_2, %dma_wait3A_367] : memref<10240x128xf32, #tpu.memory_space<vmem_shared>> -> memref<640x128xf32, #tpu.memory_space<vmem_shared>>
      %dma_wait3A_369 = arith.constant 0 : i32
      %dma_wait3A_370 = tpu.memref_slice %arg2[%mul3A_0, %dma_wait3A_369] : memref<10240x128xf32, #tpu.memory_space<hbm>> -> memref<640x128xf32, #tpu.memory_space<hbm>>
      tpu.wait_dma2 semaphore(%run_scoped3A : memref<!tpu.dma_semaphore, #tpu.memory_space<semaphore_mem>>) src(%dma_wait3A_370 : memref<640x128xf32, #tpu.memory_space<hbm>>) dst(%dma_wait3A_368 : memref<640x128xf32, #tpu.memory_space<vmem_shared>>)
      tpu.yield
    }) : () -> ()
    "tpu.region"() ({
      %run_scoped3A = tpu.sem_alloc : memref<!tpu.dma_semaphore, #tpu.memory_space<semaphore_mem>>
      %dma_start3A_363 = arith.constant 0 : i32
      %dma_start3A_364 = arith.constant 0 : i32
      %dma_start3A_365 = tpu.memref_slice %arg3[%arg1, %dma_start3A_363, %dma_start3A_364] : memref<16x80x128xi32, #tpu.memory_space<hbm>> -> memref<1x80x128xi32, #tpu.memory_space<hbm>>
      %dma_start3A_366 = tpu.memref_squeeze %dma_start3A_365 : memref<1x80x128xi32, #tpu.memory_space<hbm>> -> memref<80x128xi32, #tpu.memory_space<hbm>>
      %dma_start3A_367 = arith.constant 0 : i32
      %dma_start3A_368 = arith.constant 0 : i32
      %dma_start3A_369 = tpu.memref_slice %arg3[%arg1, %dma_start3A_367, %dma_start3A_368] : memref<16x80x128xi32, #tpu.memory_space<hbm>> -> memref<1x80x128xi32, #tpu.memory_space<hbm>>
      %dma_start3A_370 = tpu.memref_squeeze %dma_start3A_369 : memref<1x80x128xi32, #tpu.memory_space<hbm>> -> memref<80x128xi32, #tpu.memory_space<hbm>>
      tpu.enqueue_dma source(%dma_start3A_370 : memref<80x128xi32, #tpu.memory_space<hbm>>) target(%arg6 : memref<80x128xi32, #tpu.memory_space<vmem>>) target_semaphore(%run_scoped3A : memref<!tpu.dma_semaphore, #tpu.memory_space<semaphore_mem>>)
      %dma_wait3A_371 = arith.constant 0 : i32
      %dma_wait3A_372 = arith.constant 0 : i32
      %dma_wait3A_373 = tpu.memref_slice %arg3[%arg1, %dma_wait3A_371, %dma_wait3A_372] : memref<16x80x128xi32, #tpu.memory_space<hbm>> -> memref<1x80x128xi32, #tpu.memory_space<hbm>>
      %dma_wait3A_374 = tpu.memref_squeeze %dma_wait3A_373 : memref<1x80x128xi32, #tpu.memory_space<hbm>> -> memref<80x128xi32, #tpu.memory_space<hbm>>
      %dma_wait3A_375 = arith.constant 0 : i32
      %dma_wait3A_376 = arith.constant 0 : i32
      %dma_wait3A_377 = tpu.memref_slice %arg3[%arg1, %dma_wait3A_375, %dma_wait3A_376] : memref<16x80x128xi32, #tpu.memory_space<hbm>> -> memref<1x80x128xi32, #tpu.memory_space<hbm>>
      %dma_wait3A_378 = tpu.memref_squeeze %dma_wait3A_377 : memref<1x80x128xi32, #tpu.memory_space<hbm>> -> memref<80x128xi32, #tpu.memory_space<hbm>>
      tpu.wait_dma2 semaphore(%run_scoped3A : memref<!tpu.dma_semaphore, #tpu.memory_space<semaphore_mem>>) src(%dma_wait3A_378 : memref<80x128xi32, #tpu.memory_space<hbm>>) dst(%arg6 : memref<80x128xi32, #tpu.memory_space<vmem>>)
      tpu.yield
    }) : () -> ()
    %barrier3A = arith.constant 0 : index
    tpu.barrier barrier_id(%barrier3A)
    %dma_start3A = arith.constant 0 : i32
    %dma_start3A_3 = arith.constant 0 : i32
    %dma_start3A_4 = tpu.memref_slice %arg4[%arg1, %dma_start3A, %dma_start3A_3] : memref<16x80x128xi32, #tpu.memory_space<hbm>> -> memref<1x1x128xi32, #tpu.memory_space<hbm>>
    %dma_start3A_5 = tpu.memref_squeeze %dma_start3A_4 : memref<1x1x128xi32, #tpu.memory_space<hbm>> -> memref<1x128xi32, #tpu.memory_space<hbm>>
    %dma_start3A_6 = arith.constant 0 : i32
    %dma_start3A_7 = arith.constant 0 : i32
    %dma_start3A_8 = tpu.memref_slice %arg4[%arg1, %dma_start3A_6, %dma_start3A_7] : memref<16x80x128xi32, #tpu.memory_space<hbm>> -> memref<1x1x128xi32, #tpu.memory_space<hbm>>
    %dma_start3A_9 = tpu.memref_squeeze %dma_start3A_8 : memref<1x1x128xi32, #tpu.memory_space<hbm>> -> memref<1x128xi32, #tpu.memory_space<hbm>>
    tpu.enqueue_dma source(%dma_start3A_9 : memref<1x128xi32, #tpu.memory_space<hbm>>) target(%arg7 : memref<1x128xi32, #tpu.memory_space<vmem>>) target_semaphore(%arg18 : memref<!tpu.dma_semaphore, #tpu.memory_space<semaphore_mem>>)
    %dma_start3A_10 = arith.constant 1 : i32
    %dma_start3A_11 = arith.constant 0 : i32
    %dma_start3A_12 = tpu.memref_slice %arg4[%arg1, %dma_start3A_10, %dma_start3A_11] : memref<16x80x128xi32, #tpu.memory_space<hbm>> -> memref<1x1x128xi32, #tpu.memory_space<hbm>>
    %dma_start3A_13 = tpu.memref_squeeze %dma_start3A_12 : memref<1x1x128xi32, #tpu.memory_space<hbm>> -> memref<1x128xi32, #tpu.memory_space<hbm>>
    %dma_start3A_14 = arith.constant 1 : i32
    %dma_start3A_15 = arith.constant 0 : i32
    %dma_start3A_16 = tpu.memref_slice %arg4[%arg1, %dma_start3A_14, %dma_start3A_15] : memref<16x80x128xi32, #tpu.memory_space<hbm>> -> memref<1x1x128xi32, #tpu.memory_space<hbm>>
    %dma_start3A_17 = tpu.memref_squeeze %dma_start3A_16 : memref<1x1x128xi32, #tpu.memory_space<hbm>> -> memref<1x128xi32, #tpu.memory_space<hbm>>
    tpu.enqueue_dma source(%dma_start3A_17 : memref<1x128xi32, #tpu.memory_space<hbm>>) target(%arg8 : memref<1x128xi32, #tpu.memory_space<vmem>>) target_semaphore(%arg19 : memref<!tpu.dma_semaphore, #tpu.memory_space<semaphore_mem>>)
    %dma_start3A_18 = arith.constant 2 : i32
    %dma_start3A_19 = arith.constant 0 : i32
    %dma_start3A_20 = tpu.memref_slice %arg4[%arg1, %dma_start3A_18, %dma_start3A_19] : memref<16x80x128xi32, #tpu.memory_space<hbm>> -> memref<1x1x128xi32, #tpu.memory_space<hbm>>
    %dma_start3A_21 = tpu.memref_squeeze %dma_start3A_20 : memref<1x1x128xi32, #tpu.memory_space<hbm>> -> memref<1x128xi32, #tpu.memory_space<hbm>>
    %dma_start3A_22 = arith.constant 2 : i32
    %dma_start3A_23 = arith.constant 0 : i32
    %dma_start3A_24 = tpu.memref_slice %arg4[%arg1, %dma_start3A_22, %dma_start3A_23] : memref<16x80x128xi32, #tpu.memory_space<hbm>> -> memref<1x1x128xi32, #tpu.memory_space<hbm>>
    %dma_start3A_25 = tpu.memref_squeeze %dma_start3A_24 : memref<1x1x128xi32, #tpu.memory_space<hbm>> -> memref<1x128xi32, #tpu.memory_space<hbm>>
    tpu.enqueue_dma source(%dma_start3A_25 : memref<1x128xi32, #tpu.memory_space<hbm>>) target(%arg9 : memref<1x128xi32, #tpu.memory_space<vmem>>) target_semaphore(%arg20 : memref<!tpu.dma_semaphore, #tpu.memory_space<semaphore_mem>>)
    %dma_start3A_26 = arith.constant 3 : i32
    %dma_start3A_27 = arith.constant 0 : i32
    %dma_start3A_28 = tpu.memref_slice %arg4[%arg1, %dma_start3A_26, %dma_start3A_27] : memref<16x80x128xi32, #tpu.memory_space<hbm>> -> memref<1x1x128xi32, #tpu.memory_space<hbm>>
    %dma_start3A_29 = tpu.memref_squeeze %dma_start3A_28 : memref<1x1x128xi32, #tpu.memory_space<hbm>> -> memref<1x128xi32, #tpu.memory_space<hbm>>
    %dma_start3A_30 = arith.constant 3 : i32
    %dma_start3A_31 = arith.constant 0 : i32
    %dma_start3A_32 = tpu.memref_slice %arg4[%arg1, %dma_start3A_30, %dma_start3A_31] : memref<16x80x128xi32, #tpu.memory_space<hbm>> -> memref<1x1x128xi32, #tpu.memory_space<hbm>>
    %dma_start3A_33 = tpu.memref_squeeze %dma_start3A_32 : memref<1x1x128xi32, #tpu.memory_space<hbm>> -> memref<1x128xi32, #tpu.memory_space<hbm>>
    tpu.enqueue_dma source(%dma_start3A_33 : memref<1x128xi32, #tpu.memory_space<hbm>>) target(%arg10 : memref<1x128xi32, #tpu.memory_space<vmem>>) target_semaphore(%arg21 : memref<!tpu.dma_semaphore, #tpu.memory_space<semaphore_mem>>)
    %dma_start3A_34 = arith.constant 0 : i32
    %dma_start3A_35 = arith.constant 0 : i32
    %dma_start3A_36 = tpu.memref_slice %arg6[%dma_start3A_34, %dma_start3A_35] : memref<80x128xi32, #tpu.memory_space<vmem>> -> memref<1x128xi32, #tpu.memory_space<vmem>>
    %dma_start3A_37 = tpu.memref_squeeze %dma_start3A_36 : memref<1x128xi32, #tpu.memory_space<vmem>> -> memref<128xi32, #tpu.memory_space<vmem>>
    %dma_start3A_38 = arith.constant 0 : i32
    %dma_start3A_39 = arith.constant 0 : i32
    %dma_start3A_40 = tpu.memref_slice %arg2[%dma_start3A_38, %dma_start3A_39] : memref<10240x128xf32, #tpu.memory_space<hbm>> -> memref<10240x128xf32, #tpu.memory_space<hbm>>
    tpu.enqueue_indirect_dma source(%dma_start3A_40 : memref<10240x128xf32, #tpu.memory_space<hbm>>) target(%arg11 : memref<128x128xf32, #tpu.memory_space<vmem>>) offsets(%dma_start3A_37 : memref<128xi32, #tpu.memory_space<vmem>>) semaphore(%arg14 : memref<!tpu.dma_semaphore, #tpu.memory_space<semaphore_mem>>)
    %dma_wait3A = arith.constant 0 : i32
    %dma_wait3A_41 = arith.constant 0 : i32
    %dma_wait3A_42 = tpu.memref_slice %arg6[%dma_wait3A, %dma_wait3A_41] : memref<80x128xi32, #tpu.memory_space<vmem>> -> memref<1x128xi32, #tpu.memory_space<vmem>>
    %dma_wait3A_43 = tpu.memref_squeeze %dma_wait3A_42 : memref<1x128xi32, #tpu.memory_space<vmem>> -> memref<128xi32, #tpu.memory_space<vmem>>
    %dma_wait3A_44 = arith.constant 0 : i32
    %dma_wait3A_45 = arith.constant 0 : i32
    %dma_wait3A_46 = tpu.memref_slice %arg2[%dma_wait3A_44, %dma_wait3A_45] : memref<10240x128xf32, #tpu.memory_space<hbm>> -> memref<10240x128xf32, #tpu.memory_space<hbm>>
    tpu.wait_indirect_dma semaphore(%arg14 : memref<!tpu.dma_semaphore, #tpu.memory_space<semaphore_mem>>) src(%dma_wait3A_46 : memref<10240x128xf32, #tpu.memory_space<hbm>>) dst(%arg11 : memref<128x128xf32, #tpu.memory_space<vmem>>)
    %dma_wait3A_47 = arith.constant 0 : i32
    %dma_wait3A_48 = arith.constant 0 : i32
    %dma_wait3A_49 = tpu.memref_slice %arg4[%arg1, %dma_wait3A_47, %dma_wait3A_48] : memref<16x80x128xi32, #tpu.memory_space<hbm>> -> memref<1x1x128xi32, #tpu.memory_space<hbm>>
    %dma_wait3A_50 = tpu.memref_squeeze %dma_wait3A_49 : memref<1x1x128xi32, #tpu.memory_space<hbm>> -> memref<1x128xi32, #tpu.memory_space<hbm>>
    %dma_wait3A_51 = arith.constant 0 : i32
    %dma_wait3A_52 = arith.constant 0 : i32
    %dma_wait3A_53 = tpu.memref_slice %arg4[%arg1, %dma_wait3A_51, %dma_wait3A_52] : memref<16x80x128xi32, #tpu.memory_space<hbm>> -> memref<1x1x128xi32, #tpu.memory_space<hbm>>
    %dma_wait3A_54 = tpu.memref_squeeze %dma_wait3A_53 : memref<1x1x128xi32, #tpu.memory_space<hbm>> -> memref<1x128xi32, #tpu.memory_space<hbm>>
    tpu.wait_dma2 semaphore(%arg18 : memref<!tpu.dma_semaphore, #tpu.memory_space<semaphore_mem>>) src(%dma_wait3A_54 : memref<1x128xi32, #tpu.memory_space<hbm>>) dst(%arg7 : memref<1x128xi32, #tpu.memory_space<vmem>>)
    %dma_start3A_55 = arith.constant 0 : i32
    %dma_start3A_56 = arith.constant 0 : i32
    %dma_start3A_57 = tpu.memref_slice %arg7[%dma_start3A_55, %dma_start3A_56] : memref<1x128xi32, #tpu.memory_space<vmem>> -> memref<1x128xi32, #tpu.memory_space<vmem>>
    %dma_start3A_58 = tpu.memref_squeeze %dma_start3A_57 : memref<1x128xi32, #tpu.memory_space<vmem>> -> memref<128xi32, #tpu.memory_space<vmem>>
    %dma_start3A_59 = arith.constant 0 : i32
    %dma_start3A_60 = arith.constant 0 : i32
    %dma_start3A_61 = tpu.memref_slice %arg13[%dma_start3A_59, %dma_start3A_60] : memref<10240x128xf32, #tpu.memory_space<vmem_shared>> -> memref<10240x128xf32, #tpu.memory_space<vmem_shared>>
    tpu.enqueue_indirect_dma source(%arg11 : memref<128x128xf32, #tpu.memory_space<vmem>>) target(%dma_start3A_61 : memref<10240x128xf32, #tpu.memory_space<vmem_shared>>) offsets(%dma_start3A_58 : memref<128xi32, #tpu.memory_space<vmem>>) semaphore(%arg16 : memref<!tpu.dma_semaphore, #tpu.memory_space<semaphore_mem>>) {add = true}
    %dma_start3A_62 = arith.constant 1 : i32
    %dma_start3A_63 = arith.constant 0 : i32
    %dma_start3A_64 = tpu.memref_slice %arg6[%dma_start3A_62, %dma_start3A_63] : memref<80x128xi32, #tpu.memory_space<vmem>> -> memref<1x128xi32, #tpu.memory_space<vmem>>
    %dma_start3A_65 = tpu.memref_squeeze %dma_start3A_64 : memref<1x128xi32, #tpu.memory_space<vmem>> -> memref<128xi32, #tpu.memory_space<vmem>>
    %dma_start3A_66 = arith.constant 0 : i32
    %dma_start3A_67 = arith.constant 0 : i32
    %dma_start3A_68 = tpu.memref_slice %arg2[%dma_start3A_66, %dma_start3A_67] : memref<10240x128xf32, #tpu.memory_space<hbm>> -> memref<10240x128xf32, #tpu.memory_space<hbm>>
    tpu.enqueue_indirect_dma source(%dma_start3A_68 : memref<10240x128xf32, #tpu.memory_space<hbm>>) target(%arg12 : memref<128x128xf32, #tpu.memory_space<vmem>>) offsets(%dma_start3A_65 : memref<128xi32, #tpu.memory_space<vmem>>) semaphore(%arg15 : memref<!tpu.dma_semaphore, #tpu.memory_space<semaphore_mem>>)
    %dma_wait3A_69 = arith.constant 1 : i32
    %dma_wait3A_70 = arith.constant 0 : i32
    %dma_wait3A_71 = tpu.memref_slice %arg6[%dma_wait3A_69, %dma_wait3A_70] : memref<80x128xi32, #tpu.memory_space<vmem>> -> memref<1x128xi32, #tpu.memory_space<vmem>>
    %dma_wait3A_72 = tpu.memref_squeeze %dma_wait3A_71 : memref<1x128xi32, #tpu.memory_space<vmem>> -> memref<128xi32, #tpu.memory_space<vmem>>
    %dma_wait3A_73 = arith.constant 0 : i32
    %dma_wait3A_74 = arith.constant 0 : i32
    %dma_wait3A_75 = tpu.memref_slice %arg2[%dma_wait3A_73, %dma_wait3A_74] : memref<10240x128xf32, #tpu.memory_space<hbm>> -> memref<10240x128xf32, #tpu.memory_space<hbm>>
    tpu.wait_indirect_dma semaphore(%arg15 : memref<!tpu.dma_semaphore, #tpu.memory_space<semaphore_mem>>) src(%dma_wait3A_75 : memref<10240x128xf32, #tpu.memory_space<hbm>>) dst(%arg12 : memref<128x128xf32, #tpu.memory_space<vmem>>)
    %dma_wait3A_76 = arith.constant 1 : i32
    %dma_wait3A_77 = arith.constant 0 : i32
    %dma_wait3A_78 = tpu.memref_slice %arg4[%arg1, %dma_wait3A_76, %dma_wait3A_77] : memref<16x80x128xi32, #tpu.memory_space<hbm>> -> memref<1x1x128xi32, #tpu.memory_space<hbm>>
    %dma_wait3A_79 = tpu.memref_squeeze %dma_wait3A_78 : memref<1x1x128xi32, #tpu.memory_space<hbm>> -> memref<1x128xi32, #tpu.memory_space<hbm>>
    %dma_wait3A_80 = arith.constant 1 : i32
    %dma_wait3A_81 = arith.constant 0 : i32
    %dma_wait3A_82 = tpu.memref_slice %arg4[%arg1, %dma_wait3A_80, %dma_wait3A_81] : memref<16x80x128xi32, #tpu.memory_space<hbm>> -> memref<1x1x128xi32, #tpu.memory_space<hbm>>
    %dma_wait3A_83 = tpu.memref_squeeze %dma_wait3A_82 : memref<1x1x128xi32, #tpu.memory_space<hbm>> -> memref<1x128xi32, #tpu.memory_space<hbm>>
    tpu.wait_dma2 semaphore(%arg19 : memref<!tpu.dma_semaphore, #tpu.memory_space<semaphore_mem>>) src(%dma_wait3A_83 : memref<1x128xi32, #tpu.memory_space<hbm>>) dst(%arg8 : memref<1x128xi32, #tpu.memory_space<vmem>>)
    %dma_wait3A_84 = arith.constant 0 : i32
    %dma_wait3A_85 = arith.constant 0 : i32
    %dma_wait3A_86 = tpu.memref_slice %arg7[%dma_wait3A_84, %dma_wait3A_85] : memref<1x128xi32, #tpu.memory_space<vmem>> -> memref<1x128xi32, #tpu.memory_space<vmem>>
    %dma_wait3A_87 = tpu.memref_squeeze %dma_wait3A_86 : memref<1x128xi32, #tpu.memory_space<vmem>> -> memref<128xi32, #tpu.memory_space<vmem>>
    %dma_wait3A_88 = arith.constant 0 : i32
    %dma_wait3A_89 = arith.constant 0 : i32
    %dma_wait3A_90 = tpu.memref_slice %arg13[%dma_wait3A_88, %dma_wait3A_89] : memref<10240x128xf32, #tpu.memory_space<vmem_shared>> -> memref<10240x128xf32, #tpu.memory_space<vmem_shared>>
    tpu.wait_indirect_dma semaphore(%arg16 : memref<!tpu.dma_semaphore, #tpu.memory_space<semaphore_mem>>) src(%arg11 : memref<128x128xf32, #tpu.memory_space<vmem>>) dst(%dma_wait3A_90 : memref<10240x128xf32, #tpu.memory_space<vmem_shared>>)
    %dma_start3A_91 = arith.constant 0 : i32
    %dma_start3A_92 = arith.constant 0 : i32
    %dma_start3A_93 = tpu.memref_slice %arg8[%dma_start3A_91, %dma_start3A_92] : memref<1x128xi32, #tpu.memory_space<vmem>> -> memref<1x128xi32, #tpu.memory_space<vmem>>
    %dma_start3A_94 = tpu.memref_squeeze %dma_start3A_93 : memref<1x128xi32, #tpu.memory_space<vmem>> -> memref<128xi32, #tpu.memory_space<vmem>>
    %dma_start3A_95 = arith.constant 0 : i32
    %dma_start3A_96 = arith.constant 0 : i32
    %dma_start3A_97 = tpu.memref_slice %arg13[%dma_start3A_95, %dma_start3A_96] : memref<10240x128xf32, #tpu.memory_space<vmem_shared>> -> memref<10240x128xf32, #tpu.memory_space<vmem_shared>>
    tpu.enqueue_indirect_dma source(%arg12 : memref<128x128xf32, #tpu.memory_space<vmem>>) target(%dma_start3A_97 : memref<10240x128xf32, #tpu.memory_space<vmem_shared>>) offsets(%dma_start3A_94 : memref<128xi32, #tpu.memory_space<vmem>>) semaphore(%arg17 : memref<!tpu.dma_semaphore, #tpu.memory_space<semaphore_mem>>) {add = true}
    %dma_start3A_98 = arith.constant 2 : i32
    %dma_start3A_99 = arith.constant 0 : i32
    %dma_start3A_100 = tpu.memref_slice %arg6[%dma_start3A_98, %dma_start3A_99] : memref<80x128xi32, #tpu.memory_space<vmem>> -> memref<1x128xi32, #tpu.memory_space<vmem>>
    %dma_start3A_101 = tpu.memref_squeeze %dma_start3A_100 : memref<1x128xi32, #tpu.memory_space<vmem>> -> memref<128xi32, #tpu.memory_space<vmem>>
    %dma_start3A_102 = arith.constant 0 : i32
    %dma_start3A_103 = arith.constant 0 : i32
    %dma_start3A_104 = tpu.memref_slice %arg2[%dma_start3A_102, %dma_start3A_103] : memref<10240x128xf32, #tpu.memory_space<hbm>> -> memref<10240x128xf32, #tpu.memory_space<hbm>>
    tpu.enqueue_indirect_dma source(%dma_start3A_104 : memref<10240x128xf32, #tpu.memory_space<hbm>>) target(%arg11 : memref<128x128xf32, #tpu.memory_space<vmem>>) offsets(%dma_start3A_101 : memref<128xi32, #tpu.memory_space<vmem>>) semaphore(%arg14 : memref<!tpu.dma_semaphore, #tpu.memory_space<semaphore_mem>>)
    %dma_wait3A_105 = arith.constant 2 : i32
    %dma_wait3A_106 = arith.constant 0 : i32
    %dma_wait3A_107 = tpu.memref_slice %arg6[%dma_wait3A_105, %dma_wait3A_106] : memref<80x128xi32, #tpu.memory_space<vmem>> -> memref<1x128xi32, #tpu.memory_space<vmem>>
    %dma_wait3A_108 = tpu.memref_squeeze %dma_wait3A_107 : memref<1x128xi32, #tpu.memory_space<vmem>> -> memref<128xi32, #tpu.memory_space<vmem>>
    %dma_wait3A_109 = arith.constant 0 : i32
    %dma_wait3A_110 = arith.constant 0 : i32
    %dma_wait3A_111 = tpu.memref_slice %arg2[%dma_wait3A_109, %dma_wait3A_110] : memref<10240x128xf32, #tpu.memory_space<hbm>> -> memref<10240x128xf32, #tpu.memory_space<hbm>>
    tpu.wait_indirect_dma semaphore(%arg14 : memref<!tpu.dma_semaphore, #tpu.memory_space<semaphore_mem>>) src(%dma_wait3A_111 : memref<10240x128xf32, #tpu.memory_space<hbm>>) dst(%arg11 : memref<128x128xf32, #tpu.memory_space<vmem>>)
    %dma_wait3A_112 = arith.constant 2 : i32
    %dma_wait3A_113 = arith.constant 0 : i32
    %dma_wait3A_114 = tpu.memref_slice %arg4[%arg1, %dma_wait3A_112, %dma_wait3A_113] : memref<16x80x128xi32, #tpu.memory_space<hbm>> -> memref<1x1x128xi32, #tpu.memory_space<hbm>>
    %dma_wait3A_115 = tpu.memref_squeeze %dma_wait3A_114 : memref<1x1x128xi32, #tpu.memory_space<hbm>> -> memref<1x128xi32, #tpu.memory_space<hbm>>
    %dma_wait3A_116 = arith.constant 2 : i32
    %dma_wait3A_117 = arith.constant 0 : i32
    %dma_wait3A_118 = tpu.memref_slice %arg4[%arg1, %dma_wait3A_116, %dma_wait3A_117] : memref<16x80x128xi32, #tpu.memory_space<hbm>> -> memref<1x1x128xi32, #tpu.memory_space<hbm>>
    %dma_wait3A_119 = tpu.memref_squeeze %dma_wait3A_118 : memref<1x1x128xi32, #tpu.memory_space<hbm>> -> memref<1x128xi32, #tpu.memory_space<hbm>>
    tpu.wait_dma2 semaphore(%arg20 : memref<!tpu.dma_semaphore, #tpu.memory_space<semaphore_mem>>) src(%dma_wait3A_119 : memref<1x128xi32, #tpu.memory_space<hbm>>) dst(%arg9 : memref<1x128xi32, #tpu.memory_space<vmem>>)
    %dma_wait3A_120 = arith.constant 0 : i32
    %dma_wait3A_121 = arith.constant 0 : i32
    %dma_wait3A_122 = tpu.memref_slice %arg8[%dma_wait3A_120, %dma_wait3A_121] : memref<1x128xi32, #tpu.memory_space<vmem>> -> memref<1x128xi32, #tpu.memory_space<vmem>>
    %dma_wait3A_123 = tpu.memref_squeeze %dma_wait3A_122 : memref<1x128xi32, #tpu.memory_space<vmem>> -> memref<128xi32, #tpu.memory_space<vmem>>
    %dma_wait3A_124 = arith.constant 0 : i32
    %dma_wait3A_125 = arith.constant 0 : i32
    %dma_wait3A_126 = tpu.memref_slice %arg13[%dma_wait3A_124, %dma_wait3A_125] : memref<10240x128xf32, #tpu.memory_space<vmem_shared>> -> memref<10240x128xf32, #tpu.memory_space<vmem_shared>>
    tpu.wait_indirect_dma semaphore(%arg17 : memref<!tpu.dma_semaphore, #tpu.memory_space<semaphore_mem>>) src(%arg12 : memref<128x128xf32, #tpu.memory_space<vmem>>) dst(%dma_wait3A_126 : memref<10240x128xf32, #tpu.memory_space<vmem_shared>>)
    %dma_start3A_127 = arith.constant 0 : i32
    %dma_start3A_128 = arith.constant 0 : i32
    %dma_start3A_129 = tpu.memref_slice %arg9[%dma_start3A_127, %dma_start3A_128] : memref<1x128xi32, #tpu.memory_space<vmem>> -> memref<1x128xi32, #tpu.memory_space<vmem>>
    %dma_start3A_130 = tpu.memref_squeeze %dma_start3A_129 : memref<1x128xi32, #tpu.memory_space<vmem>> -> memref<128xi32, #tpu.memory_space<vmem>>
    %dma_start3A_131 = arith.constant 0 : i32
    %dma_start3A_132 = arith.constant 0 : i32
    %dma_start3A_133 = tpu.memref_slice %arg13[%dma_start3A_131, %dma_start3A_132] : memref<10240x128xf32, #tpu.memory_space<vmem_shared>> -> memref<10240x128xf32, #tpu.memory_space<vmem_shared>>
    tpu.enqueue_indirect_dma source(%arg11 : memref<128x128xf32, #tpu.memory_space<vmem>>) target(%dma_start3A_133 : memref<10240x128xf32, #tpu.memory_space<vmem_shared>>) offsets(%dma_start3A_130 : memref<128xi32, #tpu.memory_space<vmem>>) semaphore(%arg16 : memref<!tpu.dma_semaphore, #tpu.memory_space<semaphore_mem>>) {add = true}
    %dma_start3A_134 = arith.constant 4 : i32
    %dma_start3A_135 = arith.constant 0 : i32
    %dma_start3A_136 = tpu.memref_slice %arg4[%arg1, %dma_start3A_134, %dma_start3A_135] : memref<16x80x128xi32, #tpu.memory_space<hbm>> -> memref<1x1x128xi32, #tpu.memory_space<hbm>>
    %dma_start3A_137 = tpu.memref_squeeze %dma_start3A_136 : memref<1x1x128xi32, #tpu.memory_space<hbm>> -> memref<1x128xi32, #tpu.memory_space<hbm>>
    %dma_start3A_138 = arith.constant 4 : i32
    %dma_start3A_139 = arith.constant 0 : i32
    %dma_start3A_140 = tpu.memref_slice %arg4[%arg1, %dma_start3A_138, %dma_start3A_139] : memref<16x80x128xi32, #tpu.memory_space<hbm>> -> memref<1x1x128xi32, #tpu.memory_space<hbm>>
    %dma_start3A_141 = tpu.memref_squeeze %dma_start3A_140 : memref<1x1x128xi32, #tpu.memory_space<hbm>> -> memref<1x128xi32, #tpu.memory_space<hbm>>
    tpu.enqueue_dma source(%dma_start3A_141 : memref<1x128xi32, #tpu.memory_space<hbm>>) target(%arg7 : memref<1x128xi32, #tpu.memory_space<vmem>>) target_semaphore(%arg18 : memref<!tpu.dma_semaphore, #tpu.memory_space<semaphore_mem>>)
    %dma_start3A_142 = arith.constant 3 : i32
    %dma_start3A_143 = arith.constant 0 : i32
    %dma_start3A_144 = tpu.memref_slice %arg6[%dma_start3A_142, %dma_start3A_143] : memref<80x128xi32, #tpu.memory_space<vmem>> -> memref<1x128xi32, #tpu.memory_space<vmem>>
    %dma_start3A_145 = tpu.memref_squeeze %dma_start3A_144 : memref<1x128xi32, #tpu.memory_space<vmem>> -> memref<128xi32, #tpu.memory_space<vmem>>
    %dma_start3A_146 = arith.constant 0 : i32
    %dma_start3A_147 = arith.constant 0 : i32
    %dma_start3A_148 = tpu.memref_slice %arg2[%dma_start3A_146, %dma_start3A_147] : memref<10240x128xf32, #tpu.memory_space<hbm>> -> memref<10240x128xf32, #tpu.memory_space<hbm>>
    tpu.enqueue_indirect_dma source(%dma_start3A_148 : memref<10240x128xf32, #tpu.memory_space<hbm>>) target(%arg12 : memref<128x128xf32, #tpu.memory_space<vmem>>) offsets(%dma_start3A_145 : memref<128xi32, #tpu.memory_space<vmem>>) semaphore(%arg15 : memref<!tpu.dma_semaphore, #tpu.memory_space<semaphore_mem>>)
    %dma_wait3A_149 = arith.constant 3 : i32
    %dma_wait3A_150 = arith.constant 0 : i32
    %dma_wait3A_151 = tpu.memref_slice %arg6[%dma_wait3A_149, %dma_wait3A_150] : memref<80x128xi32, #tpu.memory_space<vmem>> -> memref<1x128xi32, #tpu.memory_space<vmem>>
    %dma_wait3A_152 = tpu.memref_squeeze %dma_wait3A_151 : memref<1x128xi32, #tpu.memory_space<vmem>> -> memref<128xi32, #tpu.memory_space<vmem>>
    %dma_wait3A_153 = arith.constant 0 : i32
    %dma_wait3A_154 = arith.constant 0 : i32
    %dma_wait3A_155 = tpu.memref_slice %arg2[%dma_wait3A_153, %dma_wait3A_154] : memref<10240x128xf32, #tpu.memory_space<hbm>> -> memref<10240x128xf32, #tpu.memory_space<hbm>>
    tpu.wait_indirect_dma semaphore(%arg15 : memref<!tpu.dma_semaphore, #tpu.memory_space<semaphore_mem>>) src(%dma_wait3A_155 : memref<10240x128xf32, #tpu.memory_space<hbm>>) dst(%arg12 : memref<128x128xf32, #tpu.memory_space<vmem>>)
    %dma_wait3A_156 = arith.constant 3 : i32
    %dma_wait3A_157 = arith.constant 0 : i32
    %dma_wait3A_158 = tpu.memref_slice %arg4[%arg1, %dma_wait3A_156, %dma_wait3A_157] : memref<16x80x128xi32, #tpu.memory_space<hbm>> -> memref<1x1x128xi32, #tpu.memory_space<hbm>>
    %dma_wait3A_159 = tpu.memref_squeeze %dma_wait3A_158 : memref<1x1x128xi32, #tpu.memory_space<hbm>> -> memref<1x128xi32, #tpu.memory_space<hbm>>
    %dma_wait3A_160 = arith.constant 3 : i32
    %dma_wait3A_161 = arith.constant 0 : i32
    %dma_wait3A_162 = tpu.memref_slice %arg4[%arg1, %dma_wait3A_160, %dma_wait3A_161] : memref<16x80x128xi32, #tpu.memory_space<hbm>> -> memref<1x1x128xi32, #tpu.memory_space<hbm>>
    %dma_wait3A_163 = tpu.memref_squeeze %dma_wait3A_162 : memref<1x1x128xi32, #tpu.memory_space<hbm>> -> memref<1x128xi32, #tpu.memory_space<hbm>>
    tpu.wait_dma2 semaphore(%arg21 : memref<!tpu.dma_semaphore, #tpu.memory_space<semaphore_mem>>) src(%dma_wait3A_163 : memref<1x128xi32, #tpu.memory_space<hbm>>) dst(%arg10 : memref<1x128xi32, #tpu.memory_space<vmem>>)
    %dma_wait3A_164 = arith.constant 0 : i32
    %dma_wait3A_165 = arith.constant 0 : i32
    %dma_wait3A_166 = tpu.memref_slice %arg9[%dma_wait3A_164, %dma_wait3A_165] : memref<1x128xi32, #tpu.memory_space<vmem>> -> memref<1x128xi32, #tpu.memory_space<vmem>>
    %dma_wait3A_167 = tpu.memref_squeeze %dma_wait3A_166 : memref<1x128xi32, #tpu.memory_space<vmem>> -> memref<128xi32, #tpu.memory_space<vmem>>
    %dma_wait3A_168 = arith.constant 0 : i32
    %dma_wait3A_169 = arith.constant 0 : i32
    %dma_wait3A_170 = tpu.memref_slice %arg13[%dma_wait3A_168, %dma_wait3A_169] : memref<10240x128xf32, #tpu.memory_space<vmem_shared>> -> memref<10240x128xf32, #tpu.memory_space<vmem_shared>>
    tpu.wait_indirect_dma semaphore(%arg16 : memref<!tpu.dma_semaphore, #tpu.memory_space<semaphore_mem>>) src(%arg11 : memref<128x128xf32, #tpu.memory_space<vmem>>) dst(%dma_wait3A_170 : memref<10240x128xf32, #tpu.memory_space<vmem_shared>>)
    %dma_start3A_171 = arith.constant 0 : i32
    %dma_start3A_172 = arith.constant 0 : i32
    %dma_start3A_173 = tpu.memref_slice %arg10[%dma_start3A_171, %dma_start3A_172] : memref<1x128xi32, #tpu.memory_space<vmem>> -> memref<1x128xi32, #tpu.memory_space<vmem>>
    %dma_start3A_174 = tpu.memref_squeeze %dma_start3A_173 : memref<1x128xi32, #tpu.memory_space<vmem>> -> memref<128xi32, #tpu.memory_space<vmem>>
    %dma_start3A_175 = arith.constant 0 : i32
    %dma_start3A_176 = arith.constant 0 : i32
    %dma_start3A_177 = tpu.memref_slice %arg13[%dma_start3A_175, %dma_start3A_176] : memref<10240x128xf32, #tpu.memory_space<vmem_shared>> -> memref<10240x128xf32, #tpu.memory_space<vmem_shared>>
    tpu.enqueue_indirect_dma source(%arg12 : memref<128x128xf32, #tpu.memory_space<vmem>>) target(%dma_start3A_177 : memref<10240x128xf32, #tpu.memory_space<vmem_shared>>) offsets(%dma_start3A_174 : memref<128xi32, #tpu.memory_space<vmem>>) semaphore(%arg17 : memref<!tpu.dma_semaphore, #tpu.memory_space<semaphore_mem>>) {add = true}
    %dma_start3A_178 = arith.constant 5 : i32
    %dma_start3A_179 = arith.constant 0 : i32
    %dma_start3A_180 = tpu.memref_slice %arg4[%arg1, %dma_start3A_178, %dma_start3A_179] : memref<16x80x128xi32, #tpu.memory_space<hbm>> -> memref<1x1x128xi32, #tpu.memory_space<hbm>>
    %dma_start3A_181 = tpu.memref_squeeze %dma_start3A_180 : memref<1x1x128xi32, #tpu.memory_space<hbm>> -> memref<1x128xi32, #tpu.memory_space<hbm>>
    %dma_start3A_182 = arith.constant 5 : i32
    %dma_start3A_183 = arith.constant 0 : i32
    %dma_start3A_184 = tpu.memref_slice %arg4[%arg1, %dma_start3A_182, %dma_start3A_183] : memref<16x80x128xi32, #tpu.memory_space<hbm>> -> memref<1x1x128xi32, #tpu.memory_space<hbm>>
    %dma_start3A_185 = tpu.memref_squeeze %dma_start3A_184 : memref<1x1x128xi32, #tpu.memory_space<hbm>> -> memref<1x128xi32, #tpu.memory_space<hbm>>
    tpu.enqueue_dma source(%dma_start3A_185 : memref<1x128xi32, #tpu.memory_space<hbm>>) target(%arg8 : memref<1x128xi32, #tpu.memory_space<vmem>>) target_semaphore(%arg19 : memref<!tpu.dma_semaphore, #tpu.memory_space<semaphore_mem>>)
    %dma_start3A_186 = arith.constant 4 : i32
    %dma_start3A_187 = arith.constant 0 : i32
    %dma_start3A_188 = tpu.memref_slice %arg6[%dma_start3A_186, %dma_start3A_187] : memref<80x128xi32, #tpu.memory_space<vmem>> -> memref<1x128xi32, #tpu.memory_space<vmem>>
    %dma_start3A_189 = tpu.memref_squeeze %dma_start3A_188 : memref<1x128xi32, #tpu.memory_space<vmem>> -> memref<128xi32, #tpu.memory_space<vmem>>
    %dma_start3A_190 = arith.constant 0 : i32
    %dma_start3A_191 = arith.constant 0 : i32
    %dma_start3A_192 = tpu.memref_slice %arg2[%dma_start3A_190, %dma_start3A_191] : memref<10240x128xf32, #tpu.memory_space<hbm>> -> memref<10240x128xf32, #tpu.memory_space<hbm>>
    tpu.enqueue_indirect_dma source(%dma_start3A_192 : memref<10240x128xf32, #tpu.memory_space<hbm>>) target(%arg11 : memref<128x128xf32, #tpu.memory_space<vmem>>) offsets(%dma_start3A_189 : memref<128xi32, #tpu.memory_space<vmem>>) semaphore(%arg14 : memref<!tpu.dma_semaphore, #tpu.memory_space<semaphore_mem>>)
    %scan3A = arith.constant 0 : i32
    %scan3A_193 = arith.constant 1 : i32
    %scan3A_194 = arith.constant 18 : i32
    %scan3A_195 = arith.addi %scan3A_193, %scan3A_194 : i32
    %scan3A_196 = arith.constant 1 : i32
    scf.for %scan3A_363 = %scan3A_193 to %scan3A_195 step %scan3A_196  : i32 {
      %mul3A_364 = arith.constant 4 : i32
      %mul3A_365 = arith.muli %mul3A_364, %scan3A_363 : i32
      %add3A = arith.constant 0 : i32
      %add3A_366 = arith.addi %mul3A_365, %add3A : i32
      %dma_wait3A_367 = arith.constant 0 : i32
      %dma_wait3A_368 = tpu.memref_slice %arg6[%add3A_366, %dma_wait3A_367] : memref<80x128xi32, #tpu.memory_space<vmem>> -> memref<1x128xi32, #tpu.memory_space<vmem>>
      %dma_wait3A_369 = tpu.memref_squeeze %dma_wait3A_368 : memref<1x128xi32, #tpu.memory_space<vmem>> -> memref<128xi32, #tpu.memory_space<vmem>>
      %dma_wait3A_370 = arith.constant 0 : i32
      %dma_wait3A_371 = arith.constant 0 : i32
      %dma_wait3A_372 = tpu.memref_slice %arg2[%dma_wait3A_370, %dma_wait3A_371] : memref<10240x128xf32, #tpu.memory_space<hbm>> -> memref<10240x128xf32, #tpu.memory_space<hbm>>
      tpu.wait_indirect_dma semaphore(%arg14 : memref<!tpu.dma_semaphore, #tpu.memory_space<semaphore_mem>>) src(%dma_wait3A_372 : memref<10240x128xf32, #tpu.memory_space<hbm>>) dst(%arg11 : memref<128x128xf32, #tpu.memory_space<vmem>>)
      %dma_wait3A_373 = arith.constant 0 : i32
      %dma_wait3A_374 = tpu.memref_slice %arg4[%arg1, %add3A_366, %dma_wait3A_373] : memref<16x80x128xi32, #tpu.memory_space<hbm>> -> memref<1x1x128xi32, #tpu.memory_space<hbm>>
      %dma_wait3A_375 = tpu.memref_squeeze %dma_wait3A_374 : memref<1x1x128xi32, #tpu.memory_space<hbm>> -> memref<1x128xi32, #tpu.memory_space<hbm>>
      %dma_wait3A_376 = arith.constant 0 : i32
      %dma_wait3A_377 = tpu.memref_slice %arg4[%arg1, %add3A_366, %dma_wait3A_376] : memref<16x80x128xi32, #tpu.memory_space<hbm>> -> memref<1x1x128xi32, #tpu.memory_space<hbm>>
      %dma_wait3A_378 = tpu.memref_squeeze %dma_wait3A_377 : memref<1x1x128xi32, #tpu.memory_space<hbm>> -> memref<1x128xi32, #tpu.memory_space<hbm>>
      tpu.wait_dma2 semaphore(%arg18 : memref<!tpu.dma_semaphore, #tpu.memory_space<semaphore_mem>>) src(%dma_wait3A_378 : memref<1x128xi32, #tpu.memory_space<hbm>>) dst(%arg7 : memref<1x128xi32, #tpu.memory_space<vmem>>)
      %sub3A = arith.constant 1 : i32
      %sub3A_379 = arith.subi %add3A_366, %sub3A : i32
      %dma_wait3A_380 = arith.constant 0 : i32
      %dma_wait3A_381 = arith.constant 0 : i32
      %dma_wait3A_382 = tpu.memref_slice %arg10[%dma_wait3A_380, %dma_wait3A_381] : memref<1x128xi32, #tpu.memory_space<vmem>> -> memref<1x128xi32, #tpu.memory_space<vmem>>
      %dma_wait3A_383 = tpu.memref_squeeze %dma_wait3A_382 : memref<1x128xi32, #tpu.memory_space<vmem>> -> memref<128xi32, #tpu.memory_space<vmem>>
      %dma_wait3A_384 = arith.constant 0 : i32
      %dma_wait3A_385 = arith.constant 0 : i32
      %dma_wait3A_386 = tpu.memref_slice %arg13[%dma_wait3A_384, %dma_wait3A_385] : memref<10240x128xf32, #tpu.memory_space<vmem_shared>> -> memref<10240x128xf32, #tpu.memory_space<vmem_shared>>
      tpu.wait_indirect_dma semaphore(%arg17 : memref<!tpu.dma_semaphore, #tpu.memory_space<semaphore_mem>>) src(%arg12 : memref<128x128xf32, #tpu.memory_space<vmem>>) dst(%dma_wait3A_386 : memref<10240x128xf32, #tpu.memory_space<vmem_shared>>)
      %dma_start3A_387 = arith.constant 0 : i32
      %dma_start3A_388 = arith.constant 0 : i32
      %dma_start3A_389 = tpu.memref_slice %arg7[%dma_start3A_387, %dma_start3A_388] : memref<1x128xi32, #tpu.memory_space<vmem>> -> memref<1x128xi32, #tpu.memory_space<vmem>>
      %dma_start3A_390 = tpu.memref_squeeze %dma_start3A_389 : memref<1x128xi32, #tpu.memory_space<vmem>> -> memref<128xi32, #tpu.memory_space<vmem>>
      %dma_start3A_391 = arith.constant 0 : i32
      %dma_start3A_392 = arith.constant 0 : i32
      %dma_start3A_393 = tpu.memref_slice %arg13[%dma_start3A_391, %dma_start3A_392] : memref<10240x128xf32, #tpu.memory_space<vmem_shared>> -> memref<10240x128xf32, #tpu.memory_space<vmem_shared>>
      tpu.enqueue_indirect_dma source(%arg11 : memref<128x128xf32, #tpu.memory_space<vmem>>) target(%dma_start3A_393 : memref<10240x128xf32, #tpu.memory_space<vmem_shared>>) offsets(%dma_start3A_390 : memref<128xi32, #tpu.memory_space<vmem>>) semaphore(%arg16 : memref<!tpu.dma_semaphore, #tpu.memory_space<semaphore_mem>>) {add = true}
      %add3A_394 = arith.constant 2 : i32
      %add3A_395 = arith.addi %add3A_366, %add3A_394 : i32
      %dma_start3A_396 = arith.constant 0 : i32
      %dma_start3A_397 = tpu.memref_slice %arg4[%arg1, %add3A_395, %dma_start3A_396] : memref<16x80x128xi32, #tpu.memory_space<hbm>> -> memref<1x1x128xi32, #tpu.memory_space<hbm>>
      %dma_start3A_398 = tpu.memref_squeeze %dma_start3A_397 : memref<1x1x128xi32, #tpu.memory_space<hbm>> -> memref<1x128xi32, #tpu.memory_space<hbm>>
      %dma_start3A_399 = arith.constant 0 : i32
      %dma_start3A_400 = tpu.memref_slice %arg4[%arg1, %add3A_395, %dma_start3A_399] : memref<16x80x128xi32, #tpu.memory_space<hbm>> -> memref<1x1x128xi32, #tpu.memory_space<hbm>>
      %dma_start3A_401 = tpu.memref_squeeze %dma_start3A_400 : memref<1x1x128xi32, #tpu.memory_space<hbm>> -> memref<1x128xi32, #tpu.memory_space<hbm>>
      tpu.enqueue_dma source(%dma_start3A_401 : memref<1x128xi32, #tpu.memory_space<hbm>>) target(%arg9 : memref<1x128xi32, #tpu.memory_space<vmem>>) target_semaphore(%arg20 : memref<!tpu.dma_semaphore, #tpu.memory_space<semaphore_mem>>)
      %add3A_402 = arith.constant 1 : i32
      %add3A_403 = arith.addi %add3A_366, %add3A_402 : i32
      %dma_start3A_404 = arith.constant 0 : i32
      %dma_start3A_405 = tpu.memref_slice %arg6[%add3A_403, %dma_start3A_404] : memref<80x128xi32, #tpu.memory_space<vmem>> -> memref<1x128xi32, #tpu.memory_space<vmem>>
      %dma_start3A_406 = tpu.memref_squeeze %dma_start3A_405 : memref<1x128xi32, #tpu.memory_space<vmem>> -> memref<128xi32, #tpu.memory_space<vmem>>
      %dma_start3A_407 = arith.constant 0 : i32
      %dma_start3A_408 = arith.constant 0 : i32
      %dma_start3A_409 = tpu.memref_slice %arg2[%dma_start3A_407, %dma_start3A_408] : memref<10240x128xf32, #tpu.memory_space<hbm>> -> memref<10240x128xf32, #tpu.memory_space<hbm>>
      tpu.enqueue_indirect_dma source(%dma_start3A_409 : memref<10240x128xf32, #tpu.memory_space<hbm>>) target(%arg12 : memref<128x128xf32, #tpu.memory_space<vmem>>) offsets(%dma_start3A_406 : memref<128xi32, #tpu.memory_space<vmem>>) semaphore(%arg15 : memref<!tpu.dma_semaphore, #tpu.memory_space<semaphore_mem>>)
      %add3A_410 = arith.constant 1 : i32
      %add3A_411 = arith.addi %mul3A_365, %add3A_410 : i32
      %dma_wait3A_412 = arith.constant 0 : i32
      %dma_wait3A_413 = tpu.memref_slice %arg6[%add3A_411, %dma_wait3A_412] : memref<80x128xi32, #tpu.memory_space<vmem>> -> memref<1x128xi32, #tpu.memory_space<vmem>>
      %dma_wait3A_414 = tpu.memref_squeeze %dma_wait3A_413 : memref<1x128xi32, #tpu.memory_space<vmem>> -> memref<128xi32, #tpu.memory_space<vmem>>
      %dma_wait3A_415 = arith.constant 0 : i32
      %dma_wait3A_416 = arith.constant 0 : i32
      %dma_wait3A_417 = tpu.memref_slice %arg2[%dma_wait3A_415, %dma_wait3A_416] : memref<10240x128xf32, #tpu.memory_space<hbm>> -> memref<10240x128xf32, #tpu.memory_space<hbm>>
      tpu.wait_indirect_dma semaphore(%arg15 : memref<!tpu.dma_semaphore, #tpu.memory_space<semaphore_mem>>) src(%dma_wait3A_417 : memref<10240x128xf32, #tpu.memory_space<hbm>>) dst(%arg12 : memref<128x128xf32, #tpu.memory_space<vmem>>)
      %dma_wait3A_418 = arith.constant 0 : i32
      %dma_wait3A_419 = tpu.memref_slice %arg4[%arg1, %add3A_411, %dma_wait3A_418] : memref<16x80x128xi32, #tpu.memory_space<hbm>> -> memref<1x1x128xi32, #tpu.memory_space<hbm>>
      %dma_wait3A_420 = tpu.memref_squeeze %dma_wait3A_419 : memref<1x1x128xi32, #tpu.memory_space<hbm>> -> memref<1x128xi32, #tpu.memory_space<hbm>>
      %dma_wait3A_421 = arith.constant 0 : i32
      %dma_wait3A_422 = tpu.memref_slice %arg4[%arg1, %add3A_411, %dma_wait3A_421] : memref<16x80x128xi32, #tpu.memory_space<hbm>> -> memref<1x1x128xi32, #tpu.memory_space<hbm>>
      %dma_wait3A_423 = tpu.memref_squeeze %dma_wait3A_422 : memref<1x1x128xi32, #tpu.memory_space<hbm>> -> memref<1x128xi32, #tpu.memory_space<hbm>>
      tpu.wait_dma2 semaphore(%arg19 : memref<!tpu.dma_semaphore, #tpu.memory_space<semaphore_mem>>) src(%dma_wait3A_423 : memref<1x128xi32, #tpu.memory_space<hbm>>) dst(%arg8 : memref<1x128xi32, #tpu.memory_space<vmem>>)
      %sub3A_424 = arith.constant 1 : i32
      %sub3A_425 = arith.subi %add3A_411, %sub3A_424 : i32
      %dma_wait3A_426 = arith.constant 0 : i32
      %dma_wait3A_427 = arith.constant 0 : i32
      %dma_wait3A_428 = tpu.memref_slice %arg7[%dma_wait3A_426, %dma_wait3A_427] : memref<1x128xi32, #tpu.memory_space<vmem>> -> memref<1x128xi32, #tpu.memory_space<vmem>>
      %dma_wait3A_429 = tpu.memref_squeeze %dma_wait3A_428 : memref<1x128xi32, #tpu.memory_space<vmem>> -> memref<128xi32, #tpu.memory_space<vmem>>
      %dma_wait3A_430 = arith.constant 0 : i32
      %dma_wait3A_431 = arith.constant 0 : i32
      %dma_wait3A_432 = tpu.memref_slice %arg13[%dma_wait3A_430, %dma_wait3A_431] : memref<10240x128xf32, #tpu.memory_space<vmem_shared>> -> memref<10240x128xf32, #tpu.memory_space<vmem_shared>>
      tpu.wait_indirect_dma semaphore(%arg16 : memref<!tpu.dma_semaphore, #tpu.memory_space<semaphore_mem>>) src(%arg11 : memref<128x128xf32, #tpu.memory_space<vmem>>) dst(%dma_wait3A_432 : memref<10240x128xf32, #tpu.memory_space<vmem_shared>>)
      %dma_start3A_433 = arith.constant 0 : i32
      %dma_start3A_434 = arith.constant 0 : i32
      %dma_start3A_435 = tpu.memref_slice %arg8[%dma_start3A_433, %dma_start3A_434] : memref<1x128xi32, #tpu.memory_space<vmem>> -> memref<1x128xi32, #tpu.memory_space<vmem>>
      %dma_start3A_436 = tpu.memref_squeeze %dma_start3A_435 : memref<1x128xi32, #tpu.memory_space<vmem>> -> memref<128xi32, #tpu.memory_space<vmem>>
      %dma_start3A_437 = arith.constant 0 : i32
      %dma_start3A_438 = arith.constant 0 : i32
      %dma_start3A_439 = tpu.memref_slice %arg13[%dma_start3A_437, %dma_start3A_438] : memref<10240x128xf32, #tpu.memory_space<vmem_shared>> -> memref<10240x128xf32, #tpu.memory_space<vmem_shared>>
      tpu.enqueue_indirect_dma source(%arg12 : memref<128x128xf32, #tpu.memory_space<vmem>>) target(%dma_start3A_439 : memref<10240x128xf32, #tpu.memory_space<vmem_shared>>) offsets(%dma_start3A_436 : memref<128xi32, #tpu.memory_space<vmem>>) semaphore(%arg17 : memref<!tpu.dma_semaphore, #tpu.memory_space<semaphore_mem>>) {add = true}
      %add3A_440 = arith.constant 2 : i32
      %add3A_441 = arith.addi %add3A_411, %add3A_440 : i32
      %dma_start3A_442 = arith.constant 0 : i32
      %dma_start3A_443 = tpu.memref_slice %arg4[%arg1, %add3A_441, %dma_start3A_442] : memref<16x80x128xi32, #tpu.memory_space<hbm>> -> memref<1x1x128xi32, #tpu.memory_space<hbm>>
      %dma_start3A_444 = tpu.memref_squeeze %dma_start3A_443 : memref<1x1x128xi32, #tpu.memory_space<hbm>> -> memref<1x128xi32, #tpu.memory_space<hbm>>
      %dma_start3A_445 = arith.constant 0 : i32
      %dma_start3A_446 = tpu.memref_slice %arg4[%arg1, %add3A_441, %dma_start3A_445] : memref<16x80x128xi32, #tpu.memory_space<hbm>> -> memref<1x1x128xi32, #tpu.memory_space<hbm>>
      %dma_start3A_447 = tpu.memref_squeeze %dma_start3A_446 : memref<1x1x128xi32, #tpu.memory_space<hbm>> -> memref<1x128xi32, #tpu.memory_space<hbm>>
      tpu.enqueue_dma source(%dma_start3A_447 : memref<1x128xi32, #tpu.memory_space<hbm>>) target(%arg10 : memref<1x128xi32, #tpu.memory_space<vmem>>) target_semaphore(%arg21 : memref<!tpu.dma_semaphore, #tpu.memory_space<semaphore_mem>>)
      %add3A_448 = arith.constant 1 : i32
      %add3A_449 = arith.addi %add3A_411, %add3A_448 : i32
      %dma_start3A_450 = arith.constant 0 : i32
      %dma_start3A_451 = tpu.memref_slice %arg6[%add3A_449, %dma_start3A_450] : memref<80x128xi32, #tpu.memory_space<vmem>> -> memref<1x128xi32, #tpu.memory_space<vmem>>
      %dma_start3A_452 = tpu.memref_squeeze %dma_start3A_451 : memref<1x128xi32, #tpu.memory_space<vmem>> -> memref<128xi32, #tpu.memory_space<vmem>>
      %dma_start3A_453 = arith.constant 0 : i32
      %dma_start3A_454 = arith.constant 0 : i32
      %dma_start3A_455 = tpu.memref_slice %arg2[%dma_start3A_453, %dma_start3A_454] : memref<10240x128xf32, #tpu.memory_space<hbm>> -> memref<10240x128xf32, #tpu.memory_space<hbm>>
      tpu.enqueue_indirect_dma source(%dma_start3A_455 : memref<10240x128xf32, #tpu.memory_space<hbm>>) target(%arg11 : memref<128x128xf32, #tpu.memory_space<vmem>>) offsets(%dma_start3A_452 : memref<128xi32, #tpu.memory_space<vmem>>) semaphore(%arg14 : memref<!tpu.dma_semaphore, #tpu.memory_space<semaphore_mem>>)
      %add3A_456 = arith.constant 2 : i32
      %add3A_457 = arith.addi %mul3A_365, %add3A_456 : i32
      %dma_wait3A_458 = arith.constant 0 : i32
      %dma_wait3A_459 = tpu.memref_slice %arg6[%add3A_457, %dma_wait3A_458] : memref<80x128xi32, #tpu.memory_space<vmem>> -> memref<1x128xi32, #tpu.memory_space<vmem>>
      %dma_wait3A_460 = tpu.memref_squeeze %dma_wait3A_459 : memref<1x128xi32, #tpu.memory_space<vmem>> -> memref<128xi32, #tpu.memory_space<vmem>>
      %dma_wait3A_461 = arith.constant 0 : i32
      %dma_wait3A_462 = arith.constant 0 : i32
      %dma_wait3A_463 = tpu.memref_slice %arg2[%dma_wait3A_461, %dma_wait3A_462] : memref<10240x128xf32, #tpu.memory_space<hbm>> -> memref<10240x128xf32, #tpu.memory_space<hbm>>
      tpu.wait_indirect_dma semaphore(%arg14 : memref<!tpu.dma_semaphore, #tpu.memory_space<semaphore_mem>>) src(%dma_wait3A_463 : memref<10240x128xf32, #tpu.memory_space<hbm>>) dst(%arg11 : memref<128x128xf32, #tpu.memory_space<vmem>>)
      %dma_wait3A_464 = arith.constant 0 : i32
      %dma_wait3A_465 = tpu.memref_slice %arg4[%arg1, %add3A_457, %dma_wait3A_464] : memref<16x80x128xi32, #tpu.memory_space<hbm>> -> memref<1x1x128xi32, #tpu.memory_space<hbm>>
      %dma_wait3A_466 = tpu.memref_squeeze %dma_wait3A_465 : memref<1x1x128xi32, #tpu.memory_space<hbm>> -> memref<1x128xi32, #tpu.memory_space<hbm>>
      %dma_wait3A_467 = arith.constant 0 : i32
      %dma_wait3A_468 = tpu.memref_slice %arg4[%arg1, %add3A_457, %dma_wait3A_467] : memref<16x80x128xi32, #tpu.memory_space<hbm>> -> memref<1x1x128xi32, #tpu.memory_space<hbm>>
      %dma_wait3A_469 = tpu.memref_squeeze %dma_wait3A_468 : memref<1x1x128xi32, #tpu.memory_space<hbm>> -> memref<1x128xi32, #tpu.memory_space<hbm>>
      tpu.wait_dma2 semaphore(%arg20 : memref<!tpu.dma_semaphore, #tpu.memory_space<semaphore_mem>>) src(%dma_wait3A_469 : memref<1x128xi32, #tpu.memory_space<hbm>>) dst(%arg9 : memref<1x128xi32, #tpu.memory_space<vmem>>)
      %sub3A_470 = arith.constant 1 : i32
      %sub3A_471 = arith.subi %add3A_457, %sub3A_470 : i32
      %dma_wait3A_472 = arith.constant 0 : i32
      %dma_wait3A_473 = arith.constant 0 : i32
      %dma_wait3A_474 = tpu.memref_slice %arg8[%dma_wait3A_472, %dma_wait3A_473] : memref<1x128xi32, #tpu.memory_space<vmem>> -> memref<1x128xi32, #tpu.memory_space<vmem>>
      %dma_wait3A_475 = tpu.memref_squeeze %dma_wait3A_474 : memref<1x128xi32, #tpu.memory_space<vmem>> -> memref<128xi32, #tpu.memory_space<vmem>>
      %dma_wait3A_476 = arith.constant 0 : i32
      %dma_wait3A_477 = arith.constant 0 : i32
      %dma_wait3A_478 = tpu.memref_slice %arg13[%dma_wait3A_476, %dma_wait3A_477] : memref<10240x128xf32, #tpu.memory_space<vmem_shared>> -> memref<10240x128xf32, #tpu.memory_space<vmem_shared>>
      tpu.wait_indirect_dma semaphore(%arg17 : memref<!tpu.dma_semaphore, #tpu.memory_space<semaphore_mem>>) src(%arg12 : memref<128x128xf32, #tpu.memory_space<vmem>>) dst(%dma_wait3A_478 : memref<10240x128xf32, #tpu.memory_space<vmem_shared>>)
      %dma_start3A_479 = arith.constant 0 : i32
      %dma_start3A_480 = arith.constant 0 : i32
      %dma_start3A_481 = tpu.memref_slice %arg9[%dma_start3A_479, %dma_start3A_480] : memref<1x128xi32, #tpu.memory_space<vmem>> -> memref<1x128xi32, #tpu.memory_space<vmem>>
      %dma_start3A_482 = tpu.memref_squeeze %dma_start3A_481 : memref<1x128xi32, #tpu.memory_space<vmem>> -> memref<128xi32, #tpu.memory_space<vmem>>
      %dma_start3A_483 = arith.constant 0 : i32
      %dma_start3A_484 = arith.constant 0 : i32
      %dma_start3A_485 = tpu.memref_slice %arg13[%dma_start3A_483, %dma_start3A_484] : memref<10240x128xf32, #tpu.memory_space<vmem_shared>> -> memref<10240x128xf32, #tpu.memory_space<vmem_shared>>
      tpu.enqueue_indirect_dma source(%arg11 : memref<128x128xf32, #tpu.memory_space<vmem>>) target(%dma_start3A_485 : memref<10240x128xf32, #tpu.memory_space<vmem_shared>>) offsets(%dma_start3A_482 : memref<128xi32, #tpu.memory_space<vmem>>) semaphore(%arg16 : memref<!tpu.dma_semaphore, #tpu.memory_space<semaphore_mem>>) {add = true}
      %add3A_486 = arith.constant 2 : i32
      %add3A_487 = arith.addi %add3A_457, %add3A_486 : i32
      %dma_start3A_488 = arith.constant 0 : i32
      %dma_start3A_489 = tpu.memref_slice %arg4[%arg1, %add3A_487, %dma_start3A_488] : memref<16x80x128xi32, #tpu.memory_space<hbm>> -> memref<1x1x128xi32, #tpu.memory_space<hbm>>
      %dma_start3A_490 = tpu.memref_squeeze %dma_start3A_489 : memref<1x1x128xi32, #tpu.memory_space<hbm>> -> memref<1x128xi32, #tpu.memory_space<hbm>>
      %dma_start3A_491 = arith.constant 0 : i32
      %dma_start3A_492 = tpu.memref_slice %arg4[%arg1, %add3A_487, %dma_start3A_491] : memref<16x80x128xi32, #tpu.memory_space<hbm>> -> memref<1x1x128xi32, #tpu.memory_space<hbm>>
      %dma_start3A_493 = tpu.memref_squeeze %dma_start3A_492 : memref<1x1x128xi32, #tpu.memory_space<hbm>> -> memref<1x128xi32, #tpu.memory_space<hbm>>
      tpu.enqueue_dma source(%dma_start3A_493 : memref<1x128xi32, #tpu.memory_space<hbm>>) target(%arg7 : memref<1x128xi32, #tpu.memory_space<vmem>>) target_semaphore(%arg18 : memref<!tpu.dma_semaphore, #tpu.memory_space<semaphore_mem>>)
      %add3A_494 = arith.constant 1 : i32
      %add3A_495 = arith.addi %add3A_457, %add3A_494 : i32
      %dma_start3A_496 = arith.constant 0 : i32
      %dma_start3A_497 = tpu.memref_slice %arg6[%add3A_495, %dma_start3A_496] : memref<80x128xi32, #tpu.memory_space<vmem>> -> memref<1x128xi32, #tpu.memory_space<vmem>>
      %dma_start3A_498 = tpu.memref_squeeze %dma_start3A_497 : memref<1x128xi32, #tpu.memory_space<vmem>> -> memref<128xi32, #tpu.memory_space<vmem>>
      %dma_start3A_499 = arith.constant 0 : i32
      %dma_start3A_500 = arith.constant 0 : i32
      %dma_start3A_501 = tpu.memref_slice %arg2[%dma_start3A_499, %dma_start3A_500] : memref<10240x128xf32, #tpu.memory_space<hbm>> -> memref<10240x128xf32, #tpu.memory_space<hbm>>
      tpu.enqueue_indirect_dma source(%dma_start3A_501 : memref<10240x128xf32, #tpu.memory_space<hbm>>) target(%arg12 : memref<128x128xf32, #tpu.memory_space<vmem>>) offsets(%dma_start3A_498 : memref<128xi32, #tpu.memory_space<vmem>>) semaphore(%arg15 : memref<!tpu.dma_semaphore, #tpu.memory_space<semaphore_mem>>)
      %add3A_502 = arith.constant 3 : i32
      %add3A_503 = arith.addi %mul3A_365, %add3A_502 : i32
      %dma_wait3A_504 = arith.constant 0 : i32
      %dma_wait3A_505 = tpu.memref_slice %arg6[%add3A_503, %dma_wait3A_504] : memref<80x128xi32, #tpu.memory_space<vmem>> -> memref<1x128xi32, #tpu.memory_space<vmem>>
      %dma_wait3A_506 = tpu.memref_squeeze %dma_wait3A_505 : memref<1x128xi32, #tpu.memory_space<vmem>> -> memref<128xi32, #tpu.memory_space<vmem>>
      %dma_wait3A_507 = arith.constant 0 : i32
      %dma_wait3A_508 = arith.constant 0 : i32
      %dma_wait3A_509 = tpu.memref_slice %arg2[%dma_wait3A_507, %dma_wait3A_508] : memref<10240x128xf32, #tpu.memory_space<hbm>> -> memref<10240x128xf32, #tpu.memory_space<hbm>>
      tpu.wait_indirect_dma semaphore(%arg15 : memref<!tpu.dma_semaphore, #tpu.memory_space<semaphore_mem>>) src(%dma_wait3A_509 : memref<10240x128xf32, #tpu.memory_space<hbm>>) dst(%arg12 : memref<128x128xf32, #tpu.memory_space<vmem>>)
      %dma_wait3A_510 = arith.constant 0 : i32
      %dma_wait3A_511 = tpu.memref_slice %arg4[%arg1, %add3A_503, %dma_wait3A_510] : memref<16x80x128xi32, #tpu.memory_space<hbm>> -> memref<1x1x128xi32, #tpu.memory_space<hbm>>
      %dma_wait3A_512 = tpu.memref_squeeze %dma_wait3A_511 : memref<1x1x128xi32, #tpu.memory_space<hbm>> -> memref<1x128xi32, #tpu.memory_space<hbm>>
      %dma_wait3A_513 = arith.constant 0 : i32
      %dma_wait3A_514 = tpu.memref_slice %arg4[%arg1, %add3A_503, %dma_wait3A_513] : memref<16x80x128xi32, #tpu.memory_space<hbm>> -> memref<1x1x128xi32, #tpu.memory_space<hbm>>
      %dma_wait3A_515 = tpu.memref_squeeze %dma_wait3A_514 : memref<1x1x128xi32, #tpu.memory_space<hbm>> -> memref<1x128xi32, #tpu.memory_space<hbm>>
      tpu.wait_dma2 semaphore(%arg21 : memref<!tpu.dma_semaphore, #tpu.memory_space<semaphore_mem>>) src(%dma_wait3A_515 : memref<1x128xi32, #tpu.memory_space<hbm>>) dst(%arg10 : memref<1x128xi32, #tpu.memory_space<vmem>>)
      %sub3A_516 = arith.constant 1 : i32
      %sub3A_517 = arith.subi %add3A_503, %sub3A_516 : i32
      %dma_wait3A_518 = arith.constant 0 : i32
      %dma_wait3A_519 = arith.constant 0 : i32
      %dma_wait3A_520 = tpu.memref_slice %arg9[%dma_wait3A_518, %dma_wait3A_519] : memref<1x128xi32, #tpu.memory_space<vmem>> -> memref<1x128xi32, #tpu.memory_space<vmem>>
      %dma_wait3A_521 = tpu.memref_squeeze %dma_wait3A_520 : memref<1x128xi32, #tpu.memory_space<vmem>> -> memref<128xi32, #tpu.memory_space<vmem>>
      %dma_wait3A_522 = arith.constant 0 : i32
      %dma_wait3A_523 = arith.constant 0 : i32
      %dma_wait3A_524 = tpu.memref_slice %arg13[%dma_wait3A_522, %dma_wait3A_523] : memref<10240x128xf32, #tpu.memory_space<vmem_shared>> -> memref<10240x128xf32, #tpu.memory_space<vmem_shared>>
      tpu.wait_indirect_dma semaphore(%arg16 : memref<!tpu.dma_semaphore, #tpu.memory_space<semaphore_mem>>) src(%arg11 : memref<128x128xf32, #tpu.memory_space<vmem>>) dst(%dma_wait3A_524 : memref<10240x128xf32, #tpu.memory_space<vmem_shared>>)
      %dma_start3A_525 = arith.constant 0 : i32
      %dma_start3A_526 = arith.constant 0 : i32
      %dma_start3A_527 = tpu.memref_slice %arg10[%dma_start3A_525, %dma_start3A_526] : memref<1x128xi32, #tpu.memory_space<vmem>> -> memref<1x128xi32, #tpu.memory_space<vmem>>
      %dma_start3A_528 = tpu.memref_squeeze %dma_start3A_527 : memref<1x128xi32, #tpu.memory_space<vmem>> -> memref<128xi32, #tpu.memory_space<vmem>>
      %dma_start3A_529 = arith.constant 0 : i32
      %dma_start3A_530 = arith.constant 0 : i32
      %dma_start3A_531 = tpu.memref_slice %arg13[%dma_start3A_529, %dma_start3A_530] : memref<10240x128xf32, #tpu.memory_space<vmem_shared>> -> memref<10240x128xf32, #tpu.memory_space<vmem_shared>>
      tpu.enqueue_indirect_dma source(%arg12 : memref<128x128xf32, #tpu.memory_space<vmem>>) target(%dma_start3A_531 : memref<10240x128xf32, #tpu.memory_space<vmem_shared>>) offsets(%dma_start3A_528 : memref<128xi32, #tpu.memory_space<vmem>>) semaphore(%arg17 : memref<!tpu.dma_semaphore, #tpu.memory_space<semaphore_mem>>) {add = true}
      %add3A_532 = arith.constant 2 : i32
      %add3A_533 = arith.addi %add3A_503, %add3A_532 : i32
      %dma_start3A_534 = arith.constant 0 : i32
      %dma_start3A_535 = tpu.memref_slice %arg4[%arg1, %add3A_533, %dma_start3A_534] : memref<16x80x128xi32, #tpu.memory_space<hbm>> -> memref<1x1x128xi32, #tpu.memory_space<hbm>>
      %dma_start3A_536 = tpu.memref_squeeze %dma_start3A_535 : memref<1x1x128xi32, #tpu.memory_space<hbm>> -> memref<1x128xi32, #tpu.memory_space<hbm>>
      %dma_start3A_537 = arith.constant 0 : i32
      %dma_start3A_538 = tpu.memref_slice %arg4[%arg1, %add3A_533, %dma_start3A_537] : memref<16x80x128xi32, #tpu.memory_space<hbm>> -> memref<1x1x128xi32, #tpu.memory_space<hbm>>
      %dma_start3A_539 = tpu.memref_squeeze %dma_start3A_538 : memref<1x1x128xi32, #tpu.memory_space<hbm>> -> memref<1x128xi32, #tpu.memory_space<hbm>>
      tpu.enqueue_dma source(%dma_start3A_539 : memref<1x128xi32, #tpu.memory_space<hbm>>) target(%arg8 : memref<1x128xi32, #tpu.memory_space<vmem>>) target_semaphore(%arg19 : memref<!tpu.dma_semaphore, #tpu.memory_space<semaphore_mem>>)
      %add3A_540 = arith.constant 1 : i32
      %add3A_541 = arith.addi %add3A_503, %add3A_540 : i32
      %dma_start3A_542 = arith.constant 0 : i32
      %dma_start3A_543 = tpu.memref_slice %arg6[%add3A_541, %dma_start3A_542] : memref<80x128xi32, #tpu.memory_space<vmem>> -> memref<1x128xi32, #tpu.memory_space<vmem>>
      %dma_start3A_544 = tpu.memref_squeeze %dma_start3A_543 : memref<1x128xi32, #tpu.memory_space<vmem>> -> memref<128xi32, #tpu.memory_space<vmem>>
      %dma_start3A_545 = arith.constant 0 : i32
      %dma_start3A_546 = arith.constant 0 : i32
      %dma_start3A_547 = tpu.memref_slice %arg2[%dma_start3A_545, %dma_start3A_546] : memref<10240x128xf32, #tpu.memory_space<hbm>> -> memref<10240x128xf32, #tpu.memory_space<hbm>>
      tpu.enqueue_indirect_dma source(%dma_start3A_547 : memref<10240x128xf32, #tpu.memory_space<hbm>>) target(%arg11 : memref<128x128xf32, #tpu.memory_space<vmem>>) offsets(%dma_start3A_544 : memref<128xi32, #tpu.memory_space<vmem>>) semaphore(%arg14 : memref<!tpu.dma_semaphore, #tpu.memory_space<semaphore_mem>>)
    }
    %scan3A_197 = arith.constant 18 : i32
    %dma_wait3A_198 = arith.constant 76 : i32
    %dma_wait3A_199 = arith.constant 0 : i32
    %dma_wait3A_200 = tpu.memref_slice %arg6[%dma_wait3A_198, %dma_wait3A_199] : memref<80x128xi32, #tpu.memory_space<vmem>> -> memref<1x128xi32, #tpu.memory_space<vmem>>
    %dma_wait3A_201 = tpu.memref_squeeze %dma_wait3A_200 : memref<1x128xi32, #tpu.memory_space<vmem>> -> memref<128xi32, #tpu.memory_space<vmem>>
    %dma_wait3A_202 = arith.constant 0 : i32
    %dma_wait3A_203 = arith.constant 0 : i32
    %dma_wait3A_204 = tpu.memref_slice %arg2[%dma_wait3A_202, %dma_wait3A_203] : memref<10240x128xf32, #tpu.memory_space<hbm>> -> memref<10240x128xf32, #tpu.memory_space<hbm>>
    tpu.wait_indirect_dma semaphore(%arg14 : memref<!tpu.dma_semaphore, #tpu.memory_space<semaphore_mem>>) src(%dma_wait3A_204 : memref<10240x128xf32, #tpu.memory_space<hbm>>) dst(%arg11 : memref<128x128xf32, #tpu.memory_space<vmem>>)
    %dma_wait3A_205 = arith.constant 76 : i32
    %dma_wait3A_206 = arith.constant 0 : i32
    %dma_wait3A_207 = tpu.memref_slice %arg4[%arg1, %dma_wait3A_205, %dma_wait3A_206] : memref<16x80x128xi32, #tpu.memory_space<hbm>> -> memref<1x1x128xi32, #tpu.memory_space<hbm>>
    %dma_wait3A_208 = tpu.memref_squeeze %dma_wait3A_207 : memref<1x1x128xi32, #tpu.memory_space<hbm>> -> memref<1x128xi32, #tpu.memory_space<hbm>>
    %dma_wait3A_209 = arith.constant 76 : i32
    %dma_wait3A_210 = arith.constant 0 : i32
    %dma_wait3A_211 = tpu.memref_slice %arg4[%arg1, %dma_wait3A_209, %dma_wait3A_210] : memref<16x80x128xi32, #tpu.memory_space<hbm>> -> memref<1x1x128xi32, #tpu.memory_space<hbm>>
    %dma_wait3A_212 = tpu.memref_squeeze %dma_wait3A_211 : memref<1x1x128xi32, #tpu.memory_space<hbm>> -> memref<1x128xi32, #tpu.memory_space<hbm>>
    tpu.wait_dma2 semaphore(%arg18 : memref<!tpu.dma_semaphore, #tpu.memory_space<semaphore_mem>>) src(%dma_wait3A_212 : memref<1x128xi32, #tpu.memory_space<hbm>>) dst(%arg7 : memref<1x128xi32, #tpu.memory_space<vmem>>)
    %dma_wait3A_213 = arith.constant 0 : i32
    %dma_wait3A_214 = arith.constant 0 : i32
    %dma_wait3A_215 = tpu.memref_slice %arg10[%dma_wait3A_213, %dma_wait3A_214] : memref<1x128xi32, #tpu.memory_space<vmem>> -> memref<1x128xi32, #tpu.memory_space<vmem>>
    %dma_wait3A_216 = tpu.memref_squeeze %dma_wait3A_215 : memref<1x128xi32, #tpu.memory_space<vmem>> -> memref<128xi32, #tpu.memory_space<vmem>>
    %dma_wait3A_217 = arith.constant 0 : i32
    %dma_wait3A_218 = arith.constant 0 : i32
    %dma_wait3A_219 = tpu.memref_slice %arg13[%dma_wait3A_217, %dma_wait3A_218] : memref<10240x128xf32, #tpu.memory_space<vmem_shared>> -> memref<10240x128xf32, #tpu.memory_space<vmem_shared>>
    tpu.wait_indirect_dma semaphore(%arg17 : memref<!tpu.dma_semaphore, #tpu.memory_space<semaphore_mem>>) src(%arg12 : memref<128x128xf32, #tpu.memory_space<vmem>>) dst(%dma_wait3A_219 : memref<10240x128xf32, #tpu.memory_space<vmem_shared>>)
    %dma_start3A_220 = arith.constant 0 : i32
    %dma_start3A_221 = arith.constant 0 : i32
    %dma_start3A_222 = tpu.memref_slice %arg7[%dma_start3A_220, %dma_start3A_221] : memref<1x128xi32, #tpu.memory_space<vmem>> -> memref<1x128xi32, #tpu.memory_space<vmem>>
    %dma_start3A_223 = tpu.memref_squeeze %dma_start3A_222 : memref<1x128xi32, #tpu.memory_space<vmem>> -> memref<128xi32, #tpu.memory_space<vmem>>
    %dma_start3A_224 = arith.constant 0 : i32
    %dma_start3A_225 = arith.constant 0 : i32
    %dma_start3A_226 = tpu.memref_slice %arg13[%dma_start3A_224, %dma_start3A_225] : memref<10240x128xf32, #tpu.memory_space<vmem_shared>> -> memref<10240x128xf32, #tpu.memory_space<vmem_shared>>
    tpu.enqueue_indirect_dma source(%arg11 : memref<128x128xf32, #tpu.memory_space<vmem>>) target(%dma_start3A_226 : memref<10240x128xf32, #tpu.memory_space<vmem_shared>>) offsets(%dma_start3A_223 : memref<128xi32, #tpu.memory_space<vmem>>) semaphore(%arg16 : memref<!tpu.dma_semaphore, #tpu.memory_space<semaphore_mem>>) {add = true}
    %dma_start3A_227 = arith.constant 78 : i32
    %dma_start3A_228 = arith.constant 0 : i32
    %dma_start3A_229 = tpu.memref_slice %arg4[%arg1, %dma_start3A_227, %dma_start3A_228] : memref<16x80x128xi32, #tpu.memory_space<hbm>> -> memref<1x1x128xi32, #tpu.memory_space<hbm>>
    %dma_start3A_230 = tpu.memref_squeeze %dma_start3A_229 : memref<1x1x128xi32, #tpu.memory_space<hbm>> -> memref<1x128xi32, #tpu.memory_space<hbm>>
    %dma_start3A_231 = arith.constant 78 : i32
    %dma_start3A_232 = arith.constant 0 : i32
    %dma_start3A_233 = tpu.memref_slice %arg4[%arg1, %dma_start3A_231, %dma_start3A_232] : memref<16x80x128xi32, #tpu.memory_space<hbm>> -> memref<1x1x128xi32, #tpu.memory_space<hbm>>
    %dma_start3A_234 = tpu.memref_squeeze %dma_start3A_233 : memref<1x1x128xi32, #tpu.memory_space<hbm>> -> memref<1x128xi32, #tpu.memory_space<hbm>>
    tpu.enqueue_dma source(%dma_start3A_234 : memref<1x128xi32, #tpu.memory_space<hbm>>) target(%arg9 : memref<1x128xi32, #tpu.memory_space<vmem>>) target_semaphore(%arg20 : memref<!tpu.dma_semaphore, #tpu.memory_space<semaphore_mem>>)
    %dma_start3A_235 = arith.constant 77 : i32
    %dma_start3A_236 = arith.constant 0 : i32
    %dma_start3A_237 = tpu.memref_slice %arg6[%dma_start3A_235, %dma_start3A_236] : memref<80x128xi32, #tpu.memory_space<vmem>> -> memref<1x128xi32, #tpu.memory_space<vmem>>
    %dma_start3A_238 = tpu.memref_squeeze %dma_start3A_237 : memref<1x128xi32, #tpu.memory_space<vmem>> -> memref<128xi32, #tpu.memory_space<vmem>>
    %dma_start3A_239 = arith.constant 0 : i32
    %dma_start3A_240 = arith.constant 0 : i32
    %dma_start3A_241 = tpu.memref_slice %arg2[%dma_start3A_239, %dma_start3A_240] : memref<10240x128xf32, #tpu.memory_space<hbm>> -> memref<10240x128xf32, #tpu.memory_space<hbm>>
    tpu.enqueue_indirect_dma source(%dma_start3A_241 : memref<10240x128xf32, #tpu.memory_space<hbm>>) target(%arg12 : memref<128x128xf32, #tpu.memory_space<vmem>>) offsets(%dma_start3A_238 : memref<128xi32, #tpu.memory_space<vmem>>) semaphore(%arg15 : memref<!tpu.dma_semaphore, #tpu.memory_space<semaphore_mem>>)
    %dma_wait3A_242 = arith.constant 77 : i32
    %dma_wait3A_243 = arith.constant 0 : i32
    %dma_wait3A_244 = tpu.memref_slice %arg6[%dma_wait3A_242, %dma_wait3A_243] : memref<80x128xi32, #tpu.memory_space<vmem>> -> memref<1x128xi32, #tpu.memory_space<vmem>>
    %dma_wait3A_245 = tpu.memref_squeeze %dma_wait3A_244 : memref<1x128xi32, #tpu.memory_space<vmem>> -> memref<128xi32, #tpu.memory_space<vmem>>
    %dma_wait3A_246 = arith.constant 0 : i32
    %dma_wait3A_247 = arith.constant 0 : i32
    %dma_wait3A_248 = tpu.memref_slice %arg2[%dma_wait3A_246, %dma_wait3A_247] : memref<10240x128xf32, #tpu.memory_space<hbm>> -> memref<10240x128xf32, #tpu.memory_space<hbm>>
    tpu.wait_indirect_dma semaphore(%arg15 : memref<!tpu.dma_semaphore, #tpu.memory_space<semaphore_mem>>) src(%dma_wait3A_248 : memref<10240x128xf32, #tpu.memory_space<hbm>>) dst(%arg12 : memref<128x128xf32, #tpu.memory_space<vmem>>)
    %dma_wait3A_249 = arith.constant 77 : i32
    %dma_wait3A_250 = arith.constant 0 : i32
    %dma_wait3A_251 = tpu.memref_slice %arg4[%arg1, %dma_wait3A_249, %dma_wait3A_250] : memref<16x80x128xi32, #tpu.memory_space<hbm>> -> memref<1x1x128xi32, #tpu.memory_space<hbm>>
    %dma_wait3A_252 = tpu.memref_squeeze %dma_wait3A_251 : memref<1x1x128xi32, #tpu.memory_space<hbm>> -> memref<1x128xi32, #tpu.memory_space<hbm>>
    %dma_wait3A_253 = arith.constant 77 : i32
    %dma_wait3A_254 = arith.constant 0 : i32
    %dma_wait3A_255 = tpu.memref_slice %arg4[%arg1, %dma_wait3A_253, %dma_wait3A_254] : memref<16x80x128xi32, #tpu.memory_space<hbm>> -> memref<1x1x128xi32, #tpu.memory_space<hbm>>
    %dma_wait3A_256 = tpu.memref_squeeze %dma_wait3A_255 : memref<1x1x128xi32, #tpu.memory_space<hbm>> -> memref<1x128xi32, #tpu.memory_space<hbm>>
    tpu.wait_dma2 semaphore(%arg19 : memref<!tpu.dma_semaphore, #tpu.memory_space<semaphore_mem>>) src(%dma_wait3A_256 : memref<1x128xi32, #tpu.memory_space<hbm>>) dst(%arg8 : memref<1x128xi32, #tpu.memory_space<vmem>>)
    %dma_wait3A_257 = arith.constant 0 : i32
    %dma_wait3A_258 = arith.constant 0 : i32
    %dma_wait3A_259 = tpu.memref_slice %arg7[%dma_wait3A_257, %dma_wait3A_258] : memref<1x128xi32, #tpu.memory_space<vmem>> -> memref<1x128xi32, #tpu.memory_space<vmem>>
    %dma_wait3A_260 = tpu.memref_squeeze %dma_wait3A_259 : memref<1x128xi32, #tpu.memory_space<vmem>> -> memref<128xi32, #tpu.memory_space<vmem>>
    %dma_wait3A_261 = arith.constant 0 : i32
    %dma_wait3A_262 = arith.constant 0 : i32
    %dma_wait3A_263 = tpu.memref_slice %arg13[%dma_wait3A_261, %dma_wait3A_262] : memref<10240x128xf32, #tpu.memory_space<vmem_shared>> -> memref<10240x128xf32, #tpu.memory_space<vmem_shared>>
    tpu.wait_indirect_dma semaphore(%arg16 : memref<!tpu.dma_semaphore, #tpu.memory_space<semaphore_mem>>) src(%arg11 : memref<128x128xf32, #tpu.memory_space<vmem>>) dst(%dma_wait3A_263 : memref<10240x128xf32, #tpu.memory_space<vmem_shared>>)
    %dma_start3A_264 = arith.constant 0 : i32
    %dma_start3A_265 = arith.constant 0 : i32
    %dma_start3A_266 = tpu.memref_slice %arg8[%dma_start3A_264, %dma_start3A_265] : memref<1x128xi32, #tpu.memory_space<vmem>> -> memref<1x128xi32, #tpu.memory_space<vmem>>
    %dma_start3A_267 = tpu.memref_squeeze %dma_start3A_266 : memref<1x128xi32, #tpu.memory_space<vmem>> -> memref<128xi32, #tpu.memory_space<vmem>>
    %dma_start3A_268 = arith.constant 0 : i32
    %dma_start3A_269 = arith.constant 0 : i32
    %dma_start3A_270 = tpu.memref_slice %arg13[%dma_start3A_268, %dma_start3A_269] : memref<10240x128xf32, #tpu.memory_space<vmem_shared>> -> memref<10240x128xf32, #tpu.memory_space<vmem_shared>>
    tpu.enqueue_indirect_dma source(%arg12 : memref<128x128xf32, #tpu.memory_space<vmem>>) target(%dma_start3A_270 : memref<10240x128xf32, #tpu.memory_space<vmem_shared>>) offsets(%dma_start3A_267 : memref<128xi32, #tpu.memory_space<vmem>>) semaphore(%arg17 : memref<!tpu.dma_semaphore, #tpu.memory_space<semaphore_mem>>) {add = true}
    %dma_start3A_271 = arith.constant 79 : i32
    %dma_start3A_272 = arith.constant 0 : i32
    %dma_start3A_273 = tpu.memref_slice %arg4[%arg1, %dma_start3A_271, %dma_start3A_272] : memref<16x80x128xi32, #tpu.memory_space<hbm>> -> memref<1x1x128xi32, #tpu.memory_space<hbm>>
    %dma_start3A_274 = tpu.memref_squeeze %dma_start3A_273 : memref<1x1x128xi32, #tpu.memory_space<hbm>> -> memref<1x128xi32, #tpu.memory_space<hbm>>
    %dma_start3A_275 = arith.constant 79 : i32
    %dma_start3A_276 = arith.constant 0 : i32
    %dma_start3A_277 = tpu.memref_slice %arg4[%arg1, %dma_start3A_275, %dma_start3A_276] : memref<16x80x128xi32, #tpu.memory_space<hbm>> -> memref<1x1x128xi32, #tpu.memory_space<hbm>>
    %dma_start3A_278 = tpu.memref_squeeze %dma_start3A_277 : memref<1x1x128xi32, #tpu.memory_space<hbm>> -> memref<1x128xi32, #tpu.memory_space<hbm>>
    tpu.enqueue_dma source(%dma_start3A_278 : memref<1x128xi32, #tpu.memory_space<hbm>>) target(%arg10 : memref<1x128xi32, #tpu.memory_space<vmem>>) target_semaphore(%arg21 : memref<!tpu.dma_semaphore, #tpu.memory_space<semaphore_mem>>)
    %dma_start3A_279 = arith.constant 78 : i32
    %dma_start3A_280 = arith.constant 0 : i32
    %dma_start3A_281 = tpu.memref_slice %arg6[%dma_start3A_279, %dma_start3A_280] : memref<80x128xi32, #tpu.memory_space<vmem>> -> memref<1x128xi32, #tpu.memory_space<vmem>>
    %dma_start3A_282 = tpu.memref_squeeze %dma_start3A_281 : memref<1x128xi32, #tpu.memory_space<vmem>> -> memref<128xi32, #tpu.memory_space<vmem>>
    %dma_start3A_283 = arith.constant 0 : i32
    %dma_start3A_284 = arith.constant 0 : i32
    %dma_start3A_285 = tpu.memref_slice %arg2[%dma_start3A_283, %dma_start3A_284] : memref<10240x128xf32, #tpu.memory_space<hbm>> -> memref<10240x128xf32, #tpu.memory_space<hbm>>
    tpu.enqueue_indirect_dma source(%dma_start3A_285 : memref<10240x128xf32, #tpu.memory_space<hbm>>) target(%arg11 : memref<128x128xf32, #tpu.memory_space<vmem>>) offsets(%dma_start3A_282 : memref<128xi32, #tpu.memory_space<vmem>>) semaphore(%arg14 : memref<!tpu.dma_semaphore, #tpu.memory_space<semaphore_mem>>)
    %dma_wait3A_286 = arith.constant 78 : i32
    %dma_wait3A_287 = arith.constant 0 : i32
    %dma_wait3A_288 = tpu.memref_slice %arg6[%dma_wait3A_286, %dma_wait3A_287] : memref<80x128xi32, #tpu.memory_space<vmem>> -> memref<1x128xi32, #tpu.memory_space<vmem>>
    %dma_wait3A_289 = tpu.memref_squeeze %dma_wait3A_288 : memref<1x128xi32, #tpu.memory_space<vmem>> -> memref<128xi32, #tpu.memory_space<vmem>>
    %dma_wait3A_290 = arith.constant 0 : i32
    %dma_wait3A_291 = arith.constant 0 : i32
    %dma_wait3A_292 = tpu.memref_slice %arg2[%dma_wait3A_290, %dma_wait3A_291] : memref<10240x128xf32, #tpu.memory_space<hbm>> -> memref<10240x128xf32, #tpu.memory_space<hbm>>
    tpu.wait_indirect_dma semaphore(%arg14 : memref<!tpu.dma_semaphore, #tpu.memory_space<semaphore_mem>>) src(%dma_wait3A_292 : memref<10240x128xf32, #tpu.memory_space<hbm>>) dst(%arg11 : memref<128x128xf32, #tpu.memory_space<vmem>>)
    %dma_wait3A_293 = arith.constant 78 : i32
    %dma_wait3A_294 = arith.constant 0 : i32
    %dma_wait3A_295 = tpu.memref_slice %arg4[%arg1, %dma_wait3A_293, %dma_wait3A_294] : memref<16x80x128xi32, #tpu.memory_space<hbm>> -> memref<1x1x128xi32, #tpu.memory_space<hbm>>
    %dma_wait3A_296 = tpu.memref_squeeze %dma_wait3A_295 : memref<1x1x128xi32, #tpu.memory_space<hbm>> -> memref<1x128xi32, #tpu.memory_space<hbm>>
    %dma_wait3A_297 = arith.constant 78 : i32
    %dma_wait3A_298 = arith.constant 0 : i32
    %dma_wait3A_299 = tpu.memref_slice %arg4[%arg1, %dma_wait3A_297, %dma_wait3A_298] : memref<16x80x128xi32, #tpu.memory_space<hbm>> -> memref<1x1x128xi32, #tpu.memory_space<hbm>>
    %dma_wait3A_300 = tpu.memref_squeeze %dma_wait3A_299 : memref<1x1x128xi32, #tpu.memory_space<hbm>> -> memref<1x128xi32, #tpu.memory_space<hbm>>
    tpu.wait_dma2 semaphore(%arg20 : memref<!tpu.dma_semaphore, #tpu.memory_space<semaphore_mem>>) src(%dma_wait3A_300 : memref<1x128xi32, #tpu.memory_space<hbm>>) dst(%arg9 : memref<1x128xi32, #tpu.memory_space<vmem>>)
    %dma_wait3A_301 = arith.constant 0 : i32
    %dma_wait3A_302 = arith.constant 0 : i32
    %dma_wait3A_303 = tpu.memref_slice %arg8[%dma_wait3A_301, %dma_wait3A_302] : memref<1x128xi32, #tpu.memory_space<vmem>> -> memref<1x128xi32, #tpu.memory_space<vmem>>
    %dma_wait3A_304 = tpu.memref_squeeze %dma_wait3A_303 : memref<1x128xi32, #tpu.memory_space<vmem>> -> memref<128xi32, #tpu.memory_space<vmem>>
    %dma_wait3A_305 = arith.constant 0 : i32
    %dma_wait3A_306 = arith.constant 0 : i32
    %dma_wait3A_307 = tpu.memref_slice %arg13[%dma_wait3A_305, %dma_wait3A_306] : memref<10240x128xf32, #tpu.memory_space<vmem_shared>> -> memref<10240x128xf32, #tpu.memory_space<vmem_shared>>
    tpu.wait_indirect_dma semaphore(%arg17 : memref<!tpu.dma_semaphore, #tpu.memory_space<semaphore_mem>>) src(%arg12 : memref<128x128xf32, #tpu.memory_space<vmem>>) dst(%dma_wait3A_307 : memref<10240x128xf32, #tpu.memory_space<vmem_shared>>)
    %dma_start3A_308 = arith.constant 0 : i32
    %dma_start3A_309 = arith.constant 0 : i32
    %dma_start3A_310 = tpu.memref_slice %arg9[%dma_start3A_308, %dma_start3A_309] : memref<1x128xi32, #tpu.memory_space<vmem>> -> memref<1x128xi32, #tpu.memory_space<vmem>>
    %dma_start3A_311 = tpu.memref_squeeze %dma_start3A_310 : memref<1x128xi32, #tpu.memory_space<vmem>> -> memref<128xi32, #tpu.memory_space<vmem>>
    %dma_start3A_312 = arith.constant 0 : i32
    %dma_start3A_313 = arith.constant 0 : i32
    %dma_start3A_314 = tpu.memref_slice %arg13[%dma_start3A_312, %dma_start3A_313] : memref<10240x128xf32, #tpu.memory_space<vmem_shared>> -> memref<10240x128xf32, #tpu.memory_space<vmem_shared>>
    tpu.enqueue_indirect_dma source(%arg11 : memref<128x128xf32, #tpu.memory_space<vmem>>) target(%dma_start3A_314 : memref<10240x128xf32, #tpu.memory_space<vmem_shared>>) offsets(%dma_start3A_311 : memref<128xi32, #tpu.memory_space<vmem>>) semaphore(%arg16 : memref<!tpu.dma_semaphore, #tpu.memory_space<semaphore_mem>>) {add = true}
    %dma_start3A_315 = arith.constant 79 : i32
    %dma_start3A_316 = arith.constant 0 : i32
    %dma_start3A_317 = tpu.memref_slice %arg6[%dma_start3A_315, %dma_start3A_316] : memref<80x128xi32, #tpu.memory_space<vmem>> -> memref<1x128xi32, #tpu.memory_space<vmem>>
    %dma_start3A_318 = tpu.memref_squeeze %dma_start3A_317 : memref<1x128xi32, #tpu.memory_space<vmem>> -> memref<128xi32, #tpu.memory_space<vmem>>
    %dma_start3A_319 = arith.constant 0 : i32
    %dma_start3A_320 = arith.constant 0 : i32
    %dma_start3A_321 = tpu.memref_slice %arg2[%dma_start3A_319, %dma_start3A_320] : memref<10240x128xf32, #tpu.memory_space<hbm>> -> memref<10240x128xf32, #tpu.memory_space<hbm>>
    tpu.enqueue_indirect_dma source(%dma_start3A_321 : memref<10240x128xf32, #tpu.memory_space<hbm>>) target(%arg12 : memref<128x128xf32, #tpu.memory_space<vmem>>) offsets(%dma_start3A_318 : memref<128xi32, #tpu.memory_space<vmem>>) semaphore(%arg15 : memref<!tpu.dma_semaphore, #tpu.memory_space<semaphore_mem>>)
    %dma_wait3A_322 = arith.constant 79 : i32
    %dma_wait3A_323 = arith.constant 0 : i32
    %dma_wait3A_324 = tpu.memref_slice %arg6[%dma_wait3A_322, %dma_wait3A_323] : memref<80x128xi32, #tpu.memory_space<vmem>> -> memref<1x128xi32, #tpu.memory_space<vmem>>
    %dma_wait3A_325 = tpu.memref_squeeze %dma_wait3A_324 : memref<1x128xi32, #tpu.memory_space<vmem>> -> memref<128xi32, #tpu.memory_space<vmem>>
    %dma_wait3A_326 = arith.constant 0 : i32
    %dma_wait3A_327 = arith.constant 0 : i32
    %dma_wait3A_328 = tpu.memref_slice %arg2[%dma_wait3A_326, %dma_wait3A_327] : memref<10240x128xf32, #tpu.memory_space<hbm>> -> memref<10240x128xf32, #tpu.memory_space<hbm>>
    tpu.wait_indirect_dma semaphore(%arg15 : memref<!tpu.dma_semaphore, #tpu.memory_space<semaphore_mem>>) src(%dma_wait3A_328 : memref<10240x128xf32, #tpu.memory_space<hbm>>) dst(%arg12 : memref<128x128xf32, #tpu.memory_space<vmem>>)
    %dma_wait3A_329 = arith.constant 79 : i32
    %dma_wait3A_330 = arith.constant 0 : i32
    %dma_wait3A_331 = tpu.memref_slice %arg4[%arg1, %dma_wait3A_329, %dma_wait3A_330] : memref<16x80x128xi32, #tpu.memory_space<hbm>> -> memref<1x1x128xi32, #tpu.memory_space<hbm>>
    %dma_wait3A_332 = tpu.memref_squeeze %dma_wait3A_331 : memref<1x1x128xi32, #tpu.memory_space<hbm>> -> memref<1x128xi32, #tpu.memory_space<hbm>>
    %dma_wait3A_333 = arith.constant 79 : i32
    %dma_wait3A_334 = arith.constant 0 : i32
    %dma_wait3A_335 = tpu.memref_slice %arg4[%arg1, %dma_wait3A_333, %dma_wait3A_334] : memref<16x80x128xi32, #tpu.memory_space<hbm>> -> memref<1x1x128xi32, #tpu.memory_space<hbm>>
    %dma_wait3A_336 = tpu.memref_squeeze %dma_wait3A_335 : memref<1x1x128xi32, #tpu.memory_space<hbm>> -> memref<1x128xi32, #tpu.memory_space<hbm>>
    tpu.wait_dma2 semaphore(%arg21 : memref<!tpu.dma_semaphore, #tpu.memory_space<semaphore_mem>>) src(%dma_wait3A_336 : memref<1x128xi32, #tpu.memory_space<hbm>>) dst(%arg10 : memref<1x128xi32, #tpu.memory_space<vmem>>)
    %dma_wait3A_337 = arith.constant 0 : i32
    %dma_wait3A_338 = arith.constant 0 : i32
    %dma_wait3A_339 = tpu.memref_slice %arg9[%dma_wait3A_337, %dma_wait3A_338] : memref<1x128xi32, #tpu.memory_space<vmem>> -> memref<1x128xi32, #tpu.memory_space<vmem>>
    %dma_wait3A_340 = tpu.memref_squeeze %dma_wait3A_339 : memref<1x128xi32, #tpu.memory_space<vmem>> -> memref<128xi32, #tpu.memory_space<vmem>>
    %dma_wait3A_341 = arith.constant 0 : i32
    %dma_wait3A_342 = arith.constant 0 : i32
    %dma_wait3A_343 = tpu.memref_slice %arg13[%dma_wait3A_341, %dma_wait3A_342] : memref<10240x128xf32, #tpu.memory_space<vmem_shared>> -> memref<10240x128xf32, #tpu.memory_space<vmem_shared>>
    tpu.wait_indirect_dma semaphore(%arg16 : memref<!tpu.dma_semaphore, #tpu.memory_space<semaphore_mem>>) src(%arg11 : memref<128x128xf32, #tpu.memory_space<vmem>>) dst(%dma_wait3A_343 : memref<10240x128xf32, #tpu.memory_space<vmem_shared>>)
    %dma_start3A_344 = arith.constant 0 : i32
    %dma_start3A_345 = arith.constant 0 : i32
    %dma_start3A_346 = tpu.memref_slice %arg10[%dma_start3A_344, %dma_start3A_345] : memref<1x128xi32, #tpu.memory_space<vmem>> -> memref<1x128xi32, #tpu.memory_space<vmem>>
    %dma_start3A_347 = tpu.memref_squeeze %dma_start3A_346 : memref<1x128xi32, #tpu.memory_space<vmem>> -> memref<128xi32, #tpu.memory_space<vmem>>
    %dma_start3A_348 = arith.constant 0 : i32
    %dma_start3A_349 = arith.constant 0 : i32
    %dma_start3A_350 = tpu.memref_slice %arg13[%dma_start3A_348, %dma_start3A_349] : memref<10240x128xf32, #tpu.memory_space<vmem_shared>> -> memref<10240x128xf32, #tpu.memory_space<vmem_shared>>
    tpu.enqueue_indirect_dma source(%arg12 : memref<128x128xf32, #tpu.memory_space<vmem>>) target(%dma_start3A_350 : memref<10240x128xf32, #tpu.memory_space<vmem_shared>>) offsets(%dma_start3A_347 : memref<128xi32, #tpu.memory_space<vmem>>) semaphore(%arg17 : memref<!tpu.dma_semaphore, #tpu.memory_space<semaphore_mem>>) {add = true}
    %dma_wait3A_351 = arith.constant 0 : i32
    %dma_wait3A_352 = arith.constant 0 : i32
    %dma_wait3A_353 = tpu.memref_slice %arg10[%dma_wait3A_351, %dma_wait3A_352] : memref<1x128xi32, #tpu.memory_space<vmem>> -> memref<1x128xi32, #tpu.memory_space<vmem>>
    %dma_wait3A_354 = tpu.memref_squeeze %dma_wait3A_353 : memref<1x128xi32, #tpu.memory_space<vmem>> -> memref<128xi32, #tpu.memory_space<vmem>>
    %dma_wait3A_355 = arith.constant 0 : i32
    %dma_wait3A_356 = arith.constant 0 : i32
    %dma_wait3A_357 = tpu.memref_slice %arg13[%dma_wait3A_355, %dma_wait3A_356] : memref<10240x128xf32, #tpu.memory_space<vmem_shared>> -> memref<10240x128xf32, #tpu.memory_space<vmem_shared>>
    tpu.wait_indirect_dma semaphore(%arg17 : memref<!tpu.dma_semaphore, #tpu.memory_space<semaphore_mem>>) src(%arg12 : memref<128x128xf32, #tpu.memory_space<vmem>>) dst(%dma_wait3A_357 : memref<10240x128xf32, #tpu.memory_space<vmem_shared>>)
    %barrier3A_358 = arith.constant 0 : index
    tpu.barrier barrier_id(%barrier3A_358)
    %mul3A_359 = arith.constant 640 : i32
    %mul3A_360 = arith.muli %arg1, %mul3A_359 : i32
    %mul3A_361 = arith.constant 640 : i32
    %mul3A_362 = arith.muli %arg1, %mul3A_361 : i32
    "tpu.region"() ({
      %run_scoped3A = tpu.sem_alloc : memref<!tpu.dma_semaphore, #tpu.memory_space<semaphore_mem>>
      %dma_start3A_363 = arith.constant 0 : i32
      %dma_start3A_364 = tpu.memref_slice %arg5[%mul3A_362, %dma_start3A_363] : memref<10240x128xf32, #tpu.memory_space<hbm>> -> memref<640x128xf32, #tpu.memory_space<hbm>>
      %dma_start3A_365 = arith.constant 0 : i32
      %dma_start3A_366 = tpu.memref_slice %arg13[%mul3A_360, %dma_start3A_365] : memref<10240x128xf32, #tpu.memory_space<vmem_shared>> -> memref<640x128xf32, #tpu.memory_space<vmem_shared>>
      tpu.enqueue_dma source(%dma_start3A_366 : memref<640x128xf32, #tpu.memory_space<vmem_shared>>) target(%dma_start3A_364 : memref<640x128xf32, #tpu.memory_space<hbm>>) target_semaphore(%run_scoped3A : memref<!tpu.dma_semaphore, #tpu.memory_space<semaphore_mem>>)
      %dma_wait3A_367 = arith.constant 0 : i32
      %dma_wait3A_368 = tpu.memref_slice %arg5[%mul3A_362, %dma_wait3A_367] : memref<10240x128xf32, #tpu.memory_space<hbm>> -> memref<640x128xf32, #tpu.memory_space<hbm>>
      %dma_wait3A_369 = arith.constant 0 : i32
      %dma_wait3A_370 = tpu.memref_slice %arg13[%mul3A_360, %dma_wait3A_369] : memref<10240x128xf32, #tpu.memory_space<vmem_shared>> -> memref<640x128xf32, #tpu.memory_space<vmem_shared>>
      tpu.wait_dma2 semaphore(%run_scoped3A : memref<!tpu.dma_semaphore, #tpu.memory_space<semaphore_mem>>) src(%dma_wait3A_370 : memref<640x128xf32, #tpu.memory_space<vmem_shared>>) dst(%dma_wait3A_368 : memref<640x128xf32, #tpu.memory_space<hbm>>)
      tpu.yield
    }) : () -> ()
    return
  }
}

#map = affine_map<(d0, d1) -> (0, 0)>
#map1 = affine_map<(d0, d1) -> (0, 0, 0)>
module attributes {stable_mosaic.version = 14 : i64} {
  func.func @agg(%arg0: i32, %arg1: i32, %arg2: memref<10240x128xf32, #tpu.memory_space<hbm>>, %arg3: memref<16x80x128xi32, #tpu.memory_space<hbm>>, %arg4: memref<16x80x128xi32, #tpu.memory_space<hbm>>, %arg5: memref<10240x128xf32, #tpu.memory_space<hbm>>, %arg6: memref<80x128xi32, #tpu.memory_space<vmem>>, %arg7: memref<1x128xi32, #tpu.memory_space<vmem>>, %arg8: memref<1x128xi32, #tpu.memory_space<vmem>>, %arg9: memref<1x128xi32, #tpu.memory_space<vmem>>, %arg10: memref<1x128xi32, #tpu.memory_space<vmem>>, %arg11: memref<128x128xf32, #tpu.memory_space<vmem>>, %arg12: memref<128x128xf32, #tpu.memory_space<vmem>>, %arg13: memref<10240x128xf32, #tpu.memory_space<vmem_shared>>, %arg14: memref<!tpu.dma_semaphore, #tpu.memory_space<semaphore_mem>>, %arg15: memref<!tpu.dma_semaphore, #tpu.memory_space<semaphore_mem>>, %arg16: memref<!tpu.dma_semaphore, #tpu.memory_space<semaphore_mem>>, %arg17: memref<!tpu.dma_semaphore, #tpu.memory_space<semaphore_mem>>, %arg18: memref<!tpu.dma_semaphore, #tpu.memory_space<semaphore_mem>>, %arg19: memref<!tpu.dma_semaphore, #tpu.memory_space<semaphore_mem>>, %arg20: memref<!tpu.dma_semaphore, #tpu.memory_space<semaphore_mem>>, %arg21: memref<!tpu.dma_semaphore, #tpu.memory_space<semaphore_mem>>) attributes {dimension_semantics = [#tpu.dimension_semantics<core_parallel>, #tpu.dimension_semantics<subcore_parallel>], iteration_bounds = array<i64: 1, 16>, scalar_prefetch = 0 : i64, scratch_operands = 16 : i64, tpu.core_type = #tpu.core_type<sc_vector_subcore>, window_params = [{transform_indices = #map}, {transform_indices = #map1}, {transform_indices = #map1}, {transform_indices = #map}]} {
    %mul3A = arith.constant 640 : i32
    %mul3A_0 = arith.muli %arg1, %mul3A : i32
    %mul3A_1 = arith.constant 640 : i32
    %mul3A_2 = arith.muli %arg1, %mul3A_1 : i32
    "tpu.region"() ({
      %run_scoped3A = tpu.sem_alloc : memref<!tpu.dma_semaphore, #tpu.memory_space<semaphore_mem>>
      %dma_start3A_363 = arith.constant 0 : i32
      %dma_start3A_364 = tpu.memref_slice %arg13[%mul3A_2, %dma_start3A_363] : memref<10240x128xf32, #tpu.memory_space<vmem_shared>> -> memref<640x128xf32, #tpu.memory_space<vmem_shared>>
      %dma_start3A_365 = arith.constant 0 : i32
      %dma_start3A_366 = tpu.memref_slice %arg2[%mul3A_0, %dma_start3A_365] : memref<10240x128xf32, #tpu.memory_space<hbm>> -> memref<640x128xf32, #tpu.memory_space<hbm>>
      tpu.enqueue_dma source(%dma_start3A_366 : memref<640x128xf32, #tpu.memory_space<hbm>>) target(%dma_start3A_364 : memref<640x128xf32, #tpu.memory_space<vmem_shared>>) target_semaphore(%run_scoped3A : memref<!tpu.dma_semaphore, #tpu.memory_space<semaphore_mem>>)
      %dma_wait3A_367 = arith.constant 0 : i32
      %dma_wait3A_368 = tpu.memref_slice %arg13[%mul3A_2, %dma_wait3A_367] : memref<10240x128xf32, #tpu.memory_space<vmem_shared>> -> memref<640x128xf32, #tpu.memory_space<vmem_shared>>
      %dma_wait3A_369 = arith.constant 0 : i32
      %dma_wait3A_370 = tpu.memref_slice %arg2[%mul3A_0, %dma_wait3A_369] : memref<10240x128xf32, #tpu.memory_space<hbm>> -> memref<640x128xf32, #tpu.memory_space<hbm>>
      tpu.wait_dma2 semaphore(%run_scoped3A : memref<!tpu.dma_semaphore, #tpu.memory_space<semaphore_mem>>) src(%dma_wait3A_370 : memref<640x128xf32, #tpu.memory_space<hbm>>) dst(%dma_wait3A_368 : memref<640x128xf32, #tpu.memory_space<vmem_shared>>)
      tpu.yield
    }) : () -> ()
    "tpu.region"() ({
      %run_scoped3A = tpu.sem_alloc : memref<!tpu.dma_semaphore, #tpu.memory_space<semaphore_mem>>
      %dma_start3A_363 = arith.constant 0 : i32
      %dma_start3A_364 = arith.constant 0 : i32
      %dma_start3A_365 = tpu.memref_slice %arg3[%arg1, %dma_start3A_363, %dma_start3A_364] : memref<16x80x128xi32, #tpu.memory_space<hbm>> -> memref<1x80x128xi32, #tpu.memory_space<hbm>>
      %dma_start3A_366 = tpu.memref_squeeze %dma_start3A_365 : memref<1x80x128xi32, #tpu.memory_space<hbm>> -> memref<80x128xi32, #tpu.memory_space<hbm>>
      %dma_start3A_367 = arith.constant 0 : i32
      %dma_start3A_368 = arith.constant 0 : i32
      %dma_start3A_369 = tpu.memref_slice %arg3[%arg1, %dma_start3A_367, %dma_start3A_368] : memref<16x80x128xi32, #tpu.memory_space<hbm>> -> memref<1x80x128xi32, #tpu.memory_space<hbm>>
      %dma_start3A_370 = tpu.memref_squeeze %dma_start3A_369 : memref<1x80x128xi32, #tpu.memory_space<hbm>> -> memref<80x128xi32, #tpu.memory_space<hbm>>
      tpu.enqueue_dma source(%dma_start3A_370 : memref<80x128xi32, #tpu.memory_space<hbm>>) target(%arg6 : memref<80x128xi32, #tpu.memory_space<vmem>>) target_semaphore(%run_scoped3A : memref<!tpu.dma_semaphore, #tpu.memory_space<semaphore_mem>>)
      %dma_wait3A_371 = arith.constant 0 : i32
      %dma_wait3A_372 = arith.constant 0 : i32
      %dma_wait3A_373 = tpu.memref_slice %arg3[%arg1, %dma_wait3A_371, %dma_wait3A_372] : memref<16x80x128xi32, #tpu.memory_space<hbm>> -> memref<1x80x128xi32, #tpu.memory_space<hbm>>
      %dma_wait3A_374 = tpu.memref_squeeze %dma_wait3A_373 : memref<1x80x128xi32, #tpu.memory_space<hbm>> -> memref<80x128xi32, #tpu.memory_space<hbm>>
      %dma_wait3A_375 = arith.constant 0 : i32
      %dma_wait3A_376 = arith.constant 0 : i32
      %dma_wait3A_377 = tpu.memref_slice %arg3[%arg1, %dma_wait3A_375, %dma_wait3A_376] : memref<16x80x128xi32, #tpu.memory_space<hbm>> -> memref<1x80x128xi32, #tpu.memory_space<hbm>>
      %dma_wait3A_378 = tpu.memref_squeeze %dma_wait3A_377 : memref<1x80x128xi32, #tpu.memory_space<hbm>> -> memref<80x128xi32, #tpu.memory_space<hbm>>
      tpu.wait_dma2 semaphore(%run_scoped3A : memref<!tpu.dma_semaphore, #tpu.memory_space<semaphore_mem>>) src(%dma_wait3A_378 : memref<80x128xi32, #tpu.memory_space<hbm>>) dst(%arg6 : memref<80x128xi32, #tpu.memory_space<vmem>>)
      tpu.yield
    }) : () -> ()
    %barrier3A = arith.constant 0 : index
    tpu.barrier barrier_id(%barrier3A)
    %dma_start3A = arith.constant 0 : i32
    %dma_start3A_3 = arith.constant 0 : i32
    %dma_start3A_4 = tpu.memref_slice %arg4[%arg1, %dma_start3A, %dma_start3A_3] : memref<16x80x128xi32, #tpu.memory_space<hbm>> -> memref<1x1x128xi32, #tpu.memory_space<hbm>>
    %dma_start3A_5 = tpu.memref_squeeze %dma_start3A_4 : memref<1x1x128xi32, #tpu.memory_space<hbm>> -> memref<1x128xi32, #tpu.memory_space<hbm>>
    %dma_start3A_6 = arith.constant 0 : i32
    %dma_start3A_7 = arith.constant 0 : i32
    %dma_start3A_8 = tpu.memref_slice %arg4[%arg1, %dma_start3A_6, %dma_start3A_7] : memref<16x80x128xi32, #tpu.memory_space<hbm>> -> memref<1x1x128xi32, #tpu.memory_space<hbm>>
    %dma_start3A_9 = tpu.memref_squeeze %dma_start3A_8 : memref<1x1x128xi32, #tpu.memory_space<hbm>> -> memref<1x128xi32, #tpu.memory_space<hbm>>
    tpu.enqueue_dma source(%dma_start3A_9 : memref<1x128xi32, #tpu.memory_space<hbm>>) target(%arg7 : memref<1x128xi32, #tpu.memory_space<vmem>>) target_semaphore(%arg18 : memref<!tpu.dma_semaphore, #tpu.memory_space<semaphore_mem>>)
    %dma_start3A_10 = arith.constant 1 : i32
    %dma_start3A_11 = arith.constant 0 : i32
    %dma_start3A_12 = tpu.memref_slice %arg4[%arg1, %dma_start3A_10, %dma_start3A_11] : memref<16x80x128xi32, #tpu.memory_space<hbm>> -> memref<1x1x128xi32, #tpu.memory_space<hbm>>
    %dma_start3A_13 = tpu.memref_squeeze %dma_start3A_12 : memref<1x1x128xi32, #tpu.memory_space<hbm>> -> memref<1x128xi32, #tpu.memory_space<hbm>>
    %dma_start3A_14 = arith.constant 1 : i32
    %dma_start3A_15 = arith.constant 0 : i32
    %dma_start3A_16 = tpu.memref_slice %arg4[%arg1, %dma_start3A_14, %dma_start3A_15] : memref<16x80x128xi32, #tpu.memory_space<hbm>> -> memref<1x1x128xi32, #tpu.memory_space<hbm>>
    %dma_start3A_17 = tpu.memref_squeeze %dma_start3A_16 : memref<1x1x128xi32, #tpu.memory_space<hbm>> -> memref<1x128xi32, #tpu.memory_space<hbm>>
    tpu.enqueue_dma source(%dma_start3A_17 : memref<1x128xi32, #tpu.memory_space<hbm>>) target(%arg8 : memref<1x128xi32, #tpu.memory_space<vmem>>) target_semaphore(%arg19 : memref<!tpu.dma_semaphore, #tpu.memory_space<semaphore_mem>>)
    %dma_start3A_18 = arith.constant 2 : i32
    %dma_start3A_19 = arith.constant 0 : i32
    %dma_start3A_20 = tpu.memref_slice %arg4[%arg1, %dma_start3A_18, %dma_start3A_19] : memref<16x80x128xi32, #tpu.memory_space<hbm>> -> memref<1x1x128xi32, #tpu.memory_space<hbm>>
    %dma_start3A_21 = tpu.memref_squeeze %dma_start3A_20 : memref<1x1x128xi32, #tpu.memory_space<hbm>> -> memref<1x128xi32, #tpu.memory_space<hbm>>
    %dma_start3A_22 = arith.constant 2 : i32
    %dma_start3A_23 = arith.constant 0 : i32
    %dma_start3A_24 = tpu.memref_slice %arg4[%arg1, %dma_start3A_22, %dma_start3A_23] : memref<16x80x128xi32, #tpu.memory_space<hbm>> -> memref<1x1x128xi32, #tpu.memory_space<hbm>>
    %dma_start3A_25 = tpu.memref_squeeze %dma_start3A_24 : memref<1x1x128xi32, #tpu.memory_space<hbm>> -> memref<1x128xi32, #tpu.memory_space<hbm>>
    tpu.enqueue_dma source(%dma_start3A_25 : memref<1x128xi32, #tpu.memory_space<hbm>>) target(%arg9 : memref<1x128xi32, #tpu.memory_space<vmem>>) target_semaphore(%arg20 : memref<!tpu.dma_semaphore, #tpu.memory_space<semaphore_mem>>)
    %dma_start3A_26 = arith.constant 3 : i32
    %dma_start3A_27 = arith.constant 0 : i32
    %dma_start3A_28 = tpu.memref_slice %arg4[%arg1, %dma_start3A_26, %dma_start3A_27] : memref<16x80x128xi32, #tpu.memory_space<hbm>> -> memref<1x1x128xi32, #tpu.memory_space<hbm>>
    %dma_start3A_29 = tpu.memref_squeeze %dma_start3A_28 : memref<1x1x128xi32, #tpu.memory_space<hbm>> -> memref<1x128xi32, #tpu.memory_space<hbm>>
    %dma_start3A_30 = arith.constant 3 : i32
    %dma_start3A_31 = arith.constant 0 : i32
    %dma_start3A_32 = tpu.memref_slice %arg4[%arg1, %dma_start3A_30, %dma_start3A_31] : memref<16x80x128xi32, #tpu.memory_space<hbm>> -> memref<1x1x128xi32, #tpu.memory_space<hbm>>
    %dma_start3A_33 = tpu.memref_squeeze %dma_start3A_32 : memref<1x1x128xi32, #tpu.memory_space<hbm>> -> memref<1x128xi32, #tpu.memory_space<hbm>>
    tpu.enqueue_dma source(%dma_start3A_33 : memref<1x128xi32, #tpu.memory_space<hbm>>) target(%arg10 : memref<1x128xi32, #tpu.memory_space<vmem>>) target_semaphore(%arg21 : memref<!tpu.dma_semaphore, #tpu.memory_space<semaphore_mem>>)
    %dma_start3A_34 = arith.constant 0 : i32
    %dma_start3A_35 = arith.constant 0 : i32
    %dma_start3A_36 = tpu.memref_slice %arg6[%dma_start3A_34, %dma_start3A_35] : memref<80x128xi32, #tpu.memory_space<vmem>> -> memref<1x128xi32, #tpu.memory_space<vmem>>
    %dma_start3A_37 = tpu.memref_squeeze %dma_start3A_36 : memref<1x128xi32, #tpu.memory_space<vmem>> -> memref<128xi32, #tpu.memory_space<vmem>>
    %dma_start3A_38 = arith.constant 0 : i32
    %dma_start3A_39 = arith.constant 0 : i32
    %dma_start3A_40 = tpu.memref_slice %arg2[%dma_start3A_38, %dma_start3A_39] : memref<10240x128xf32, #tpu.memory_space<hbm>> -> memref<10240x128xf32, #tpu.memory_space<hbm>>
    tpu.enqueue_indirect_dma source(%dma_start3A_40 : memref<10240x128xf32, #tpu.memory_space<hbm>>) target(%arg11 : memref<128x128xf32, #tpu.memory_space<vmem>>) offsets(%dma_start3A_37 : memref<128xi32, #tpu.memory_space<vmem>>) semaphore(%arg14 : memref<!tpu.dma_semaphore, #tpu.memory_space<semaphore_mem>>)
    %dma_wait3A = arith.constant 0 : i32
    %dma_wait3A_41 = arith.constant 0 : i32
    %dma_wait3A_42 = tpu.memref_slice %arg6[%dma_wait3A, %dma_wait3A_41] : memref<80x128xi32, #tpu.memory_space<vmem>> -> memref<1x128xi32, #tpu.memory_space<vmem>>
    %dma_wait3A_43 = tpu.memref_squeeze %dma_wait3A_42 : memref<1x128xi32, #tpu.memory_space<vmem>> -> memref<128xi32, #tpu.memory_space<vmem>>
    %dma_wait3A_44 = arith.constant 0 : i32
    %dma_wait3A_45 = arith.constant 0 : i32
    %dma_wait3A_46 = tpu.memref_slice %arg2[%dma_wait3A_44, %dma_wait3A_45] : memref<10240x128xf32, #tpu.memory_space<hbm>> -> memref<10240x128xf32, #tpu.memory_space<hbm>>
    tpu.wait_indirect_dma semaphore(%arg14 : memref<!tpu.dma_semaphore, #tpu.memory_space<semaphore_mem>>) src(%dma_wait3A_46 : memref<10240x128xf32, #tpu.memory_space<hbm>>) dst(%arg11 : memref<128x128xf32, #tpu.memory_space<vmem>>)
    %dma_wait3A_47 = arith.constant 0 : i32
    %dma_wait3A_48 = arith.constant 0 : i32
    %dma_wait3A_49 = tpu.memref_slice %arg4[%arg1, %dma_wait3A_47, %dma_wait3A_48] : memref<16x80x128xi32, #tpu.memory_space<hbm>> -> memref<1x1x128xi32, #tpu.memory_space<hbm>>
    %dma_wait3A_50 = tpu.memref_squeeze %dma_wait3A_49 : memref<1x1x128xi32, #tpu.memory_space<hbm>> -> memref<1x128xi32, #tpu.memory_space<hbm>>
    %dma_wait3A_51 = arith.constant 0 : i32
    %dma_wait3A_52 = arith.constant 0 : i32
    %dma_wait3A_53 = tpu.memref_slice %arg4[%arg1, %dma_wait3A_51, %dma_wait3A_52] : memref<16x80x128xi32, #tpu.memory_space<hbm>> -> memref<1x1x128xi32, #tpu.memory_space<hbm>>
    %dma_wait3A_54 = tpu.memref_squeeze %dma_wait3A_53 : memref<1x1x128xi32, #tpu.memory_space<hbm>> -> memref<1x128xi32, #tpu.memory_space<hbm>>
    tpu.wait_dma2 semaphore(%arg18 : memref<!tpu.dma_semaphore, #tpu.memory_space<semaphore_mem>>) src(%dma_wait3A_54 : memref<1x128xi32, #tpu.memory_space<hbm>>) dst(%arg7 : memref<1x128xi32, #tpu.memory_space<vmem>>)
    %dma_start3A_55 = arith.constant 0 : i32
    %dma_start3A_56 = arith.constant 0 : i32
    %dma_start3A_57 = tpu.memref_slice %arg7[%dma_start3A_55, %dma_start3A_56] : memref<1x128xi32, #tpu.memory_space<vmem>> -> memref<1x128xi32, #tpu.memory_space<vmem>>
    %dma_start3A_58 = tpu.memref_squeeze %dma_start3A_57 : memref<1x128xi32, #tpu.memory_space<vmem>> -> memref<128xi32, #tpu.memory_space<vmem>>
    %dma_start3A_59 = arith.constant 0 : i32
    %dma_start3A_60 = arith.constant 0 : i32
    %dma_start3A_61 = tpu.memref_slice %arg13[%dma_start3A_59, %dma_start3A_60] : memref<10240x128xf32, #tpu.memory_space<vmem_shared>> -> memref<10240x128xf32, #tpu.memory_space<vmem_shared>>
    tpu.enqueue_indirect_dma source(%arg11 : memref<128x128xf32, #tpu.memory_space<vmem>>) target(%dma_start3A_61 : memref<10240x128xf32, #tpu.memory_space<vmem_shared>>) offsets(%dma_start3A_58 : memref<128xi32, #tpu.memory_space<vmem>>) semaphore(%arg16 : memref<!tpu.dma_semaphore, #tpu.memory_space<semaphore_mem>>) {add = true}
    %dma_start3A_62 = arith.constant 1 : i32
    %dma_start3A_63 = arith.constant 0 : i32
    %dma_start3A_64 = tpu.memref_slice %arg6[%dma_start3A_62, %dma_start3A_63] : memref<80x128xi32, #tpu.memory_space<vmem>> -> memref<1x128xi32, #tpu.memory_space<vmem>>
    %dma_start3A_65 = tpu.memref_squeeze %dma_start3A_64 : memref<1x128xi32, #tpu.memory_space<vmem>> -> memref<128xi32, #tpu.memory_space<vmem>>
    %dma_start3A_66 = arith.constant 0 : i32
    %dma_start3A_67 = arith.constant 0 : i32
    %dma_start3A_68 = tpu.memref_slice %arg2[%dma_start3A_66, %dma_start3A_67] : memref<10240x128xf32, #tpu.memory_space<hbm>> -> memref<10240x128xf32, #tpu.memory_space<hbm>>
    tpu.enqueue_indirect_dma source(%dma_start3A_68 : memref<10240x128xf32, #tpu.memory_space<hbm>>) target(%arg12 : memref<128x128xf32, #tpu.memory_space<vmem>>) offsets(%dma_start3A_65 : memref<128xi32, #tpu.memory_space<vmem>>) semaphore(%arg15 : memref<!tpu.dma_semaphore, #tpu.memory_space<semaphore_mem>>)
    %dma_wait3A_69 = arith.constant 1 : i32
    %dma_wait3A_70 = arith.constant 0 : i32
    %dma_wait3A_71 = tpu.memref_slice %arg6[%dma_wait3A_69, %dma_wait3A_70] : memref<80x128xi32, #tpu.memory_space<vmem>> -> memref<1x128xi32, #tpu.memory_space<vmem>>
    %dma_wait3A_72 = tpu.memref_squeeze %dma_wait3A_71 : memref<1x128xi32, #tpu.memory_space<vmem>> -> memref<128xi32, #tpu.memory_space<vmem>>
    %dma_wait3A_73 = arith.constant 0 : i32
    %dma_wait3A_74 = arith.constant 0 : i32
    %dma_wait3A_75 = tpu.memref_slice %arg2[%dma_wait3A_73, %dma_wait3A_74] : memref<10240x128xf32, #tpu.memory_space<hbm>> -> memref<10240x128xf32, #tpu.memory_space<hbm>>
    tpu.wait_indirect_dma semaphore(%arg15 : memref<!tpu.dma_semaphore, #tpu.memory_space<semaphore_mem>>) src(%dma_wait3A_75 : memref<10240x128xf32, #tpu.memory_space<hbm>>) dst(%arg12 : memref<128x128xf32, #tpu.memory_space<vmem>>)
    %dma_wait3A_76 = arith.constant 1 : i32
    %dma_wait3A_77 = arith.constant 0 : i32
    %dma_wait3A_78 = tpu.memref_slice %arg4[%arg1, %dma_wait3A_76, %dma_wait3A_77] : memref<16x80x128xi32, #tpu.memory_space<hbm>> -> memref<1x1x128xi32, #tpu.memory_space<hbm>>
    %dma_wait3A_79 = tpu.memref_squeeze %dma_wait3A_78 : memref<1x1x128xi32, #tpu.memory_space<hbm>> -> memref<1x128xi32, #tpu.memory_space<hbm>>
    %dma_wait3A_80 = arith.constant 1 : i32
    %dma_wait3A_81 = arith.constant 0 : i32
    %dma_wait3A_82 = tpu.memref_slice %arg4[%arg1, %dma_wait3A_80, %dma_wait3A_81] : memref<16x80x128xi32, #tpu.memory_space<hbm>> -> memref<1x1x128xi32, #tpu.memory_space<hbm>>
    %dma_wait3A_83 = tpu.memref_squeeze %dma_wait3A_82 : memref<1x1x128xi32, #tpu.memory_space<hbm>> -> memref<1x128xi32, #tpu.memory_space<hbm>>
    tpu.wait_dma2 semaphore(%arg19 : memref<!tpu.dma_semaphore, #tpu.memory_space<semaphore_mem>>) src(%dma_wait3A_83 : memref<1x128xi32, #tpu.memory_space<hbm>>) dst(%arg8 : memref<1x128xi32, #tpu.memory_space<vmem>>)
    %dma_wait3A_84 = arith.constant 0 : i32
    %dma_wait3A_85 = arith.constant 0 : i32
    %dma_wait3A_86 = tpu.memref_slice %arg7[%dma_wait3A_84, %dma_wait3A_85] : memref<1x128xi32, #tpu.memory_space<vmem>> -> memref<1x128xi32, #tpu.memory_space<vmem>>
    %dma_wait3A_87 = tpu.memref_squeeze %dma_wait3A_86 : memref<1x128xi32, #tpu.memory_space<vmem>> -> memref<128xi32, #tpu.memory_space<vmem>>
    %dma_wait3A_88 = arith.constant 0 : i32
    %dma_wait3A_89 = arith.constant 0 : i32
    %dma_wait3A_90 = tpu.memref_slice %arg13[%dma_wait3A_88, %dma_wait3A_89] : memref<10240x128xf32, #tpu.memory_space<vmem_shared>> -> memref<10240x128xf32, #tpu.memory_space<vmem_shared>>
    tpu.wait_indirect_dma semaphore(%arg16 : memref<!tpu.dma_semaphore, #tpu.memory_space<semaphore_mem>>) src(%arg11 : memref<128x128xf32, #tpu.memory_space<vmem>>) dst(%dma_wait3A_90 : memref<10240x128xf32, #tpu.memory_space<vmem_shared>>)
    %dma_start3A_91 = arith.constant 0 : i32
    %dma_start3A_92 = arith.constant 0 : i32
    %dma_start3A_93 = tpu.memref_slice %arg8[%dma_start3A_91, %dma_start3A_92] : memref<1x128xi32, #tpu.memory_space<vmem>> -> memref<1x128xi32, #tpu.memory_space<vmem>>
    %dma_start3A_94 = tpu.memref_squeeze %dma_start3A_93 : memref<1x128xi32, #tpu.memory_space<vmem>> -> memref<128xi32, #tpu.memory_space<vmem>>
    %dma_start3A_95 = arith.constant 0 : i32
    %dma_start3A_96 = arith.constant 0 : i32
    %dma_start3A_97 = tpu.memref_slice %arg13[%dma_start3A_95, %dma_start3A_96] : memref<10240x128xf32, #tpu.memory_space<vmem_shared>> -> memref<10240x128xf32, #tpu.memory_space<vmem_shared>>
    tpu.enqueue_indirect_dma source(%arg12 : memref<128x128xf32, #tpu.memory_space<vmem>>) target(%dma_start3A_97 : memref<10240x128xf32, #tpu.memory_space<vmem_shared>>) offsets(%dma_start3A_94 : memref<128xi32, #tpu.memory_space<vmem>>) semaphore(%arg17 : memref<!tpu.dma_semaphore, #tpu.memory_space<semaphore_mem>>) {add = true}
    %dma_start3A_98 = arith.constant 2 : i32
    %dma_start3A_99 = arith.constant 0 : i32
    %dma_start3A_100 = tpu.memref_slice %arg6[%dma_start3A_98, %dma_start3A_99] : memref<80x128xi32, #tpu.memory_space<vmem>> -> memref<1x128xi32, #tpu.memory_space<vmem>>
    %dma_start3A_101 = tpu.memref_squeeze %dma_start3A_100 : memref<1x128xi32, #tpu.memory_space<vmem>> -> memref<128xi32, #tpu.memory_space<vmem>>
    %dma_start3A_102 = arith.constant 0 : i32
    %dma_start3A_103 = arith.constant 0 : i32
    %dma_start3A_104 = tpu.memref_slice %arg2[%dma_start3A_102, %dma_start3A_103] : memref<10240x128xf32, #tpu.memory_space<hbm>> -> memref<10240x128xf32, #tpu.memory_space<hbm>>
    tpu.enqueue_indirect_dma source(%dma_start3A_104 : memref<10240x128xf32, #tpu.memory_space<hbm>>) target(%arg11 : memref<128x128xf32, #tpu.memory_space<vmem>>) offsets(%dma_start3A_101 : memref<128xi32, #tpu.memory_space<vmem>>) semaphore(%arg14 : memref<!tpu.dma_semaphore, #tpu.memory_space<semaphore_mem>>)
    %dma_wait3A_105 = arith.constant 2 : i32
    %dma_wait3A_106 = arith.constant 0 : i32
    %dma_wait3A_107 = tpu.memref_slice %arg6[%dma_wait3A_105, %dma_wait3A_106] : memref<80x128xi32, #tpu.memory_space<vmem>> -> memref<1x128xi32, #tpu.memory_space<vmem>>
    %dma_wait3A_108 = tpu.memref_squeeze %dma_wait3A_107 : memref<1x128xi32, #tpu.memory_space<vmem>> -> memref<128xi32, #tpu.memory_space<vmem>>
    %dma_wait3A_109 = arith.constant 0 : i32
    %dma_wait3A_110 = arith.constant 0 : i32
    %dma_wait3A_111 = tpu.memref_slice %arg2[%dma_wait3A_109, %dma_wait3A_110] : memref<10240x128xf32, #tpu.memory_space<hbm>> -> memref<10240x128xf32, #tpu.memory_space<hbm>>
    tpu.wait_indirect_dma semaphore(%arg14 : memref<!tpu.dma_semaphore, #tpu.memory_space<semaphore_mem>>) src(%dma_wait3A_111 : memref<10240x128xf32, #tpu.memory_space<hbm>>) dst(%arg11 : memref<128x128xf32, #tpu.memory_space<vmem>>)
    %dma_wait3A_112 = arith.constant 2 : i32
    %dma_wait3A_113 = arith.constant 0 : i32
    %dma_wait3A_114 = tpu.memref_slice %arg4[%arg1, %dma_wait3A_112, %dma_wait3A_113] : memref<16x80x128xi32, #tpu.memory_space<hbm>> -> memref<1x1x128xi32, #tpu.memory_space<hbm>>
    %dma_wait3A_115 = tpu.memref_squeeze %dma_wait3A_114 : memref<1x1x128xi32, #tpu.memory_space<hbm>> -> memref<1x128xi32, #tpu.memory_space<hbm>>
    %dma_wait3A_116 = arith.constant 2 : i32
    %dma_wait3A_117 = arith.constant 0 : i32
    %dma_wait3A_118 = tpu.memref_slice %arg4[%arg1, %dma_wait3A_116, %dma_wait3A_117] : memref<16x80x128xi32, #tpu.memory_space<hbm>> -> memref<1x1x128xi32, #tpu.memory_space<hbm>>
    %dma_wait3A_119 = tpu.memref_squeeze %dma_wait3A_118 : memref<1x1x128xi32, #tpu.memory_space<hbm>> -> memref<1x128xi32, #tpu.memory_space<hbm>>
    tpu.wait_dma2 semaphore(%arg20 : memref<!tpu.dma_semaphore, #tpu.memory_space<semaphore_mem>>) src(%dma_wait3A_119 : memref<1x128xi32, #tpu.memory_space<hbm>>) dst(%arg9 : memref<1x128xi32, #tpu.memory_space<vmem>>)
    %dma_wait3A_120 = arith.constant 0 : i32
    %dma_wait3A_121 = arith.constant 0 : i32
    %dma_wait3A_122 = tpu.memref_slice %arg8[%dma_wait3A_120, %dma_wait3A_121] : memref<1x128xi32, #tpu.memory_space<vmem>> -> memref<1x128xi32, #tpu.memory_space<vmem>>
    %dma_wait3A_123 = tpu.memref_squeeze %dma_wait3A_122 : memref<1x128xi32, #tpu.memory_space<vmem>> -> memref<128xi32, #tpu.memory_space<vmem>>
    %dma_wait3A_124 = arith.constant 0 : i32
    %dma_wait3A_125 = arith.constant 0 : i32
    %dma_wait3A_126 = tpu.memref_slice %arg13[%dma_wait3A_124, %dma_wait3A_125] : memref<10240x128xf32, #tpu.memory_space<vmem_shared>> -> memref<10240x128xf32, #tpu.memory_space<vmem_shared>>
    tpu.wait_indirect_dma semaphore(%arg17 : memref<!tpu.dma_semaphore, #tpu.memory_space<semaphore_mem>>) src(%arg12 : memref<128x128xf32, #tpu.memory_space<vmem>>) dst(%dma_wait3A_126 : memref<10240x128xf32, #tpu.memory_space<vmem_shared>>)
    %dma_start3A_127 = arith.constant 0 : i32
    %dma_start3A_128 = arith.constant 0 : i32
    %dma_start3A_129 = tpu.memref_slice %arg9[%dma_start3A_127, %dma_start3A_128] : memref<1x128xi32, #tpu.memory_space<vmem>> -> memref<1x128xi32, #tpu.memory_space<vmem>>
    %dma_start3A_130 = tpu.memref_squeeze %dma_start3A_129 : memref<1x128xi32, #tpu.memory_space<vmem>> -> memref<128xi32, #tpu.memory_space<vmem>>
    %dma_start3A_131 = arith.constant 0 : i32
    %dma_start3A_132 = arith.constant 0 : i32
    %dma_start3A_133 = tpu.memref_slice %arg13[%dma_start3A_131, %dma_start3A_132] : memref<10240x128xf32, #tpu.memory_space<vmem_shared>> -> memref<10240x128xf32, #tpu.memory_space<vmem_shared>>
    tpu.enqueue_indirect_dma source(%arg11 : memref<128x128xf32, #tpu.memory_space<vmem>>) target(%dma_start3A_133 : memref<10240x128xf32, #tpu.memory_space<vmem_shared>>) offsets(%dma_start3A_130 : memref<128xi32, #tpu.memory_space<vmem>>) semaphore(%arg16 : memref<!tpu.dma_semaphore, #tpu.memory_space<semaphore_mem>>) {add = true}
    %dma_start3A_134 = arith.constant 4 : i32
    %dma_start3A_135 = arith.constant 0 : i32
    %dma_start3A_136 = tpu.memref_slice %arg4[%arg1, %dma_start3A_134, %dma_start3A_135] : memref<16x80x128xi32, #tpu.memory_space<hbm>> -> memref<1x1x128xi32, #tpu.memory_space<hbm>>
    %dma_start3A_137 = tpu.memref_squeeze %dma_start3A_136 : memref<1x1x128xi32, #tpu.memory_space<hbm>> -> memref<1x128xi32, #tpu.memory_space<hbm>>
    %dma_start3A_138 = arith.constant 4 : i32
    %dma_start3A_139 = arith.constant 0 : i32
    %dma_start3A_140 = tpu.memref_slice %arg4[%arg1, %dma_start3A_138, %dma_start3A_139] : memref<16x80x128xi32, #tpu.memory_space<hbm>> -> memref<1x1x128xi32, #tpu.memory_space<hbm>>
    %dma_start3A_141 = tpu.memref_squeeze %dma_start3A_140 : memref<1x1x128xi32, #tpu.memory_space<hbm>> -> memref<1x128xi32, #tpu.memory_space<hbm>>
    tpu.enqueue_dma source(%dma_start3A_141 : memref<1x128xi32, #tpu.memory_space<hbm>>) target(%arg7 : memref<1x128xi32, #tpu.memory_space<vmem>>) target_semaphore(%arg18 : memref<!tpu.dma_semaphore, #tpu.memory_space<semaphore_mem>>)
    %dma_start3A_142 = arith.constant 3 : i32
    %dma_start3A_143 = arith.constant 0 : i32
    %dma_start3A_144 = tpu.memref_slice %arg6[%dma_start3A_142, %dma_start3A_143] : memref<80x128xi32, #tpu.memory_space<vmem>> -> memref<1x128xi32, #tpu.memory_space<vmem>>
    %dma_start3A_145 = tpu.memref_squeeze %dma_start3A_144 : memref<1x128xi32, #tpu.memory_space<vmem>> -> memref<128xi32, #tpu.memory_space<vmem>>
    %dma_start3A_146 = arith.constant 0 : i32
    %dma_start3A_147 = arith.constant 0 : i32
    %dma_start3A_148 = tpu.memref_slice %arg2[%dma_start3A_146, %dma_start3A_147] : memref<10240x128xf32, #tpu.memory_space<hbm>> -> memref<10240x128xf32, #tpu.memory_space<hbm>>
    tpu.enqueue_indirect_dma source(%dma_start3A_148 : memref<10240x128xf32, #tpu.memory_space<hbm>>) target(%arg12 : memref<128x128xf32, #tpu.memory_space<vmem>>) offsets(%dma_start3A_145 : memref<128xi32, #tpu.memory_space<vmem>>) semaphore(%arg15 : memref<!tpu.dma_semaphore, #tpu.memory_space<semaphore_mem>>)
    %dma_wait3A_149 = arith.constant 3 : i32
    %dma_wait3A_150 = arith.constant 0 : i32
    %dma_wait3A_151 = tpu.memref_slice %arg6[%dma_wait3A_149, %dma_wait3A_150] : memref<80x128xi32, #tpu.memory_space<vmem>> -> memref<1x128xi32, #tpu.memory_space<vmem>>
    %dma_wait3A_152 = tpu.memref_squeeze %dma_wait3A_151 : memref<1x128xi32, #tpu.memory_space<vmem>> -> memref<128xi32, #tpu.memory_space<vmem>>
    %dma_wait3A_153 = arith.constant 0 : i32
    %dma_wait3A_154 = arith.constant 0 : i32
    %dma_wait3A_155 = tpu.memref_slice %arg2[%dma_wait3A_153, %dma_wait3A_154] : memref<10240x128xf32, #tpu.memory_space<hbm>> -> memref<10240x128xf32, #tpu.memory_space<hbm>>
    tpu.wait_indirect_dma semaphore(%arg15 : memref<!tpu.dma_semaphore, #tpu.memory_space<semaphore_mem>>) src(%dma_wait3A_155 : memref<10240x128xf32, #tpu.memory_space<hbm>>) dst(%arg12 : memref<128x128xf32, #tpu.memory_space<vmem>>)
    %dma_wait3A_156 = arith.constant 3 : i32
    %dma_wait3A_157 = arith.constant 0 : i32
    %dma_wait3A_158 = tpu.memref_slice %arg4[%arg1, %dma_wait3A_156, %dma_wait3A_157] : memref<16x80x128xi32, #tpu.memory_space<hbm>> -> memref<1x1x128xi32, #tpu.memory_space<hbm>>
    %dma_wait3A_159 = tpu.memref_squeeze %dma_wait3A_158 : memref<1x1x128xi32, #tpu.memory_space<hbm>> -> memref<1x128xi32, #tpu.memory_space<hbm>>
    %dma_wait3A_160 = arith.constant 3 : i32
    %dma_wait3A_161 = arith.constant 0 : i32
    %dma_wait3A_162 = tpu.memref_slice %arg4[%arg1, %dma_wait3A_160, %dma_wait3A_161] : memref<16x80x128xi32, #tpu.memory_space<hbm>> -> memref<1x1x128xi32, #tpu.memory_space<hbm>>
    %dma_wait3A_163 = tpu.memref_squeeze %dma_wait3A_162 : memref<1x1x128xi32, #tpu.memory_space<hbm>> -> memref<1x128xi32, #tpu.memory_space<hbm>>
    tpu.wait_dma2 semaphore(%arg21 : memref<!tpu.dma_semaphore, #tpu.memory_space<semaphore_mem>>) src(%dma_wait3A_163 : memref<1x128xi32, #tpu.memory_space<hbm>>) dst(%arg10 : memref<1x128xi32, #tpu.memory_space<vmem>>)
    %dma_wait3A_164 = arith.constant 0 : i32
    %dma_wait3A_165 = arith.constant 0 : i32
    %dma_wait3A_166 = tpu.memref_slice %arg9[%dma_wait3A_164, %dma_wait3A_165] : memref<1x128xi32, #tpu.memory_space<vmem>> -> memref<1x128xi32, #tpu.memory_space<vmem>>
    %dma_wait3A_167 = tpu.memref_squeeze %dma_wait3A_166 : memref<1x128xi32, #tpu.memory_space<vmem>> -> memref<128xi32, #tpu.memory_space<vmem>>
    %dma_wait3A_168 = arith.constant 0 : i32
    %dma_wait3A_169 = arith.constant 0 : i32
    %dma_wait3A_170 = tpu.memref_slice %arg13[%dma_wait3A_168, %dma_wait3A_169] : memref<10240x128xf32, #tpu.memory_space<vmem_shared>> -> memref<10240x128xf32, #tpu.memory_space<vmem_shared>>
    tpu.wait_indirect_dma semaphore(%arg16 : memref<!tpu.dma_semaphore, #tpu.memory_space<semaphore_mem>>) src(%arg11 : memref<128x128xf32, #tpu.memory_space<vmem>>) dst(%dma_wait3A_170 : memref<10240x128xf32, #tpu.memory_space<vmem_shared>>)
    %dma_start3A_171 = arith.constant 0 : i32
    %dma_start3A_172 = arith.constant 0 : i32
    %dma_start3A_173 = tpu.memref_slice %arg10[%dma_start3A_171, %dma_start3A_172] : memref<1x128xi32, #tpu.memory_space<vmem>> -> memref<1x128xi32, #tpu.memory_space<vmem>>
    %dma_start3A_174 = tpu.memref_squeeze %dma_start3A_173 : memref<1x128xi32, #tpu.memory_space<vmem>> -> memref<128xi32, #tpu.memory_space<vmem>>
    %dma_start3A_175 = arith.constant 0 : i32
    %dma_start3A_176 = arith.constant 0 : i32
    %dma_start3A_177 = tpu.memref_slice %arg13[%dma_start3A_175, %dma_start3A_176] : memref<10240x128xf32, #tpu.memory_space<vmem_shared>> -> memref<10240x128xf32, #tpu.memory_space<vmem_shared>>
    tpu.enqueue_indirect_dma source(%arg12 : memref<128x128xf32, #tpu.memory_space<vmem>>) target(%dma_start3A_177 : memref<10240x128xf32, #tpu.memory_space<vmem_shared>>) offsets(%dma_start3A_174 : memref<128xi32, #tpu.memory_space<vmem>>) semaphore(%arg17 : memref<!tpu.dma_semaphore, #tpu.memory_space<semaphore_mem>>) {add = true}
    %dma_start3A_178 = arith.constant 5 : i32
    %dma_start3A_179 = arith.constant 0 : i32
    %dma_start3A_180 = tpu.memref_slice %arg4[%arg1, %dma_start3A_178, %dma_start3A_179] : memref<16x80x128xi32, #tpu.memory_space<hbm>> -> memref<1x1x128xi32, #tpu.memory_space<hbm>>
    %dma_start3A_181 = tpu.memref_squeeze %dma_start3A_180 : memref<1x1x128xi32, #tpu.memory_space<hbm>> -> memref<1x128xi32, #tpu.memory_space<hbm>>
    %dma_start3A_182 = arith.constant 5 : i32
    %dma_start3A_183 = arith.constant 0 : i32
    %dma_start3A_184 = tpu.memref_slice %arg4[%arg1, %dma_start3A_182, %dma_start3A_183] : memref<16x80x128xi32, #tpu.memory_space<hbm>> -> memref<1x1x128xi32, #tpu.memory_space<hbm>>
    %dma_start3A_185 = tpu.memref_squeeze %dma_start3A_184 : memref<1x1x128xi32, #tpu.memory_space<hbm>> -> memref<1x128xi32, #tpu.memory_space<hbm>>
    tpu.enqueue_dma source(%dma_start3A_185 : memref<1x128xi32, #tpu.memory_space<hbm>>) target(%arg8 : memref<1x128xi32, #tpu.memory_space<vmem>>) target_semaphore(%arg19 : memref<!tpu.dma_semaphore, #tpu.memory_space<semaphore_mem>>)
    %dma_start3A_186 = arith.constant 4 : i32
    %dma_start3A_187 = arith.constant 0 : i32
    %dma_start3A_188 = tpu.memref_slice %arg6[%dma_start3A_186, %dma_start3A_187] : memref<80x128xi32, #tpu.memory_space<vmem>> -> memref<1x128xi32, #tpu.memory_space<vmem>>
    %dma_start3A_189 = tpu.memref_squeeze %dma_start3A_188 : memref<1x128xi32, #tpu.memory_space<vmem>> -> memref<128xi32, #tpu.memory_space<vmem>>
    %dma_start3A_190 = arith.constant 0 : i32
    %dma_start3A_191 = arith.constant 0 : i32
    %dma_start3A_192 = tpu.memref_slice %arg2[%dma_start3A_190, %dma_start3A_191] : memref<10240x128xf32, #tpu.memory_space<hbm>> -> memref<10240x128xf32, #tpu.memory_space<hbm>>
    tpu.enqueue_indirect_dma source(%dma_start3A_192 : memref<10240x128xf32, #tpu.memory_space<hbm>>) target(%arg11 : memref<128x128xf32, #tpu.memory_space<vmem>>) offsets(%dma_start3A_189 : memref<128xi32, #tpu.memory_space<vmem>>) semaphore(%arg14 : memref<!tpu.dma_semaphore, #tpu.memory_space<semaphore_mem>>)
    %scan3A = arith.constant 0 : i32
    %scan3A_193 = arith.constant 1 : i32
    %scan3A_194 = arith.constant 18 : i32
    %scan3A_195 = arith.addi %scan3A_193, %scan3A_194 : i32
    %scan3A_196 = arith.constant 1 : i32
    scf.for %scan3A_363 = %scan3A_193 to %scan3A_195 step %scan3A_196  : i32 {
      %mul3A_364 = arith.constant 4 : i32
      %mul3A_365 = arith.muli %mul3A_364, %scan3A_363 : i32
      %add3A = arith.constant 0 : i32
      %add3A_366 = arith.addi %mul3A_365, %add3A : i32
      %dma_wait3A_367 = arith.constant 0 : i32
      %dma_wait3A_368 = tpu.memref_slice %arg6[%add3A_366, %dma_wait3A_367] : memref<80x128xi32, #tpu.memory_space<vmem>> -> memref<1x128xi32, #tpu.memory_space<vmem>>
      %dma_wait3A_369 = tpu.memref_squeeze %dma_wait3A_368 : memref<1x128xi32, #tpu.memory_space<vmem>> -> memref<128xi32, #tpu.memory_space<vmem>>
      %dma_wait3A_370 = arith.constant 0 : i32
      %dma_wait3A_371 = arith.constant 0 : i32
      %dma_wait3A_372 = tpu.memref_slice %arg2[%dma_wait3A_370, %dma_wait3A_371] : memref<10240x128xf32, #tpu.memory_space<hbm>> -> memref<10240x128xf32, #tpu.memory_space<hbm>>
      tpu.wait_indirect_dma semaphore(%arg14 : memref<!tpu.dma_semaphore, #tpu.memory_space<semaphore_mem>>) src(%dma_wait3A_372 : memref<10240x128xf32, #tpu.memory_space<hbm>>) dst(%arg11 : memref<128x128xf32, #tpu.memory_space<vmem>>)
      %dma_wait3A_373 = arith.constant 0 : i32
      %dma_wait3A_374 = tpu.memref_slice %arg4[%arg1, %add3A_366, %dma_wait3A_373] : memref<16x80x128xi32, #tpu.memory_space<hbm>> -> memref<1x1x128xi32, #tpu.memory_space<hbm>>
      %dma_wait3A_375 = tpu.memref_squeeze %dma_wait3A_374 : memref<1x1x128xi32, #tpu.memory_space<hbm>> -> memref<1x128xi32, #tpu.memory_space<hbm>>
      %dma_wait3A_376 = arith.constant 0 : i32
      %dma_wait3A_377 = tpu.memref_slice %arg4[%arg1, %add3A_366, %dma_wait3A_376] : memref<16x80x128xi32, #tpu.memory_space<hbm>> -> memref<1x1x128xi32, #tpu.memory_space<hbm>>
      %dma_wait3A_378 = tpu.memref_squeeze %dma_wait3A_377 : memref<1x1x128xi32, #tpu.memory_space<hbm>> -> memref<1x128xi32, #tpu.memory_space<hbm>>
      tpu.wait_dma2 semaphore(%arg18 : memref<!tpu.dma_semaphore, #tpu.memory_space<semaphore_mem>>) src(%dma_wait3A_378 : memref<1x128xi32, #tpu.memory_space<hbm>>) dst(%arg7 : memref<1x128xi32, #tpu.memory_space<vmem>>)
      %sub3A = arith.constant 1 : i32
      %sub3A_379 = arith.subi %add3A_366, %sub3A : i32
      %dma_wait3A_380 = arith.constant 0 : i32
      %dma_wait3A_381 = arith.constant 0 : i32
      %dma_wait3A_382 = tpu.memref_slice %arg10[%dma_wait3A_380, %dma_wait3A_381] : memref<1x128xi32, #tpu.memory_space<vmem>> -> memref<1x128xi32, #tpu.memory_space<vmem>>
      %dma_wait3A_383 = tpu.memref_squeeze %dma_wait3A_382 : memref<1x128xi32, #tpu.memory_space<vmem>> -> memref<128xi32, #tpu.memory_space<vmem>>
      %dma_wait3A_384 = arith.constant 0 : i32
      %dma_wait3A_385 = arith.constant 0 : i32
      %dma_wait3A_386 = tpu.memref_slice %arg13[%dma_wait3A_384, %dma_wait3A_385] : memref<10240x128xf32, #tpu.memory_space<vmem_shared>> -> memref<10240x128xf32, #tpu.memory_space<vmem_shared>>
      tpu.wait_indirect_dma semaphore(%arg17 : memref<!tpu.dma_semaphore, #tpu.memory_space<semaphore_mem>>) src(%arg12 : memref<128x128xf32, #tpu.memory_space<vmem>>) dst(%dma_wait3A_386 : memref<10240x128xf32, #tpu.memory_space<vmem_shared>>)
      %dma_start3A_387 = arith.constant 0 : i32
      %dma_start3A_388 = arith.constant 0 : i32
      %dma_start3A_389 = tpu.memref_slice %arg7[%dma_start3A_387, %dma_start3A_388] : memref<1x128xi32, #tpu.memory_space<vmem>> -> memref<1x128xi32, #tpu.memory_space<vmem>>
      %dma_start3A_390 = tpu.memref_squeeze %dma_start3A_389 : memref<1x128xi32, #tpu.memory_space<vmem>> -> memref<128xi32, #tpu.memory_space<vmem>>
      %dma_start3A_391 = arith.constant 0 : i32
      %dma_start3A_392 = arith.constant 0 : i32
      %dma_start3A_393 = tpu.memref_slice %arg13[%dma_start3A_391, %dma_start3A_392] : memref<10240x128xf32, #tpu.memory_space<vmem_shared>> -> memref<10240x128xf32, #tpu.memory_space<vmem_shared>>
      tpu.enqueue_indirect_dma source(%arg11 : memref<128x128xf32, #tpu.memory_space<vmem>>) target(%dma_start3A_393 : memref<10240x128xf32, #tpu.memory_space<vmem_shared>>) offsets(%dma_start3A_390 : memref<128xi32, #tpu.memory_space<vmem>>) semaphore(%arg16 : memref<!tpu.dma_semaphore, #tpu.memory_space<semaphore_mem>>) {add = true}
      %add3A_394 = arith.constant 2 : i32
      %add3A_395 = arith.addi %add3A_366, %add3A_394 : i32
      %dma_start3A_396 = arith.constant 0 : i32
      %dma_start3A_397 = tpu.memref_slice %arg4[%arg1, %add3A_395, %dma_start3A_396] : memref<16x80x128xi32, #tpu.memory_space<hbm>> -> memref<1x1x128xi32, #tpu.memory_space<hbm>>
      %dma_start3A_398 = tpu.memref_squeeze %dma_start3A_397 : memref<1x1x128xi32, #tpu.memory_space<hbm>> -> memref<1x128xi32, #tpu.memory_space<hbm>>
      %dma_start3A_399 = arith.constant 0 : i32
      %dma_start3A_400 = tpu.memref_slice %arg4[%arg1, %add3A_395, %dma_start3A_399] : memref<16x80x128xi32, #tpu.memory_space<hbm>> -> memref<1x1x128xi32, #tpu.memory_space<hbm>>
      %dma_start3A_401 = tpu.memref_squeeze %dma_start3A_400 : memref<1x1x128xi32, #tpu.memory_space<hbm>> -> memref<1x128xi32, #tpu.memory_space<hbm>>
      tpu.enqueue_dma source(%dma_start3A_401 : memref<1x128xi32, #tpu.memory_space<hbm>>) target(%arg9 : memref<1x128xi32, #tpu.memory_space<vmem>>) target_semaphore(%arg20 : memref<!tpu.dma_semaphore, #tpu.memory_space<semaphore_mem>>)
      %add3A_402 = arith.constant 1 : i32
      %add3A_403 = arith.addi %add3A_366, %add3A_402 : i32
      %dma_start3A_404 = arith.constant 0 : i32
      %dma_start3A_405 = tpu.memref_slice %arg6[%add3A_403, %dma_start3A_404] : memref<80x128xi32, #tpu.memory_space<vmem>> -> memref<1x128xi32, #tpu.memory_space<vmem>>
      %dma_start3A_406 = tpu.memref_squeeze %dma_start3A_405 : memref<1x128xi32, #tpu.memory_space<vmem>> -> memref<128xi32, #tpu.memory_space<vmem>>
      %dma_start3A_407 = arith.constant 0 : i32
      %dma_start3A_408 = arith.constant 0 : i32
      %dma_start3A_409 = tpu.memref_slice %arg2[%dma_start3A_407, %dma_start3A_408] : memref<10240x128xf32, #tpu.memory_space<hbm>> -> memref<10240x128xf32, #tpu.memory_space<hbm>>
      tpu.enqueue_indirect_dma source(%dma_start3A_409 : memref<10240x128xf32, #tpu.memory_space<hbm>>) target(%arg12 : memref<128x128xf32, #tpu.memory_space<vmem>>) offsets(%dma_start3A_406 : memref<128xi32, #tpu.memory_space<vmem>>) semaphore(%arg15 : memref<!tpu.dma_semaphore, #tpu.memory_space<semaphore_mem>>)
      %add3A_410 = arith.constant 1 : i32
      %add3A_411 = arith.addi %mul3A_365, %add3A_410 : i32
      %dma_wait3A_412 = arith.constant 0 : i32
      %dma_wait3A_413 = tpu.memref_slice %arg6[%add3A_411, %dma_wait3A_412] : memref<80x128xi32, #tpu.memory_space<vmem>> -> memref<1x128xi32, #tpu.memory_space<vmem>>
      %dma_wait3A_414 = tpu.memref_squeeze %dma_wait3A_413 : memref<1x128xi32, #tpu.memory_space<vmem>> -> memref<128xi32, #tpu.memory_space<vmem>>
      %dma_wait3A_415 = arith.constant 0 : i32
      %dma_wait3A_416 = arith.constant 0 : i32
      %dma_wait3A_417 = tpu.memref_slice %arg2[%dma_wait3A_415, %dma_wait3A_416] : memref<10240x128xf32, #tpu.memory_space<hbm>> -> memref<10240x128xf32, #tpu.memory_space<hbm>>
      tpu.wait_indirect_dma semaphore(%arg15 : memref<!tpu.dma_semaphore, #tpu.memory_space<semaphore_mem>>) src(%dma_wait3A_417 : memref<10240x128xf32, #tpu.memory_space<hbm>>) dst(%arg12 : memref<128x128xf32, #tpu.memory_space<vmem>>)
      %dma_wait3A_418 = arith.constant 0 : i32
      %dma_wait3A_419 = tpu.memref_slice %arg4[%arg1, %add3A_411, %dma_wait3A_418] : memref<16x80x128xi32, #tpu.memory_space<hbm>> -> memref<1x1x128xi32, #tpu.memory_space<hbm>>
      %dma_wait3A_420 = tpu.memref_squeeze %dma_wait3A_419 : memref<1x1x128xi32, #tpu.memory_space<hbm>> -> memref<1x128xi32, #tpu.memory_space<hbm>>
      %dma_wait3A_421 = arith.constant 0 : i32
      %dma_wait3A_422 = tpu.memref_slice %arg4[%arg1, %add3A_411, %dma_wait3A_421] : memref<16x80x128xi32, #tpu.memory_space<hbm>> -> memref<1x1x128xi32, #tpu.memory_space<hbm>>
      %dma_wait3A_423 = tpu.memref_squeeze %dma_wait3A_422 : memref<1x1x128xi32, #tpu.memory_space<hbm>> -> memref<1x128xi32, #tpu.memory_space<hbm>>
      tpu.wait_dma2 semaphore(%arg19 : memref<!tpu.dma_semaphore, #tpu.memory_space<semaphore_mem>>) src(%dma_wait3A_423 : memref<1x128xi32, #tpu.memory_space<hbm>>) dst(%arg8 : memref<1x128xi32, #tpu.memory_space<vmem>>)
      %sub3A_424 = arith.constant 1 : i32
      %sub3A_425 = arith.subi %add3A_411, %sub3A_424 : i32
      %dma_wait3A_426 = arith.constant 0 : i32
      %dma_wait3A_427 = arith.constant 0 : i32
      %dma_wait3A_428 = tpu.memref_slice %arg7[%dma_wait3A_426, %dma_wait3A_427] : memref<1x128xi32, #tpu.memory_space<vmem>> -> memref<1x128xi32, #tpu.memory_space<vmem>>
      %dma_wait3A_429 = tpu.memref_squeeze %dma_wait3A_428 : memref<1x128xi32, #tpu.memory_space<vmem>> -> memref<128xi32, #tpu.memory_space<vmem>>
      %dma_wait3A_430 = arith.constant 0 : i32
      %dma_wait3A_431 = arith.constant 0 : i32
      %dma_wait3A_432 = tpu.memref_slice %arg13[%dma_wait3A_430, %dma_wait3A_431] : memref<10240x128xf32, #tpu.memory_space<vmem_shared>> -> memref<10240x128xf32, #tpu.memory_space<vmem_shared>>
      tpu.wait_indirect_dma semaphore(%arg16 : memref<!tpu.dma_semaphore, #tpu.memory_space<semaphore_mem>>) src(%arg11 : memref<128x128xf32, #tpu.memory_space<vmem>>) dst(%dma_wait3A_432 : memref<10240x128xf32, #tpu.memory_space<vmem_shared>>)
      %dma_start3A_433 = arith.constant 0 : i32
      %dma_start3A_434 = arith.constant 0 : i32
      %dma_start3A_435 = tpu.memref_slice %arg8[%dma_start3A_433, %dma_start3A_434] : memref<1x128xi32, #tpu.memory_space<vmem>> -> memref<1x128xi32, #tpu.memory_space<vmem>>
      %dma_start3A_436 = tpu.memref_squeeze %dma_start3A_435 : memref<1x128xi32, #tpu.memory_space<vmem>> -> memref<128xi32, #tpu.memory_space<vmem>>
      %dma_start3A_437 = arith.constant 0 : i32
      %dma_start3A_438 = arith.constant 0 : i32
      %dma_start3A_439 = tpu.memref_slice %arg13[%dma_start3A_437, %dma_start3A_438] : memref<10240x128xf32, #tpu.memory_space<vmem_shared>> -> memref<10240x128xf32, #tpu.memory_space<vmem_shared>>
      tpu.enqueue_indirect_dma source(%arg12 : memref<128x128xf32, #tpu.memory_space<vmem>>) target(%dma_start3A_439 : memref<10240x128xf32, #tpu.memory_space<vmem_shared>>) offsets(%dma_start3A_436 : memref<128xi32, #tpu.memory_space<vmem>>) semaphore(%arg17 : memref<!tpu.dma_semaphore, #tpu.memory_space<semaphore_mem>>) {add = true}
      %add3A_440 = arith.constant 2 : i32
      %add3A_441 = arith.addi %add3A_411, %add3A_440 : i32
      %dma_start3A_442 = arith.constant 0 : i32
      %dma_start3A_443 = tpu.memref_slice %arg4[%arg1, %add3A_441, %dma_start3A_442] : memref<16x80x128xi32, #tpu.memory_space<hbm>> -> memref<1x1x128xi32, #tpu.memory_space<hbm>>
      %dma_start3A_444 = tpu.memref_squeeze %dma_start3A_443 : memref<1x1x128xi32, #tpu.memory_space<hbm>> -> memref<1x128xi32, #tpu.memory_space<hbm>>
      %dma_start3A_445 = arith.constant 0 : i32
      %dma_start3A_446 = tpu.memref_slice %arg4[%arg1, %add3A_441, %dma_start3A_445] : memref<16x80x128xi32, #tpu.memory_space<hbm>> -> memref<1x1x128xi32, #tpu.memory_space<hbm>>
      %dma_start3A_447 = tpu.memref_squeeze %dma_start3A_446 : memref<1x1x128xi32, #tpu.memory_space<hbm>> -> memref<1x128xi32, #tpu.memory_space<hbm>>
      tpu.enqueue_dma source(%dma_start3A_447 : memref<1x128xi32, #tpu.memory_space<hbm>>) target(%arg10 : memref<1x128xi32, #tpu.memory_space<vmem>>) target_semaphore(%arg21 : memref<!tpu.dma_semaphore, #tpu.memory_space<semaphore_mem>>)
      %add3A_448 = arith.constant 1 : i32
      %add3A_449 = arith.addi %add3A_411, %add3A_448 : i32
      %dma_start3A_450 = arith.constant 0 : i32
      %dma_start3A_451 = tpu.memref_slice %arg6[%add3A_449, %dma_start3A_450] : memref<80x128xi32, #tpu.memory_space<vmem>> -> memref<1x128xi32, #tpu.memory_space<vmem>>
      %dma_start3A_452 = tpu.memref_squeeze %dma_start3A_451 : memref<1x128xi32, #tpu.memory_space<vmem>> -> memref<128xi32, #tpu.memory_space<vmem>>
      %dma_start3A_453 = arith.constant 0 : i32
      %dma_start3A_454 = arith.constant 0 : i32
      %dma_start3A_455 = tpu.memref_slice %arg2[%dma_start3A_453, %dma_start3A_454] : memref<10240x128xf32, #tpu.memory_space<hbm>> -> memref<10240x128xf32, #tpu.memory_space<hbm>>
      tpu.enqueue_indirect_dma source(%dma_start3A_455 : memref<10240x128xf32, #tpu.memory_space<hbm>>) target(%arg11 : memref<128x128xf32, #tpu.memory_space<vmem>>) offsets(%dma_start3A_452 : memref<128xi32, #tpu.memory_space<vmem>>) semaphore(%arg14 : memref<!tpu.dma_semaphore, #tpu.memory_space<semaphore_mem>>)
      %add3A_456 = arith.constant 2 : i32
      %add3A_457 = arith.addi %mul3A_365, %add3A_456 : i32
      %dma_wait3A_458 = arith.constant 0 : i32
      %dma_wait3A_459 = tpu.memref_slice %arg6[%add3A_457, %dma_wait3A_458] : memref<80x128xi32, #tpu.memory_space<vmem>> -> memref<1x128xi32, #tpu.memory_space<vmem>>
      %dma_wait3A_460 = tpu.memref_squeeze %dma_wait3A_459 : memref<1x128xi32, #tpu.memory_space<vmem>> -> memref<128xi32, #tpu.memory_space<vmem>>
      %dma_wait3A_461 = arith.constant 0 : i32
      %dma_wait3A_462 = arith.constant 0 : i32
      %dma_wait3A_463 = tpu.memref_slice %arg2[%dma_wait3A_461, %dma_wait3A_462] : memref<10240x128xf32, #tpu.memory_space<hbm>> -> memref<10240x128xf32, #tpu.memory_space<hbm>>
      tpu.wait_indirect_dma semaphore(%arg14 : memref<!tpu.dma_semaphore, #tpu.memory_space<semaphore_mem>>) src(%dma_wait3A_463 : memref<10240x128xf32, #tpu.memory_space<hbm>>) dst(%arg11 : memref<128x128xf32, #tpu.memory_space<vmem>>)
      %dma_wait3A_464 = arith.constant 0 : i32
      %dma_wait3A_465 = tpu.memref_slice %arg4[%arg1, %add3A_457, %dma_wait3A_464] : memref<16x80x128xi32, #tpu.memory_space<hbm>> -> memref<1x1x128xi32, #tpu.memory_space<hbm>>
      %dma_wait3A_466 = tpu.memref_squeeze %dma_wait3A_465 : memref<1x1x128xi32, #tpu.memory_space<hbm>> -> memref<1x128xi32, #tpu.memory_space<hbm>>
      %dma_wait3A_467 = arith.constant 0 : i32
      %dma_wait3A_468 = tpu.memref_slice %arg4[%arg1, %add3A_457, %dma_wait3A_467] : memref<16x80x128xi32, #tpu.memory_space<hbm>> -> memref<1x1x128xi32, #tpu.memory_space<hbm>>
      %dma_wait3A_469 = tpu.memref_squeeze %dma_wait3A_468 : memref<1x1x128xi32, #tpu.memory_space<hbm>> -> memref<1x128xi32, #tpu.memory_space<hbm>>
      tpu.wait_dma2 semaphore(%arg20 : memref<!tpu.dma_semaphore, #tpu.memory_space<semaphore_mem>>) src(%dma_wait3A_469 : memref<1x128xi32, #tpu.memory_space<hbm>>) dst(%arg9 : memref<1x128xi32, #tpu.memory_space<vmem>>)
      %sub3A_470 = arith.constant 1 : i32
      %sub3A_471 = arith.subi %add3A_457, %sub3A_470 : i32
      %dma_wait3A_472 = arith.constant 0 : i32
      %dma_wait3A_473 = arith.constant 0 : i32
      %dma_wait3A_474 = tpu.memref_slice %arg8[%dma_wait3A_472, %dma_wait3A_473] : memref<1x128xi32, #tpu.memory_space<vmem>> -> memref<1x128xi32, #tpu.memory_space<vmem>>
      %dma_wait3A_475 = tpu.memref_squeeze %dma_wait3A_474 : memref<1x128xi32, #tpu.memory_space<vmem>> -> memref<128xi32, #tpu.memory_space<vmem>>
      %dma_wait3A_476 = arith.constant 0 : i32
      %dma_wait3A_477 = arith.constant 0 : i32
      %dma_wait3A_478 = tpu.memref_slice %arg13[%dma_wait3A_476, %dma_wait3A_477] : memref<10240x128xf32, #tpu.memory_space<vmem_shared>> -> memref<10240x128xf32, #tpu.memory_space<vmem_shared>>
      tpu.wait_indirect_dma semaphore(%arg17 : memref<!tpu.dma_semaphore, #tpu.memory_space<semaphore_mem>>) src(%arg12 : memref<128x128xf32, #tpu.memory_space<vmem>>) dst(%dma_wait3A_478 : memref<10240x128xf32, #tpu.memory_space<vmem_shared>>)
      %dma_start3A_479 = arith.constant 0 : i32
      %dma_start3A_480 = arith.constant 0 : i32
      %dma_start3A_481 = tpu.memref_slice %arg9[%dma_start3A_479, %dma_start3A_480] : memref<1x128xi32, #tpu.memory_space<vmem>> -> memref<1x128xi32, #tpu.memory_space<vmem>>
      %dma_start3A_482 = tpu.memref_squeeze %dma_start3A_481 : memref<1x128xi32, #tpu.memory_space<vmem>> -> memref<128xi32, #tpu.memory_space<vmem>>
      %dma_start3A_483 = arith.constant 0 : i32
      %dma_start3A_484 = arith.constant 0 : i32
      %dma_start3A_485 = tpu.memref_slice %arg13[%dma_start3A_483, %dma_start3A_484] : memref<10240x128xf32, #tpu.memory_space<vmem_shared>> -> memref<10240x128xf32, #tpu.memory_space<vmem_shared>>
      tpu.enqueue_indirect_dma source(%arg11 : memref<128x128xf32, #tpu.memory_space<vmem>>) target(%dma_start3A_485 : memref<10240x128xf32, #tpu.memory_space<vmem_shared>>) offsets(%dma_start3A_482 : memref<128xi32, #tpu.memory_space<vmem>>) semaphore(%arg16 : memref<!tpu.dma_semaphore, #tpu.memory_space<semaphore_mem>>) {add = true}
      %add3A_486 = arith.constant 2 : i32
      %add3A_487 = arith.addi %add3A_457, %add3A_486 : i32
      %dma_start3A_488 = arith.constant 0 : i32
      %dma_start3A_489 = tpu.memref_slice %arg4[%arg1, %add3A_487, %dma_start3A_488] : memref<16x80x128xi32, #tpu.memory_space<hbm>> -> memref<1x1x128xi32, #tpu.memory_space<hbm>>
      %dma_start3A_490 = tpu.memref_squeeze %dma_start3A_489 : memref<1x1x128xi32, #tpu.memory_space<hbm>> -> memref<1x128xi32, #tpu.memory_space<hbm>>
      %dma_start3A_491 = arith.constant 0 : i32
      %dma_start3A_492 = tpu.memref_slice %arg4[%arg1, %add3A_487, %dma_start3A_491] : memref<16x80x128xi32, #tpu.memory_space<hbm>> -> memref<1x1x128xi32, #tpu.memory_space<hbm>>
      %dma_start3A_493 = tpu.memref_squeeze %dma_start3A_492 : memref<1x1x128xi32, #tpu.memory_space<hbm>> -> memref<1x128xi32, #tpu.memory_space<hbm>>
      tpu.enqueue_dma source(%dma_start3A_493 : memref<1x128xi32, #tpu.memory_space<hbm>>) target(%arg7 : memref<1x128xi32, #tpu.memory_space<vmem>>) target_semaphore(%arg18 : memref<!tpu.dma_semaphore, #tpu.memory_space<semaphore_mem>>)
      %add3A_494 = arith.constant 1 : i32
      %add3A_495 = arith.addi %add3A_457, %add3A_494 : i32
      %dma_start3A_496 = arith.constant 0 : i32
      %dma_start3A_497 = tpu.memref_slice %arg6[%add3A_495, %dma_start3A_496] : memref<80x128xi32, #tpu.memory_space<vmem>> -> memref<1x128xi32, #tpu.memory_space<vmem>>
      %dma_start3A_498 = tpu.memref_squeeze %dma_start3A_497 : memref<1x128xi32, #tpu.memory_space<vmem>> -> memref<128xi32, #tpu.memory_space<vmem>>
      %dma_start3A_499 = arith.constant 0 : i32
      %dma_start3A_500 = arith.constant 0 : i32
      %dma_start3A_501 = tpu.memref_slice %arg2[%dma_start3A_499, %dma_start3A_500] : memref<10240x128xf32, #tpu.memory_space<hbm>> -> memref<10240x128xf32, #tpu.memory_space<hbm>>
      tpu.enqueue_indirect_dma source(%dma_start3A_501 : memref<10240x128xf32, #tpu.memory_space<hbm>>) target(%arg12 : memref<128x128xf32, #tpu.memory_space<vmem>>) offsets(%dma_start3A_498 : memref<128xi32, #tpu.memory_space<vmem>>) semaphore(%arg15 : memref<!tpu.dma_semaphore, #tpu.memory_space<semaphore_mem>>)
      %add3A_502 = arith.constant 3 : i32
      %add3A_503 = arith.addi %mul3A_365, %add3A_502 : i32
      %dma_wait3A_504 = arith.constant 0 : i32
      %dma_wait3A_505 = tpu.memref_slice %arg6[%add3A_503, %dma_wait3A_504] : memref<80x128xi32, #tpu.memory_space<vmem>> -> memref<1x128xi32, #tpu.memory_space<vmem>>
      %dma_wait3A_506 = tpu.memref_squeeze %dma_wait3A_505 : memref<1x128xi32, #tpu.memory_space<vmem>> -> memref<128xi32, #tpu.memory_space<vmem>>
      %dma_wait3A_507 = arith.constant 0 : i32
      %dma_wait3A_508 = arith.constant 0 : i32
      %dma_wait3A_509 = tpu.memref_slice %arg2[%dma_wait3A_507, %dma_wait3A_508] : memref<10240x128xf32, #tpu.memory_space<hbm>> -> memref<10240x128xf32, #tpu.memory_space<hbm>>
      tpu.wait_indirect_dma semaphore(%arg15 : memref<!tpu.dma_semaphore, #tpu.memory_space<semaphore_mem>>) src(%dma_wait3A_509 : memref<10240x128xf32, #tpu.memory_space<hbm>>) dst(%arg12 : memref<128x128xf32, #tpu.memory_space<vmem>>)
      %dma_wait3A_510 = arith.constant 0 : i32
      %dma_wait3A_511 = tpu.memref_slice %arg4[%arg1, %add3A_503, %dma_wait3A_510] : memref<16x80x128xi32, #tpu.memory_space<hbm>> -> memref<1x1x128xi32, #tpu.memory_space<hbm>>
      %dma_wait3A_512 = tpu.memref_squeeze %dma_wait3A_511 : memref<1x1x128xi32, #tpu.memory_space<hbm>> -> memref<1x128xi32, #tpu.memory_space<hbm>>
      %dma_wait3A_513 = arith.constant 0 : i32
      %dma_wait3A_514 = tpu.memref_slice %arg4[%arg1, %add3A_503, %dma_wait3A_513] : memref<16x80x128xi32, #tpu.memory_space<hbm>> -> memref<1x1x128xi32, #tpu.memory_space<hbm>>
      %dma_wait3A_515 = tpu.memref_squeeze %dma_wait3A_514 : memref<1x1x128xi32, #tpu.memory_space<hbm>> -> memref<1x128xi32, #tpu.memory_space<hbm>>
      tpu.wait_dma2 semaphore(%arg21 : memref<!tpu.dma_semaphore, #tpu.memory_space<semaphore_mem>>) src(%dma_wait3A_515 : memref<1x128xi32, #tpu.memory_space<hbm>>) dst(%arg10 : memref<1x128xi32, #tpu.memory_space<vmem>>)
      %sub3A_516 = arith.constant 1 : i32
      %sub3A_517 = arith.subi %add3A_503, %sub3A_516 : i32
      %dma_wait3A_518 = arith.constant 0 : i32
      %dma_wait3A_519 = arith.constant 0 : i32
      %dma_wait3A_520 = tpu.memref_slice %arg9[%dma_wait3A_518, %dma_wait3A_519] : memref<1x128xi32, #tpu.memory_space<vmem>> -> memref<1x128xi32, #tpu.memory_space<vmem>>
      %dma_wait3A_521 = tpu.memref_squeeze %dma_wait3A_520 : memref<1x128xi32, #tpu.memory_space<vmem>> -> memref<128xi32, #tpu.memory_space<vmem>>
      %dma_wait3A_522 = arith.constant 0 : i32
      %dma_wait3A_523 = arith.constant 0 : i32
      %dma_wait3A_524 = tpu.memref_slice %arg13[%dma_wait3A_522, %dma_wait3A_523] : memref<10240x128xf32, #tpu.memory_space<vmem_shared>> -> memref<10240x128xf32, #tpu.memory_space<vmem_shared>>
      tpu.wait_indirect_dma semaphore(%arg16 : memref<!tpu.dma_semaphore, #tpu.memory_space<semaphore_mem>>) src(%arg11 : memref<128x128xf32, #tpu.memory_space<vmem>>) dst(%dma_wait3A_524 : memref<10240x128xf32, #tpu.memory_space<vmem_shared>>)
      %dma_start3A_525 = arith.constant 0 : i32
      %dma_start3A_526 = arith.constant 0 : i32
      %dma_start3A_527 = tpu.memref_slice %arg10[%dma_start3A_525, %dma_start3A_526] : memref<1x128xi32, #tpu.memory_space<vmem>> -> memref<1x128xi32, #tpu.memory_space<vmem>>
      %dma_start3A_528 = tpu.memref_squeeze %dma_start3A_527 : memref<1x128xi32, #tpu.memory_space<vmem>> -> memref<128xi32, #tpu.memory_space<vmem>>
      %dma_start3A_529 = arith.constant 0 : i32
      %dma_start3A_530 = arith.constant 0 : i32
      %dma_start3A_531 = tpu.memref_slice %arg13[%dma_start3A_529, %dma_start3A_530] : memref<10240x128xf32, #tpu.memory_space<vmem_shared>> -> memref<10240x128xf32, #tpu.memory_space<vmem_shared>>
      tpu.enqueue_indirect_dma source(%arg12 : memref<128x128xf32, #tpu.memory_space<vmem>>) target(%dma_start3A_531 : memref<10240x128xf32, #tpu.memory_space<vmem_shared>>) offsets(%dma_start3A_528 : memref<128xi32, #tpu.memory_space<vmem>>) semaphore(%arg17 : memref<!tpu.dma_semaphore, #tpu.memory_space<semaphore_mem>>) {add = true}
      %add3A_532 = arith.constant 2 : i32
      %add3A_533 = arith.addi %add3A_503, %add3A_532 : i32
      %dma_start3A_534 = arith.constant 0 : i32
      %dma_start3A_535 = tpu.memref_slice %arg4[%arg1, %add3A_533, %dma_start3A_534] : memref<16x80x128xi32, #tpu.memory_space<hbm>> -> memref<1x1x128xi32, #tpu.memory_space<hbm>>
      %dma_start3A_536 = tpu.memref_squeeze %dma_start3A_535 : memref<1x1x128xi32, #tpu.memory_space<hbm>> -> memref<1x128xi32, #tpu.memory_space<hbm>>
      %dma_start3A_537 = arith.constant 0 : i32
      %dma_start3A_538 = tpu.memref_slice %arg4[%arg1, %add3A_533, %dma_start3A_537] : memref<16x80x128xi32, #tpu.memory_space<hbm>> -> memref<1x1x128xi32, #tpu.memory_space<hbm>>
      %dma_start3A_539 = tpu.memref_squeeze %dma_start3A_538 : memref<1x1x128xi32, #tpu.memory_space<hbm>> -> memref<1x128xi32, #tpu.memory_space<hbm>>
      tpu.enqueue_dma source(%dma_start3A_539 : memref<1x128xi32, #tpu.memory_space<hbm>>) target(%arg8 : memref<1x128xi32, #tpu.memory_space<vmem>>) target_semaphore(%arg19 : memref<!tpu.dma_semaphore, #tpu.memory_space<semaphore_mem>>)
      %add3A_540 = arith.constant 1 : i32
      %add3A_541 = arith.addi %add3A_503, %add3A_540 : i32
      %dma_start3A_542 = arith.constant 0 : i32
      %dma_start3A_543 = tpu.memref_slice %arg6[%add3A_541, %dma_start3A_542] : memref<80x128xi32, #tpu.memory_space<vmem>> -> memref<1x128xi32, #tpu.memory_space<vmem>>
      %dma_start3A_544 = tpu.memref_squeeze %dma_start3A_543 : memref<1x128xi32, #tpu.memory_space<vmem>> -> memref<128xi32, #tpu.memory_space<vmem>>
      %dma_start3A_545 = arith.constant 0 : i32
      %dma_start3A_546 = arith.constant 0 : i32
      %dma_start3A_547 = tpu.memref_slice %arg2[%dma_start3A_545, %dma_start3A_546] : memref<10240x128xf32, #tpu.memory_space<hbm>> -> memref<10240x128xf32, #tpu.memory_space<hbm>>
      tpu.enqueue_indirect_dma source(%dma_start3A_547 : memref<10240x128xf32, #tpu.memory_space<hbm>>) target(%arg11 : memref<128x128xf32, #tpu.memory_space<vmem>>) offsets(%dma_start3A_544 : memref<128xi32, #tpu.memory_space<vmem>>) semaphore(%arg14 : memref<!tpu.dma_semaphore, #tpu.memory_space<semaphore_mem>>)
    }
    %scan3A_197 = arith.constant 18 : i32
    %dma_wait3A_198 = arith.constant 76 : i32
    %dma_wait3A_199 = arith.constant 0 : i32
    %dma_wait3A_200 = tpu.memref_slice %arg6[%dma_wait3A_198, %dma_wait3A_199] : memref<80x128xi32, #tpu.memory_space<vmem>> -> memref<1x128xi32, #tpu.memory_space<vmem>>
    %dma_wait3A_201 = tpu.memref_squeeze %dma_wait3A_200 : memref<1x128xi32, #tpu.memory_space<vmem>> -> memref<128xi32, #tpu.memory_space<vmem>>
    %dma_wait3A_202 = arith.constant 0 : i32
    %dma_wait3A_203 = arith.constant 0 : i32
    %dma_wait3A_204 = tpu.memref_slice %arg2[%dma_wait3A_202, %dma_wait3A_203] : memref<10240x128xf32, #tpu.memory_space<hbm>> -> memref<10240x128xf32, #tpu.memory_space<hbm>>
    tpu.wait_indirect_dma semaphore(%arg14 : memref<!tpu.dma_semaphore, #tpu.memory_space<semaphore_mem>>) src(%dma_wait3A_204 : memref<10240x128xf32, #tpu.memory_space<hbm>>) dst(%arg11 : memref<128x128xf32, #tpu.memory_space<vmem>>)
    %dma_wait3A_205 = arith.constant 76 : i32
    %dma_wait3A_206 = arith.constant 0 : i32
    %dma_wait3A_207 = tpu.memref_slice %arg4[%arg1, %dma_wait3A_205, %dma_wait3A_206] : memref<16x80x128xi32, #tpu.memory_space<hbm>> -> memref<1x1x128xi32, #tpu.memory_space<hbm>>
    %dma_wait3A_208 = tpu.memref_squeeze %dma_wait3A_207 : memref<1x1x128xi32, #tpu.memory_space<hbm>> -> memref<1x128xi32, #tpu.memory_space<hbm>>
    %dma_wait3A_209 = arith.constant 76 : i32
    %dma_wait3A_210 = arith.constant 0 : i32
    %dma_wait3A_211 = tpu.memref_slice %arg4[%arg1, %dma_wait3A_209, %dma_wait3A_210] : memref<16x80x128xi32, #tpu.memory_space<hbm>> -> memref<1x1x128xi32, #tpu.memory_space<hbm>>
    %dma_wait3A_212 = tpu.memref_squeeze %dma_wait3A_211 : memref<1x1x128xi32, #tpu.memory_space<hbm>> -> memref<1x128xi32, #tpu.memory_space<hbm>>
    tpu.wait_dma2 semaphore(%arg18 : memref<!tpu.dma_semaphore, #tpu.memory_space<semaphore_mem>>) src(%dma_wait3A_212 : memref<1x128xi32, #tpu.memory_space<hbm>>) dst(%arg7 : memref<1x128xi32, #tpu.memory_space<vmem>>)
    %dma_wait3A_213 = arith.constant 0 : i32
    %dma_wait3A_214 = arith.constant 0 : i32
    %dma_wait3A_215 = tpu.memref_slice %arg10[%dma_wait3A_213, %dma_wait3A_214] : memref<1x128xi32, #tpu.memory_space<vmem>> -> memref<1x128xi32, #tpu.memory_space<vmem>>
    %dma_wait3A_216 = tpu.memref_squeeze %dma_wait3A_215 : memref<1x128xi32, #tpu.memory_space<vmem>> -> memref<128xi32, #tpu.memory_space<vmem>>
    %dma_wait3A_217 = arith.constant 0 : i32
    %dma_wait3A_218 = arith.constant 0 : i32
    %dma_wait3A_219 = tpu.memref_slice %arg13[%dma_wait3A_217, %dma_wait3A_218] : memref<10240x128xf32, #tpu.memory_space<vmem_shared>> -> memref<10240x128xf32, #tpu.memory_space<vmem_shared>>
    tpu.wait_indirect_dma semaphore(%arg17 : memref<!tpu.dma_semaphore, #tpu.memory_space<semaphore_mem>>) src(%arg12 : memref<128x128xf32, #tpu.memory_space<vmem>>) dst(%dma_wait3A_219 : memref<10240x128xf32, #tpu.memory_space<vmem_shared>>)
    %dma_start3A_220 = arith.constant 0 : i32
    %dma_start3A_221 = arith.constant 0 : i32
    %dma_start3A_222 = tpu.memref_slice %arg7[%dma_start3A_220, %dma_start3A_221] : memref<1x128xi32, #tpu.memory_space<vmem>> -> memref<1x128xi32, #tpu.memory_space<vmem>>
    %dma_start3A_223 = tpu.memref_squeeze %dma_start3A_222 : memref<1x128xi32, #tpu.memory_space<vmem>> -> memref<128xi32, #tpu.memory_space<vmem>>
    %dma_start3A_224 = arith.constant 0 : i32
    %dma_start3A_225 = arith.constant 0 : i32
    %dma_start3A_226 = tpu.memref_slice %arg13[%dma_start3A_224, %dma_start3A_225] : memref<10240x128xf32, #tpu.memory_space<vmem_shared>> -> memref<10240x128xf32, #tpu.memory_space<vmem_shared>>
    tpu.enqueue_indirect_dma source(%arg11 : memref<128x128xf32, #tpu.memory_space<vmem>>) target(%dma_start3A_226 : memref<10240x128xf32, #tpu.memory_space<vmem_shared>>) offsets(%dma_start3A_223 : memref<128xi32, #tpu.memory_space<vmem>>) semaphore(%arg16 : memref<!tpu.dma_semaphore, #tpu.memory_space<semaphore_mem>>) {add = true}
    %dma_start3A_227 = arith.constant 78 : i32
    %dma_start3A_228 = arith.constant 0 : i32
    %dma_start3A_229 = tpu.memref_slice %arg4[%arg1, %dma_start3A_227, %dma_start3A_228] : memref<16x80x128xi32, #tpu.memory_space<hbm>> -> memref<1x1x128xi32, #tpu.memory_space<hbm>>
    %dma_start3A_230 = tpu.memref_squeeze %dma_start3A_229 : memref<1x1x128xi32, #tpu.memory_space<hbm>> -> memref<1x128xi32, #tpu.memory_space<hbm>>
    %dma_start3A_231 = arith.constant 78 : i32
    %dma_start3A_232 = arith.constant 0 : i32
    %dma_start3A_233 = tpu.memref_slice %arg4[%arg1, %dma_start3A_231, %dma_start3A_232] : memref<16x80x128xi32, #tpu.memory_space<hbm>> -> memref<1x1x128xi32, #tpu.memory_space<hbm>>
    %dma_start3A_234 = tpu.memref_squeeze %dma_start3A_233 : memref<1x1x128xi32, #tpu.memory_space<hbm>> -> memref<1x128xi32, #tpu.memory_space<hbm>>
    tpu.enqueue_dma source(%dma_start3A_234 : memref<1x128xi32, #tpu.memory_space<hbm>>) target(%arg9 : memref<1x128xi32, #tpu.memory_space<vmem>>) target_semaphore(%arg20 : memref<!tpu.dma_semaphore, #tpu.memory_space<semaphore_mem>>)
    %dma_start3A_235 = arith.constant 77 : i32
    %dma_start3A_236 = arith.constant 0 : i32
    %dma_start3A_237 = tpu.memref_slice %arg6[%dma_start3A_235, %dma_start3A_236] : memref<80x128xi32, #tpu.memory_space<vmem>> -> memref<1x128xi32, #tpu.memory_space<vmem>>
    %dma_start3A_238 = tpu.memref_squeeze %dma_start3A_237 : memref<1x128xi32, #tpu.memory_space<vmem>> -> memref<128xi32, #tpu.memory_space<vmem>>
    %dma_start3A_239 = arith.constant 0 : i32
    %dma_start3A_240 = arith.constant 0 : i32
    %dma_start3A_241 = tpu.memref_slice %arg2[%dma_start3A_239, %dma_start3A_240] : memref<10240x128xf32, #tpu.memory_space<hbm>> -> memref<10240x128xf32, #tpu.memory_space<hbm>>
    tpu.enqueue_indirect_dma source(%dma_start3A_241 : memref<10240x128xf32, #tpu.memory_space<hbm>>) target(%arg12 : memref<128x128xf32, #tpu.memory_space<vmem>>) offsets(%dma_start3A_238 : memref<128xi32, #tpu.memory_space<vmem>>) semaphore(%arg15 : memref<!tpu.dma_semaphore, #tpu.memory_space<semaphore_mem>>)
    %dma_wait3A_242 = arith.constant 77 : i32
    %dma_wait3A_243 = arith.constant 0 : i32
    %dma_wait3A_244 = tpu.memref_slice %arg6[%dma_wait3A_242, %dma_wait3A_243] : memref<80x128xi32, #tpu.memory_space<vmem>> -> memref<1x128xi32, #tpu.memory_space<vmem>>
    %dma_wait3A_245 = tpu.memref_squeeze %dma_wait3A_244 : memref<1x128xi32, #tpu.memory_space<vmem>> -> memref<128xi32, #tpu.memory_space<vmem>>
    %dma_wait3A_246 = arith.constant 0 : i32
    %dma_wait3A_247 = arith.constant 0 : i32
    %dma_wait3A_248 = tpu.memref_slice %arg2[%dma_wait3A_246, %dma_wait3A_247] : memref<10240x128xf32, #tpu.memory_space<hbm>> -> memref<10240x128xf32, #tpu.memory_space<hbm>>
    tpu.wait_indirect_dma semaphore(%arg15 : memref<!tpu.dma_semaphore, #tpu.memory_space<semaphore_mem>>) src(%dma_wait3A_248 : memref<10240x128xf32, #tpu.memory_space<hbm>>) dst(%arg12 : memref<128x128xf32, #tpu.memory_space<vmem>>)
    %dma_wait3A_249 = arith.constant 77 : i32
    %dma_wait3A_250 = arith.constant 0 : i32
    %dma_wait3A_251 = tpu.memref_slice %arg4[%arg1, %dma_wait3A_249, %dma_wait3A_250] : memref<16x80x128xi32, #tpu.memory_space<hbm>> -> memref<1x1x128xi32, #tpu.memory_space<hbm>>
    %dma_wait3A_252 = tpu.memref_squeeze %dma_wait3A_251 : memref<1x1x128xi32, #tpu.memory_space<hbm>> -> memref<1x128xi32, #tpu.memory_space<hbm>>
    %dma_wait3A_253 = arith.constant 77 : i32
    %dma_wait3A_254 = arith.constant 0 : i32
    %dma_wait3A_255 = tpu.memref_slice %arg4[%arg1, %dma_wait3A_253, %dma_wait3A_254] : memref<16x80x128xi32, #tpu.memory_space<hbm>> -> memref<1x1x128xi32, #tpu.memory_space<hbm>>
    %dma_wait3A_256 = tpu.memref_squeeze %dma_wait3A_255 : memref<1x1x128xi32, #tpu.memory_space<hbm>> -> memref<1x128xi32, #tpu.memory_space<hbm>>
    tpu.wait_dma2 semaphore(%arg19 : memref<!tpu.dma_semaphore, #tpu.memory_space<semaphore_mem>>) src(%dma_wait3A_256 : memref<1x128xi32, #tpu.memory_space<hbm>>) dst(%arg8 : memref<1x128xi32, #tpu.memory_space<vmem>>)
    %dma_wait3A_257 = arith.constant 0 : i32
    %dma_wait3A_258 = arith.constant 0 : i32
    %dma_wait3A_259 = tpu.memref_slice %arg7[%dma_wait3A_257, %dma_wait3A_258] : memref<1x128xi32, #tpu.memory_space<vmem>> -> memref<1x128xi32, #tpu.memory_space<vmem>>
    %dma_wait3A_260 = tpu.memref_squeeze %dma_wait3A_259 : memref<1x128xi32, #tpu.memory_space<vmem>> -> memref<128xi32, #tpu.memory_space<vmem>>
    %dma_wait3A_261 = arith.constant 0 : i32
    %dma_wait3A_262 = arith.constant 0 : i32
    %dma_wait3A_263 = tpu.memref_slice %arg13[%dma_wait3A_261, %dma_wait3A_262] : memref<10240x128xf32, #tpu.memory_space<vmem_shared>> -> memref<10240x128xf32, #tpu.memory_space<vmem_shared>>
    tpu.wait_indirect_dma semaphore(%arg16 : memref<!tpu.dma_semaphore, #tpu.memory_space<semaphore_mem>>) src(%arg11 : memref<128x128xf32, #tpu.memory_space<vmem>>) dst(%dma_wait3A_263 : memref<10240x128xf32, #tpu.memory_space<vmem_shared>>)
    %dma_start3A_264 = arith.constant 0 : i32
    %dma_start3A_265 = arith.constant 0 : i32
    %dma_start3A_266 = tpu.memref_slice %arg8[%dma_start3A_264, %dma_start3A_265] : memref<1x128xi32, #tpu.memory_space<vmem>> -> memref<1x128xi32, #tpu.memory_space<vmem>>
    %dma_start3A_267 = tpu.memref_squeeze %dma_start3A_266 : memref<1x128xi32, #tpu.memory_space<vmem>> -> memref<128xi32, #tpu.memory_space<vmem>>
    %dma_start3A_268 = arith.constant 0 : i32
    %dma_start3A_269 = arith.constant 0 : i32
    %dma_start3A_270 = tpu.memref_slice %arg13[%dma_start3A_268, %dma_start3A_269] : memref<10240x128xf32, #tpu.memory_space<vmem_shared>> -> memref<10240x128xf32, #tpu.memory_space<vmem_shared>>
    tpu.enqueue_indirect_dma source(%arg12 : memref<128x128xf32, #tpu.memory_space<vmem>>) target(%dma_start3A_270 : memref<10240x128xf32, #tpu.memory_space<vmem_shared>>) offsets(%dma_start3A_267 : memref<128xi32, #tpu.memory_space<vmem>>) semaphore(%arg17 : memref<!tpu.dma_semaphore, #tpu.memory_space<semaphore_mem>>) {add = true}
    %dma_start3A_271 = arith.constant 79 : i32
    %dma_start3A_272 = arith.constant 0 : i32
    %dma_start3A_273 = tpu.memref_slice %arg4[%arg1, %dma_start3A_271, %dma_start3A_272] : memref<16x80x128xi32, #tpu.memory_space<hbm>> -> memref<1x1x128xi32, #tpu.memory_space<hbm>>
    %dma_start3A_274 = tpu.memref_squeeze %dma_start3A_273 : memref<1x1x128xi32, #tpu.memory_space<hbm>> -> memref<1x128xi32, #tpu.memory_space<hbm>>
    %dma_start3A_275 = arith.constant 79 : i32
    %dma_start3A_276 = arith.constant 0 : i32
    %dma_start3A_277 = tpu.memref_slice %arg4[%arg1, %dma_start3A_275, %dma_start3A_276] : memref<16x80x128xi32, #tpu.memory_space<hbm>> -> memref<1x1x128xi32, #tpu.memory_space<hbm>>
    %dma_start3A_278 = tpu.memref_squeeze %dma_start3A_277 : memref<1x1x128xi32, #tpu.memory_space<hbm>> -> memref<1x128xi32, #tpu.memory_space<hbm>>
    tpu.enqueue_dma source(%dma_start3A_278 : memref<1x128xi32, #tpu.memory_space<hbm>>) target(%arg10 : memref<1x128xi32, #tpu.memory_space<vmem>>) target_semaphore(%arg21 : memref<!tpu.dma_semaphore, #tpu.memory_space<semaphore_mem>>)
    %dma_start3A_279 = arith.constant 78 : i32
    %dma_start3A_280 = arith.constant 0 : i32
    %dma_start3A_281 = tpu.memref_slice %arg6[%dma_start3A_279, %dma_start3A_280] : memref<80x128xi32, #tpu.memory_space<vmem>> -> memref<1x128xi32, #tpu.memory_space<vmem>>
    %dma_start3A_282 = tpu.memref_squeeze %dma_start3A_281 : memref<1x128xi32, #tpu.memory_space<vmem>> -> memref<128xi32, #tpu.memory_space<vmem>>
    %dma_start3A_283 = arith.constant 0 : i32
    %dma_start3A_284 = arith.constant 0 : i32
    %dma_start3A_285 = tpu.memref_slice %arg2[%dma_start3A_283, %dma_start3A_284] : memref<10240x128xf32, #tpu.memory_space<hbm>> -> memref<10240x128xf32, #tpu.memory_space<hbm>>
    tpu.enqueue_indirect_dma source(%dma_start3A_285 : memref<10240x128xf32, #tpu.memory_space<hbm>>) target(%arg11 : memref<128x128xf32, #tpu.memory_space<vmem>>) offsets(%dma_start3A_282 : memref<128xi32, #tpu.memory_space<vmem>>) semaphore(%arg14 : memref<!tpu.dma_semaphore, #tpu.memory_space<semaphore_mem>>)
    %dma_wait3A_286 = arith.constant 78 : i32
    %dma_wait3A_287 = arith.constant 0 : i32
    %dma_wait3A_288 = tpu.memref_slice %arg6[%dma_wait3A_286, %dma_wait3A_287] : memref<80x128xi32, #tpu.memory_space<vmem>> -> memref<1x128xi32, #tpu.memory_space<vmem>>
    %dma_wait3A_289 = tpu.memref_squeeze %dma_wait3A_288 : memref<1x128xi32, #tpu.memory_space<vmem>> -> memref<128xi32, #tpu.memory_space<vmem>>
    %dma_wait3A_290 = arith.constant 0 : i32
    %dma_wait3A_291 = arith.constant 0 : i32
    %dma_wait3A_292 = tpu.memref_slice %arg2[%dma_wait3A_290, %dma_wait3A_291] : memref<10240x128xf32, #tpu.memory_space<hbm>> -> memref<10240x128xf32, #tpu.memory_space<hbm>>
    tpu.wait_indirect_dma semaphore(%arg14 : memref<!tpu.dma_semaphore, #tpu.memory_space<semaphore_mem>>) src(%dma_wait3A_292 : memref<10240x128xf32, #tpu.memory_space<hbm>>) dst(%arg11 : memref<128x128xf32, #tpu.memory_space<vmem>>)
    %dma_wait3A_293 = arith.constant 78 : i32
    %dma_wait3A_294 = arith.constant 0 : i32
    %dma_wait3A_295 = tpu.memref_slice %arg4[%arg1, %dma_wait3A_293, %dma_wait3A_294] : memref<16x80x128xi32, #tpu.memory_space<hbm>> -> memref<1x1x128xi32, #tpu.memory_space<hbm>>
    %dma_wait3A_296 = tpu.memref_squeeze %dma_wait3A_295 : memref<1x1x128xi32, #tpu.memory_space<hbm>> -> memref<1x128xi32, #tpu.memory_space<hbm>>
    %dma_wait3A_297 = arith.constant 78 : i32
    %dma_wait3A_298 = arith.constant 0 : i32
    %dma_wait3A_299 = tpu.memref_slice %arg4[%arg1, %dma_wait3A_297, %dma_wait3A_298] : memref<16x80x128xi32, #tpu.memory_space<hbm>> -> memref<1x1x128xi32, #tpu.memory_space<hbm>>
    %dma_wait3A_300 = tpu.memref_squeeze %dma_wait3A_299 : memref<1x1x128xi32, #tpu.memory_space<hbm>> -> memref<1x128xi32, #tpu.memory_space<hbm>>
    tpu.wait_dma2 semaphore(%arg20 : memref<!tpu.dma_semaphore, #tpu.memory_space<semaphore_mem>>) src(%dma_wait3A_300 : memref<1x128xi32, #tpu.memory_space<hbm>>) dst(%arg9 : memref<1x128xi32, #tpu.memory_space<vmem>>)
    %dma_wait3A_301 = arith.constant 0 : i32
    %dma_wait3A_302 = arith.constant 0 : i32
    %dma_wait3A_303 = tpu.memref_slice %arg8[%dma_wait3A_301, %dma_wait3A_302] : memref<1x128xi32, #tpu.memory_space<vmem>> -> memref<1x128xi32, #tpu.memory_space<vmem>>
    %dma_wait3A_304 = tpu.memref_squeeze %dma_wait3A_303 : memref<1x128xi32, #tpu.memory_space<vmem>> -> memref<128xi32, #tpu.memory_space<vmem>>
    %dma_wait3A_305 = arith.constant 0 : i32
    %dma_wait3A_306 = arith.constant 0 : i32
    %dma_wait3A_307 = tpu.memref_slice %arg13[%dma_wait3A_305, %dma_wait3A_306] : memref<10240x128xf32, #tpu.memory_space<vmem_shared>> -> memref<10240x128xf32, #tpu.memory_space<vmem_shared>>
    tpu.wait_indirect_dma semaphore(%arg17 : memref<!tpu.dma_semaphore, #tpu.memory_space<semaphore_mem>>) src(%arg12 : memref<128x128xf32, #tpu.memory_space<vmem>>) dst(%dma_wait3A_307 : memref<10240x128xf32, #tpu.memory_space<vmem_shared>>)
    %dma_start3A_308 = arith.constant 0 : i32
    %dma_start3A_309 = arith.constant 0 : i32
    %dma_start3A_310 = tpu.memref_slice %arg9[%dma_start3A_308, %dma_start3A_309] : memref<1x128xi32, #tpu.memory_space<vmem>> -> memref<1x128xi32, #tpu.memory_space<vmem>>
    %dma_start3A_311 = tpu.memref_squeeze %dma_start3A_310 : memref<1x128xi32, #tpu.memory_space<vmem>> -> memref<128xi32, #tpu.memory_space<vmem>>
    %dma_start3A_312 = arith.constant 0 : i32
    %dma_start3A_313 = arith.constant 0 : i32
    %dma_start3A_314 = tpu.memref_slice %arg13[%dma_start3A_312, %dma_start3A_313] : memref<10240x128xf32, #tpu.memory_space<vmem_shared>> -> memref<10240x128xf32, #tpu.memory_space<vmem_shared>>
    tpu.enqueue_indirect_dma source(%arg11 : memref<128x128xf32, #tpu.memory_space<vmem>>) target(%dma_start3A_314 : memref<10240x128xf32, #tpu.memory_space<vmem_shared>>) offsets(%dma_start3A_311 : memref<128xi32, #tpu.memory_space<vmem>>) semaphore(%arg16 : memref<!tpu.dma_semaphore, #tpu.memory_space<semaphore_mem>>) {add = true}
    %dma_start3A_315 = arith.constant 79 : i32
    %dma_start3A_316 = arith.constant 0 : i32
    %dma_start3A_317 = tpu.memref_slice %arg6[%dma_start3A_315, %dma_start3A_316] : memref<80x128xi32, #tpu.memory_space<vmem>> -> memref<1x128xi32, #tpu.memory_space<vmem>>
    %dma_start3A_318 = tpu.memref_squeeze %dma_start3A_317 : memref<1x128xi32, #tpu.memory_space<vmem>> -> memref<128xi32, #tpu.memory_space<vmem>>
    %dma_start3A_319 = arith.constant 0 : i32
    %dma_start3A_320 = arith.constant 0 : i32
    %dma_start3A_321 = tpu.memref_slice %arg2[%dma_start3A_319, %dma_start3A_320] : memref<10240x128xf32, #tpu.memory_space<hbm>> -> memref<10240x128xf32, #tpu.memory_space<hbm>>
    tpu.enqueue_indirect_dma source(%dma_start3A_321 : memref<10240x128xf32, #tpu.memory_space<hbm>>) target(%arg12 : memref<128x128xf32, #tpu.memory_space<vmem>>) offsets(%dma_start3A_318 : memref<128xi32, #tpu.memory_space<vmem>>) semaphore(%arg15 : memref<!tpu.dma_semaphore, #tpu.memory_space<semaphore_mem>>)
    %dma_wait3A_322 = arith.constant 79 : i32
    %dma_wait3A_323 = arith.constant 0 : i32
    %dma_wait3A_324 = tpu.memref_slice %arg6[%dma_wait3A_322, %dma_wait3A_323] : memref<80x128xi32, #tpu.memory_space<vmem>> -> memref<1x128xi32, #tpu.memory_space<vmem>>
    %dma_wait3A_325 = tpu.memref_squeeze %dma_wait3A_324 : memref<1x128xi32, #tpu.memory_space<vmem>> -> memref<128xi32, #tpu.memory_space<vmem>>
    %dma_wait3A_326 = arith.constant 0 : i32
    %dma_wait3A_327 = arith.constant 0 : i32
    %dma_wait3A_328 = tpu.memref_slice %arg2[%dma_wait3A_326, %dma_wait3A_327] : memref<10240x128xf32, #tpu.memory_space<hbm>> -> memref<10240x128xf32, #tpu.memory_space<hbm>>
    tpu.wait_indirect_dma semaphore(%arg15 : memref<!tpu.dma_semaphore, #tpu.memory_space<semaphore_mem>>) src(%dma_wait3A_328 : memref<10240x128xf32, #tpu.memory_space<hbm>>) dst(%arg12 : memref<128x128xf32, #tpu.memory_space<vmem>>)
    %dma_wait3A_329 = arith.constant 79 : i32
    %dma_wait3A_330 = arith.constant 0 : i32
    %dma_wait3A_331 = tpu.memref_slice %arg4[%arg1, %dma_wait3A_329, %dma_wait3A_330] : memref<16x80x128xi32, #tpu.memory_space<hbm>> -> memref<1x1x128xi32, #tpu.memory_space<hbm>>
    %dma_wait3A_332 = tpu.memref_squeeze %dma_wait3A_331 : memref<1x1x128xi32, #tpu.memory_space<hbm>> -> memref<1x128xi32, #tpu.memory_space<hbm>>
    %dma_wait3A_333 = arith.constant 79 : i32
    %dma_wait3A_334 = arith.constant 0 : i32
    %dma_wait3A_335 = tpu.memref_slice %arg4[%arg1, %dma_wait3A_333, %dma_wait3A_334] : memref<16x80x128xi32, #tpu.memory_space<hbm>> -> memref<1x1x128xi32, #tpu.memory_space<hbm>>
    %dma_wait3A_336 = tpu.memref_squeeze %dma_wait3A_335 : memref<1x1x128xi32, #tpu.memory_space<hbm>> -> memref<1x128xi32, #tpu.memory_space<hbm>>
    tpu.wait_dma2 semaphore(%arg21 : memref<!tpu.dma_semaphore, #tpu.memory_space<semaphore_mem>>) src(%dma_wait3A_336 : memref<1x128xi32, #tpu.memory_space<hbm>>) dst(%arg10 : memref<1x128xi32, #tpu.memory_space<vmem>>)
    %dma_wait3A_337 = arith.constant 0 : i32
    %dma_wait3A_338 = arith.constant 0 : i32
    %dma_wait3A_339 = tpu.memref_slice %arg9[%dma_wait3A_337, %dma_wait3A_338] : memref<1x128xi32, #tpu.memory_space<vmem>> -> memref<1x128xi32, #tpu.memory_space<vmem>>
    %dma_wait3A_340 = tpu.memref_squeeze %dma_wait3A_339 : memref<1x128xi32, #tpu.memory_space<vmem>> -> memref<128xi32, #tpu.memory_space<vmem>>
    %dma_wait3A_341 = arith.constant 0 : i32
    %dma_wait3A_342 = arith.constant 0 : i32
    %dma_wait3A_343 = tpu.memref_slice %arg13[%dma_wait3A_341, %dma_wait3A_342] : memref<10240x128xf32, #tpu.memory_space<vmem_shared>> -> memref<10240x128xf32, #tpu.memory_space<vmem_shared>>
    tpu.wait_indirect_dma semaphore(%arg16 : memref<!tpu.dma_semaphore, #tpu.memory_space<semaphore_mem>>) src(%arg11 : memref<128x128xf32, #tpu.memory_space<vmem>>) dst(%dma_wait3A_343 : memref<10240x128xf32, #tpu.memory_space<vmem_shared>>)
    %dma_start3A_344 = arith.constant 0 : i32
    %dma_start3A_345 = arith.constant 0 : i32
    %dma_start3A_346 = tpu.memref_slice %arg10[%dma_start3A_344, %dma_start3A_345] : memref<1x128xi32, #tpu.memory_space<vmem>> -> memref<1x128xi32, #tpu.memory_space<vmem>>
    %dma_start3A_347 = tpu.memref_squeeze %dma_start3A_346 : memref<1x128xi32, #tpu.memory_space<vmem>> -> memref<128xi32, #tpu.memory_space<vmem>>
    %dma_start3A_348 = arith.constant 0 : i32
    %dma_start3A_349 = arith.constant 0 : i32
    %dma_start3A_350 = tpu.memref_slice %arg13[%dma_start3A_348, %dma_start3A_349] : memref<10240x128xf32, #tpu.memory_space<vmem_shared>> -> memref<10240x128xf32, #tpu.memory_space<vmem_shared>>
    tpu.enqueue_indirect_dma source(%arg12 : memref<128x128xf32, #tpu.memory_space<vmem>>) target(%dma_start3A_350 : memref<10240x128xf32, #tpu.memory_space<vmem_shared>>) offsets(%dma_start3A_347 : memref<128xi32, #tpu.memory_space<vmem>>) semaphore(%arg17 : memref<!tpu.dma_semaphore, #tpu.memory_space<semaphore_mem>>) {add = true}
    %dma_wait3A_351 = arith.constant 0 : i32
    %dma_wait3A_352 = arith.constant 0 : i32
    %dma_wait3A_353 = tpu.memref_slice %arg10[%dma_wait3A_351, %dma_wait3A_352] : memref<1x128xi32, #tpu.memory_space<vmem>> -> memref<1x128xi32, #tpu.memory_space<vmem>>
    %dma_wait3A_354 = tpu.memref_squeeze %dma_wait3A_353 : memref<1x128xi32, #tpu.memory_space<vmem>> -> memref<128xi32, #tpu.memory_space<vmem>>
    %dma_wait3A_355 = arith.constant 0 : i32
    %dma_wait3A_356 = arith.constant 0 : i32
    %dma_wait3A_357 = tpu.memref_slice %arg13[%dma_wait3A_355, %dma_wait3A_356] : memref<10240x128xf32, #tpu.memory_space<vmem_shared>> -> memref<10240x128xf32, #tpu.memory_space<vmem_shared>>
    tpu.wait_indirect_dma semaphore(%arg17 : memref<!tpu.dma_semaphore, #tpu.memory_space<semaphore_mem>>) src(%arg12 : memref<128x128xf32, #tpu.memory_space<vmem>>) dst(%dma_wait3A_357 : memref<10240x128xf32, #tpu.memory_space<vmem_shared>>)
    %barrier3A_358 = arith.constant 0 : index
    tpu.barrier barrier_id(%barrier3A_358)
    %mul3A_359 = arith.constant 640 : i32
    %mul3A_360 = arith.muli %arg1, %mul3A_359 : i32
    %mul3A_361 = arith.constant 640 : i32
    %mul3A_362 = arith.muli %arg1, %mul3A_361 : i32
    "tpu.region"() ({
      %run_scoped3A = tpu.sem_alloc : memref<!tpu.dma_semaphore, #tpu.memory_space<semaphore_mem>>
      %dma_start3A_363 = arith.constant 0 : i32
      %dma_start3A_364 = tpu.memref_slice %arg5[%mul3A_362, %dma_start3A_363] : memref<10240x128xf32, #tpu.memory_space<hbm>> -> memref<640x128xf32, #tpu.memory_space<hbm>>
      %dma_start3A_365 = arith.constant 0 : i32
      %dma_start3A_366 = tpu.memref_slice %arg13[%mul3A_360, %dma_start3A_365] : memref<10240x128xf32, #tpu.memory_space<vmem_shared>> -> memref<640x128xf32, #tpu.memory_space<vmem_shared>>
      tpu.enqueue_dma source(%dma_start3A_366 : memref<640x128xf32, #tpu.memory_space<vmem_shared>>) target(%dma_start3A_364 : memref<640x128xf32, #tpu.memory_space<hbm>>) target_semaphore(%run_scoped3A : memref<!tpu.dma_semaphore, #tpu.memory_space<semaphore_mem>>)
      %dma_wait3A_367 = arith.constant 0 : i32
      %dma_wait3A_368 = tpu.memref_slice %arg5[%mul3A_362, %dma_wait3A_367] : memref<10240x128xf32, #tpu.memory_space<hbm>> -> memref<640x128xf32, #tpu.memory_space<hbm>>
      %dma_wait3A_369 = arith.constant 0 : i32
      %dma_wait3A_370 = tpu.memref_slice %arg13[%mul3A_360, %dma_wait3A_369] : memref<10240x128xf32, #tpu.memory_space<vmem_shared>> -> memref<640x128xf32, #tpu.memory_space<vmem_shared>>
      tpu.wait_dma2 semaphore(%run_scoped3A : memref<!tpu.dma_semaphore, #tpu.memory_space<semaphore_mem>>) src(%dma_wait3A_370 : memref<640x128xf32, #tpu.memory_space<vmem_shared>>) dst(%dma_wait3A_368 : memref<640x128xf32, #tpu.memory_space<hbm>>)
      tpu.yield
    }) : () -> ()
    return
  }
}

module attributes {stable_mosaic.version = 14 : i64} {
  func.func @_tc_matmul_body(%arg0: i32, %arg1: memref<400x128xf32, #tpu.memory_space<vmem>>, %arg2: memref<128x128xf32, #tpu.memory_space<vmem>>, %arg3: memref<400x128xf32, #tpu.memory_space<vmem>>) attributes {dimension_semantics = [#tpu.dimension_semantics<arbitrary>], iteration_bounds = array<i64: 25>, scalar_prefetch = 0 : i64, scratch_operands = 0 : i64, tpu.core_type = #tpu.core_type<tc>, window_params = [{transform_indices = @transform_0, window_bounds = array<i64: 400, 128>}, {pipeline_mode = #tpu.pipeline_mode<synchronous>, transform_indices = @transform_1, window_bounds = array<i64: 128, 128>}, {transform_indices = @transform_2, window_bounds = array<i64: 400, 128>}]} {
    %get3A = arith.constant 0 : index
    %get3A_0 = arith.constant 0 : index
    %get3A_1 = vector.load %arg1[%get3A, %get3A_0] : memref<400x128xf32, #tpu.memory_space<vmem>>, vector<400x128xf32>
    %get3A_2 = arith.constant 0 : index
    %get3A_3 = arith.constant 0 : index
    %get3A_4 = vector.load %arg2[%get3A_2, %get3A_3] : memref<128x128xf32, #tpu.memory_space<vmem>>, vector<128x128xf32>
    %dot_general3A = arith.constant dense<0.000000e+00> : vector<400x128xf32>
    %dot_general3A_5 = tpu.matmul %get3A_1, %get3A_4, %dot_general3A {dimension_numbers = #tpu.dot_dimension_numbers<[1], [0], [0], [1], [0, 0, 1, 1], [], []>, transpose_lhs_hint = false} : vector<400x128xf32>, vector<128x128xf32>, vector<400x128xf32> -> vector<400x128xf32>
    %swap3A = arith.constant 0 : index
    %swap3A_6 = arith.constant 0 : index
    %swap3A_7 = vector.load %arg3[%swap3A, %swap3A_6] : memref<400x128xf32, #tpu.memory_space<vmem>>, vector<400x128xf32>
    tpu.vector_store %arg3[%swap3A, %swap3A_6], %dot_general3A_5 {strides = array<i32>} : memref<400x128xf32, #tpu.memory_space<vmem>>, vector<400x128xf32>,
    return
  }
  func.func @transform_0(%arg0: i32) -> (i32, i32) {
    %c0_i32 = arith.constant 0 : i32
    %c0_i32_0 = arith.constant 0 : i32
    return %arg0, %c0_i32 : i32, i32
  }
  func.func @transform_1(%arg0: i32) -> (i32, i32) {
    %c0_i32 = arith.constant 0 : i32
    %c0_i32_0 = arith.constant 0 : i32
    %c0_i32_1 = arith.constant 0 : i32
    return %c0_i32, %c0_i32_0 : i32, i32
  }
  func.func @transform_2(%arg0: i32) -> (i32, i32) {
    %c0_i32 = arith.constant 0 : i32
    %c0_i32_0 = arith.constant 0 : i32
    return %arg0, %c0_i32 : i32, i32
  }
}

module attributes {stable_mosaic.version = 14 : i64} {
  func.func @_tc_prescale_body(%arg0: i32, %arg1: memref<400x128xf32, #tpu.memory_space<vmem>>, %arg2: memref<2x400x1xf32, #tpu.memory_space<vmem>>, %arg3: memref<400x128xf32, #tpu.memory_space<vmem>>, %arg4: memref<400x1xf32, #tpu.memory_space<vmem>>) attributes {dimension_semantics = [#tpu.dimension_semantics<arbitrary>], iteration_bounds = array<i64: 25>, scalar_prefetch = 0 : i64, scratch_operands = 0 : i64, tpu.core_type = #tpu.core_type<tc>, window_params = [{transform_indices = @transform_0, window_bounds = array<i64: 400, 128>}, {transform_indices = @transform_1, window_bounds = array<i64: 2, 400, 1>}, {transform_indices = @transform_2, window_bounds = array<i64: 400, 128>}, {transform_indices = @transform_3, window_bounds = array<i64: 400, 1>}]} {
    %get3A = arith.constant 0 : index
    %get3A_0 = arith.constant 0 : index
    %get3A_1 = arith.constant 0 : index
    %get3A_2 = vector.load %arg2[%get3A, %get3A_0, %get3A_1] : memref<2x400x1xf32, #tpu.memory_space<vmem>>, vector<1x400x1xf32>
    %get3A_3 = vector.shape_cast %get3A_2 : vector<1x400x1xf32> to vector<400x1xf32>
    %get3A_4 = arith.constant 1 : index
    %get3A_5 = arith.constant 0 : index
    %get3A_6 = arith.constant 0 : index
    %get3A_7 = vector.load %arg2[%get3A_4, %get3A_5, %get3A_6] : memref<2x400x1xf32, #tpu.memory_space<vmem>>, vector<1x400x1xf32>
    %get3A_8 = vector.shape_cast %get3A_7 : vector<1x400x1xf32> to vector<400x1xf32>
    %add3A = arith.addf %get3A_3, %get3A_8 : vector<400x1xf32>
    %rsqrt3A = math.rsqrt %add3A : vector<400x1xf32>
    %get3A_9 = arith.constant 0 : index
    %get3A_10 = arith.constant 0 : index
    %get3A_11 = vector.load %arg1[%get3A_9, %get3A_10] : memref<400x128xf32, #tpu.memory_space<vmem>>, vector<400x128xf32>
    %mul3A = vector.broadcast %rsqrt3A : vector<400x1xf32> to vector<400x128xf32>
    %mul3A_12 = arith.mulf %get3A_11, %mul3A : vector<400x128xf32>
    %swap3A = arith.constant 0 : index
    %swap3A_13 = arith.constant 0 : index
    %swap3A_14 = vector.load %arg3[%swap3A, %swap3A_13] : memref<400x128xf32, #tpu.memory_space<vmem>>, vector<400x128xf32>
    tpu.vector_store %arg3[%swap3A, %swap3A_13], %mul3A_12 {strides = array<i32>} : memref<400x128xf32, #tpu.memory_space<vmem>>, vector<400x128xf32>,
    %swap3A_15 = arith.constant 0 : index
    %swap3A_16 = arith.constant 0 : index
    %swap3A_17 = vector.load %arg4[%swap3A_15, %swap3A_16] : memref<400x1xf32, #tpu.memory_space<vmem>>, vector<400x1xf32>
    tpu.vector_store %arg4[%swap3A_15, %swap3A_16], %rsqrt3A {strides = array<i32>} : memref<400x1xf32, #tpu.memory_space<vmem>>, vector<400x1xf32>,
    return
  }
  func.func @transform_0(%arg0: i32) -> (i32, i32) {
    %c0_i32 = arith.constant 0 : i32
    %c0_i32_0 = arith.constant 0 : i32
    return %arg0, %c0_i32 : i32, i32
  }
  func.func @transform_1(%arg0: i32) -> (i32, i32, i32) {
    %c0_i32 = arith.constant 0 : i32
    %c0_i32_0 = arith.constant 0 : i32
    %c0_i32_1 = arith.constant 0 : i32
    return %c0_i32, %arg0, %c0_i32_0 : i32, i32, i32
  }
  func.func @transform_2(%arg0: i32) -> (i32, i32) {
    %c0_i32 = arith.constant 0 : i32
    %c0_i32_0 = arith.constant 0 : i32
    return %arg0, %c0_i32 : i32, i32
  }
  func.func @transform_3(%arg0: i32) -> (i32, i32) {
    %c0_i32 = arith.constant 0 : i32
    %c0_i32_0 = arith.constant 0 : i32
    return %arg0, %c0_i32 : i32, i32
  }
}

module attributes {stable_mosaic.version = 14 : i64} {
  func.func @_tc_mid_body(%arg0: i32, %arg1: memref<512x128xf32, #tpu.memory_space<vmem>>, %arg2: memref<512x128xf32, #tpu.memory_space<vmem>>, %arg3: memref<512x128xf32, #tpu.memory_space<vmem>>, %arg4: memref<512x1xf32, #tpu.memory_space<vmem>>, %arg5: memref<1x128xf32, #tpu.memory_space<vmem>>, %arg6: memref<128x128xf32, #tpu.memory_space<vmem>>, %arg7: memref<512x128xf32, #tpu.memory_space<vmem>>) attributes {dimension_semantics = [#tpu.dimension_semantics<arbitrary>], iteration_bounds = array<i64: 20>, scalar_prefetch = 0 : i64, scratch_operands = 0 : i64, tpu.core_type = #tpu.core_type<tc>, window_params = [{transform_indices = @transform_0, window_bounds = array<i64: 512, 128>}, {transform_indices = @transform_1, window_bounds = array<i64: 512, 128>}, {transform_indices = @transform_2, window_bounds = array<i64: 512, 128>}, {transform_indices = @transform_3, window_bounds = array<i64: 512, 1>}, {pipeline_mode = #tpu.pipeline_mode<synchronous>, transform_indices = @transform_4, window_bounds = array<i64: 1, 128>}, {pipeline_mode = #tpu.pipeline_mode<synchronous>, transform_indices = @transform_5, window_bounds = array<i64: 128, 128>}, {transform_indices = @transform_6, window_bounds = array<i64: 512, 128>}]} {
    %get3A = arith.constant 0 : index
    %get3A_0 = arith.constant 0 : index
    %get3A_1 = vector.load %arg4[%get3A, %get3A_0] : memref<512x1xf32, #tpu.memory_space<vmem>>, vector<512x1xf32>
    %get3A_2 = arith.constant 0 : index
    %get3A_3 = arith.constant 0 : index
    %get3A_4 = vector.load %arg1[%get3A_2, %get3A_3] : memref<512x128xf32, #tpu.memory_space<vmem>>, vector<512x128xf32>
    %get3A_5 = arith.constant 0 : index
    %get3A_6 = arith.constant 0 : index
    %get3A_7 = vector.load %arg2[%get3A_5, %get3A_6] : memref<512x128xf32, #tpu.memory_space<vmem>>, vector<512x128xf32>
    %add3A = arith.addf %get3A_4, %get3A_7 : vector<512x128xf32>
    %get3A_8 = arith.constant 0 : index
    %get3A_9 = arith.constant 0 : index
    %get3A_10 = vector.load %arg3[%get3A_8, %get3A_9] : memref<512x128xf32, #tpu.memory_space<vmem>>, vector<512x128xf32>
    %sub3A = arith.subf %add3A, %get3A_10 : vector<512x128xf32>
    %mul3A = vector.broadcast %get3A_1 : vector<512x1xf32> to vector<512x128xf32>
    %mul3A_11 = arith.mulf %sub3A, %mul3A : vector<512x128xf32>
    %get3A_12 = arith.constant 0 : index
    %get3A_13 = arith.constant 0 : index
    %get3A_14 = vector.load %arg5[%get3A_12, %get3A_13] : memref<1x128xf32, #tpu.memory_space<vmem>>, vector<1x128xf32>
    %add3A_15 = vector.broadcast %get3A_14 : vector<1x128xf32> to vector<512x128xf32>
    %add3A_16 = arith.addf %mul3A_11, %add3A_15 : vector<512x128xf32>
    %max3A = arith.constant 0.000000e+00 : f32
    %max3A_17 = vector.broadcast %max3A : f32 to vector<512x128xf32>
    %max3A_18 = arith.maximumf %add3A_16, %max3A_17 : vector<512x128xf32>
    %get3A_19 = arith.constant 0 : index
    %get3A_20 = arith.constant 0 : index
    %get3A_21 = vector.load %arg6[%get3A_19, %get3A_20] : memref<128x128xf32, #tpu.memory_space<vmem>>, vector<128x128xf32>
    %dot_general3A = arith.constant dense<0.000000e+00> : vector<512x128xf32>
    %dot_general3A_22 = tpu.matmul %max3A_18, %get3A_21, %dot_general3A {dimension_numbers = #tpu.dot_dimension_numbers<[1], [0], [0], [1], [0, 0, 1, 1], [], []>, transpose_lhs_hint = false} : vector<512x128xf32>, vector<128x128xf32>, vector<512x128xf32> -> vector<512x128xf32>
    %mul3A_23 = vector.broadcast %get3A_1 : vector<512x1xf32> to vector<512x128xf32>
    %mul3A_24 = arith.mulf %dot_general3A_22, %mul3A_23 : vector<512x128xf32>
    %swap3A = arith.constant 0 : index
    %swap3A_25 = arith.constant 0 : index
    %swap3A_26 = vector.load %arg7[%swap3A, %swap3A_25] : memref<512x128xf32, #tpu.memory_space<vmem>>, vector<512x128xf32>
    tpu.vector_store %arg7[%swap3A, %swap3A_25], %mul3A_24 {strides = array<i32>} : memref<512x128xf32, #tpu.memory_space<vmem>>, vector<512x128xf32>,
    return
  }
  func.func @transform_0(%arg0: i32) -> (i32, i32) {
    %c0_i32 = arith.constant 0 : i32
    %c0_i32_0 = arith.constant 0 : i32
    return %arg0, %c0_i32 : i32, i32
  }
  func.func @transform_1(%arg0: i32) -> (i32, i32) {
    %c0_i32 = arith.constant 0 : i32
    %c0_i32_0 = arith.constant 0 : i32
    return %arg0, %c0_i32 : i32, i32
  }
  func.func @transform_2(%arg0: i32) -> (i32, i32) {
    %c0_i32 = arith.constant 0 : i32
    %c0_i32_0 = arith.constant 0 : i32
    return %arg0, %c0_i32 : i32, i32
  }
  func.func @transform_3(%arg0: i32) -> (i32, i32) {
    %c0_i32 = arith.constant 0 : i32
    %c0_i32_0 = arith.constant 0 : i32
    return %arg0, %c0_i32 : i32, i32
  }
  func.func @transform_4(%arg0: i32) -> (i32, i32) {
    %c0_i32 = arith.constant 0 : i32
    %c0_i32_0 = arith.constant 0 : i32
    %c0_i32_1 = arith.constant 0 : i32
    return %c0_i32, %c0_i32_0 : i32, i32
  }
  func.func @transform_5(%arg0: i32) -> (i32, i32) {
    %c0_i32 = arith.constant 0 : i32
    %c0_i32_0 = arith.constant 0 : i32
    %c0_i32_1 = arith.constant 0 : i32
    return %c0_i32, %c0_i32_0 : i32, i32
  }
  func.func @transform_6(%arg0: i32) -> (i32, i32) {
    %c0_i32 = arith.constant 0 : i32
    %c0_i32_0 = arith.constant 0 : i32
    return %arg0, %c0_i32 : i32, i32
  }
}

module attributes {stable_mosaic.version = 14 : i64} {
  func.func @_tc_final_body(%arg0: i32, %arg1: memref<512x128xf32, #tpu.memory_space<vmem>>, %arg2: memref<512x128xf32, #tpu.memory_space<vmem>>, %arg3: memref<512x128xf32, #tpu.memory_space<vmem>>, %arg4: memref<512x1xf32, #tpu.memory_space<vmem>>, %arg5: memref<1x128xf32, #tpu.memory_space<vmem>>, %arg6: memref<512x128xf32, #tpu.memory_space<vmem>>) attributes {dimension_semantics = [#tpu.dimension_semantics<arbitrary>], iteration_bounds = array<i64: 20>, scalar_prefetch = 0 : i64, scratch_operands = 0 : i64, tpu.core_type = #tpu.core_type<tc>, window_params = [{transform_indices = @transform_0, window_bounds = array<i64: 512, 128>}, {transform_indices = @transform_1, window_bounds = array<i64: 512, 128>}, {transform_indices = @transform_2, window_bounds = array<i64: 512, 128>}, {transform_indices = @transform_3, window_bounds = array<i64: 512, 1>}, {pipeline_mode = #tpu.pipeline_mode<synchronous>, transform_indices = @transform_4, window_bounds = array<i64: 1, 128>}, {transform_indices = @transform_5, window_bounds = array<i64: 512, 128>}]} {
    %get3A = arith.constant 0 : index
    %get3A_0 = arith.constant 0 : index
    %get3A_1 = vector.load %arg1[%get3A, %get3A_0] : memref<512x128xf32, #tpu.memory_space<vmem>>, vector<512x128xf32>
    %get3A_2 = arith.constant 0 : index
    %get3A_3 = arith.constant 0 : index
    %get3A_4 = vector.load %arg2[%get3A_2, %get3A_3] : memref<512x128xf32, #tpu.memory_space<vmem>>, vector<512x128xf32>
    %add3A = arith.addf %get3A_1, %get3A_4 : vector<512x128xf32>
    %get3A_5 = arith.constant 0 : index
    %get3A_6 = arith.constant 0 : index
    %get3A_7 = vector.load %arg3[%get3A_5, %get3A_6] : memref<512x128xf32, #tpu.memory_space<vmem>>, vector<512x128xf32>
    %sub3A = arith.subf %add3A, %get3A_7 : vector<512x128xf32>
    %get3A_8 = arith.constant 0 : index
    %get3A_9 = arith.constant 0 : index
    %get3A_10 = vector.load %arg4[%get3A_8, %get3A_9] : memref<512x1xf32, #tpu.memory_space<vmem>>, vector<512x1xf32>
    %mul3A = vector.broadcast %get3A_10 : vector<512x1xf32> to vector<512x128xf32>
    %mul3A_11 = arith.mulf %sub3A, %mul3A : vector<512x128xf32>
    %get3A_12 = arith.constant 0 : index
    %get3A_13 = arith.constant 0 : index
    %get3A_14 = vector.load %arg5[%get3A_12, %get3A_13] : memref<1x128xf32, #tpu.memory_space<vmem>>, vector<1x128xf32>
    %add3A_15 = vector.broadcast %get3A_14 : vector<1x128xf32> to vector<512x128xf32>
    %add3A_16 = arith.addf %mul3A_11, %add3A_15 : vector<512x128xf32>
    %reduce_max3A = arith.constant dense<0xFF800000> : vector<512xf32>
    %reduce_max3A_17 = vector.multi_reduction <maximumf>, %add3A_16, %reduce_max3A [1] : vector<512x128xf32> to vector<512xf32>
    %broadcast_in_dim3A = vector.shape_cast %reduce_max3A_17 : vector<512xf32> to vector<512x1xf32>
    %sub3A_18 = vector.broadcast %broadcast_in_dim3A : vector<512x1xf32> to vector<512x128xf32>
    %sub3A_19 = arith.subf %add3A_16, %sub3A_18 : vector<512x128xf32>
    %exp3A = math.exp %sub3A_19 : vector<512x128xf32>
    %reduce_sum3A = arith.constant dense<0.000000e+00> : vector<512xf32>
    %reduce_sum3A_20 = vector.multi_reduction <add>, %exp3A, %reduce_sum3A [1] : vector<512x128xf32> to vector<512xf32>
    %broadcast_in_dim3A_21 = vector.shape_cast %reduce_sum3A_20 : vector<512xf32> to vector<512x1xf32>
    %log3A = math.log %broadcast_in_dim3A_21 : vector<512x1xf32>
    %add3A_22 = arith.addf %log3A, %broadcast_in_dim3A : vector<512x1xf32>
    %sub3A_23 = vector.broadcast %add3A_22 : vector<512x1xf32> to vector<512x128xf32>
    %sub3A_24 = arith.subf %add3A_16, %sub3A_23 : vector<512x128xf32>
    %swap3A = arith.constant 0 : index
    %swap3A_25 = arith.constant 0 : index
    %swap3A_26 = vector.load %arg6[%swap3A, %swap3A_25] : memref<512x128xf32, #tpu.memory_space<vmem>>, vector<512x128xf32>
    tpu.vector_store %arg6[%swap3A, %swap3A_25], %sub3A_24 {strides = array<i32>} : memref<512x128xf32, #tpu.memory_space<vmem>>, vector<512x128xf32>,
    return
  }
  func.func @transform_0(%arg0: i32) -> (i32, i32) {
    %c0_i32 = arith.constant 0 : i32
    %c0_i32_0 = arith.constant 0 : i32
    return %arg0, %c0_i32 : i32, i32
  }
  func.func @transform_1(%arg0: i32) -> (i32, i32) {
    %c0_i32 = arith.constant 0 : i32
    %c0_i32_0 = arith.constant 0 : i32
    return %arg0, %c0_i32 : i32, i32
  }
  func.func @transform_2(%arg0: i32) -> (i32, i32) {
    %c0_i32 = arith.constant 0 : i32
    %c0_i32_0 = arith.constant 0 : i32
    return %arg0, %c0_i32 : i32, i32
  }
  func.func @transform_3(%arg0: i32) -> (i32, i32) {
    %c0_i32 = arith.constant 0 : i32
    %c0_i32_0 = arith.constant 0 : i32
    return %arg0, %c0_i32 : i32, i32
  }
  func.func @transform_4(%arg0: i32) -> (i32, i32) {
    %c0_i32 = arith.constant 0 : i32
    %c0_i32_0 = arith.constant 0 : i32
    %c0_i32_1 = arith.constant 0 : i32
    return %c0_i32, %c0_i32_0 : i32, i32
  }
  func.func @transform_5(%arg0: i32) -> (i32, i32) {
    %c0_i32 = arith.constant 0 : i32
    %c0_i32_0 = arith.constant 0 : i32
    return %arg0, %c0_i32 : i32, i32
  }
}

</mosaic_0001>

<sc_bundles>
// kernel: kernel.11.cloned.1.call-start
scs
__scs_entry_jumppad:
0x0: {  	(pc) =	sbr.rel $0x88, $3  }
0x1: {  	(tag) =	ssettag $0x0;
	lr =	simm.s32 $0x1  }
0x2: {  	[smem:$0x3F9B] =	sst lr;
	_ =	strace $0xD0000000  }
0x3: {  	_ = 	snop  }
0x4: {  	_ = 	snop  }
0x5: {  	_ = 	snop  }
0x6: {  	_ = 	snop  }
0x7: {  	_ = 	snop  }
__scs_overlays_trampoline_lowered:
0x8: {  	[smem:$0x3FAA] =	sst s0  }
0x9: {  	[smem:$0x3FAB] =	sst s1  }
0xa: {  	[smem:$0x3FAC] =	sst s2  }
0xb: {  	[smem:$0x3FAD] =	sst s3  }
0xc: {  	[smem:$0x3FAE] =	sst s4  }
0xd: {  	[smem:$0x3FAF] =	sst s5  }
0xe: {  	[smem:$0x3FB0] =	sst s6  }
0xf: {  	[smem:$0x3FB1] =	sst s7  }
0x10: {  	[smem:$0x3FB2] =	sst s8  }
0x11: {  	[smem:$0x3FB3] =	sst s9;
	s0 =	simm.s32 @!p0 $0x0  }
0x12: {  	s1 =	sld [smem:$0x3F99];
	s0 =	simm.s32 @p0 $0x1  }
0x13: {  	[smem:$0x3FB4] =	sst s0;
	s0 =	simm.s32 @!p1 $0x0  }
0x14: {  	s2 =	sld [smem:$0x3F98];
	s0 =	simm.s32 @p1 $0x1  }
0x15: {  	[smem:$0x3FB5] =	sst s0;
	s0 =	simm.s32 @!p2 $0x0  }
0x16: {  	s3 =	sld [smem:$0x3FDB];
	s0 =	simm.s32 @p2 $0x1  }
0x17: {  	s4 =	simm.s32 $0x1BF5;
	[smem:$0x3FB7] =	sst s0  }
0x18: {  	s0 =	sld [smem:$0x3F9A];
	_ =	swait.ge [sflag:s4], $0x0  }
0x19: {  	s7 =	sld [smem:$0x3F9B]  }
0x1a: {  	s8 =	sadd.s32 $0xFFFFE003, lr  }
0x1b: {  	s9 =	sadd.s32 $0xFFFFFEF7, lr;
	s5 =	simm.s32 $0xFFFFFFFF;
	p2 =	slt.u32 s8, $0xFFFFF086  }
0x1c: {  	p1 =	slt.u32 s9, $0xF7A;
	s5 =	simm.s32 @!p2 $0x0  }
0x1d: {  	s5 =	simm.s32 @p1 $0x1;
	p0 =	seq.s32 s7, s2  }
0x1e: {  	s7 =	smul.u32 @!p0 $0xF7A, s2;
	p2 =	seq.s32 @!p0 s5, $0x0  }
0x1f: {  	s9 =	smul.u32 $0xF7A, s1;
	s8 =	simm.s32 @!p0 $0x1BF5;
	p2 =	por !p2, p0  }
0x20: {  	[sflag:s8] =	ssyncset.s32 @!p0 $0xFFFFF086;
	s6 =	sadd.s32 @!p0 s3, s7;
	s7 =	simm.s32 @!p0 $0x108  }
0x21: {  	s3 =	sadd.s32 s3, s9;
	s6 =	sadd.s32 @!p0 $0x88, s6;
	s7 =	simm.s32 @p2 $0x1082  }
0x22: {  	[simem:s7], [sflag:s8] =	dma.local @!p0 [hbm:s6], $0xF7A  }
0x23: {  	s9 =	sor.u32 $0xD0000000, s2;
	s6 =	simm.s32 $0x108;
	_ =	swait.ge @!p0 [sflag:s8], $0x0  }
0x24: {  	s3 =	sadd.s32 $0x88, s3;
	s6 =	simm.s32 @!p1 $0x1082;
	[sflag:s4] =	ssyncset.s32 $0xFFFFF086  }
0x25: {  	[simem:s6], [sflag:s4] =	dma.local [hbm:s3], $0xF7A  }
0x26: {  	[smem:$0x3F9B] =	sst s1;
	(tag) =	ssettag s2;
	_ =	strace s9  }
0x27: {  	s1 =	sld [smem:$0x3FAB]  }
0x28: {  	s2 =	sld [smem:$0x3FAC]  }
0x29: {  	s4 =	sld [smem:$0x3FAE]  }
0x2a: {  	p0 =	seq.s32 s5, $0x0;
	s5 =	sld [smem:$0x3FAF]  }
0x2b: {  	s6 =	sld [smem:$0x3FB0]  }
0x2c: {  	s7 =	sld [smem:$0x3FB1]  }
0x2d: {  	s3 =	simm.s32 $0x108;
	s8 =	sld [smem:$0x3FB2]  }
0x2e: {  	s3 =	simm.s32 @!p0 $0x1082;
	s9 =	sld [smem:$0x3FB3]  }
0x2f: {  	lr =	sadd.s32 s0, s3;
	s0 =	sld [smem:$0x3FAA]  }
0x30: {  	s3 =	sld [smem:$0x3FAD]  }
0x31: {  	[smem:$0x3FB6] =	sst s10  }
0x32: {  	s10 =	sld [smem:$0x3FB4];
	_ =	sdelay $0x3  }
0x33: {  	p0 =	seq.s32 s10, $0x1;
	s10 =	sld [smem:$0x3FB6];
	_ =	sdelay $0x3  }
0x34: {  	[smem:$0x3FB6] =	sst s10  }
0x35: {  	s10 =	sld [smem:$0x3FB5];
	_ =	sdelay $0x3  }
0x36: {  	p1 =	seq.s32 s10, $0x1;
	s10 =	sld [smem:$0x3FB6];
	_ =	sdelay $0x3  }
0x37: {  	[smem:$0x3FB6] =	sst s10  }
0x38: {  	s10 =	sld [smem:$0x3FB7]  }
0x39: {  	_ = 	snop;
	(pc) =	sbr.ind lr, $3  }
0x3a: {  	_ = 	snop  }
0x3b: {  	_ = 	snop  }
0x3c: {  	p2 =	seq.s32 s10, $0x1;
	s10 =	sld [smem:$0x3FB6]  }
0x3d: {  	_ =	shalt  }
0x3e: {  	_ =	shalt  }
0x3f: {  	_ =	shalt  }
0x40: {  	_ =	shalt  }
0x41: {  	_ =	shalt  }
0x42: {  	_ =	shalt  }
0x43: {  	_ =	shalt  }
0x44: {  	_ =	shalt  }
0x45: {  	_ =	shalt  }
0x46: {  	_ =	shalt  }
0x47: {  	_ =	shalt  }
0x48: {  	_ =	shalt  }
0x49: {  	_ =	shalt  }
0x4a: {  	_ =	shalt  }
0x4b: {  	_ =	shalt  }
0x4c: {  	_ =	shalt  }
0x4d: {  	_ =	shalt  }
0x4e: {  	_ =	shalt  }
0x4f: {  	_ =	shalt  }
0x50: {  	_ =	shalt  }
0x51: {  	_ =	shalt  }
0x52: {  	_ =	shalt  }
0x53: {  	_ =	shalt  }
0x54: {  	_ =	shalt  }
0x55: {  	_ =	shalt  }
0x56: {  	_ =	shalt  }
0x57: {  	_ =	shalt  }
0x58: {  	_ =	shalt  }
0x59: {  	_ =	shalt  }
0x5a: {  	_ =	shalt  }
0x5b: {  	_ =	shalt  }
0x5c: {  	_ =	shalt  }
0x5d: {  	_ =	shalt  }
0x5e: {  	_ =	shalt  }
0x5f: {  	_ =	shalt  }
0x60: {  	_ =	shalt  }
0x61: {  	_ =	shalt  }
0x62: {  	_ =	shalt  }
0x63: {  	_ =	shalt  }
0x64: {  	_ =	shalt  }
0x65: {  	_ =	shalt  }
0x66: {  	_ =	shalt  }
0x67: {  	_ =	shalt  }
0x68: {  	_ =	shalt  }
0x69: {  	_ =	shalt  }
0x6a: {  	_ =	shalt  }
0x6b: {  	_ =	shalt  }
0x6c: {  	_ =	shalt  }
0x6d: {  	_ =	shalt  }
0x6e: {  	_ =	shalt  }
0x6f: {  	_ =	shalt  }
0x70: {  	_ =	shalt  }
0x71: {  	_ =	shalt  }
0x72: {  	_ =	shalt  }
0x73: {  	_ =	shalt  }
0x74: {  	_ =	shalt  }
0x75: {  	_ =	shalt  }
0x76: {  	_ =	shalt  }
0x77: {  	_ =	shalt  }
0x78: {  	_ =	shalt  }
0x79: {  	_ =	shalt  }
0x7a: {  	_ =	shalt  }
0x7b: {  	_ =	shalt  }
0x7c: {  	_ =	shalt  }
0x7d: {  	_ =	shalt  }
0x7e: {  	_ =	shalt  }
0x7f: {  	_ =	shalt  }
0x80: {  	_ =	shalt  }
0x81: {  	_ =	shalt  }
0x82: {  	_ =	shalt  }
0x83: {  	_ =	shalt  }
0x84: {  	_ =	shalt  }
0x85: {  	_ =	shalt  }
0x86: {  	_ =	shalt  }
0x87: {  	_ =	shalt  }
.Lfunc_end0:
.L_simem_size_0:
called_computation_lowered:
.L_overlay_start_0:
0x88: {  	s2 =	sld [smem:$0x3FD9]  }
0x89: {  	s3 =	sld [smem:$0x3FFE];
	_ =	sdelay $0x1  }
0x8a: {  	s1 =	srdreg.scid  }
0x8b: {  	s0 =	sand.u32 $0x1, s1  }
0x8c: {  	s16 =	sshll.u32 s0, $0xA;
	s2 =	sadd.s32 s3, s2  }
0x8d: {  	s2 =	sadd.s32 s2, s16  }
0x8e: {  	[smem:$0x3FC2] =	sst s2  }
0x8f: {  	_ = 	snop  }
0x90: {  	(tm) =	ssettm $0x1  }
0x91: {  	s17 =	sld [smem:$0x3FFB];
	_ =	sdelay $0x3  }
0x92: {  	_ =	strace s17  }
0x93: {  	s2 =	sld [smem:$0x3FFC];
	_ =	sdelay $0x3  }
0x94: {  	_ =	strace s2  }
0x95: {  	s2 =	sld [smem:$0x3FFD];
	_ =	sdelay $0x3  }
0x96: {  	_ =	strace s2  }
0x97: {  	_ =	strace $0x8FFFFFFF  }
0x98: {  	s18 =	sld [smem:$0x3FDB];
	_ =	sdelay $0x1  }
0x99: {  	s19 =	simm.s32 $_scs_section_size  }
0x9a: {  	s4 =	simm.s32 $_size__tile_overlayer_lowered;
	s5 =	simm.s32 $_tile_overlayer_lowered  }
0x9b: {  	s22 =	simm.s32 $0x1BFF;
	s21 =	sshll.u32 s5, $0x1;
	s2 =	sadd.s32 s19, s18  }
0x9c: {  	s6 =	simm.s32 $0x0;
	s20 =	sshll.u32 s4, $0x1;
	s4 =	sadd.s32 s21, s2  }
0x9d: {  	[timem:s6], [sflag:s22] =	dma.local [hbm:s4], s20  }
0x9e: {  	_ =	swait.ge [sflag:s22], s20  }
0x9f: {  	s3 =	ssub.s32 $0x0, s20;
	[sflag:s22] =	ssyncset.done $0x0  }
0xa0: {  	[sflag:s22] =	ssyncadd.s32 s3;
	_ =	sdelay $0x1  }
0xa1: {  	s23 =	simm.s32 $0x1B8B  }
0xa2: {  	_ =	swait.ge [sflag:s23], $0x1  }
0xa3: {  	[sflag:s23] =	ssyncset.done $0x0  }
0xa4: {  	s25 =	simm.s32 $0x1B8E;
	s24 =	sld [smem:$0x3FFE];
	[sflag:s23] =	ssyncadd.s32 $0xFFFFFFFF  }
0xa5: {  	s26 =	simm.s32 $execute0_lowered;
	[smem:$0x3FD2] =	sst s25  }
0xa6: {  	s4 =	sshll.u32 s26, $0x1;
	_ =	strace $0x80000046;
	[dreg:$0x1] =	wrdreg $0xFFFFFFFF  }
0xa7: {  	s28 =	simm.s32 $_size_execute0_lowered;
	s2 =	sadd.s32 s2, s4;
	[dreg:$0x0] =	wrdreg $0x0  }
0xa8: {  	s4 =	sshll.u32 s28, $0x1;
	[dreg:$0x2] =	wrdreg s2  }
0xa9: {  	[dreg:$0x3] =	wrdreg s4  }
0xaa: {  	[dreg:$0x4] =	wrdreg $0xC0  }
0xab: {  	_ =	task [dreg:s6], $0x5FFFF  }
0xac: {  	[dreg:$0x1] =	wrdreg $0xFFFFFFFF  }
0xad: {  	[dreg:$0x0] =	wrdreg $0x60  }
0xae: {  	[dreg:$0x2] =	wrdreg s24  }
0xaf: {  	[dreg:$0x3] =	wrdreg $0x28800  }
0xb0: {  	[dreg:$0x4] =	wrdreg $0x9  }
0xb1: {  	_ =	task.clear_ibuf [dreg:s6], $0x5FFFF;
	_ =	strace $0x90000046  }
0xb2: {  	s29 =	simm.s32 $0x9;
	_ =	strace $0x80000048  }
0xb3: {  	_ =	swait.ge [sflag:s29], $0x1  }
0xb4: {  	[sflag:s29] =	ssyncadd.s32 $0xFFFFFFFF  }
0xb5: {  	_ =	strace $0x90000048  }
0xb6: {  	_ =	sfence  }
0xb7: {  	s30 =	sld [smem:$0x0];
	_ =	sdelay $0x2  }
0xb8: {  	s31 =	sshll.u32 s1, $0xD;
	s1 =	sshrl.u32 s1, $0x2  }
0xb9: {  	s3 =	sand.u32 $0x4000, s31;
	s1 =	sadd.s32 s1, s30  }
0xba: {  	s0 =	sor.u32 s3, s0;
	s1 =	sshll.u32 s1, $0x11  }
0xbb: {  	s0 =	sor.u32 s1, s0  }
0xbc: {  	s0 =	sadd.s32 $0x8F2B, s0  }
0xbd: {  	[sflag:s0] =	ssyncadd.remote.s32 $0x1  }
0xbe: {  	_ =	sfence.sel $0xFFFF  }
0xbf: {  	[dreg:$0x0] =	wrdreg $0xFFFFFFFF;
	(pc) =	sbr.abs _section_cstart, $3  }
0xc0: {  	[dreg:$0x1] =	wrdreg $0xFFFFFFFF  }
0xc1: {  	_ =	task.clear_ibuf [dreg:s6], $0x2FFFF;
	_ =	strace $0x9FFFFFFF  }
0xc2: {  	(tm) =	ssettm $0x7FFFFFFF  }
0xc3: {  	_ =	shalt  }
tec
execute0_lowered:
.L_overlay_start_1:
0x0: {  	(tag) =	ssettag $0x1  }
0x1: {  	s8 =	rddreg [dreg:$0x0]  }
0x2: {  	s2 =	rddreg [dreg:$0x1]  }
0x3: {  	s0 =	rddreg [dreg:$0x2];
	s3 =	simm.s32 $0x0;
	s4 =	srdreg.scid  }
0x4: {  	s1 =	stileid.u32;
	s14 =	simm.s32 $0x20;
	s15 =	simm.s32 $0x10  }
0x5: {  	s16 =	simm.s32 $0x0;
	[smem:$0x7FF] =	sst s3;
	s9 =	smul.u32 $0x500, s1  }
0x6: {  	s5 =	sand.u32 $0x1, s4;
	s10 =	smul.u32 $0x280, s1;
	s31 =	sshll.u32 s1, $0x6  }
0x7: {  	_ =	strace $0x80000047;
	s4 =	sshll.u32 s5, $0x7;
	s7 =	ssub.s32 $0x2, s5  }
0x8: {  	p0 =	seq.s32 s5, $0x1;
	s6 =	sor.u32 s4, s9;
	s4 =	sadd.s32 $0xE200, s8  }
0x9: {  	s11 =	sshrl.u32 s7, $0x1;
	s13 =	sadd.s32 s10, s2;
	s30 =	sshrl.u32 s10, $0x3  }
0xa: {  	s10 =	simm.s32 $0x9200;
	s6 =	sshrl.u32 s6, $0x3;
	s11 =	ssub.s32 s7, s11  }
0xb: {  	s5 =	sadd.s32 s4, s30;
	s10 =	simm.s32 @!p0 $0x4200;
	s12 =	sadd.s32 s6, s8  }
0xc: {  	s6 =	sor.u32 $0x1C01, s31;
	s10 =	sadd.s32 s10, s8;
	s8 =	smax.u32 s11, $0x1  }
0xd: {  	s11 =	simm.s32 $0x1;
	s7 =	sadd.s32 $0xE800, s12;
	s9 =	sadd.s32 s10, s9  }
0xe: {  	s10 =	sshrl.u32 s13, $0x3;
	s12 =	simm.s32 $0x2800;
	s13 =	simm.s32 $0x80  }
.LBB2_1:
0xf: {  	[spmem:s10], [sflag:s6] =	dma.local [hbm:s5], $0x50  }
0x10: {  	_ =	swait.ge [sflag:s11], $0x50  }
0x11: {  	[sflag:s11] =	ssyncset.done $0x0  }
0x12: {  	[sflag:s11] =	ssyncadd.s32 $0xFFFFFFB0  }
0x13: {  	[tilespmem:s12], [sflag:$0x1] =	stream.linear.gather [hbm4b:s4+s3], $0x80, $0x38;
	[tilespmem:$0x2B00] =	vst v63  }
0x14: {  	_ =	swait.ge [sflag:s11], $0x80  }
0x15: {  	[sflag:s11] =	ssyncset.done $0x0  }
0x16: {  	[sflag:s11] =	ssyncadd.s32 $0xFFFFFF80  }
0x17: {  	[tilespmem:s3], [sflag:$0x1] =	stream.linear.gather [hbm4b:s9+s3], $0x2800, $0x38;
	[tilespmem:$0x2B00] =	vst v63  }
0x18: {  	_ =	swait.ge [sflag:s11], $0x2800  }
0x19: {  	[sflag:s11] =	ssyncset.done $0x0  }
0x1a: {  	[sflag:s11] =	ssyncadd.s32 $0xFFFFD800  }
0x1b: {  	s17 =	simm.s32 $0x0;
	[bflag:$0x0] =	sbarrier.arrive $0xFFFF  }
0x1c: {  	[spmem:s2] =	stream.indirect.scatter.add.f32 [tilespmem:s12], [sflag:$0x1], $0x1, s17, s13, $0xb8;
	[tilespmem:$0x2B00] =	vst v63  }
0x1d: {  	_ =	swait.ge [sflag:s11], $0x80  }
0x1e: {  	s17 =	simm.s32 $0x200;
	[sflag:s11] =	ssyncset.done $0x0  }
.LBB2_2:
0x1f: {  	s18 =	sshra.s32 s17, $0x2;
	[sflag:s11] =	ssyncadd.s32 $0xFFFFFF80;
	p0 =	sne.s32 s17, $0x9E00  }
0x20: {  	[spmem:s2] =	stream.indirect.scatter.add.f32 [tilespmem:s12], [sflag:$0x1], $0x1, s18, s13, $0xb8;
	[tilespmem:$0x2B00] =	vst v63  }
.Ltmp0:
0x21: {  	_ = 	snop;
	(pc) =	sbr.rel @p0 .LBB2_2-.Ltmp0, $4  }
0x22: {  	_ = 	snop  }
0x23: {  	s17 =	sadd.s32 $0x200, s17  }
0x24: {  	_ =	swait.ge [sflag:s11], $0x80  }
0x25: {  	[sflag:s11] =	ssyncset.done $0x0  }
0x26: {  	s16 =	sadd.s32 $0x1, s16  }
0x27: {  	[sflag:s11] =	ssyncadd.s32 $0xFFFFFF80;
	p0 =	sne.s32 s16, s8  }
.Ltmp1:
0x28: {  	[bflag:$0x0] =	sbarrier.arrive $0xFFFF;
	(pc) =	sbr.rel @p0 .LBB2_1-.Ltmp1, $4  }
0x29: {  	[hbm:s7@s14], [sflag:s6] =	dma.strided [spmem:s10@s15], $0x50, s11, $0x10   }
0x2a: {  	_ =	swait.ge [sflag:s11], $0x50  }
0x2b: {  	[sflag:s11] =	ssyncset.done $0x0  }
0x2c: {  	[sflag:s11] =	ssyncadd.s32 $0xFFFFFFB0  }
0x2d: {  	_ =	sfence.sel $0x180000  }
0x2e: {  	[bflag:$0x0] =	sbarrier.arrive $0xFFFF  }
0x2f: {  	p0 =	sne.s32 s1, $0x0;
	_ =	strace $0x90000047  }
0x30: {  	s0 =	sadd.s32 @!p0 $0x100000, s0;
	[bflag:$0x2] =	sbarrier.arrive $0xFFFF  }
0x31: {  	[sflag:s0] =	ssyncadd.tile.s32 @!p0 $0x1;
	_ =	shalt  }
.Lfunc_end2:
_tile_overlayer_lowered:
.L_overlay_start_2:
0x32: {  	(tag) =	ssettag $0x2  }
0x33: {  	s0 =	rddreg [dreg:$0x0];
	s2 =	stileid.u32  }
0x34: {  	s1 =	rddreg [dreg:$0x1];
	p0 =	sne.s32 s2, $0x0  }
0x35: {  	s3 =	rddreg [dreg:$0x2];
	[bflag:$0x3] =	sbarrier.arrive $0xFFFF;
	s2 =	simm.s32 @!p0 $0x1C01  }
0x36: {  	[timem:s3], [sflag:s2] =	dma.local @!p0 [hbm:s0], s1  }
0x37: {  	s0 =	simm.s32 @!p0 $0x1  }
0x38: {  	_ =	swait.ge @!p0 [sflag:s0], s1  }
0x39: {  	s1 =	ssub.s32 @!p0 $0x0, s1;
	[sflag:s0] =	ssyncset.done @!p0 $0x0  }
0x3a: {  	[sflag:s0] =	ssyncadd.s32 @!p0 s1  }
0x3b: {  	[bflag:$0x3] =	sbarrier.arrive $0xFFFF  }
0x3c: {  	_ =	shalt  }

// kernel: kernel.14.cloned.1.call-start
scs
__scs_entry_jumppad:
0x0: {  	(pc) =	sbr.rel $0x88, $3  }
0x1: {  	(tag) =	ssettag $0x0;
	lr =	simm.s32 $0x1  }
0x2: {  	[smem:$0x3F9B] =	sst lr;
	_ =	strace $0xD0000000  }
0x3: {  	_ = 	snop  }
0x4: {  	_ = 	snop  }
0x5: {  	_ = 	snop  }
0x6: {  	_ = 	snop  }
0x7: {  	_ = 	snop  }
__scs_overlays_trampoline_lowered:
0x8: {  	[smem:$0x3FAA] =	sst s0  }
0x9: {  	[smem:$0x3FAB] =	sst s1  }
0xa: {  	[smem:$0x3FAC] =	sst s2  }
0xb: {  	[smem:$0x3FAD] =	sst s3  }
0xc: {  	[smem:$0x3FAE] =	sst s4  }
0xd: {  	[smem:$0x3FAF] =	sst s5  }
0xe: {  	[smem:$0x3FB0] =	sst s6  }
0xf: {  	[smem:$0x3FB1] =	sst s7  }
0x10: {  	[smem:$0x3FB2] =	sst s8  }
0x11: {  	[smem:$0x3FB3] =	sst s9;
	s0 =	simm.s32 @!p0 $0x0  }
0x12: {  	s1 =	sld [smem:$0x3F99];
	s0 =	simm.s32 @p0 $0x1  }
0x13: {  	[smem:$0x3FB4] =	sst s0;
	s0 =	simm.s32 @!p1 $0x0  }
0x14: {  	s2 =	sld [smem:$0x3F98];
	s0 =	simm.s32 @p1 $0x1  }
0x15: {  	[smem:$0x3FB5] =	sst s0;
	s0 =	simm.s32 @!p2 $0x0  }
0x16: {  	s3 =	sld [smem:$0x3FDB];
	s0 =	simm.s32 @p2 $0x1  }
0x17: {  	s4 =	simm.s32 $0x1BF5;
	[smem:$0x3FB7] =	sst s0  }
0x18: {  	s0 =	sld [smem:$0x3F9A];
	_ =	swait.ge [sflag:s4], $0x0  }
0x19: {  	s7 =	sld [smem:$0x3F9B]  }
0x1a: {  	s8 =	sadd.s32 $0xFFFFE003, lr  }
0x1b: {  	s9 =	sadd.s32 $0xFFFFFEF7, lr;
	s5 =	simm.s32 $0xFFFFFFFF;
	p2 =	slt.u32 s8, $0xFFFFF086  }
0x1c: {  	p1 =	slt.u32 s9, $0xF7A;
	s5 =	simm.s32 @!p2 $0x0  }
0x1d: {  	s5 =	simm.s32 @p1 $0x1;
	p0 =	seq.s32 s7, s2  }
0x1e: {  	s7 =	smul.u32 @!p0 $0xF7A, s2;
	p2 =	seq.s32 @!p0 s5, $0x0  }
0x1f: {  	s9 =	smul.u32 $0xF7A, s1;
	s8 =	simm.s32 @!p0 $0x1BF5;
	p2 =	por !p2, p0  }
0x20: {  	[sflag:s8] =	ssyncset.s32 @!p0 $0xFFFFF086;
	s6 =	sadd.s32 @!p0 s3, s7;
	s7 =	simm.s32 @!p0 $0x108  }
0x21: {  	s3 =	sadd.s32 s3, s9;
	s6 =	sadd.s32 @!p0 $0x88, s6;
	s7 =	simm.s32 @p2 $0x1082  }
0x22: {  	[simem:s7], [sflag:s8] =	dma.local @!p0 [hbm:s6], $0xF7A  }
0x23: {  	s9 =	sor.u32 $0xD0000000, s2;
	s6 =	simm.s32 $0x108;
	_ =	swait.ge @!p0 [sflag:s8], $0x0  }
0x24: {  	s3 =	sadd.s32 $0x88, s3;
	s6 =	simm.s32 @!p1 $0x1082;
	[sflag:s4] =	ssyncset.s32 $0xFFFFF086  }
0x25: {  	[simem:s6], [sflag:s4] =	dma.local [hbm:s3], $0xF7A  }
0x26: {  	[smem:$0x3F9B] =	sst s1;
	(tag) =	ssettag s2;
	_ =	strace s9  }
0x27: {  	s1 =	sld [smem:$0x3FAB]  }
0x28: {  	s2 =	sld [smem:$0x3FAC]  }
0x29: {  	s4 =	sld [smem:$0x3FAE]  }
0x2a: {  	p0 =	seq.s32 s5, $0x0;
	s5 =	sld [smem:$0x3FAF]  }
0x2b: {  	s6 =	sld [smem:$0x3FB0]  }
0x2c: {  	s7 =	sld [smem:$0x3FB1]  }
0x2d: {  	s3 =	simm.s32 $0x108;
	s8 =	sld [smem:$0x3FB2]  }
0x2e: {  	s3 =	simm.s32 @!p0 $0x1082;
	s9 =	sld [smem:$0x3FB3]  }
0x2f: {  	lr =	sadd.s32 s0, s3;
	s0 =	sld [smem:$0x3FAA]  }
0x30: {  	s3 =	sld [smem:$0x3FAD]  }
0x31: {  	[smem:$0x3FB6] =	sst s10  }
0x32: {  	s10 =	sld [smem:$0x3FB4];
	_ =	sdelay $0x3  }
0x33: {  	p0 =	seq.s32 s10, $0x1;
	s10 =	sld [smem:$0x3FB6];
	_ =	sdelay $0x3  }
0x34: {  	[smem:$0x3FB6] =	sst s10  }
0x35: {  	s10 =	sld [smem:$0x3FB5];
	_ =	sdelay $0x3  }
0x36: {  	p1 =	seq.s32 s10, $0x1;
	s10 =	sld [smem:$0x3FB6];
	_ =	sdelay $0x3  }
0x37: {  	[smem:$0x3FB6] =	sst s10  }
0x38: {  	s10 =	sld [smem:$0x3FB7]  }
0x39: {  	_ = 	snop;
	(pc) =	sbr.ind lr, $3  }
0x3a: {  	_ = 	snop  }
0x3b: {  	_ = 	snop  }
0x3c: {  	p2 =	seq.s32 s10, $0x1;
	s10 =	sld [smem:$0x3FB6]  }
0x3d: {  	_ =	shalt  }
0x3e: {  	_ =	shalt  }
0x3f: {  	_ =	shalt  }
0x40: {  	_ =	shalt  }
0x41: {  	_ =	shalt  }
0x42: {  	_ =	shalt  }
0x43: {  	_ =	shalt  }
0x44: {  	_ =	shalt  }
0x45: {  	_ =	shalt  }
0x46: {  	_ =	shalt  }
0x47: {  	_ =	shalt  }
0x48: {  	_ =	shalt  }
0x49: {  	_ =	shalt  }
0x4a: {  	_ =	shalt  }
0x4b: {  	_ =	shalt  }
0x4c: {  	_ =	shalt  }
0x4d: {  	_ =	shalt  }
0x4e: {  	_ =	shalt  }
0x4f: {  	_ =	shalt  }
0x50: {  	_ =	shalt  }
0x51: {  	_ =	shalt  }
0x52: {  	_ =	shalt  }
0x53: {  	_ =	shalt  }
0x54: {  	_ =	shalt  }
0x55: {  	_ =	shalt  }
0x56: {  	_ =	shalt  }
0x57: {  	_ =	shalt  }
0x58: {  	_ =	shalt  }
0x59: {  	_ =	shalt  }
0x5a: {  	_ =	shalt  }
0x5b: {  	_ =	shalt  }
0x5c: {  	_ =	shalt  }
0x5d: {  	_ =	shalt  }
0x5e: {  	_ =	shalt  }
0x5f: {  	_ =	shalt  }
0x60: {  	_ =	shalt  }
0x61: {  	_ =	shalt  }
0x62: {  	_ =	shalt  }
0x63: {  	_ =	shalt  }
0x64: {  	_ =	shalt  }
0x65: {  	_ =	shalt  }
0x66: {  	_ =	shalt  }
0x67: {  	_ =	shalt  }
0x68: {  	_ =	shalt  }
0x69: {  	_ =	shalt  }
0x6a: {  	_ =	shalt  }
0x6b: {  	_ =	shalt  }
0x6c: {  	_ =	shalt  }
0x6d: {  	_ =	shalt  }
0x6e: {  	_ =	shalt  }
0x6f: {  	_ =	shalt  }
0x70: {  	_ =	shalt  }
0x71: {  	_ =	shalt  }
0x72: {  	_ =	shalt  }
0x73: {  	_ =	shalt  }
0x74: {  	_ =	shalt  }
0x75: {  	_ =	shalt  }
0x76: {  	_ =	shalt  }
0x77: {  	_ =	shalt  }
0x78: {  	_ =	shalt  }
0x79: {  	_ =	shalt  }
0x7a: {  	_ =	shalt  }
0x7b: {  	_ =	shalt  }
0x7c: {  	_ =	shalt  }
0x7d: {  	_ =	shalt  }
0x7e: {  	_ =	shalt  }
0x7f: {  	_ =	shalt  }
0x80: {  	_ =	shalt  }
0x81: {  	_ =	shalt  }
0x82: {  	_ =	shalt  }
0x83: {  	_ =	shalt  }
0x84: {  	_ =	shalt  }
0x85: {  	_ =	shalt  }
0x86: {  	_ =	shalt  }
0x87: {  	_ =	shalt  }
.Lfunc_end0:
.L_simem_size_0:
called_computation.1_lowered:
.L_overlay_start_0:
0x88: {  	s0 =	sld [smem:$0x3FD9]  }
0x89: {  	s1 =	sld [smem:$0x3FFE];
	_ =	sdelay $0x3  }
0x8a: {  	s0 =	sadd.s32 s1, s0  }
0x8b: {  	[smem:$0x3FC2] =	sst s0  }
0x8c: {  	_ = 	snop  }
0x8d: {  	s0 =	sld [smem:$0x3FD0];
	(tm) =	ssettm $0x1  }
0x8e: {  	s16 =	sld [smem:$0x3FFB];
	_ =	sdelay $0x3  }
0x8f: {  	_ =	strace s16  }
0x90: {  	s1 =	sld [smem:$0x3FFC];
	_ =	sdelay $0x3  }
0x91: {  	_ =	strace s1  }
0x92: {  	s1 =	sld [smem:$0x3FFD];
	_ =	sdelay $0x3  }
0x93: {  	_ =	strace s1  }
0x94: {  	_ =	strace $0x8FFFFFFF  }
0x95: {  	s17 =	sld [smem:$0x3FDB];
	_ =	sdelay $0x1  }
0x96: {  	s2 =	simm.s32 $_scs_section_size  }
0x97: {  	s3 =	simm.s32 $_size__tile_overlayer_lowered;
	s4 =	simm.s32 $_tile_overlayer_lowered  }
0x98: {  	s20 =	simm.s32 $0x1BFF;
	s19 =	sshll.u32 s4, $0x1;
	s1 =	sadd.s32 s2, s17  }
0x99: {  	s5 =	simm.s32 $0x0;
	s18 =	sshll.u32 s3, $0x1;
	s3 =	sadd.s32 s19, s1  }
0x9a: {  	[timem:s5], [sflag:s20] =	dma.local [hbm:s3], s18  }
0x9b: {  	_ =	swait.ge [sflag:s20], s18  }
0x9c: {  	s2 =	ssub.s32 $0x0, s18;
	[sflag:s20] =	ssyncset.done $0x0  }
0x9d: {  	[sflag:s20] =	ssyncadd.s32 s2;
	_ =	sdelay $0x1  }
0x9e: {  	s21 =	simm.s32 $0x1B8B  }
0x9f: {  	_ =	swait.ge [sflag:s21], $0x1  }
0xa0: {  	[sflag:s21] =	ssyncset.done $0x0  }
0xa1: {  	s23 =	simm.s32 $0x1B8E;
	s22 =	sld [smem:$0x3FFE];
	[sflag:s21] =	ssyncadd.s32 $0xFFFFFFFF  }
0xa2: {  	s24 =	simm.s32 $execute0_lowered;
	[smem:$0x3FD2] =	sst s23  }
0xa3: {  	s3 =	sshll.u32 s24, $0x1;
	_ =	strace $0x8000004C;
	[dreg:$0x1] =	wrdreg $0xFFFFFFFF  }
0xa4: {  	s25 =	simm.s32 $_size_execute0_lowered;
	s1 =	sadd.s32 s1, s3;
	[dreg:$0x0] =	wrdreg $0x0  }
0xa5: {  	s3 =	sshll.u32 s25, $0x1;
	[dreg:$0x2] =	wrdreg s1  }
0xa6: {  	[dreg:$0x3] =	wrdreg s3  }
0xa7: {  	[dreg:$0x4] =	wrdreg $0xC0  }
0xa8: {  	_ =	task [dreg:s5], $0x5FFFF  }
0xa9: {  	[dreg:$0x1] =	wrdreg $0xFFFFFFFF  }
0xaa: {  	[dreg:$0x0] =	wrdreg $0x60  }
0xab: {  	[dreg:$0x2] =	wrdreg s22  }
0xac: {  	[dreg:$0x3] =	wrdreg s0  }
0xad: {  	[dreg:$0x4] =	wrdreg $0xAA000  }
0xae: {  	[dreg:$0x5] =	wrdreg $0x9  }
0xaf: {  	_ =	task.clear_ibuf [dreg:s5], $0x6FFFF;
	_ =	strace $0x9000004C  }
0xb0: {  	s26 =	simm.s32 $0x9;
	_ =	strace $0x8000004E  }
0xb1: {  	_ =	swait.ge [sflag:s26], $0x1  }
0xb2: {  	[sflag:s26] =	ssyncadd.s32 $0xFFFFFFFF  }
0xb3: {  	_ =	strace $0x9000004E  }
0xb4: {  	_ =	sfence  }
0xb5: {  	s28 =	sld [smem:$0x0];
	_ =	sdelay $0x1  }
0xb6: {  	s29 =	srdreg.scid  }
0xb7: {  	s30 =	sshll.u32 s29, $0xD;
	s31 =	sshrl.u32 s29, $0x2  }
0xb8: {  	s2 =	sand.u32 $0x4000, s30;
	s1 =	sand.u32 $0x1, s29;
	s0 =	sadd.s32 s31, s28  }
0xb9: {  	s1 =	sor.u32 s2, s1;
	s0 =	sshll.u32 s0, $0x11  }
0xba: {  	s0 =	sor.u32 s0, s1  }
0xbb: {  	s0 =	sadd.s32 $0x8F2B, s0  }
0xbc: {  	[sflag:s0] =	ssyncadd.remote.s32 $0x1  }
0xbd: {  	_ =	sfence.sel $0xFFFF  }
0xbe: {  	[dreg:$0x0] =	wrdreg $0xFFFFFFFF;
	(pc) =	sbr.abs _section_cstart, $3  }
0xbf: {  	[dreg:$0x1] =	wrdreg $0xFFFFFFFF  }
0xc0: {  	_ =	task.clear_ibuf [dreg:s5], $0x2FFFF;
	_ =	strace $0x9FFFFFFF  }
0xc1: {  	(tm) =	ssettm $0x7FFFFFFF  }
tec
execute0_lowered:
.L_overlay_start_1:
0x0: {  	(tag) =	ssettag $0x1  }
0x1: {  	s25 =	rddreg [dreg:$0x0]  }
0x2: {  	s7 =	rddreg [dreg:$0x1];
	s1 =	stileid.u32  }
0x3: {  	s2 =	rddreg [dreg:$0x2];
	s8 =	simm.s32 $0x0;
	s3 =	smul.u32 $0x50000, s1  }
0x4: {  	s10 =	simm.s32 $0x9;
	[smem:$0x7FF] =	sst s8  }
0x5: {  	s6 =	sadd.s32 $0x14200, s25;
	s4 =	sshrl.u32 s3, $0x2;
	s3 =	smul.u32 $0x2800, s1  }
0x6: {  	s29 =	sshll.u32 s1, $0x6;
	_ =	strace $0x8000004D;
	s5 =	sadd.s32 s4, s2  }
0x7: {  	s4 =	sor.u32 $0x1C09, s29;
	s9 =	sadd.s32 s6, s3;
	s5 =	sshrl.u32 s5, $0x3  }
0x8: {  	[spmem:s5], [sflag:s4] =	dma.local [hbm:s9], $0x2800  }
0x9: {  	_ =	swait.ge [sflag:s10], $0x2800  }
0xa: {  	s11 =	sshrl.u32 s3, $0x3;
	[sflag:s10] =	ssyncset.done $0x0  }
0xb: {  	s7 =	sadd.s32 s7, s11;
	[sflag:s10] =	ssyncadd.s32 $0xFFFFD800  }
0xc: {  	[tilespmem:s8], [sflag:$0x9] =	stream.linear.gather [hbm4b:s7+s8], $0x2800, $0x38;
	[tilespmem:$0x1EA00] =	vst v63  }
0xd: {  	_ =	swait.ge [sflag:s10], $0x2800  }
0xe: {  	[sflag:s10] =	ssyncset.done $0x0  }
0xf: {  	s9 =	sadd.s32 $0x4200, s25;
	[sflag:s10] =	ssyncadd.s32 $0xFFFFD800  }
0x10: {  	s7 =	sadd.s32 s9, s11;
	s10 =	simm.s32 $0x2800;
	[bflag:$0x0] =	sbarrier.arrive $0xFFFF  }
0x11: {  	[tilespmem:s10], [sflag:$0x5] =	stream.linear.gather [hbm4b:s7+s8], $0x80, $0x38;
	[tilespmem:$0x1EA00] =	vst v63  }
0x12: {  	s11 =	simm.s32 $0x2880;
	s12 =	sadd.s32 $0x10, s7  }
0x13: {  	[tilespmem:s11], [sflag:$0x6] =	stream.linear.gather [hbm4b:s12+s8], $0x80, $0x38;
	[tilespmem:$0x1EA00] =	vst v63  }
0x14: {  	s13 =	sadd.s32 $0x20, s7;
	s12 =	simm.s32 $0x2900  }
0x15: {  	[tilespmem:s12], [sflag:$0x7] =	stream.linear.gather [hbm4b:s13+s8], $0x80, $0x38;
	[tilespmem:$0x1EA00] =	vst v63  }
0x16: {  	s14 =	sadd.s32 $0x30, s7;
	s13 =	simm.s32 $0x2980  }
0x17: {  	[tilespmem:s13], [sflag:$0x8] =	stream.linear.gather [hbm4b:s14+s8], $0x80, $0x38;
	[tilespmem:$0x1EA00] =	vst v63  }
0x18: {  	s15 =	simm.s32 $0x2A00;
	s16 =	simm.s32 $0x1;
	s14 =	simm.s32 $0x80  }
0x19: {  	[tilespmem:s15], [sflag:$0x1] =	stream.indirect.gather [hbm4b:s6+s14], $0x80, s8, s14, $0xb8;
	[tilespmem:$0x1EA00] =	vst v63  }
0x1a: {  	_ =	swait.ge [sflag:s16], $0x4000  }
0x1b: {  	[sflag:s16] =	ssyncset.done $0x0  }
0x1c: {  	s17 =	simm.s32 $0x5;
	[sflag:s16] =	ssyncadd.s32 $0xFFFFC000  }
0x1d: {  	_ =	swait.ge [sflag:s17], $0x80  }
0x1e: {  	[sflag:s17] =	ssyncset.done $0x0  }
0x1f: {  	[sflag:s17] =	ssyncadd.s32 $0xFFFFFF80  }
0x20: {  	[spmem:s2] =	stream.indirect.scatter.add.f32 [tilespmem:s15], [sflag:$0x3], $0x80, s10, s14, $0xb8;
	[tilespmem:$0x1EA00] =	vst v63  }
0x21: {  	s18 =	simm.s32 $0x6A00;
	s19 =	simm.s32 $0x2  }
0x22: {  	[tilespmem:s18], [sflag:$0x2] =	stream.indirect.gather [hbm4b:s6+s14], $0x80, s14, s14, $0xb8;
	[tilespmem:$0x1EA00] =	vst v63  }
0x23: {  	_ =	swait.ge [sflag:s19], $0x4000  }
0x24: {  	[sflag:s19] =	ssyncset.done $0x0  }
0x25: {  	s20 =	simm.s32 $0x6;
	[sflag:s19] =	ssyncadd.s32 $0xFFFFC000  }
0x26: {  	_ =	swait.ge [sflag:s20], $0x80  }
0x27: {  	[sflag:s20] =	ssyncset.done $0x0  }
0x28: {  	s21 =	simm.s32 $0x3;
	[sflag:s20] =	ssyncadd.s32 $0xFFFFFF80  }
0x29: {  	_ =	swait.ge [sflag:s21], $0x4000  }
0x2a: {  	[sflag:s21] =	ssyncset.done $0x0  }
0x2b: {  	[sflag:s21] =	ssyncadd.s32 $0xFFFFC000  }
0x2c: {  	[spmem:s2] =	stream.indirect.scatter.add.f32 [tilespmem:s18], [sflag:$0x4], $0x80, s11, s14, $0xb8;
	[tilespmem:$0x1EA00] =	vst v63  }
0x2d: {  	s22 =	simm.s32 $0x100  }
0x2e: {  	[tilespmem:s15], [sflag:$0x1] =	stream.indirect.gather [hbm4b:s6+s14], $0x80, s22, s14, $0xb8;
	[tilespmem:$0x1EA00] =	vst v63  }
0x2f: {  	_ =	swait.ge [sflag:s16], $0x4000  }
0x30: {  	[sflag:s16] =	ssyncset.done $0x0  }
0x31: {  	s22 =	simm.s32 $0x7;
	[sflag:s16] =	ssyncadd.s32 $0xFFFFC000  }
0x32: {  	_ =	swait.ge [sflag:s22], $0x80  }
0x33: {  	[sflag:s22] =	ssyncset.done $0x0  }
0x34: {  	s23 =	simm.s32 $0x4;
	[sflag:s22] =	ssyncadd.s32 $0xFFFFFF80  }
0x35: {  	_ =	swait.ge [sflag:s23], $0x4000  }
0x36: {  	[sflag:s23] =	ssyncset.done $0x0  }
0x37: {  	[sflag:s23] =	ssyncadd.s32 $0xFFFFC000  }
0x38: {  	[spmem:s2] =	stream.indirect.scatter.add.f32 [tilespmem:s15], [sflag:$0x3], $0x80, s12, s14, $0xb8;
	[tilespmem:$0x1EA00] =	vst v63  }
0x39: {  	s24 =	sadd.s32 $0x40, s7  }
0x3a: {  	[tilespmem:s10], [sflag:$0x5] =	stream.linear.gather [hbm4b:s24+s8], $0x80, $0x38;
	[tilespmem:$0x1EA00] =	vst v63  }
0x3b: {  	s31 =	simm.s32 $0x180  }
0x3c: {  	[tilespmem:s18], [sflag:$0x2] =	stream.indirect.gather [hbm4b:s6+s14], $0x80, s31, s14, $0xb8;
	[tilespmem:$0x1EA00] =	vst v63  }
0x3d: {  	_ =	swait.ge [sflag:s19], $0x4000  }
0x3e: {  	[sflag:s19] =	ssyncset.done $0x0  }
0x3f: {  	s24 =	simm.s32 $0x8;
	[sflag:s19] =	ssyncadd.s32 $0xFFFFC000  }
0x40: {  	_ =	swait.ge [sflag:s24], $0x80  }
0x41: {  	[sflag:s24] =	ssyncset.done $0x0  }
0x42: {  	[sflag:s24] =	ssyncadd.s32 $0xFFFFFF80  }
0x43: {  	_ =	swait.ge [sflag:s21], $0x4000  }
0x44: {  	[sflag:s21] =	ssyncset.done $0x0  }
0x45: {  	[sflag:s21] =	ssyncadd.s32 $0xFFFFC000  }
0x46: {  	[spmem:s2] =	stream.indirect.scatter.add.f32 [tilespmem:s18], [sflag:$0x4], $0x80, s13, s14, $0xb8;
	[tilespmem:$0x1EA00] =	vst v63  }
0x47: {  	s26 =	sadd.s32 $0x50, s7  }
0x48: {  	[tilespmem:s11], [sflag:$0x6] =	stream.linear.gather [hbm4b:s26+s8], $0x80, $0x38;
	[tilespmem:$0x1EA00] =	vst v63  }
0x49: {  	s0 =	simm.s32 $0x200  }
0x4a: {  	[tilespmem:s15], [sflag:$0x1] =	stream.indirect.gather [hbm4b:s6+s14], $0x80, s0, s14, $0xb8;
	[tilespmem:$0x1EA00] =	vst v63  }
0x4b: {  	_ =	swait.ge [sflag:s16], $0x4000  }
0x4c: {  	[sflag:s16] =	ssyncset.done $0x0  }
0x4d: {  	[sflag:s16] =	ssyncadd.s32 $0xFFFFC000  }
0x4e: {  	_ =	swait.ge [sflag:s17], $0x80  }
0x4f: {  	s29 =	simm.s32 $0x200;
	[sflag:s17] =	ssyncset.done $0x0  }
0x50: {  	s28 =	simm.s32 $0x300;
	s26 =	sand.u32 $0x3C00, s29;
	[sflag:s17] =	ssyncadd.s32 $0xFFFFFF80  }
0x51: {  	s31 =	sand.u32 $0x300, s28;
	s29 =	sadd.s32 s3, s26;
	_ =	swait.ge [sflag:s23], $0x4000  }
0x52: {  	s26 =	sor.u32 s29, s31;
	[sflag:s23] =	ssyncset.done $0x0  }
0x53: {  	s26 =	sshrl.u32 s26, $0x3;
	[sflag:s23] =	ssyncadd.s32 $0xFFFFC000  }
0x54: {  	[spmem:s2] =	stream.indirect.scatter.add.f32 [tilespmem:s15], [sflag:$0x3], $0x80, s10, s14, $0xb8;
	[tilespmem:$0x1EA00] =	vst v63  }
0x55: {  	s26 =	sadd.s32 s9, s26  }
0x56: {  	[tilespmem:s12], [sflag:$0x7] =	stream.linear.gather [hbm4b:s26+s8], $0x80, $0x38;
	[tilespmem:$0x1EA00] =	vst v63  }
0x57: {  	s26 =	simm.s32 $0x280  }
0x58: {  	[tilespmem:s18], [sflag:$0x2] =	stream.indirect.gather [hbm4b:s6+s14], $0x80, s26, s14, $0xb8;
	[tilespmem:$0x1EA00] =	vst v63  }
0x59: {  	_ =	swait.ge [sflag:s19], $0x4000  }
0x5a: {  	[sflag:s19] =	ssyncset.done $0x0  }
0x5b: {  	[sflag:s19] =	ssyncadd.s32 $0xFFFFC000  }
0x5c: {  	_ =	swait.ge [sflag:s20], $0x80  }
0x5d: {  	[sflag:s20] =	ssyncset.done $0x0  }
0x5e: {  	s28 =	simm.s32 $0x380;
	[sflag:s20] =	ssyncadd.s32 $0xFFFFFF80  }
0x5f: {  	s28 =	sand.u32 $0x380, s28;
	_ =	swait.ge [sflag:s21], $0x4000  }
0x60: {  	s28 =	sor.u32 s29, s28;
	[sflag:s21] =	ssyncset.done $0x0  }
0x61: {  	s28 =	sshrl.u32 s28, $0x3;
	[sflag:s21] =	ssyncadd.s32 $0xFFFFC000  }
0x62: {  	[spmem:s2] =	stream.indirect.scatter.add.f32 [tilespmem:s18], [sflag:$0x4], $0x80, s11, s14, $0xb8;
	[tilespmem:$0x1EA00] =	vst v63  }
0x63: {  	s28 =	sadd.s32 s9, s28  }
0x64: {  	[tilespmem:s13], [sflag:$0x8] =	stream.linear.gather [hbm4b:s28+s8], $0x80, $0x38;
	[tilespmem:$0x1EA00] =	vst v63  }
0x65: {  	s28 =	simm.s32 $0x300  }
0x66: {  	[tilespmem:s15], [sflag:$0x1] =	stream.indirect.gather [hbm4b:s6+s14], $0x80, s28, s14, $0xb8;
	[tilespmem:$0x1EA00] =	vst v63  }
0x67: {  	_ =	swait.ge [sflag:s16], $0x4000  }
0x68: {  	[sflag:s16] =	ssyncset.done $0x0  }
0x69: {  	[sflag:s16] =	ssyncadd.s32 $0xFFFFC000  }
0x6a: {  	_ =	swait.ge [sflag:s22], $0x80  }
0x6b: {  	s28 =	simm.s32 $0x400;
	[sflag:s22] =	ssyncset.done $0x0  }
0x6c: {  	s0 =	sand.u32 $0x7C00, s28;
	[sflag:s22] =	ssyncadd.s32 $0xFFFFFF80  }
0x6d: {  	s28 =	sand.u32 $0x200, s28;
	s29 =	sadd.s32 s3, s0;
	_ =	swait.ge [sflag:s23], $0x4000  }
0x6e: {  	s28 =	sor.u32 s28, s29;
	[sflag:s23] =	ssyncset.done $0x0  }
0x6f: {  	s28 =	sshrl.u32 s28, $0x3;
	[sflag:s23] =	ssyncadd.s32 $0xFFFFC000  }
0x70: {  	[spmem:s2] =	stream.indirect.scatter.add.f32 [tilespmem:s15], [sflag:$0x3], $0x80, s12, s14, $0xb8;
	[tilespmem:$0x1EA00] =	vst v63  }
0x71: {  	s28 =	sadd.s32 s9, s28  }
0x72: {  	[tilespmem:s10], [sflag:$0x5] =	stream.linear.gather [hbm4b:s28+s8], $0x80, $0x38;
	[tilespmem:$0x1EA00] =	vst v63  }
0x73: {  	s28 =	simm.s32 $0x380  }
0x74: {  	[tilespmem:s18], [sflag:$0x2] =	stream.indirect.gather [hbm4b:s6+s14], $0x80, s28, s14, $0xb8;
	[tilespmem:$0x1EA00] =	vst v63  }
0x75: {  	_ =	swait.ge [sflag:s19], $0x4000  }
0x76: {  	[sflag:s19] =	ssyncset.done $0x0  }
0x77: {  	[sflag:s19] =	ssyncadd.s32 $0xFFFFC000  }
0x78: {  	_ =	swait.ge [sflag:s24], $0x80  }
0x79: {  	s28 =	simm.s32 $0x480;
	[sflag:s24] =	ssyncset.done $0x0  }
0x7a: {  	s31 =	sand.u32 $0x7C00, s28;
	[sflag:s24] =	ssyncadd.s32 $0xFFFFFF80  }
0x7b: {  	s28 =	sand.u32 $0x280, s28;
	s29 =	sadd.s32 s3, s31;
	_ =	swait.ge [sflag:s21], $0x4000  }
0x7c: {  	s28 =	sor.u32 s28, s29;
	[sflag:s21] =	ssyncset.done $0x0  }
0x7d: {  	s28 =	sshrl.u32 s28, $0x3;
	[sflag:s21] =	ssyncadd.s32 $0xFFFFC000  }
0x7e: {  	[spmem:s2] =	stream.indirect.scatter.add.f32 [tilespmem:s18], [sflag:$0x4], $0x80, s13, s14, $0xb8;
	[tilespmem:$0x1EA00] =	vst v63  }
0x7f: {  	s28 =	sadd.s32 s9, s28  }
0x80: {  	[tilespmem:s11], [sflag:$0x6] =	stream.linear.gather [hbm4b:s28+s8], $0x80, $0x38;
	[tilespmem:$0x1EA00] =	vst v63  }
0x81: {  	s30 =	simm.s32 $0x400;
	s25 =	sadd.s32 $0x8C200, s25;
	s28 =	simm.s32 $0x680  }
.LBB2_1:
0x82: {  	p0 =	sne.s32 s28, $0x2680  }
0x83: {  	s26 =	sadd.s32 $0x200, s26;
	s29 =	smov.u32 s28;
	s28 =	sadd.s32 $0x200, s28  }
0x84: {  	[tilespmem:s15], [sflag:$0x1] =	stream.indirect.gather [hbm4b:s6+s14], $0x80, s30, s14, $0xb8;
	[tilespmem:$0x1EA00] =	vst v63  }
0x85: {  	_ =	swait.ge [sflag:s16], $0x4000  }
0x86: {  	[sflag:s16] =	ssyncset.done $0x0  }
0x87: {  	[sflag:s16] =	ssyncadd.s32 $0xFFFFC000  }
0x88: {  	s30 =	sadd.s32 $0xFFFFFE80, s29;
	_ =	swait.ge [sflag:s17], $0x80  }
0x89: {  	s31 =	sadd.s32 $0xFFFFFD80, s29;
	s0 =	sadd.s32 $0xFFFFFF00, s29;
	[sflag:s17] =	ssyncset.done $0x0  }
0x8a: {  	s31 =	sand.u32 $0x3C00, s31;
	s0 =	sand.u32 $0x380, s0;
	[sflag:s17] =	ssyncadd.s32 $0xFFFFFF80  }
0x8b: {  	s30 =	sand.u32 $0x300, s30;
	s31 =	sadd.s32 s3, s31;
	_ =	swait.ge [sflag:s23], $0x4000  }
0x8c: {  	s30 =	sor.u32 s31, s30;
	s0 =	sor.u32 s31, s0;
	[sflag:s23] =	ssyncset.done $0x0  }
0x8d: {  	s30 =	sshrl.u32 s30, $0x3;
	s0 =	sshrl.u32 s0, $0x3;
	[sflag:s23] =	ssyncadd.s32 $0xFFFFC000  }
0x8e: {  	[spmem:s2] =	stream.indirect.scatter.add.f32 [tilespmem:s15], [sflag:$0x3], $0x80, s10, s14, $0xb8;
	[tilespmem:$0x1EA00] =	vst v63  }
0x8f: {  	s30 =	sadd.s32 s9, s30  }
0x90: {  	[tilespmem:s12], [sflag:$0x7] =	stream.linear.gather [hbm4b:s30+s8], $0x80, $0x38;
	[tilespmem:$0x1EA00] =	vst v63  }
0x91: {  	_ = 	snop  }
0x92: {  	[tilespmem:s18], [sflag:$0x2] =	stream.indirect.gather [hbm4b:s6+s14], $0x80, s26, s14, $0xb8;
	[tilespmem:$0x1EA00] =	vst v63  }
0x93: {  	_ =	swait.ge [sflag:s19], $0x4000  }
0x94: {  	[sflag:s19] =	ssyncset.done $0x0  }
0x95: {  	[sflag:s19] =	ssyncadd.s32 $0xFFFFC000  }
0x96: {  	_ =	swait.ge [sflag:s20], $0x80  }
0x97: {  	[sflag:s20] =	ssyncset.done $0x0  }
0x98: {  	[sflag:s20] =	ssyncadd.s32 $0xFFFFFF80  }
0x99: {  	_ =	swait.ge [sflag:s21], $0x4000  }
0x9a: {  	[sflag:s21] =	ssyncset.done $0x0  }
0x9b: {  	s0 =	sadd.s32 s9, s0;
	[sflag:s21] =	ssyncadd.s32 $0xFFFFC000  }
0x9c: {  	[spmem:s2] =	stream.indirect.scatter.add.f32 [tilespmem:s18], [sflag:$0x4], $0x80, s11, s14, $0xb8;
	[tilespmem:$0x1EA00] =	vst v63  }
0x9d: {  	s30 =	sadd.s32 $0x80, s26  }
0x9e: {  	[tilespmem:s13], [sflag:$0x8] =	stream.linear.gather [hbm4b:s0+s8], $0x80, $0x38;
	[tilespmem:$0x1EA00] =	vst v63  }
0x9f: {  	_ = 	snop  }
0xa0: {  	[tilespmem:s15], [sflag:$0x1] =	stream.indirect.gather [hbm4b:s6+s14], $0x80, s30, s14, $0xb8;
	[tilespmem:$0x1EA00] =	vst v63  }
0xa1: {  	_ =	swait.ge [sflag:s16], $0x4000  }
0xa2: {  	[sflag:s16] =	ssyncset.done $0x0  }
0xa3: {  	[sflag:s16] =	ssyncadd.s32 $0xFFFFC000  }
0xa4: {  	_ =	swait.ge [sflag:s22], $0x80  }
0xa5: {  	s0 =	sadd.s32 $0xFFFFFF80, s29;
	[sflag:s22] =	ssyncset.done $0x0  }
0xa6: {  	s30 =	sand.u32 $0x7C00, s0;
	[sflag:s22] =	ssyncadd.s32 $0xFFFFFF80  }
0xa7: {  	s0 =	sand.u32 $0x200, s0;
	s30 =	sadd.s32 s3, s30;
	_ =	swait.ge [sflag:s23], $0x4000  }
0xa8: {  	s0 =	sor.u32 s0, s30;
	[sflag:s23] =	ssyncset.done $0x0  }
0xa9: {  	s0 =	sshrl.u32 s0, $0x3;
	[sflag:s23] =	ssyncadd.s32 $0xFFFFC000  }
0xaa: {  	[spmem:s2] =	stream.indirect.scatter.add.f32 [tilespmem:s15], [sflag:$0x3], $0x80, s12, s14, $0xb8;
	[tilespmem:$0x1EA00] =	vst v63  }
0xab: {  	s30 =	sadd.s32 $0x100, s26;
	s0 =	sadd.s32 s9, s0  }
0xac: {  	[tilespmem:s10], [sflag:$0x5] =	stream.linear.gather [hbm4b:s0+s8], $0x80, $0x38;
	[tilespmem:$0x1EA00] =	vst v63  }
0xad: {  	_ = 	snop  }
0xae: {  	[tilespmem:s18], [sflag:$0x2] =	stream.indirect.gather [hbm4b:s6+s14], $0x80, s30, s14, $0xb8;
	[tilespmem:$0x1EA00] =	vst v63  }
0xaf: {  	_ =	swait.ge [sflag:s19], $0x4000  }
0xb0: {  	[sflag:s19] =	ssyncset.done $0x0  }
0xb1: {  	[sflag:s19] =	ssyncadd.s32 $0xFFFFC000  }
0xb2: {  	_ =	swait.ge [sflag:s24], $0x80  }
0xb3: {  	[sflag:s24] =	ssyncset.done $0x0  }
0xb4: {  	s0 =	sand.u32 $0x7C00, s29;
	[sflag:s24] =	ssyncadd.s32 $0xFFFFFF80  }
0xb5: {  	s29 =	sand.u32 $0x280, s29;
	s0 =	sadd.s32 s3, s0;
	_ =	swait.ge [sflag:s21], $0x4000  }
.Ltmp0:
0xb6: {  	s0 =	sor.u32 s29, s0;
	[sflag:s21] =	ssyncset.done $0x0;
	(pc) =	sbr.rel @p0 .LBB2_1-.Ltmp0, $4  }
0xb7: {  	s0 =	sshrl.u32 s0, $0x3;
	[sflag:s21] =	ssyncadd.s32 $0xFFFFC000  }
0xb8: {  	[spmem:s2] =	stream.indirect.scatter.add.f32 [tilespmem:s18], [sflag:$0x4], $0x80, s13, s14, $0xb8;
	[tilespmem:$0x1EA00] =	vst v63  }
0xb9: {  	s30 =	sadd.s32 $0x180, s26;
	s0 =	sadd.s32 s9, s0  }
0xba: {  	[tilespmem:s11], [sflag:$0x6] =	stream.linear.gather [hbm4b:s0+s8], $0x80, $0x38;
	[tilespmem:$0x1EA00] =	vst v63  }
0xbb: {  	[tilespmem:s15], [sflag:$0x1] =	stream.indirect.gather [hbm4b:s6+s14], $0x80, s30, s14, $0xb8;
	[tilespmem:$0x1EA00] =	vst v63  }
0xbc: {  	s0 =	simm.s32 $0x1  }
0xbd: {  	_ =	swait.ge [sflag:s0], $0x4000  }
0xbe: {  	[sflag:s0] =	ssyncset.done $0x0  }
0xbf: {  	s8 =	simm.s32 $0x5;
	[sflag:s0] =	ssyncadd.s32 $0xFFFFC000  }
0xc0: {  	_ =	swait.ge [sflag:s8], $0x80  }
0xc1: {  	[sflag:s8] =	ssyncset.done $0x0  }
0xc2: {  	s31 =	simm.s32 $0x4;
	[sflag:s8] =	ssyncadd.s32 $0xFFFFFF80  }
0xc3: {  	_ =	swait.ge [sflag:s31], $0x4000  }
0xc4: {  	s9 =	simm.s32 $0x80;
	[sflag:s31] =	ssyncset.done $0x0  }
0xc5: {  	s10 =	simm.s32 $0x2800;
	s11 =	simm.s32 $0x2A00;
	[sflag:s31] =	ssyncadd.s32 $0xFFFFC000  }
0xc6: {  	[spmem:s2] =	stream.indirect.scatter.add.f32 [tilespmem:s11], [sflag:$0x3], $0x80, s10, s9, $0xb8;
	[tilespmem:$0x1EA00] =	vst v63  }
0xc7: {  	s16 =	sadd.s32 $0x4E0, s7;
	s12 =	simm.s32 $0x0;
	s13 =	simm.s32 $0x2900  }
0xc8: {  	[tilespmem:s13], [sflag:$0x7] =	stream.linear.gather [hbm4b:s16+s12], $0x80, $0x38;
	[tilespmem:$0x1EA00] =	vst v63  }
0xc9: {  	s17 =	simm.s32 $0x2680;
	s18 =	simm.s32 $0x6A00;
	s19 =	simm.s32 $0x2  }
0xca: {  	[tilespmem:s18], [sflag:$0x2] =	stream.indirect.gather [hbm4b:s6+s9], $0x80, s17, s9, $0xb8;
	[tilespmem:$0x1EA00] =	vst v63  }
0xcb: {  	_ =	swait.ge [sflag:s19], $0x4000  }
0xcc: {  	[sflag:s19] =	ssyncset.done $0x0  }
0xcd: {  	s20 =	simm.s32 $0x6;
	[sflag:s19] =	ssyncadd.s32 $0xFFFFC000  }
0xce: {  	_ =	swait.ge [sflag:s20], $0x80  }
0xcf: {  	[sflag:s20] =	ssyncset.done $0x0  }
0xd0: {  	s21 =	simm.s32 $0x3;
	[sflag:s20] =	ssyncadd.s32 $0xFFFFFF80  }
0xd1: {  	_ =	swait.ge [sflag:s21], $0x4000  }
0xd2: {  	[sflag:s21] =	ssyncset.done $0x0  }
0xd3: {  	s16 =	simm.s32 $0x2880;
	[sflag:s21] =	ssyncadd.s32 $0xFFFFC000  }
0xd4: {  	[spmem:s2] =	stream.indirect.scatter.add.f32 [tilespmem:s18], [sflag:$0x4], $0x80, s16, s9, $0xb8;
	[tilespmem:$0x1EA00] =	vst v63  }
0xd5: {  	s22 =	sadd.s32 $0x4F0, s7;
	s23 =	simm.s32 $0x2980  }
0xd6: {  	[tilespmem:s23], [sflag:$0x8] =	stream.linear.gather [hbm4b:s22+s12], $0x80, $0x38;
	[tilespmem:$0x1EA00] =	vst v63  }
0xd7: {  	s24 =	simm.s32 $0x2700  }
0xd8: {  	[tilespmem:s11], [sflag:$0x1] =	stream.indirect.gather [hbm4b:s6+s9], $0x80, s24, s9, $0xb8;
	[tilespmem:$0x1EA00] =	vst v63  }
0xd9: {  	_ =	swait.ge [sflag:s0], $0x4000  }
0xda: {  	[sflag:s0] =	ssyncset.done $0x0  }
0xdb: {  	s26 =	simm.s32 $0x7;
	[sflag:s0] =	ssyncadd.s32 $0xFFFFC000  }
0xdc: {  	_ =	swait.ge [sflag:s26], $0x80  }
0xdd: {  	[sflag:s26] =	ssyncset.done $0x0  }
0xde: {  	[sflag:s26] =	ssyncadd.s32 $0xFFFFFF80  }
0xdf: {  	_ =	swait.ge [sflag:s31], $0x4000  }
0xe0: {  	[sflag:s31] =	ssyncset.done $0x0  }
0xe1: {  	[sflag:s31] =	ssyncadd.s32 $0xFFFFC000  }
0xe2: {  	[spmem:s2] =	stream.indirect.scatter.add.f32 [tilespmem:s11], [sflag:$0x3], $0x80, s13, s9, $0xb8;
	[tilespmem:$0x1EA00] =	vst v63  }
0xe3: {  	s28 =	simm.s32 $0x2780  }
0xe4: {  	[tilespmem:s18], [sflag:$0x2] =	stream.indirect.gather [hbm4b:s6+s9], $0x80, s28, s9, $0xb8;
	[tilespmem:$0x1EA00] =	vst v63  }
0xe5: {  	_ =	swait.ge [sflag:s19], $0x4000  }
0xe6: {  	[sflag:s19] =	ssyncset.done $0x0  }
0xe7: {  	s29 =	simm.s32 $0x8;
	[sflag:s19] =	ssyncadd.s32 $0xFFFFC000  }
0xe8: {  	_ =	swait.ge [sflag:s29], $0x80  }
0xe9: {  	[sflag:s29] =	ssyncset.done $0x0  }
0xea: {  	[sflag:s29] =	ssyncadd.s32 $0xFFFFFF80  }
0xeb: {  	_ =	swait.ge [sflag:s21], $0x4000  }
0xec: {  	[sflag:s21] =	ssyncset.done $0x0  }
0xed: {  	[sflag:s21] =	ssyncadd.s32 $0xFFFFC000  }
0xee: {  	[spmem:s2] =	stream.indirect.scatter.add.f32 [tilespmem:s18], [sflag:$0x4], $0x80, s23, s9, $0xb8;
	[tilespmem:$0x1EA00] =	vst v63  }
0xef: {  	_ =	swait.ge [sflag:s31], $0x4000  }
0xf0: {  	[sflag:s31] =	ssyncset.done $0x0  }
0xf1: {  	[sflag:s31] =	ssyncadd.s32 $0xFFFFC000  }
0xf2: {  	s30 =	sadd.s32 s25, s3;
	s31 =	simm.s32 $0x9;
	[bflag:$0x0] =	sbarrier.arrive $0xFFFF  }
0xf3: {  	[hbm:s30], [sflag:s4] =	dma.local [spmem:s5], $0x2800  }
0xf4: {  	_ =	swait.ge [sflag:s31], $0x2800  }
0xf5: {  	[sflag:s31] =	ssyncset.done $0x0  }
0xf6: {  	[sflag:s31] =	ssyncadd.s32 $0xFFFFD800  }
0xf7: {  	_ =	sfence.sel $0x180000  }
0xf8: {  	[bflag:$0x0] =	sbarrier.arrive $0xFFFF  }
0xf9: {  	_ =	strace $0x9000004D  }
0xfa: {  	[bflag:$0x2] =	sbarrier.arrive $0xFFFF  }
0xfb: {  	p0 =	sne.s32 s1, $0x0;
	s0 =	rddreg [dreg:$0x3]  }
0xfc: {  	s0 =	sadd.s32 @!p0 $0x100000, s0  }
0xfd: {  	[sflag:s0] =	ssyncadd.tile.s32 @!p0 $0x1;
	_ =	shalt  }
.Lfunc_end2:
_tile_overlayer_lowered:
.L_overlay_start_2:
0xfe: {  	(tag) =	ssettag $0x2  }
0xff: {  	s0 =	rddreg [dreg:$0x0];
	s2 =	stileid.u32  }
0x100: {  	s1 =	rddreg [dreg:$0x1];
	p0 =	sne.s32 s2, $0x0  }
0x101: {  	s3 =	rddreg [dreg:$0x2];
	[bflag:$0x3] =	sbarrier.arrive $0xFFFF;
	s2 =	simm.s32 @!p0 $0x1C09  }
0x102: {  	[timem:s3], [sflag:s2] =	dma.local @!p0 [hbm:s0], s1  }
0x103: {  	s0 =	simm.s32 @!p0 $0x9  }
0x104: {  	_ =	swait.ge @!p0 [sflag:s0], s1  }
0x105: {  	s1 =	ssub.s32 @!p0 $0x0, s1;
	[sflag:s0] =	ssyncset.done @!p0 $0x0  }
0x106: {  	[sflag:s0] =	ssyncadd.s32 @!p0 s1  }
0x107: {  	[bflag:$0x3] =	sbarrier.arrive $0xFFFF  }
0x108: {  	_ =	shalt  }

// kernel: kernel.17.cloned.1.call-start
scs
__scs_entry_jumppad:
0x0: {  	(pc) =	sbr.rel $0x88, $3  }
0x1: {  	(tag) =	ssettag $0x0;
	lr =	simm.s32 $0x1  }
0x2: {  	[smem:$0x3F9B] =	sst lr;
	_ =	strace $0xD0000000  }
0x3: {  	_ = 	snop  }
0x4: {  	_ = 	snop  }
0x5: {  	_ = 	snop  }
0x6: {  	_ = 	snop  }
0x7: {  	_ = 	snop  }
__scs_overlays_trampoline_lowered:
0x8: {  	[smem:$0x3FAA] =	sst s0  }
0x9: {  	[smem:$0x3FAB] =	sst s1  }
0xa: {  	[smem:$0x3FAC] =	sst s2  }
0xb: {  	[smem:$0x3FAD] =	sst s3  }
0xc: {  	[smem:$0x3FAE] =	sst s4  }
0xd: {  	[smem:$0x3FAF] =	sst s5  }
0xe: {  	[smem:$0x3FB0] =	sst s6  }
0xf: {  	[smem:$0x3FB1] =	sst s7  }
0x10: {  	[smem:$0x3FB2] =	sst s8  }
0x11: {  	[smem:$0x3FB3] =	sst s9;
	s0 =	simm.s32 @!p0 $0x0  }
0x12: {  	s1 =	sld [smem:$0x3F99];
	s0 =	simm.s32 @p0 $0x1  }
0x13: {  	[smem:$0x3FB4] =	sst s0;
	s0 =	simm.s32 @!p1 $0x0  }
0x14: {  	s2 =	sld [smem:$0x3F98];
	s0 =	simm.s32 @p1 $0x1  }
0x15: {  	[smem:$0x3FB5] =	sst s0;
	s0 =	simm.s32 @!p2 $0x0  }
0x16: {  	s3 =	sld [smem:$0x3FDB];
	s0 =	simm.s32 @p2 $0x1  }
0x17: {  	s4 =	simm.s32 $0x1BF5;
	[smem:$0x3FB7] =	sst s0  }
0x18: {  	s0 =	sld [smem:$0x3F9A];
	_ =	swait.ge [sflag:s4], $0x0  }
0x19: {  	s7 =	sld [smem:$0x3F9B]  }
0x1a: {  	s8 =	sadd.s32 $0xFFFFE003, lr  }
0x1b: {  	s9 =	sadd.s32 $0xFFFFFEF7, lr;
	s5 =	simm.s32 $0xFFFFFFFF;
	p2 =	slt.u32 s8, $0xFFFFF086  }
0x1c: {  	p1 =	slt.u32 s9, $0xF7A;
	s5 =	simm.s32 @!p2 $0x0  }
0x1d: {  	s5 =	simm.s32 @p1 $0x1;
	p0 =	seq.s32 s7, s2  }
0x1e: {  	s7 =	smul.u32 @!p0 $0xF7A, s2;
	p2 =	seq.s32 @!p0 s5, $0x0  }
0x1f: {  	s9 =	smul.u32 $0xF7A, s1;
	s8 =	simm.s32 @!p0 $0x1BF5;
	p2 =	por !p2, p0  }
0x20: {  	[sflag:s8] =	ssyncset.s32 @!p0 $0xFFFFF086;
	s6 =	sadd.s32 @!p0 s3, s7;
	s7 =	simm.s32 @!p0 $0x108  }
0x21: {  	s3 =	sadd.s32 s3, s9;
	s6 =	sadd.s32 @!p0 $0x88, s6;
	s7 =	simm.s32 @p2 $0x1082  }
0x22: {  	[simem:s7], [sflag:s8] =	dma.local @!p0 [hbm:s6], $0xF7A  }
0x23: {  	s9 =	sor.u32 $0xD0000000, s2;
	s6 =	simm.s32 $0x108;
	_ =	swait.ge @!p0 [sflag:s8], $0x0  }
0x24: {  	s3 =	sadd.s32 $0x88, s3;
	s6 =	simm.s32 @!p1 $0x1082;
	[sflag:s4] =	ssyncset.s32 $0xFFFFF086  }
0x25: {  	[simem:s6], [sflag:s4] =	dma.local [hbm:s3], $0xF7A  }
0x26: {  	[smem:$0x3F9B] =	sst s1;
	(tag) =	ssettag s2;
	_ =	strace s9  }
0x27: {  	s1 =	sld [smem:$0x3FAB]  }
0x28: {  	s2 =	sld [smem:$0x3FAC]  }
0x29: {  	s4 =	sld [smem:$0x3FAE]  }
0x2a: {  	p0 =	seq.s32 s5, $0x0;
	s5 =	sld [smem:$0x3FAF]  }
0x2b: {  	s6 =	sld [smem:$0x3FB0]  }
0x2c: {  	s7 =	sld [smem:$0x3FB1]  }
0x2d: {  	s3 =	simm.s32 $0x108;
	s8 =	sld [smem:$0x3FB2]  }
0x2e: {  	s3 =	simm.s32 @!p0 $0x1082;
	s9 =	sld [smem:$0x3FB3]  }
0x2f: {  	lr =	sadd.s32 s0, s3;
	s0 =	sld [smem:$0x3FAA]  }
0x30: {  	s3 =	sld [smem:$0x3FAD]  }
0x31: {  	[smem:$0x3FB6] =	sst s10  }
0x32: {  	s10 =	sld [smem:$0x3FB4];
	_ =	sdelay $0x3  }
0x33: {  	p0 =	seq.s32 s10, $0x1;
	s10 =	sld [smem:$0x3FB6];
	_ =	sdelay $0x3  }
0x34: {  	[smem:$0x3FB6] =	sst s10  }
0x35: {  	s10 =	sld [smem:$0x3FB5];
	_ =	sdelay $0x3  }
0x36: {  	p1 =	seq.s32 s10, $0x1;
	s10 =	sld [smem:$0x3FB6];
	_ =	sdelay $0x3  }
0x37: {  	[smem:$0x3FB6] =	sst s10  }
0x38: {  	s10 =	sld [smem:$0x3FB7]  }
0x39: {  	_ = 	snop;
	(pc) =	sbr.ind lr, $3  }
0x3a: {  	_ = 	snop  }
0x3b: {  	_ = 	snop  }
0x3c: {  	p2 =	seq.s32 s10, $0x1;
	s10 =	sld [smem:$0x3FB6]  }
0x3d: {  	_ =	shalt  }
0x3e: {  	_ =	shalt  }
0x3f: {  	_ =	shalt  }
0x40: {  	_ =	shalt  }
0x41: {  	_ =	shalt  }
0x42: {  	_ =	shalt  }
0x43: {  	_ =	shalt  }
0x44: {  	_ =	shalt  }
0x45: {  	_ =	shalt  }
0x46: {  	_ =	shalt  }
0x47: {  	_ =	shalt  }
0x48: {  	_ =	shalt  }
0x49: {  	_ =	shalt  }
0x4a: {  	_ =	shalt  }
0x4b: {  	_ =	shalt  }
0x4c: {  	_ =	shalt  }
0x4d: {  	_ =	shalt  }
0x4e: {  	_ =	shalt  }
0x4f: {  	_ =	shalt  }
0x50: {  	_ =	shalt  }
0x51: {  	_ =	shalt  }
0x52: {  	_ =	shalt  }
0x53: {  	_ =	shalt  }
0x54: {  	_ =	shalt  }
0x55: {  	_ =	shalt  }
0x56: {  	_ =	shalt  }
0x57: {  	_ =	shalt  }
0x58: {  	_ =	shalt  }
0x59: {  	_ =	shalt  }
0x5a: {  	_ =	shalt  }
0x5b: {  	_ =	shalt  }
0x5c: {  	_ =	shalt  }
0x5d: {  	_ =	shalt  }
0x5e: {  	_ =	shalt  }
0x5f: {  	_ =	shalt  }
0x60: {  	_ =	shalt  }
0x61: {  	_ =	shalt  }
0x62: {  	_ =	shalt  }
0x63: {  	_ =	shalt  }
0x64: {  	_ =	shalt  }
0x65: {  	_ =	shalt  }
0x66: {  	_ =	shalt  }
0x67: {  	_ =	shalt  }
0x68: {  	_ =	shalt  }
0x69: {  	_ =	shalt  }
0x6a: {  	_ =	shalt  }
0x6b: {  	_ =	shalt  }
0x6c: {  	_ =	shalt  }
0x6d: {  	_ =	shalt  }
0x6e: {  	_ =	shalt  }
0x6f: {  	_ =	shalt  }
0x70: {  	_ =	shalt  }
0x71: {  	_ =	shalt  }
0x72: {  	_ =	shalt  }
0x73: {  	_ =	shalt  }
0x74: {  	_ =	shalt  }
0x75: {  	_ =	shalt  }
0x76: {  	_ =	shalt  }
0x77: {  	_ =	shalt  }
0x78: {  	_ =	shalt  }
0x79: {  	_ =	shalt  }
0x7a: {  	_ =	shalt  }
0x7b: {  	_ =	shalt  }
0x7c: {  	_ =	shalt  }
0x7d: {  	_ =	shalt  }
0x7e: {  	_ =	shalt  }
0x7f: {  	_ =	shalt  }
0x80: {  	_ =	shalt  }
0x81: {  	_ =	shalt  }
0x82: {  	_ =	shalt  }
0x83: {  	_ =	shalt  }
0x84: {  	_ =	shalt  }
0x85: {  	_ =	shalt  }
0x86: {  	_ =	shalt  }
0x87: {  	_ =	shalt  }
.Lfunc_end0:
.L_simem_size_0:
called_computation.2_lowered:
.L_overlay_start_0:
0x88: {  	s0 =	sld [smem:$0x3FD9]  }
0x89: {  	s1 =	sld [smem:$0x3FFE];
	_ =	sdelay $0x3  }
0x8a: {  	s0 =	sadd.s32 s1, s0  }
0x8b: {  	[smem:$0x3FC2] =	sst s0  }
0x8c: {  	_ = 	snop  }
0x8d: {  	(tm) =	ssettm $0x1  }
0x8e: {  	s15 =	sld [smem:$0x3FFB];
	_ =	sdelay $0x3  }
0x8f: {  	_ =	strace s15  }
0x90: {  	s0 =	sld [smem:$0x3FFC];
	_ =	sdelay $0x3  }
0x91: {  	_ =	strace s0  }
0x92: {  	s0 =	sld [smem:$0x3FFD];
	_ =	sdelay $0x3  }
0x93: {  	_ =	strace s0  }
0x94: {  	_ =	strace $0x8FFFFFFF  }
0x95: {  	s16 =	sld [smem:$0x3FDB];
	_ =	sdelay $0x1  }
0x96: {  	s17 =	simm.s32 $_scs_section_size  }
0x97: {  	s2 =	simm.s32 $_size__tile_overlayer_lowered;
	s3 =	simm.s32 $_tile_overlayer_lowered  }
0x98: {  	s20 =	simm.s32 $0x1BFF;
	s19 =	sshll.u32 s3, $0x1;
	s0 =	sadd.s32 s17, s16  }
0x99: {  	s4 =	simm.s32 $0x0;
	s18 =	sshll.u32 s2, $0x1;
	s2 =	sadd.s32 s19, s0  }
0x9a: {  	[timem:s4], [sflag:s20] =	dma.local [hbm:s2], s18  }
0x9b: {  	_ =	swait.ge [sflag:s20], s18  }
0x9c: {  	s1 =	ssub.s32 $0x0, s18;
	[sflag:s20] =	ssyncset.done $0x0  }
0x9d: {  	[sflag:s20] =	ssyncadd.s32 s1;
	_ =	sdelay $0x1  }
0x9e: {  	s21 =	simm.s32 $0x1B8B  }
0x9f: {  	_ =	swait.ge [sflag:s21], $0x1  }
0xa0: {  	[sflag:s21] =	ssyncset.done $0x0  }
0xa1: {  	s23 =	simm.s32 $0x1B8E;
	s22 =	sld [smem:$0x3FFE];
	[sflag:s21] =	ssyncadd.s32 $0xFFFFFFFF  }
0xa2: {  	s24 =	simm.s32 $execute0_lowered;
	[smem:$0x3FD2] =	sst s23  }
0xa3: {  	s2 =	sshll.u32 s24, $0x1;
	_ =	strace $0x80000049;
	[dreg:$0x1] =	wrdreg $0xFFFFFFFF  }
0xa4: {  	s25 =	simm.s32 $_size_execute0_lowered;
	s0 =	sadd.s32 s0, s2;
	[dreg:$0x0] =	wrdreg $0x0  }
0xa5: {  	s2 =	sshll.u32 s25, $0x1;
	[dreg:$0x2] =	wrdreg s0  }
0xa6: {  	[dreg:$0x3] =	wrdreg s2  }
0xa7: {  	[dreg:$0x4] =	wrdreg $0xC0  }
0xa8: {  	_ =	task [dreg:s4], $0x5FFFF  }
0xa9: {  	[dreg:$0x1] =	wrdreg $0xFFFFFFFF  }
0xaa: {  	[dreg:$0x0] =	wrdreg $0x60  }
0xab: {  	[dreg:$0x2] =	wrdreg s22  }
0xac: {  	[dreg:$0x3] =	wrdreg $0xAA000  }
0xad: {  	[dreg:$0x4] =	wrdreg $0xA  }
0xae: {  	_ =	task.clear_ibuf [dreg:s4], $0x5FFFF;
	_ =	strace $0x90000049  }
0xaf: {  	s26 =	simm.s32 $0xA;
	_ =	strace $0x8000004B  }
0xb0: {  	_ =	swait.ge [sflag:s26], $0x1  }
0xb1: {  	[sflag:s26] =	ssyncadd.s32 $0xFFFFFFFF  }
0xb2: {  	_ =	strace $0x9000004B  }
0xb3: {  	_ =	sfence  }
0xb4: {  	s28 =	sld [smem:$0x0];
	_ =	sdelay $0x1  }
0xb5: {  	s29 =	srdreg.scid  }
0xb6: {  	s30 =	sshll.u32 s29, $0xD;
	s31 =	sshrl.u32 s29, $0x2  }
0xb7: {  	s1 =	sand.u32 $0x1, s29;
	s2 =	sand.u32 $0x4000, s30;
	s0 =	sadd.s32 s31, s28  }
0xb8: {  	s1 =	sor.u32 s2, s1;
	s0 =	sshll.u32 s0, $0x11  }
0xb9: {  	s0 =	sor.u32 s0, s1  }
0xba: {  	s0 =	sadd.s32 $0x8F2B, s0  }
0xbb: {  	[sflag:s0] =	ssyncadd.remote.s32 $0x1  }
0xbc: {  	_ =	sfence.sel $0xFFFF  }
0xbd: {  	[dreg:$0x0] =	wrdreg $0xFFFFFFFF;
	(pc) =	sbr.abs _section_cstart, $3  }
0xbe: {  	[dreg:$0x1] =	wrdreg $0xFFFFFFFF  }
0xbf: {  	_ =	task.clear_ibuf [dreg:s4], $0x2FFFF;
	_ =	strace $0x9FFFFFFF  }
0xc0: {  	(tm) =	ssettm $0x7FFFFFFF  }
0xc1: {  	_ =	shalt  }
tec
execute0_lowered:
.L_overlay_start_1:
0x0: {  	(tag) =	ssettag $0x1  }
0x1: {  	s25 =	rddreg [dreg:$0x0];
	s1 =	stileid.u32  }
0x2: {  	s2 =	rddreg [dreg:$0x1];
	s8 =	simm.s32 $0x0;
	s4 =	smul.u32 $0x50000, s1  }
0x3: {  	s29 =	simm.s32 $0x9;
	[smem:$0x7FF] =	sst s8  }
0x4: {  	s3 =	smul.u32 $0x2800, s1;
	s6 =	sadd.s32 $0x14200, s25;
	s4 =	sshrl.u32 s4, $0x2  }
0x5: {  	s26 =	sshll.u32 s1, $0x6;
	_ =	strace $0x8000004A;
	s5 =	sadd.s32 s4, s2  }
0x6: {  	s7 =	sadd.s32 s6, s3;
	s4 =	sor.u32 $0x1C09, s26;
	s5 =	sshrl.u32 s5, $0x3  }
0x7: {  	[spmem:s5], [sflag:s4] =	dma.local [hbm:s7], $0x2800  }
0x8: {  	s10 =	sshrl.u32 s3, $0x3;
	_ =	swait.ge [sflag:s29], $0x2800  }
0x9: {  	s9 =	sadd.s32 s10, s25;
	[sflag:s29] =	ssyncset.done $0x0  }
0xa: {  	s9 =	sadd.s32 $0xF200, s9;
	[sflag:s29] =	ssyncadd.s32 $0xFFFFD800  }
0xb: {  	[tilespmem:s8], [sflag:$0x9] =	stream.linear.gather [hbm4b:s9+s8], $0x2800, $0x38;
	[tilespmem:$0x1EA00] =	vst v63  }
0xc: {  	_ =	swait.ge [sflag:s29], $0x2800  }
0xd: {  	[sflag:s29] =	ssyncset.done $0x0  }
0xe: {  	s9 =	sadd.s32 $0x9200, s25;
	[sflag:s29] =	ssyncadd.s32 $0xFFFFD800  }
0xf: {  	s7 =	sadd.s32 s9, s10;
	s10 =	simm.s32 $0x2800;
	[bflag:$0x0] =	sbarrier.arrive $0xFFFF  }
0x10: {  	[tilespmem:s10], [sflag:$0x5] =	stream.linear.gather [hbm4b:s7+s8], $0x80, $0x38;
	[tilespmem:$0x1EA00] =	vst v63  }
0x11: {  	s11 =	simm.s32 $0x2880;
	s12 =	sadd.s32 $0x10, s7  }
0x12: {  	[tilespmem:s11], [sflag:$0x6] =	stream.linear.gather [hbm4b:s12+s8], $0x80, $0x38;
	[tilespmem:$0x1EA00] =	vst v63  }
0x13: {  	s13 =	sadd.s32 $0x20, s7;
	s12 =	simm.s32 $0x2900  }
0x14: {  	[tilespmem:s12], [sflag:$0x7] =	stream.linear.gather [hbm4b:s13+s8], $0x80, $0x38;
	[tilespmem:$0x1EA00] =	vst v63  }
0x15: {  	s14 =	sadd.s32 $0x30, s7;
	s13 =	simm.s32 $0x2980  }
0x16: {  	[tilespmem:s13], [sflag:$0x8] =	stream.linear.gather [hbm4b:s14+s8], $0x80, $0x38;
	[tilespmem:$0x1EA00] =	vst v63  }
0x17: {  	s15 =	simm.s32 $0x2A00;
	s16 =	simm.s32 $0x1;
	s14 =	simm.s32 $0x80  }
0x18: {  	[tilespmem:s15], [sflag:$0x1] =	stream.indirect.gather [hbm4b:s6+s14], $0x80, s8, s14, $0xb8;
	[tilespmem:$0x1EA00] =	vst v63  }
0x19: {  	_ =	swait.ge [sflag:s16], $0x4000  }
0x1a: {  	[sflag:s16] =	ssyncset.done $0x0  }
0x1b: {  	s17 =	simm.s32 $0x5;
	[sflag:s16] =	ssyncadd.s32 $0xFFFFC000  }
0x1c: {  	_ =	swait.ge [sflag:s17], $0x80  }
0x1d: {  	[sflag:s17] =	ssyncset.done $0x0  }
0x1e: {  	[sflag:s17] =	ssyncadd.s32 $0xFFFFFF80  }
0x1f: {  	[spmem:s2] =	stream.indirect.scatter.add.f32 [tilespmem:s15], [sflag:$0x3], $0x80, s10, s14, $0xb8;
	[tilespmem:$0x1EA00] =	vst v63  }
0x20: {  	s18 =	simm.s32 $0x6A00;
	s19 =	simm.s32 $0x2  }
0x21: {  	[tilespmem:s18], [sflag:$0x2] =	stream.indirect.gather [hbm4b:s6+s14], $0x80, s14, s14, $0xb8;
	[tilespmem:$0x1EA00] =	vst v63  }
0x22: {  	_ =	swait.ge [sflag:s19], $0x4000  }
0x23: {  	[sflag:s19] =	ssyncset.done $0x0  }
0x24: {  	s20 =	simm.s32 $0x6;
	[sflag:s19] =	ssyncadd.s32 $0xFFFFC000  }
0x25: {  	_ =	swait.ge [sflag:s20], $0x80  }
0x26: {  	[sflag:s20] =	ssyncset.done $0x0  }
0x27: {  	s21 =	simm.s32 $0x3;
	[sflag:s20] =	ssyncadd.s32 $0xFFFFFF80  }
0x28: {  	_ =	swait.ge [sflag:s21], $0x4000  }
0x29: {  	[sflag:s21] =	ssyncset.done $0x0  }
0x2a: {  	[sflag:s21] =	ssyncadd.s32 $0xFFFFC000  }
0x2b: {  	[spmem:s2] =	stream.indirect.scatter.add.f32 [tilespmem:s18], [sflag:$0x4], $0x80, s11, s14, $0xb8;
	[tilespmem:$0x1EA00] =	vst v63  }
0x2c: {  	s22 =	simm.s32 $0x100  }
0x2d: {  	[tilespmem:s15], [sflag:$0x1] =	stream.indirect.gather [hbm4b:s6+s14], $0x80, s22, s14, $0xb8;
	[tilespmem:$0x1EA00] =	vst v63  }
0x2e: {  	_ =	swait.ge [sflag:s16], $0x4000  }
0x2f: {  	[sflag:s16] =	ssyncset.done $0x0  }
0x30: {  	s22 =	simm.s32 $0x7;
	[sflag:s16] =	ssyncadd.s32 $0xFFFFC000  }
0x31: {  	_ =	swait.ge [sflag:s22], $0x80  }
0x32: {  	[sflag:s22] =	ssyncset.done $0x0  }
0x33: {  	s23 =	simm.s32 $0x4;
	[sflag:s22] =	ssyncadd.s32 $0xFFFFFF80  }
0x34: {  	_ =	swait.ge [sflag:s23], $0x4000  }
0x35: {  	[sflag:s23] =	ssyncset.done $0x0  }
0x36: {  	[sflag:s23] =	ssyncadd.s32 $0xFFFFC000  }
0x37: {  	[spmem:s2] =	stream.indirect.scatter.add.f32 [tilespmem:s15], [sflag:$0x3], $0x80, s12, s14, $0xb8;
	[tilespmem:$0x1EA00] =	vst v63  }
0x38: {  	s24 =	sadd.s32 $0x40, s7  }
0x39: {  	[tilespmem:s10], [sflag:$0x5] =	stream.linear.gather [hbm4b:s24+s8], $0x80, $0x38;
	[tilespmem:$0x1EA00] =	vst v63  }
0x3a: {  	s31 =	simm.s32 $0x180  }
0x3b: {  	[tilespmem:s18], [sflag:$0x2] =	stream.indirect.gather [hbm4b:s6+s14], $0x80, s31, s14, $0xb8;
	[tilespmem:$0x1EA00] =	vst v63  }
0x3c: {  	_ =	swait.ge [sflag:s19], $0x4000  }
0x3d: {  	[sflag:s19] =	ssyncset.done $0x0  }
0x3e: {  	s24 =	simm.s32 $0x8;
	[sflag:s19] =	ssyncadd.s32 $0xFFFFC000  }
0x3f: {  	_ =	swait.ge [sflag:s24], $0x80  }
0x40: {  	[sflag:s24] =	ssyncset.done $0x0  }
0x41: {  	[sflag:s24] =	ssyncadd.s32 $0xFFFFFF80  }
0x42: {  	_ =	swait.ge [sflag:s21], $0x4000  }
0x43: {  	[sflag:s21] =	ssyncset.done $0x0  }
0x44: {  	[sflag:s21] =	ssyncadd.s32 $0xFFFFC000  }
0x45: {  	[spmem:s2] =	stream.indirect.scatter.add.f32 [tilespmem:s18], [sflag:$0x4], $0x80, s13, s14, $0xb8;
	[tilespmem:$0x1EA00] =	vst v63  }
0x46: {  	s26 =	sadd.s32 $0x50, s7  }
0x47: {  	[tilespmem:s11], [sflag:$0x6] =	stream.linear.gather [hbm4b:s26+s8], $0x80, $0x38;
	[tilespmem:$0x1EA00] =	vst v63  }
0x48: {  	s0 =	simm.s32 $0x200  }
0x49: {  	[tilespmem:s15], [sflag:$0x1] =	stream.indirect.gather [hbm4b:s6+s14], $0x80, s0, s14, $0xb8;
	[tilespmem:$0x1EA00] =	vst v63  }
0x4a: {  	_ =	swait.ge [sflag:s16], $0x4000  }
0x4b: {  	[sflag:s16] =	ssyncset.done $0x0  }
0x4c: {  	[sflag:s16] =	ssyncadd.s32 $0xFFFFC000  }
0x4d: {  	_ =	swait.ge [sflag:s17], $0x80  }
0x4e: {  	s29 =	simm.s32 $0x200;
	[sflag:s17] =	ssyncset.done $0x0  }
0x4f: {  	s28 =	simm.s32 $0x300;
	s26 =	sand.u32 $0x3C00, s29;
	[sflag:s17] =	ssyncadd.s32 $0xFFFFFF80  }
0x50: {  	s31 =	sand.u32 $0x300, s28;
	s29 =	sadd.s32 s3, s26;
	_ =	swait.ge [sflag:s23], $0x4000  }
0x51: {  	s26 =	sor.u32 s29, s31;
	[sflag:s23] =	ssyncset.done $0x0  }
0x52: {  	s26 =	sshrl.u32 s26, $0x3;
	[sflag:s23] =	ssyncadd.s32 $0xFFFFC000  }
0x53: {  	[spmem:s2] =	stream.indirect.scatter.add.f32 [tilespmem:s15], [sflag:$0x3], $0x80, s10, s14, $0xb8;
	[tilespmem:$0x1EA00] =	vst v63  }
0x54: {  	s26 =	sadd.s32 s9, s26  }
0x55: {  	[tilespmem:s12], [sflag:$0x7] =	stream.linear.gather [hbm4b:s26+s8], $0x80, $0x38;
	[tilespmem:$0x1EA00] =	vst v63  }
0x56: {  	s26 =	simm.s32 $0x280  }
0x57: {  	[tilespmem:s18], [sflag:$0x2] =	stream.indirect.gather [hbm4b:s6+s14], $0x80, s26, s14, $0xb8;
	[tilespmem:$0x1EA00] =	vst v63  }
0x58: {  	_ =	swait.ge [sflag:s19], $0x4000  }
0x59: {  	[sflag:s19] =	ssyncset.done $0x0  }
0x5a: {  	[sflag:s19] =	ssyncadd.s32 $0xFFFFC000  }
0x5b: {  	_ =	swait.ge [sflag:s20], $0x80  }
0x5c: {  	[sflag:s20] =	ssyncset.done $0x0  }
0x5d: {  	s28 =	simm.s32 $0x380;
	[sflag:s20] =	ssyncadd.s32 $0xFFFFFF80  }
0x5e: {  	s28 =	sand.u32 $0x380, s28;
	_ =	swait.ge [sflag:s21], $0x4000  }
0x5f: {  	s28 =	sor.u32 s29, s28;
	[sflag:s21] =	ssyncset.done $0x0  }
0x60: {  	s28 =	sshrl.u32 s28, $0x3;
	[sflag:s21] =	ssyncadd.s32 $0xFFFFC000  }
0x61: {  	[spmem:s2] =	stream.indirect.scatter.add.f32 [tilespmem:s18], [sflag:$0x4], $0x80, s11, s14, $0xb8;
	[tilespmem:$0x1EA00] =	vst v63  }
0x62: {  	s28 =	sadd.s32 s9, s28  }
0x63: {  	[tilespmem:s13], [sflag:$0x8] =	stream.linear.gather [hbm4b:s28+s8], $0x80, $0x38;
	[tilespmem:$0x1EA00] =	vst v63  }
0x64: {  	s28 =	simm.s32 $0x300  }
0x65: {  	[tilespmem:s15], [sflag:$0x1] =	stream.indirect.gather [hbm4b:s6+s14], $0x80, s28, s14, $0xb8;
	[tilespmem:$0x1EA00] =	vst v63  }
0x66: {  	_ =	swait.ge [sflag:s16], $0x4000  }
0x67: {  	[sflag:s16] =	ssyncset.done $0x0  }
0x68: {  	[sflag:s16] =	ssyncadd.s32 $0xFFFFC000  }
0x69: {  	_ =	swait.ge [sflag:s22], $0x80  }
0x6a: {  	s28 =	simm.s32 $0x400;
	[sflag:s22] =	ssyncset.done $0x0  }
0x6b: {  	s0 =	sand.u32 $0x7C00, s28;
	[sflag:s22] =	ssyncadd.s32 $0xFFFFFF80  }
0x6c: {  	s28 =	sand.u32 $0x200, s28;
	s29 =	sadd.s32 s3, s0;
	_ =	swait.ge [sflag:s23], $0x4000  }
0x6d: {  	s28 =	sor.u32 s28, s29;
	[sflag:s23] =	ssyncset.done $0x0  }
0x6e: {  	s28 =	sshrl.u32 s28, $0x3;
	[sflag:s23] =	ssyncadd.s32 $0xFFFFC000  }
0x6f: {  	[spmem:s2] =	stream.indirect.scatter.add.f32 [tilespmem:s15], [sflag:$0x3], $0x80, s12, s14, $0xb8;
	[tilespmem:$0x1EA00] =	vst v63  }
0x70: {  	s28 =	sadd.s32 s9, s28  }
0x71: {  	[tilespmem:s10], [sflag:$0x5] =	stream.linear.gather [hbm4b:s28+s8], $0x80, $0x38;
	[tilespmem:$0x1EA00] =	vst v63  }
0x72: {  	s28 =	simm.s32 $0x380  }
0x73: {  	[tilespmem:s18], [sflag:$0x2] =	stream.indirect.gather [hbm4b:s6+s14], $0x80, s28, s14, $0xb8;
	[tilespmem:$0x1EA00] =	vst v63  }
0x74: {  	_ =	swait.ge [sflag:s19], $0x4000  }
0x75: {  	[sflag:s19] =	ssyncset.done $0x0  }
0x76: {  	[sflag:s19] =	ssyncadd.s32 $0xFFFFC000  }
0x77: {  	_ =	swait.ge [sflag:s24], $0x80  }
0x78: {  	s28 =	simm.s32 $0x480;
	[sflag:s24] =	ssyncset.done $0x0  }
0x79: {  	s31 =	sand.u32 $0x7C00, s28;
	[sflag:s24] =	ssyncadd.s32 $0xFFFFFF80  }
0x7a: {  	s28 =	sand.u32 $0x280, s28;
	s29 =	sadd.s32 s3, s31;
	_ =	swait.ge [sflag:s21], $0x4000  }
0x7b: {  	s28 =	sor.u32 s28, s29;
	[sflag:s21] =	ssyncset.done $0x0  }
0x7c: {  	s28 =	sshrl.u32 s28, $0x3;
	[sflag:s21] =	ssyncadd.s32 $0xFFFFC000  }
0x7d: {  	[spmem:s2] =	stream.indirect.scatter.add.f32 [tilespmem:s18], [sflag:$0x4], $0x80, s13, s14, $0xb8;
	[tilespmem:$0x1EA00] =	vst v63  }
0x7e: {  	s28 =	sadd.s32 s9, s28  }
0x7f: {  	[tilespmem:s11], [sflag:$0x6] =	stream.linear.gather [hbm4b:s28+s8], $0x80, $0x38;
	[tilespmem:$0x1EA00] =	vst v63  }
0x80: {  	s30 =	simm.s32 $0x400;
	s25 =	sadd.s32 $0x64200, s25;
	s28 =	simm.s32 $0x680  }
.LBB2_1:
0x81: {  	p0 =	sne.s32 s28, $0x2680  }
0x82: {  	s26 =	sadd.s32 $0x200, s26;
	s29 =	smov.u32 s28;
	s28 =	sadd.s32 $0x200, s28  }
0x83: {  	[tilespmem:s15], [sflag:$0x1] =	stream.indirect.gather [hbm4b:s6+s14], $0x80, s30, s14, $0xb8;
	[tilespmem:$0x1EA00] =	vst v63  }
0x84: {  	_ =	swait.ge [sflag:s16], $0x4000  }
0x85: {  	[sflag:s16] =	ssyncset.done $0x0  }
0x86: {  	[sflag:s16] =	ssyncadd.s32 $0xFFFFC000  }
0x87: {  	s30 =	sadd.s32 $0xFFFFFE80, s29;
	_ =	swait.ge [sflag:s17], $0x80  }
0x88: {  	s31 =	sadd.s32 $0xFFFFFD80, s29;
	s0 =	sadd.s32 $0xFFFFFF00, s29;
	[sflag:s17] =	ssyncset.done $0x0  }
0x89: {  	s31 =	sand.u32 $0x3C00, s31;
	s0 =	sand.u32 $0x380, s0;
	[sflag:s17] =	ssyncadd.s32 $0xFFFFFF80  }
0x8a: {  	s30 =	sand.u32 $0x300, s30;
	s31 =	sadd.s32 s3, s31;
	_ =	swait.ge [sflag:s23], $0x4000  }
0x8b: {  	s30 =	sor.u32 s31, s30;
	s0 =	sor.u32 s31, s0;
	[sflag:s23] =	ssyncset.done $0x0  }
0x8c: {  	s30 =	sshrl.u32 s30, $0x3;
	s0 =	sshrl.u32 s0, $0x3;
	[sflag:s23] =	ssyncadd.s32 $0xFFFFC000  }
0x8d: {  	[spmem:s2] =	stream.indirect.scatter.add.f32 [tilespmem:s15], [sflag:$0x3], $0x80, s10, s14, $0xb8;
	[tilespmem:$0x1EA00] =	vst v63  }
0x8e: {  	s30 =	sadd.s32 s9, s30  }
0x8f: {  	[tilespmem:s12], [sflag:$0x7] =	stream.linear.gather [hbm4b:s30+s8], $0x80, $0x38;
	[tilespmem:$0x1EA00] =	vst v63  }
0x90: {  	_ = 	snop  }
0x91: {  	[tilespmem:s18], [sflag:$0x2] =	stream.indirect.gather [hbm4b:s6+s14], $0x80, s26, s14, $0xb8;
	[tilespmem:$0x1EA00] =	vst v63  }
0x92: {  	_ =	swait.ge [sflag:s19], $0x4000  }
0x93: {  	[sflag:s19] =	ssyncset.done $0x0  }
0x94: {  	[sflag:s19] =	ssyncadd.s32 $0xFFFFC000  }
0x95: {  	_ =	swait.ge [sflag:s20], $0x80  }
0x96: {  	[sflag:s20] =	ssyncset.done $0x0  }
0x97: {  	[sflag:s20] =	ssyncadd.s32 $0xFFFFFF80  }
0x98: {  	_ =	swait.ge [sflag:s21], $0x4000  }
0x99: {  	[sflag:s21] =	ssyncset.done $0x0  }
0x9a: {  	s0 =	sadd.s32 s9, s0;
	[sflag:s21] =	ssyncadd.s32 $0xFFFFC000  }
0x9b: {  	[spmem:s2] =	stream.indirect.scatter.add.f32 [tilespmem:s18], [sflag:$0x4], $0x80, s11, s14, $0xb8;
	[tilespmem:$0x1EA00] =	vst v63  }
0x9c: {  	s30 =	sadd.s32 $0x80, s26  }
0x9d: {  	[tilespmem:s13], [sflag:$0x8] =	stream.linear.gather [hbm4b:s0+s8], $0x80, $0x38;
	[tilespmem:$0x1EA00] =	vst v63  }
0x9e: {  	_ = 	snop  }
0x9f: {  	[tilespmem:s15], [sflag:$0x1] =	stream.indirect.gather [hbm4b:s6+s14], $0x80, s30, s14, $0xb8;
	[tilespmem:$0x1EA00] =	vst v63  }
0xa0: {  	_ =	swait.ge [sflag:s16], $0x4000  }
0xa1: {  	[sflag:s16] =	ssyncset.done $0x0  }
0xa2: {  	[sflag:s16] =	ssyncadd.s32 $0xFFFFC000  }
0xa3: {  	_ =	swait.ge [sflag:s22], $0x80  }
0xa4: {  	s0 =	sadd.s32 $0xFFFFFF80, s29;
	[sflag:s22] =	ssyncset.done $0x0  }
0xa5: {  	s30 =	sand.u32 $0x7C00, s0;
	[sflag:s22] =	ssyncadd.s32 $0xFFFFFF80  }
0xa6: {  	s0 =	sand.u32 $0x200, s0;
	s30 =	sadd.s32 s3, s30;
	_ =	swait.ge [sflag:s23], $0x4000  }
0xa7: {  	s0 =	sor.u32 s0, s30;
	[sflag:s23] =	ssyncset.done $0x0  }
0xa8: {  	s0 =	sshrl.u32 s0, $0x3;
	[sflag:s23] =	ssyncadd.s32 $0xFFFFC000  }
0xa9: {  	[spmem:s2] =	stream.indirect.scatter.add.f32 [tilespmem:s15], [sflag:$0x3], $0x80, s12, s14, $0xb8;
	[tilespmem:$0x1EA00] =	vst v63  }
0xaa: {  	s30 =	sadd.s32 $0x100, s26;
	s0 =	sadd.s32 s9, s0  }
0xab: {  	[tilespmem:s10], [sflag:$0x5] =	stream.linear.gather [hbm4b:s0+s8], $0x80, $0x38;
	[tilespmem:$0x1EA00] =	vst v63  }
0xac: {  	_ = 	snop  }
0xad: {  	[tilespmem:s18], [sflag:$0x2] =	stream.indirect.gather [hbm4b:s6+s14], $0x80, s30, s14, $0xb8;
	[tilespmem:$0x1EA00] =	vst v63  }
0xae: {  	_ =	swait.ge [sflag:s19], $0x4000  }
0xaf: {  	[sflag:s19] =	ssyncset.done $0x0  }
0xb0: {  	[sflag:s19] =	ssyncadd.s32 $0xFFFFC000  }
0xb1: {  	_ =	swait.ge [sflag:s24], $0x80  }
0xb2: {  	[sflag:s24] =	ssyncset.done $0x0  }
0xb3: {  	s0 =	sand.u32 $0x7C00, s29;
	[sflag:s24] =	ssyncadd.s32 $0xFFFFFF80  }
0xb4: {  	s29 =	sand.u32 $0x280, s29;
	s0 =	sadd.s32 s3, s0;
	_ =	swait.ge [sflag:s21], $0x4000  }
.Ltmp0:
0xb5: {  	s0 =	sor.u32 s29, s0;
	[sflag:s21] =	ssyncset.done $0x0;
	(pc) =	sbr.rel @p0 .LBB2_1-.Ltmp0, $4  }
0xb6: {  	s0 =	sshrl.u32 s0, $0x3;
	[sflag:s21] =	ssyncadd.s32 $0xFFFFC000  }
0xb7: {  	[spmem:s2] =	stream.indirect.scatter.add.f32 [tilespmem:s18], [sflag:$0x4], $0x80, s13, s14, $0xb8;
	[tilespmem:$0x1EA00] =	vst v63  }
0xb8: {  	s30 =	sadd.s32 $0x180, s26;
	s0 =	sadd.s32 s9, s0  }
0xb9: {  	[tilespmem:s11], [sflag:$0x6] =	stream.linear.gather [hbm4b:s0+s8], $0x80, $0x38;
	[tilespmem:$0x1EA00] =	vst v63  }
0xba: {  	[tilespmem:s15], [sflag:$0x1] =	stream.indirect.gather [hbm4b:s6+s14], $0x80, s30, s14, $0xb8;
	[tilespmem:$0x1EA00] =	vst v63  }
0xbb: {  	s0 =	simm.s32 $0x1  }
0xbc: {  	_ =	swait.ge [sflag:s0], $0x4000  }
0xbd: {  	[sflag:s0] =	ssyncset.done $0x0  }
0xbe: {  	s8 =	simm.s32 $0x5;
	[sflag:s0] =	ssyncadd.s32 $0xFFFFC000  }
0xbf: {  	_ =	swait.ge [sflag:s8], $0x80  }
0xc0: {  	[sflag:s8] =	ssyncset.done $0x0  }
0xc1: {  	s31 =	simm.s32 $0x4;
	[sflag:s8] =	ssyncadd.s32 $0xFFFFFF80  }
0xc2: {  	_ =	swait.ge [sflag:s31], $0x4000  }
0xc3: {  	s9 =	simm.s32 $0x80;
	[sflag:s31] =	ssyncset.done $0x0  }
0xc4: {  	s10 =	simm.s32 $0x2800;
	s11 =	simm.s32 $0x2A00;
	[sflag:s31] =	ssyncadd.s32 $0xFFFFC000  }
0xc5: {  	[spmem:s2] =	stream.indirect.scatter.add.f32 [tilespmem:s11], [sflag:$0x3], $0x80, s10, s9, $0xb8;
	[tilespmem:$0x1EA00] =	vst v63  }
0xc6: {  	s16 =	sadd.s32 $0x4E0, s7;
	s12 =	simm.s32 $0x0;
	s13 =	simm.s32 $0x2900  }
0xc7: {  	[tilespmem:s13], [sflag:$0x7] =	stream.linear.gather [hbm4b:s16+s12], $0x80, $0x38;
	[tilespmem:$0x1EA00] =	vst v63  }
0xc8: {  	s17 =	simm.s32 $0x2680;
	s18 =	simm.s32 $0x6A00;
	s19 =	simm.s32 $0x2  }
0xc9: {  	[tilespmem:s18], [sflag:$0x2] =	stream.indirect.gather [hbm4b:s6+s9], $0x80, s17, s9, $0xb8;
	[tilespmem:$0x1EA00] =	vst v63  }
0xca: {  	_ =	swait.ge [sflag:s19], $0x4000  }
0xcb: {  	[sflag:s19] =	ssyncset.done $0x0  }
0xcc: {  	s20 =	simm.s32 $0x6;
	[sflag:s19] =	ssyncadd.s32 $0xFFFFC000  }
0xcd: {  	_ =	swait.ge [sflag:s20], $0x80  }
0xce: {  	[sflag:s20] =	ssyncset.done $0x0  }
0xcf: {  	s21 =	simm.s32 $0x3;
	[sflag:s20] =	ssyncadd.s32 $0xFFFFFF80  }
0xd0: {  	_ =	swait.ge [sflag:s21], $0x4000  }
0xd1: {  	[sflag:s21] =	ssyncset.done $0x0  }
0xd2: {  	s16 =	simm.s32 $0x2880;
	[sflag:s21] =	ssyncadd.s32 $0xFFFFC000  }
0xd3: {  	[spmem:s2] =	stream.indirect.scatter.add.f32 [tilespmem:s18], [sflag:$0x4], $0x80, s16, s9, $0xb8;
	[tilespmem:$0x1EA00] =	vst v63  }
0xd4: {  	s22 =	sadd.s32 $0x4F0, s7;
	s23 =	simm.s32 $0x2980  }
0xd5: {  	[tilespmem:s23], [sflag:$0x8] =	stream.linear.gather [hbm4b:s22+s12], $0x80, $0x38;
	[tilespmem:$0x1EA00] =	vst v63  }
0xd6: {  	s24 =	simm.s32 $0x2700  }
0xd7: {  	[tilespmem:s11], [sflag:$0x1] =	stream.indirect.gather [hbm4b:s6+s9], $0x80, s24, s9, $0xb8;
	[tilespmem:$0x1EA00] =	vst v63  }
0xd8: {  	_ =	swait.ge [sflag:s0], $0x4000  }
0xd9: {  	[sflag:s0] =	ssyncset.done $0x0  }
0xda: {  	s26 =	simm.s32 $0x7;
	[sflag:s0] =	ssyncadd.s32 $0xFFFFC000  }
0xdb: {  	_ =	swait.ge [sflag:s26], $0x80  }
0xdc: {  	[sflag:s26] =	ssyncset.done $0x0  }
0xdd: {  	[sflag:s26] =	ssyncadd.s32 $0xFFFFFF80  }
0xde: {  	_ =	swait.ge [sflag:s31], $0x4000  }
0xdf: {  	[sflag:s31] =	ssyncset.done $0x0  }
0xe0: {  	[sflag:s31] =	ssyncadd.s32 $0xFFFFC000  }
0xe1: {  	[spmem:s2] =	stream.indirect.scatter.add.f32 [tilespmem:s11], [sflag:$0x3], $0x80, s13, s9, $0xb8;
	[tilespmem:$0x1EA00] =	vst v63  }
0xe2: {  	s28 =	simm.s32 $0x2780  }
0xe3: {  	[tilespmem:s18], [sflag:$0x2] =	stream.indirect.gather [hbm4b:s6+s9], $0x80, s28, s9, $0xb8;
	[tilespmem:$0x1EA00] =	vst v63  }
0xe4: {  	_ =	swait.ge [sflag:s19], $0x4000  }
0xe5: {  	[sflag:s19] =	ssyncset.done $0x0  }
0xe6: {  	s29 =	simm.s32 $0x8;
	[sflag:s19] =	ssyncadd.s32 $0xFFFFC000  }
0xe7: {  	_ =	swait.ge [sflag:s29], $0x80  }
0xe8: {  	[sflag:s29] =	ssyncset.done $0x0  }
0xe9: {  	[sflag:s29] =	ssyncadd.s32 $0xFFFFFF80  }
0xea: {  	_ =	swait.ge [sflag:s21], $0x4000  }
0xeb: {  	[sflag:s21] =	ssyncset.done $0x0  }
0xec: {  	[sflag:s21] =	ssyncadd.s32 $0xFFFFC000  }
0xed: {  	[spmem:s2] =	stream.indirect.scatter.add.f32 [tilespmem:s18], [sflag:$0x4], $0x80, s23, s9, $0xb8;
	[tilespmem:$0x1EA00] =	vst v63  }
0xee: {  	_ =	swait.ge [sflag:s31], $0x4000  }
0xef: {  	[sflag:s31] =	ssyncset.done $0x0  }
0xf0: {  	[sflag:s31] =	ssyncadd.s32 $0xFFFFC000  }
0xf1: {  	s30 =	sadd.s32 s25, s3;
	s31 =	simm.s32 $0x9;
	[bflag:$0x0] =	sbarrier.arrive $0xFFFF  }
0xf2: {  	[hbm:s30], [sflag:s4] =	dma.local [spmem:s5], $0x2800  }
0xf3: {  	_ =	swait.ge [sflag:s31], $0x2800  }
0xf4: {  	[sflag:s31] =	ssyncset.done $0x0  }
0xf5: {  	[sflag:s31] =	ssyncadd.s32 $0xFFFFD800  }
0xf6: {  	_ =	sfence.sel $0x180000  }
0xf7: {  	[bflag:$0x0] =	sbarrier.arrive $0xFFFF  }
0xf8: {  	_ =	strace $0x9000004A  }
0xf9: {  	[bflag:$0x2] =	sbarrier.arrive $0xFFFF  }
0xfa: {  	p0 =	sne.s32 s1, $0x0;
	s0 =	rddreg [dreg:$0x2]  }
0xfb: {  	s0 =	sadd.s32 @!p0 $0x100000, s0  }
0xfc: {  	[sflag:s0] =	ssyncadd.tile.s32 @!p0 $0x1;
	_ =	shalt  }
.Lfunc_end2:
_tile_overlayer_lowered:
.L_overlay_start_2:
0xfd: {  	(tag) =	ssettag $0x2  }
0xfe: {  	s0 =	rddreg [dreg:$0x0];
	s2 =	stileid.u32  }
0xff: {  	s1 =	rddreg [dreg:$0x1];
	p0 =	sne.s32 s2, $0x0  }
0x100: {  	s3 =	rddreg [dreg:$0x2];
	[bflag:$0x3] =	sbarrier.arrive $0xFFFF;
	s2 =	simm.s32 @!p0 $0x1C09  }
0x101: {  	[timem:s3], [sflag:s2] =	dma.local @!p0 [hbm:s0], s1  }
0x102: {  	s0 =	simm.s32 @!p0 $0x9  }
0x103: {  	_ =	swait.ge @!p0 [sflag:s0], s1  }
0x104: {  	s1 =	ssub.s32 @!p0 $0x0, s1;
	[sflag:s0] =	ssyncset.done @!p0 $0x0  }
0x105: {  	[sflag:s0] =	ssyncadd.s32 @!p0 s1  }
0x106: {  	[bflag:$0x3] =	sbarrier.arrive $0xFFFF  }
0x107: {  	_ =	shalt  }

// kernel: kernel.20.cloned.1.call-start
scs
__scs_entry_jumppad:
0x0: {  	(pc) =	sbr.rel $0x88, $3  }
0x1: {  	(tag) =	ssettag $0x0;
	lr =	simm.s32 $0x1  }
0x2: {  	[smem:$0x3F9B] =	sst lr;
	_ =	strace $0xD0000000  }
0x3: {  	_ = 	snop  }
0x4: {  	_ = 	snop  }
0x5: {  	_ = 	snop  }
0x6: {  	_ = 	snop  }
0x7: {  	_ = 	snop  }
__scs_overlays_trampoline_lowered:
0x8: {  	[smem:$0x3FAA] =	sst s0  }
0x9: {  	[smem:$0x3FAB] =	sst s1  }
0xa: {  	[smem:$0x3FAC] =	sst s2  }
0xb: {  	[smem:$0x3FAD] =	sst s3  }
0xc: {  	[smem:$0x3FAE] =	sst s4  }
0xd: {  	[smem:$0x3FAF] =	sst s5  }
0xe: {  	[smem:$0x3FB0] =	sst s6  }
0xf: {  	[smem:$0x3FB1] =	sst s7  }
0x10: {  	[smem:$0x3FB2] =	sst s8  }
0x11: {  	[smem:$0x3FB3] =	sst s9;
	s0 =	simm.s32 @!p0 $0x0  }
0x12: {  	s1 =	sld [smem:$0x3F99];
	s0 =	simm.s32 @p0 $0x1  }
0x13: {  	[smem:$0x3FB4] =	sst s0;
	s0 =	simm.s32 @!p1 $0x0  }
0x14: {  	s2 =	sld [smem:$0x3F98];
	s0 =	simm.s32 @p1 $0x1  }
0x15: {  	[smem:$0x3FB5] =	sst s0;
	s0 =	simm.s32 @!p2 $0x0  }
0x16: {  	s3 =	sld [smem:$0x3FDB];
	s0 =	simm.s32 @p2 $0x1  }
0x17: {  	s4 =	simm.s32 $0x1BF5;
	[smem:$0x3FB7] =	sst s0  }
0x18: {  	s0 =	sld [smem:$0x3F9A];
	_ =	swait.ge [sflag:s4], $0x0  }
0x19: {  	s7 =	sld [smem:$0x3F9B]  }
0x1a: {  	s8 =	sadd.s32 $0xFFFFE003, lr  }
0x1b: {  	s9 =	sadd.s32 $0xFFFFFEF7, lr;
	s5 =	simm.s32 $0xFFFFFFFF;
	p2 =	slt.u32 s8, $0xFFFFF086  }
0x1c: {  	p1 =	slt.u32 s9, $0xF7A;
	s5 =	simm.s32 @!p2 $0x0  }
0x1d: {  	s5 =	simm.s32 @p1 $0x1;
	p0 =	seq.s32 s7, s2  }
0x1e: {  	s7 =	smul.u32 @!p0 $0xF7A, s2;
	p2 =	seq.s32 @!p0 s5, $0x0  }
0x1f: {  	s9 =	smul.u32 $0xF7A, s1;
	s8 =	simm.s32 @!p0 $0x1BF5;
	p2 =	por !p2, p0  }
0x20: {  	[sflag:s8] =	ssyncset.s32 @!p0 $0xFFFFF086;
	s6 =	sadd.s32 @!p0 s3, s7;
	s7 =	simm.s32 @!p0 $0x108  }
0x21: {  	s3 =	sadd.s32 s3, s9;
	s6 =	sadd.s32 @!p0 $0x88, s6;
	s7 =	simm.s32 @p2 $0x1082  }
0x22: {  	[simem:s7], [sflag:s8] =	dma.local @!p0 [hbm:s6], $0xF7A  }
0x23: {  	s9 =	sor.u32 $0xD0000000, s2;
	s6 =	simm.s32 $0x108;
	_ =	swait.ge @!p0 [sflag:s8], $0x0  }
0x24: {  	s3 =	sadd.s32 $0x88, s3;
	s6 =	simm.s32 @!p1 $0x1082;
	[sflag:s4] =	ssyncset.s32 $0xFFFFF086  }
0x25: {  	[simem:s6], [sflag:s4] =	dma.local [hbm:s3], $0xF7A  }
0x26: {  	[smem:$0x3F9B] =	sst s1;
	(tag) =	ssettag s2;
	_ =	strace s9  }
0x27: {  	s1 =	sld [smem:$0x3FAB]  }
0x28: {  	s2 =	sld [smem:$0x3FAC]  }
0x29: {  	s4 =	sld [smem:$0x3FAE]  }
0x2a: {  	p0 =	seq.s32 s5, $0x0;
	s5 =	sld [smem:$0x3FAF]  }
0x2b: {  	s6 =	sld [smem:$0x3FB0]  }
0x2c: {  	s7 =	sld [smem:$0x3FB1]  }
0x2d: {  	s3 =	simm.s32 $0x108;
	s8 =	sld [smem:$0x3FB2]  }
0x2e: {  	s3 =	simm.s32 @!p0 $0x1082;
	s9 =	sld [smem:$0x3FB3]  }
0x2f: {  	lr =	sadd.s32 s0, s3;
	s0 =	sld [smem:$0x3FAA]  }
0x30: {  	s3 =	sld [smem:$0x3FAD]  }
0x31: {  	[smem:$0x3FB6] =	sst s10  }
0x32: {  	s10 =	sld [smem:$0x3FB4];
	_ =	sdelay $0x3  }
0x33: {  	p0 =	seq.s32 s10, $0x1;
	s10 =	sld [smem:$0x3FB6];
	_ =	sdelay $0x3  }
0x34: {  	[smem:$0x3FB6] =	sst s10  }
0x35: {  	s10 =	sld [smem:$0x3FB5];
	_ =	sdelay $0x3  }
0x36: {  	p1 =	seq.s32 s10, $0x1;
	s10 =	sld [smem:$0x3FB6];
	_ =	sdelay $0x3  }
0x37: {  	[smem:$0x3FB6] =	sst s10  }
0x38: {  	s10 =	sld [smem:$0x3FB7]  }
0x39: {  	_ = 	snop;
	(pc) =	sbr.ind lr, $3  }
0x3a: {  	_ = 	snop  }
0x3b: {  	_ = 	snop  }
0x3c: {  	p2 =	seq.s32 s10, $0x1;
	s10 =	sld [smem:$0x3FB6]  }
0x3d: {  	_ =	shalt  }
0x3e: {  	_ =	shalt  }
0x3f: {  	_ =	shalt  }
0x40: {  	_ =	shalt  }
0x41: {  	_ =	shalt  }
0x42: {  	_ =	shalt  }
0x43: {  	_ =	shalt  }
0x44: {  	_ =	shalt  }
0x45: {  	_ =	shalt  }
0x46: {  	_ =	shalt  }
0x47: {  	_ =	shalt  }
0x48: {  	_ =	shalt  }
0x49: {  	_ =	shalt  }
0x4a: {  	_ =	shalt  }
0x4b: {  	_ =	shalt  }
0x4c: {  	_ =	shalt  }
0x4d: {  	_ =	shalt  }
0x4e: {  	_ =	shalt  }
0x4f: {  	_ =	shalt  }
0x50: {  	_ =	shalt  }
0x51: {  	_ =	shalt  }
0x52: {  	_ =	shalt  }
0x53: {  	_ =	shalt  }
0x54: {  	_ =	shalt  }
0x55: {  	_ =	shalt  }
0x56: {  	_ =	shalt  }
0x57: {  	_ =	shalt  }
0x58: {  	_ =	shalt  }
0x59: {  	_ =	shalt  }
0x5a: {  	_ =	shalt  }
0x5b: {  	_ =	shalt  }
0x5c: {  	_ =	shalt  }
0x5d: {  	_ =	shalt  }
0x5e: {  	_ =	shalt  }
0x5f: {  	_ =	shalt  }
0x60: {  	_ =	shalt  }
0x61: {  	_ =	shalt  }
0x62: {  	_ =	shalt  }
0x63: {  	_ =	shalt  }
0x64: {  	_ =	shalt  }
0x65: {  	_ =	shalt  }
0x66: {  	_ =	shalt  }
0x67: {  	_ =	shalt  }
0x68: {  	_ =	shalt  }
0x69: {  	_ =	shalt  }
0x6a: {  	_ =	shalt  }
0x6b: {  	_ =	shalt  }
0x6c: {  	_ =	shalt  }
0x6d: {  	_ =	shalt  }
0x6e: {  	_ =	shalt  }
0x6f: {  	_ =	shalt  }
0x70: {  	_ =	shalt  }
0x71: {  	_ =	shalt  }
0x72: {  	_ =	shalt  }
0x73: {  	_ =	shalt  }
0x74: {  	_ =	shalt  }
0x75: {  	_ =	shalt  }
0x76: {  	_ =	shalt  }
0x77: {  	_ =	shalt  }
0x78: {  	_ =	shalt  }
0x79: {  	_ =	shalt  }
0x7a: {  	_ =	shalt  }
0x7b: {  	_ =	shalt  }
0x7c: {  	_ =	shalt  }
0x7d: {  	_ =	shalt  }
0x7e: {  	_ =	shalt  }
0x7f: {  	_ =	shalt  }
0x80: {  	_ =	shalt  }
0x81: {  	_ =	shalt  }
0x82: {  	_ =	shalt  }
0x83: {  	_ =	shalt  }
0x84: {  	_ =	shalt  }
0x85: {  	_ =	shalt  }
0x86: {  	_ =	shalt  }
0x87: {  	_ =	shalt  }
.Lfunc_end0:
.L_simem_size_0:
called_computation.3_lowered:
.L_overlay_start_0:
0x88: {  	s0 =	sld [smem:$0x3FD9]  }
0x89: {  	s1 =	sld [smem:$0x3FFE];
	_ =	sdelay $0x3  }
0x8a: {  	s0 =	sadd.s32 s1, s0  }
0x8b: {  	[smem:$0x3FC2] =	sst s0  }
0x8c: {  	_ = 	snop  }
0x8d: {  	s0 =	sld [smem:$0x3FD0];
	(tm) =	ssettm $0x1  }
0x8e: {  	s16 =	sld [smem:$0x3FFB];
	_ =	sdelay $0x3  }
0x8f: {  	_ =	strace s16  }
0x90: {  	s1 =	sld [smem:$0x3FFC];
	_ =	sdelay $0x3  }
0x91: {  	_ =	strace s1  }
0x92: {  	s1 =	sld [smem:$0x3FFD];
	_ =	sdelay $0x3  }
0x93: {  	_ =	strace s1  }
0x94: {  	_ =	strace $0x8FFFFFFF  }
0x95: {  	s17 =	sld [smem:$0x3FDB];
	_ =	sdelay $0x1  }
0x96: {  	s2 =	simm.s32 $_scs_section_size  }
0x97: {  	s3 =	simm.s32 $_size__tile_overlayer_lowered;
	s4 =	simm.s32 $_tile_overlayer_lowered  }
0x98: {  	s20 =	simm.s32 $0x1BFF;
	s19 =	sshll.u32 s4, $0x1;
	s1 =	sadd.s32 s2, s17  }
0x99: {  	s5 =	simm.s32 $0x0;
	s18 =	sshll.u32 s3, $0x1;
	s3 =	sadd.s32 s19, s1  }
0x9a: {  	[timem:s5], [sflag:s20] =	dma.local [hbm:s3], s18  }
0x9b: {  	_ =	swait.ge [sflag:s20], s18  }
0x9c: {  	s2 =	ssub.s32 $0x0, s18;
	[sflag:s20] =	ssyncset.done $0x0  }
0x9d: {  	[sflag:s20] =	ssyncadd.s32 s2;
	_ =	sdelay $0x1  }
0x9e: {  	s21 =	simm.s32 $0x1B8B  }
0x9f: {  	_ =	swait.ge [sflag:s21], $0x1  }
0xa0: {  	[sflag:s21] =	ssyncset.done $0x0  }
0xa1: {  	s23 =	simm.s32 $0x1B8E;
	s22 =	sld [smem:$0x3FFE];
	[sflag:s21] =	ssyncadd.s32 $0xFFFFFFFF  }
0xa2: {  	s24 =	simm.s32 $execute0_lowered;
	[smem:$0x3FD2] =	sst s23  }
0xa3: {  	s3 =	sshll.u32 s24, $0x1;
	_ =	strace $0x80000052;
	[dreg:$0x1] =	wrdreg $0xFFFFFFFF  }
0xa4: {  	s25 =	simm.s32 $_size_execute0_lowered;
	s1 =	sadd.s32 s1, s3;
	[dreg:$0x0] =	wrdreg $0x0  }
0xa5: {  	s3 =	sshll.u32 s25, $0x1;
	[dreg:$0x2] =	wrdreg s1  }
0xa6: {  	[dreg:$0x3] =	wrdreg s3  }
0xa7: {  	[dreg:$0x4] =	wrdreg $0xC0  }
0xa8: {  	_ =	task [dreg:s5], $0x5FFFF  }
0xa9: {  	[dreg:$0x1] =	wrdreg $0xFFFFFFFF  }
0xaa: {  	[dreg:$0x0] =	wrdreg $0x60  }
0xab: {  	[dreg:$0x2] =	wrdreg s22  }
0xac: {  	[dreg:$0x3] =	wrdreg s0  }
0xad: {  	[dreg:$0x4] =	wrdreg $0xAA000  }
0xae: {  	[dreg:$0x5] =	wrdreg $0x9  }
0xaf: {  	_ =	task.clear_ibuf [dreg:s5], $0x6FFFF;
	_ =	strace $0x90000052  }
0xb0: {  	s26 =	simm.s32 $0x9;
	_ =	strace $0x80000054  }
0xb1: {  	_ =	swait.ge [sflag:s26], $0x1  }
0xb2: {  	[sflag:s26] =	ssyncadd.s32 $0xFFFFFFFF  }
0xb3: {  	_ =	strace $0x90000054  }
0xb4: {  	_ =	sfence  }
0xb5: {  	s28 =	sld [smem:$0x0];
	_ =	sdelay $0x1  }
0xb6: {  	s29 =	srdreg.scid  }
0xb7: {  	s30 =	sshll.u32 s29, $0xD;
	s31 =	sshrl.u32 s29, $0x2  }
0xb8: {  	s2 =	sand.u32 $0x4000, s30;
	s1 =	sand.u32 $0x1, s29;
	s0 =	sadd.s32 s31, s28  }
0xb9: {  	s1 =	sor.u32 s2, s1;
	s0 =	sshll.u32 s0, $0x11  }
0xba: {  	s0 =	sor.u32 s0, s1  }
0xbb: {  	s0 =	sadd.s32 $0x8F2B, s0  }
0xbc: {  	[sflag:s0] =	ssyncadd.remote.s32 $0x1  }
0xbd: {  	_ =	sfence.sel $0xFFFF  }
0xbe: {  	[dreg:$0x0] =	wrdreg $0xFFFFFFFF;
	(pc) =	sbr.abs _section_cstart, $3  }
0xbf: {  	[dreg:$0x1] =	wrdreg $0xFFFFFFFF  }
0xc0: {  	_ =	task.clear_ibuf [dreg:s5], $0x2FFFF;
	_ =	strace $0x9FFFFFFF  }
0xc1: {  	(tm) =	ssettm $0x7FFFFFFF  }
tec
execute0_lowered:
.L_overlay_start_1:
0x0: {  	(tag) =	ssettag $0x1  }
0x1: {  	s25 =	rddreg [dreg:$0x0]  }
0x2: {  	s7 =	rddreg [dreg:$0x1];
	s1 =	stileid.u32  }
0x3: {  	s2 =	rddreg [dreg:$0x2];
	s8 =	simm.s32 $0x0;
	s3 =	smul.u32 $0x50000, s1  }
0x4: {  	s10 =	simm.s32 $0x9;
	[smem:$0x7FF] =	sst s8  }
0x5: {  	s6 =	sadd.s32 $0x14200, s25;
	s4 =	sshrl.u32 s3, $0x2;
	s3 =	smul.u32 $0x2800, s1  }
0x6: {  	s29 =	sshll.u32 s1, $0x6;
	_ =	strace $0x80000053;
	s5 =	sadd.s32 s4, s2  }
0x7: {  	s4 =	sor.u32 $0x1C09, s29;
	s9 =	sadd.s32 s6, s3;
	s5 =	sshrl.u32 s5, $0x3  }
0x8: {  	[spmem:s5], [sflag:s4] =	dma.local [hbm:s9], $0x2800  }
0x9: {  	_ =	swait.ge [sflag:s10], $0x2800  }
0xa: {  	s11 =	sshrl.u32 s3, $0x3;
	[sflag:s10] =	ssyncset.done $0x0  }
0xb: {  	s7 =	sadd.s32 s7, s11;
	[sflag:s10] =	ssyncadd.s32 $0xFFFFD800  }
0xc: {  	[tilespmem:s8], [sflag:$0x9] =	stream.linear.gather [hbm4b:s7+s8], $0x2800, $0x38;
	[tilespmem:$0x1EA00] =	vst v63  }
0xd: {  	_ =	swait.ge [sflag:s10], $0x2800  }
0xe: {  	[sflag:s10] =	ssyncset.done $0x0  }
0xf: {  	s9 =	sadd.s32 $0x4200, s25;
	[sflag:s10] =	ssyncadd.s32 $0xFFFFD800  }
0x10: {  	s7 =	sadd.s32 s9, s11;
	s10 =	simm.s32 $0x2800;
	[bflag:$0x0] =	sbarrier.arrive $0xFFFF  }
0x11: {  	[tilespmem:s10], [sflag:$0x5] =	stream.linear.gather [hbm4b:s7+s8], $0x80, $0x38;
	[tilespmem:$0x1EA00] =	vst v63  }
0x12: {  	s11 =	simm.s32 $0x2880;
	s12 =	sadd.s32 $0x10, s7  }
0x13: {  	[tilespmem:s11], [sflag:$0x6] =	stream.linear.gather [hbm4b:s12+s8], $0x80, $0x38;
	[tilespmem:$0x1EA00] =	vst v63  }
0x14: {  	s13 =	sadd.s32 $0x20, s7;
	s12 =	simm.s32 $0x2900  }
0x15: {  	[tilespmem:s12], [sflag:$0x7] =	stream.linear.gather [hbm4b:s13+s8], $0x80, $0x38;
	[tilespmem:$0x1EA00] =	vst v63  }
0x16: {  	s14 =	sadd.s32 $0x30, s7;
	s13 =	simm.s32 $0x2980  }
0x17: {  	[tilespmem:s13], [sflag:$0x8] =	stream.linear.gather [hbm4b:s14+s8], $0x80, $0x38;
	[tilespmem:$0x1EA00] =	vst v63  }
0x18: {  	s15 =	simm.s32 $0x2A00;
	s16 =	simm.s32 $0x1;
	s14 =	simm.s32 $0x80  }
0x19: {  	[tilespmem:s15], [sflag:$0x1] =	stream.indirect.gather [hbm4b:s6+s14], $0x80, s8, s14, $0xb8;
	[tilespmem:$0x1EA00] =	vst v63  }
0x1a: {  	_ =	swait.ge [sflag:s16], $0x4000  }
0x1b: {  	[sflag:s16] =	ssyncset.done $0x0  }
0x1c: {  	s17 =	simm.s32 $0x5;
	[sflag:s16] =	ssyncadd.s32 $0xFFFFC000  }
0x1d: {  	_ =	swait.ge [sflag:s17], $0x80  }
0x1e: {  	[sflag:s17] =	ssyncset.done $0x0  }
0x1f: {  	[sflag:s17] =	ssyncadd.s32 $0xFFFFFF80  }
0x20: {  	[spmem:s2] =	stream.indirect.scatter.add.f32 [tilespmem:s15], [sflag:$0x3], $0x80, s10, s14, $0xb8;
	[tilespmem:$0x1EA00] =	vst v63  }
0x21: {  	s18 =	simm.s32 $0x6A00;
	s19 =	simm.s32 $0x2  }
0x22: {  	[tilespmem:s18], [sflag:$0x2] =	stream.indirect.gather [hbm4b:s6+s14], $0x80, s14, s14, $0xb8;
	[tilespmem:$0x1EA00] =	vst v63  }
0x23: {  	_ =	swait.ge [sflag:s19], $0x4000  }
0x24: {  	[sflag:s19] =	ssyncset.done $0x0  }
0x25: {  	s20 =	simm.s32 $0x6;
	[sflag:s19] =	ssyncadd.s32 $0xFFFFC000  }
0x26: {  	_ =	swait.ge [sflag:s20], $0x80  }
0x27: {  	[sflag:s20] =	ssyncset.done $0x0  }
0x28: {  	s21 =	simm.s32 $0x3;
	[sflag:s20] =	ssyncadd.s32 $0xFFFFFF80  }
0x29: {  	_ =	swait.ge [sflag:s21], $0x4000  }
0x2a: {  	[sflag:s21] =	ssyncset.done $0x0  }
0x2b: {  	[sflag:s21] =	ssyncadd.s32 $0xFFFFC000  }
0x2c: {  	[spmem:s2] =	stream.indirect.scatter.add.f32 [tilespmem:s18], [sflag:$0x4], $0x80, s11, s14, $0xb8;
	[tilespmem:$0x1EA00] =	vst v63  }
0x2d: {  	s22 =	simm.s32 $0x100  }
0x2e: {  	[tilespmem:s15], [sflag:$0x1] =	stream.indirect.gather [hbm4b:s6+s14], $0x80, s22, s14, $0xb8;
	[tilespmem:$0x1EA00] =	vst v63  }
0x2f: {  	_ =	swait.ge [sflag:s16], $0x4000  }
0x30: {  	[sflag:s16] =	ssyncset.done $0x0  }
0x31: {  	s22 =	simm.s32 $0x7;
	[sflag:s16] =	ssyncadd.s32 $0xFFFFC000  }
0x32: {  	_ =	swait.ge [sflag:s22], $0x80  }
0x33: {  	[sflag:s22] =	ssyncset.done $0x0  }
0x34: {  	s23 =	simm.s32 $0x4;
	[sflag:s22] =	ssyncadd.s32 $0xFFFFFF80  }
0x35: {  	_ =	swait.ge [sflag:s23], $0x4000  }
0x36: {  	[sflag:s23] =	ssyncset.done $0x0  }
0x37: {  	[sflag:s23] =	ssyncadd.s32 $0xFFFFC000  }
0x38: {  	[spmem:s2] =	stream.indirect.scatter.add.f32 [tilespmem:s15], [sflag:$0x3], $0x80, s12, s14, $0xb8;
	[tilespmem:$0x1EA00] =	vst v63  }
0x39: {  	s24 =	sadd.s32 $0x40, s7  }
0x3a: {  	[tilespmem:s10], [sflag:$0x5] =	stream.linear.gather [hbm4b:s24+s8], $0x80, $0x38;
	[tilespmem:$0x1EA00] =	vst v63  }
0x3b: {  	s31 =	simm.s32 $0x180  }
0x3c: {  	[tilespmem:s18], [sflag:$0x2] =	stream.indirect.gather [hbm4b:s6+s14], $0x80, s31, s14, $0xb8;
	[tilespmem:$0x1EA00] =	vst v63  }
0x3d: {  	_ =	swait.ge [sflag:s19], $0x4000  }
0x3e: {  	[sflag:s19] =	ssyncset.done $0x0  }
0x3f: {  	s24 =	simm.s32 $0x8;
	[sflag:s19] =	ssyncadd.s32 $0xFFFFC000  }
0x40: {  	_ =	swait.ge [sflag:s24], $0x80  }
0x41: {  	[sflag:s24] =	ssyncset.done $0x0  }
0x42: {  	[sflag:s24] =	ssyncadd.s32 $0xFFFFFF80  }
0x43: {  	_ =	swait.ge [sflag:s21], $0x4000  }
0x44: {  	[sflag:s21] =	ssyncset.done $0x0  }
0x45: {  	[sflag:s21] =	ssyncadd.s32 $0xFFFFC000  }
0x46: {  	[spmem:s2] =	stream.indirect.scatter.add.f32 [tilespmem:s18], [sflag:$0x4], $0x80, s13, s14, $0xb8;
	[tilespmem:$0x1EA00] =	vst v63  }
0x47: {  	s26 =	sadd.s32 $0x50, s7  }
0x48: {  	[tilespmem:s11], [sflag:$0x6] =	stream.linear.gather [hbm4b:s26+s8], $0x80, $0x38;
	[tilespmem:$0x1EA00] =	vst v63  }
0x49: {  	s0 =	simm.s32 $0x200  }
0x4a: {  	[tilespmem:s15], [sflag:$0x1] =	stream.indirect.gather [hbm4b:s6+s14], $0x80, s0, s14, $0xb8;
	[tilespmem:$0x1EA00] =	vst v63  }
0x4b: {  	_ =	swait.ge [sflag:s16], $0x4000  }
0x4c: {  	[sflag:s16] =	ssyncset.done $0x0  }
0x4d: {  	[sflag:s16] =	ssyncadd.s32 $0xFFFFC000  }
0x4e: {  	_ =	swait.ge [sflag:s17], $0x80  }
0x4f: {  	s29 =	simm.s32 $0x200;
	[sflag:s17] =	ssyncset.done $0x0  }
0x50: {  	s28 =	simm.s32 $0x300;
	s26 =	sand.u32 $0x3C00, s29;
	[sflag:s17] =	ssyncadd.s32 $0xFFFFFF80  }
0x51: {  	s31 =	sand.u32 $0x300, s28;
	s29 =	sadd.s32 s3, s26;
	_ =	swait.ge [sflag:s23], $0x4000  }
0x52: {  	s26 =	sor.u32 s29, s31;
	[sflag:s23] =	ssyncset.done $0x0  }
0x53: {  	s26 =	sshrl.u32 s26, $0x3;
	[sflag:s23] =	ssyncadd.s32 $0xFFFFC000  }
0x54: {  	[spmem:s2] =	stream.indirect.scatter.add.f32 [tilespmem:s15], [sflag:$0x3], $0x80, s10, s14, $0xb8;
	[tilespmem:$0x1EA00] =	vst v63  }
0x55: {  	s26 =	sadd.s32 s9, s26  }
0x56: {  	[tilespmem:s12], [sflag:$0x7] =	stream.linear.gather [hbm4b:s26+s8], $0x80, $0x38;
	[tilespmem:$0x1EA00] =	vst v63  }
0x57: {  	s26 =	simm.s32 $0x280  }
0x58: {  	[tilespmem:s18], [sflag:$0x2] =	stream.indirect.gather [hbm4b:s6+s14], $0x80, s26, s14, $0xb8;
	[tilespmem:$0x1EA00] =	vst v63  }
0x59: {  	_ =	swait.ge [sflag:s19], $0x4000  }
0x5a: {  	[sflag:s19] =	ssyncset.done $0x0  }
0x5b: {  	[sflag:s19] =	ssyncadd.s32 $0xFFFFC000  }
0x5c: {  	_ =	swait.ge [sflag:s20], $0x80  }
0x5d: {  	[sflag:s20] =	ssyncset.done $0x0  }
0x5e: {  	s28 =	simm.s32 $0x380;
	[sflag:s20] =	ssyncadd.s32 $0xFFFFFF80  }
0x5f: {  	s28 =	sand.u32 $0x380, s28;
	_ =	swait.ge [sflag:s21], $0x4000  }
0x60: {  	s28 =	sor.u32 s29, s28;
	[sflag:s21] =	ssyncset.done $0x0  }
0x61: {  	s28 =	sshrl.u32 s28, $0x3;
	[sflag:s21] =	ssyncadd.s32 $0xFFFFC000  }
0x62: {  	[spmem:s2] =	stream.indirect.scatter.add.f32 [tilespmem:s18], [sflag:$0x4], $0x80, s11, s14, $0xb8;
	[tilespmem:$0x1EA00] =	vst v63  }
0x63: {  	s28 =	sadd.s32 s9, s28  }
0x64: {  	[tilespmem:s13], [sflag:$0x8] =	stream.linear.gather [hbm4b:s28+s8], $0x80, $0x38;
	[tilespmem:$0x1EA00] =	vst v63  }
0x65: {  	s28 =	simm.s32 $0x300  }
0x66: {  	[tilespmem:s15], [sflag:$0x1] =	stream.indirect.gather [hbm4b:s6+s14], $0x80, s28, s14, $0xb8;
	[tilespmem:$0x1EA00] =	vst v63  }
0x67: {  	_ =	swait.ge [sflag:s16], $0x4000  }
0x68: {  	[sflag:s16] =	ssyncset.done $0x0  }
0x69: {  	[sflag:s16] =	ssyncadd.s32 $0xFFFFC000  }
0x6a: {  	_ =	swait.ge [sflag:s22], $0x80  }
0x6b: {  	s28 =	simm.s32 $0x400;
	[sflag:s22] =	ssyncset.done $0x0  }
0x6c: {  	s0 =	sand.u32 $0x7C00, s28;
	[sflag:s22] =	ssyncadd.s32 $0xFFFFFF80  }
0x6d: {  	s28 =	sand.u32 $0x200, s28;
	s29 =	sadd.s32 s3, s0;
	_ =	swait.ge [sflag:s23], $0x4000  }
0x6e: {  	s28 =	sor.u32 s28, s29;
	[sflag:s23] =	ssyncset.done $0x0  }
0x6f: {  	s28 =	sshrl.u32 s28, $0x3;
	[sflag:s23] =	ssyncadd.s32 $0xFFFFC000  }
0x70: {  	[spmem:s2] =	stream.indirect.scatter.add.f32 [tilespmem:s15], [sflag:$0x3], $0x80, s12, s14, $0xb8;
	[tilespmem:$0x1EA00] =	vst v63  }
0x71: {  	s28 =	sadd.s32 s9, s28  }
0x72: {  	[tilespmem:s10], [sflag:$0x5] =	stream.linear.gather [hbm4b:s28+s8], $0x80, $0x38;
	[tilespmem:$0x1EA00] =	vst v63  }
0x73: {  	s28 =	simm.s32 $0x380  }
0x74: {  	[tilespmem:s18], [sflag:$0x2] =	stream.indirect.gather [hbm4b:s6+s14], $0x80, s28, s14, $0xb8;
	[tilespmem:$0x1EA00] =	vst v63  }
0x75: {  	_ =	swait.ge [sflag:s19], $0x4000  }
0x76: {  	[sflag:s19] =	ssyncset.done $0x0  }
0x77: {  	[sflag:s19] =	ssyncadd.s32 $0xFFFFC000  }
0x78: {  	_ =	swait.ge [sflag:s24], $0x80  }
0x79: {  	s28 =	simm.s32 $0x480;
	[sflag:s24] =	ssyncset.done $0x0  }
0x7a: {  	s31 =	sand.u32 $0x7C00, s28;
	[sflag:s24] =	ssyncadd.s32 $0xFFFFFF80  }
0x7b: {  	s28 =	sand.u32 $0x280, s28;
	s29 =	sadd.s32 s3, s31;
	_ =	swait.ge [sflag:s21], $0x4000  }
0x7c: {  	s28 =	sor.u32 s28, s29;
	[sflag:s21] =	ssyncset.done $0x0  }
0x7d: {  	s28 =	sshrl.u32 s28, $0x3;
	[sflag:s21] =	ssyncadd.s32 $0xFFFFC000  }
0x7e: {  	[spmem:s2] =	stream.indirect.scatter.add.f32 [tilespmem:s18], [sflag:$0x4], $0x80, s13, s14, $0xb8;
	[tilespmem:$0x1EA00] =	vst v63  }
0x7f: {  	s28 =	sadd.s32 s9, s28  }
0x80: {  	[tilespmem:s11], [sflag:$0x6] =	stream.linear.gather [hbm4b:s28+s8], $0x80, $0x38;
	[tilespmem:$0x1EA00] =	vst v63  }
0x81: {  	s30 =	simm.s32 $0x400;
	s25 =	sadd.s32 $0x8C200, s25;
	s28 =	simm.s32 $0x680  }
.LBB2_1:
0x82: {  	p0 =	sne.s32 s28, $0x2680  }
0x83: {  	s26 =	sadd.s32 $0x200, s26;
	s29 =	smov.u32 s28;
	s28 =	sadd.s32 $0x200, s28  }
0x84: {  	[tilespmem:s15], [sflag:$0x1] =	stream.indirect.gather [hbm4b:s6+s14], $0x80, s30, s14, $0xb8;
	[tilespmem:$0x1EA00] =	vst v63  }
0x85: {  	_ =	swait.ge [sflag:s16], $0x4000  }
0x86: {  	[sflag:s16] =	ssyncset.done $0x0  }
0x87: {  	[sflag:s16] =	ssyncadd.s32 $0xFFFFC000  }
0x88: {  	s30 =	sadd.s32 $0xFFFFFE80, s29;
	_ =	swait.ge [sflag:s17], $0x80  }
0x89: {  	s31 =	sadd.s32 $0xFFFFFD80, s29;
	s0 =	sadd.s32 $0xFFFFFF00, s29;
	[sflag:s17] =	ssyncset.done $0x0  }
0x8a: {  	s31 =	sand.u32 $0x3C00, s31;
	s0 =	sand.u32 $0x380, s0;
	[sflag:s17] =	ssyncadd.s32 $0xFFFFFF80  }
0x8b: {  	s30 =	sand.u32 $0x300, s30;
	s31 =	sadd.s32 s3, s31;
	_ =	swait.ge [sflag:s23], $0x4000  }
0x8c: {  	s30 =	sor.u32 s31, s30;
	s0 =	sor.u32 s31, s0;
	[sflag:s23] =	ssyncset.done $0x0  }
0x8d: {  	s30 =	sshrl.u32 s30, $0x3;
	s0 =	sshrl.u32 s0, $0x3;
	[sflag:s23] =	ssyncadd.s32 $0xFFFFC000  }
0x8e: {  	[spmem:s2] =	stream.indirect.scatter.add.f32 [tilespmem:s15], [sflag:$0x3], $0x80, s10, s14, $0xb8;
	[tilespmem:$0x1EA00] =	vst v63  }
0x8f: {  	s30 =	sadd.s32 s9, s30  }
0x90: {  	[tilespmem:s12], [sflag:$0x7] =	stream.linear.gather [hbm4b:s30+s8], $0x80, $0x38;
	[tilespmem:$0x1EA00] =	vst v63  }
0x91: {  	_ = 	snop  }
0x92: {  	[tilespmem:s18], [sflag:$0x2] =	stream.indirect.gather [hbm4b:s6+s14], $0x80, s26, s14, $0xb8;
	[tilespmem:$0x1EA00] =	vst v63  }
0x93: {  	_ =	swait.ge [sflag:s19], $0x4000  }
0x94: {  	[sflag:s19] =	ssyncset.done $0x0  }
0x95: {  	[sflag:s19] =	ssyncadd.s32 $0xFFFFC000  }
0x96: {  	_ =	swait.ge [sflag:s20], $0x80  }
0x97: {  	[sflag:s20] =	ssyncset.done $0x0  }
0x98: {  	[sflag:s20] =	ssyncadd.s32 $0xFFFFFF80  }
0x99: {  	_ =	swait.ge [sflag:s21], $0x4000  }
0x9a: {  	[sflag:s21] =	ssyncset.done $0x0  }
0x9b: {  	s0 =	sadd.s32 s9, s0;
	[sflag:s21] =	ssyncadd.s32 $0xFFFFC000  }
0x9c: {  	[spmem:s2] =	stream.indirect.scatter.add.f32 [tilespmem:s18], [sflag:$0x4], $0x80, s11, s14, $0xb8;
	[tilespmem:$0x1EA00] =	vst v63  }
0x9d: {  	s30 =	sadd.s32 $0x80, s26  }
0x9e: {  	[tilespmem:s13], [sflag:$0x8] =	stream.linear.gather [hbm4b:s0+s8], $0x80, $0x38;
	[tilespmem:$0x1EA00] =	vst v63  }
0x9f: {  	_ = 	snop  }
0xa0: {  	[tilespmem:s15], [sflag:$0x1] =	stream.indirect.gather [hbm4b:s6+s14], $0x80, s30, s14, $0xb8;
	[tilespmem:$0x1EA00] =	vst v63  }
0xa1: {  	_ =	swait.ge [sflag:s16], $0x4000  }
0xa2: {  	[sflag:s16] =	ssyncset.done $0x0  }
0xa3: {  	[sflag:s16] =	ssyncadd.s32 $0xFFFFC000  }
0xa4: {  	_ =	swait.ge [sflag:s22], $0x80  }
0xa5: {  	s0 =	sadd.s32 $0xFFFFFF80, s29;
	[sflag:s22] =	ssyncset.done $0x0  }
0xa6: {  	s30 =	sand.u32 $0x7C00, s0;
	[sflag:s22] =	ssyncadd.s32 $0xFFFFFF80  }
0xa7: {  	s0 =	sand.u32 $0x200, s0;
	s30 =	sadd.s32 s3, s30;
	_ =	swait.ge [sflag:s23], $0x4000  }
0xa8: {  	s0 =	sor.u32 s0, s30;
	[sflag:s23] =	ssyncset.done $0x0  }
0xa9: {  	s0 =	sshrl.u32 s0, $0x3;
	[sflag:s23] =	ssyncadd.s32 $0xFFFFC000  }
0xaa: {  	[spmem:s2] =	stream.indirect.scatter.add.f32 [tilespmem:s15], [sflag:$0x3], $0x80, s12, s14, $0xb8;
	[tilespmem:$0x1EA00] =	vst v63  }
0xab: {  	s30 =	sadd.s32 $0x100, s26;
	s0 =	sadd.s32 s9, s0  }
0xac: {  	[tilespmem:s10], [sflag:$0x5] =	stream.linear.gather [hbm4b:s0+s8], $0x80, $0x38;
	[tilespmem:$0x1EA00] =	vst v63  }
0xad: {  	_ = 	snop  }
0xae: {  	[tilespmem:s18], [sflag:$0x2] =	stream.indirect.gather [hbm4b:s6+s14], $0x80, s30, s14, $0xb8;
	[tilespmem:$0x1EA00] =	vst v63  }
0xaf: {  	_ =	swait.ge [sflag:s19], $0x4000  }
0xb0: {  	[sflag:s19] =	ssyncset.done $0x0  }
0xb1: {  	[sflag:s19] =	ssyncadd.s32 $0xFFFFC000  }
0xb2: {  	_ =	swait.ge [sflag:s24], $0x80  }
0xb3: {  	[sflag:s24] =	ssyncset.done $0x0  }
0xb4: {  	s0 =	sand.u32 $0x7C00, s29;
	[sflag:s24] =	ssyncadd.s32 $0xFFFFFF80  }
0xb5: {  	s29 =	sand.u32 $0x280, s29;
	s0 =	sadd.s32 s3, s0;
	_ =	swait.ge [sflag:s21], $0x4000  }
.Ltmp0:
0xb6: {  	s0 =	sor.u32 s29, s0;
	[sflag:s21] =	ssyncset.done $0x0;
	(pc) =	sbr.rel @p0 .LBB2_1-.Ltmp0, $4  }
0xb7: {  	s0 =	sshrl.u32 s0, $0x3;
	[sflag:s21] =	ssyncadd.s32 $0xFFFFC000  }
0xb8: {  	[spmem:s2] =	stream.indirect.scatter.add.f32 [tilespmem:s18], [sflag:$0x4], $0x80, s13, s14, $0xb8;
	[tilespmem:$0x1EA00] =	vst v63  }
0xb9: {  	s30 =	sadd.s32 $0x180, s26;
	s0 =	sadd.s32 s9, s0  }
0xba: {  	[tilespmem:s11], [sflag:$0x6] =	stream.linear.gather [hbm4b:s0+s8], $0x80, $0x38;
	[tilespmem:$0x1EA00] =	vst v63  }
0xbb: {  	[tilespmem:s15], [sflag:$0x1] =	stream.indirect.gather [hbm4b:s6+s14], $0x80, s30, s14, $0xb8;
	[tilespmem:$0x1EA00] =	vst v63  }
0xbc: {  	s0 =	simm.s32 $0x1  }
0xbd: {  	_ =	swait.ge [sflag:s0], $0x4000  }
0xbe: {  	[sflag:s0] =	ssyncset.done $0x0  }
0xbf: {  	s8 =	simm.s32 $0x5;
	[sflag:s0] =	ssyncadd.s32 $0xFFFFC000  }
0xc0: {  	_ =	swait.ge [sflag:s8], $0x80  }
0xc1: {  	[sflag:s8] =	ssyncset.done $0x0  }
0xc2: {  	s31 =	simm.s32 $0x4;
	[sflag:s8] =	ssyncadd.s32 $0xFFFFFF80  }
0xc3: {  	_ =	swait.ge [sflag:s31], $0x4000  }
0xc4: {  	s9 =	simm.s32 $0x80;
	[sflag:s31] =	ssyncset.done $0x0  }
0xc5: {  	s10 =	simm.s32 $0x2800;
	s11 =	simm.s32 $0x2A00;
	[sflag:s31] =	ssyncadd.s32 $0xFFFFC000  }
0xc6: {  	[spmem:s2] =	stream.indirect.scatter.add.f32 [tilespmem:s11], [sflag:$0x3], $0x80, s10, s9, $0xb8;
	[tilespmem:$0x1EA00] =	vst v63  }
0xc7: {  	s16 =	sadd.s32 $0x4E0, s7;
	s12 =	simm.s32 $0x0;
	s13 =	simm.s32 $0x2900  }
0xc8: {  	[tilespmem:s13], [sflag:$0x7] =	stream.linear.gather [hbm4b:s16+s12], $0x80, $0x38;
	[tilespmem:$0x1EA00] =	vst v63  }
0xc9: {  	s17 =	simm.s32 $0x2680;
	s18 =	simm.s32 $0x6A00;
	s19 =	simm.s32 $0x2  }
0xca: {  	[tilespmem:s18], [sflag:$0x2] =	stream.indirect.gather [hbm4b:s6+s9], $0x80, s17, s9, $0xb8;
	[tilespmem:$0x1EA00] =	vst v63  }
0xcb: {  	_ =	swait.ge [sflag:s19], $0x4000  }
0xcc: {  	[sflag:s19] =	ssyncset.done $0x0  }
0xcd: {  	s20 =	simm.s32 $0x6;
	[sflag:s19] =	ssyncadd.s32 $0xFFFFC000  }
0xce: {  	_ =	swait.ge [sflag:s20], $0x80  }
0xcf: {  	[sflag:s20] =	ssyncset.done $0x0  }
0xd0: {  	s21 =	simm.s32 $0x3;
	[sflag:s20] =	ssyncadd.s32 $0xFFFFFF80  }
0xd1: {  	_ =	swait.ge [sflag:s21], $0x4000  }
0xd2: {  	[sflag:s21] =	ssyncset.done $0x0  }
0xd3: {  	s16 =	simm.s32 $0x2880;
	[sflag:s21] =	ssyncadd.s32 $0xFFFFC000  }
0xd4: {  	[spmem:s2] =	stream.indirect.scatter.add.f32 [tilespmem:s18], [sflag:$0x4], $0x80, s16, s9, $0xb8;
	[tilespmem:$0x1EA00] =	vst v63  }
0xd5: {  	s22 =	sadd.s32 $0x4F0, s7;
	s23 =	simm.s32 $0x2980  }
0xd6: {  	[tilespmem:s23], [sflag:$0x8] =	stream.linear.gather [hbm4b:s22+s12], $0x80, $0x38;
	[tilespmem:$0x1EA00] =	vst v63  }
0xd7: {  	s24 =	simm.s32 $0x2700  }
0xd8: {  	[tilespmem:s11], [sflag:$0x1] =	stream.indirect.gather [hbm4b:s6+s9], $0x80, s24, s9, $0xb8;
	[tilespmem:$0x1EA00] =	vst v63  }
0xd9: {  	_ =	swait.ge [sflag:s0], $0x4000  }
0xda: {  	[sflag:s0] =	ssyncset.done $0x0  }
0xdb: {  	s26 =	simm.s32 $0x7;
	[sflag:s0] =	ssyncadd.s32 $0xFFFFC000  }
0xdc: {  	_ =	swait.ge [sflag:s26], $0x80  }
0xdd: {  	[sflag:s26] =	ssyncset.done $0x0  }
0xde: {  	[sflag:s26] =	ssyncadd.s32 $0xFFFFFF80  }
0xdf: {  	_ =	swait.ge [sflag:s31], $0x4000  }
0xe0: {  	[sflag:s31] =	ssyncset.done $0x0  }
0xe1: {  	[sflag:s31] =	ssyncadd.s32 $0xFFFFC000  }
0xe2: {  	[spmem:s2] =	stream.indirect.scatter.add.f32 [tilespmem:s11], [sflag:$0x3], $0x80, s13, s9, $0xb8;
	[tilespmem:$0x1EA00] =	vst v63  }
0xe3: {  	s28 =	simm.s32 $0x2780  }
0xe4: {  	[tilespmem:s18], [sflag:$0x2] =	stream.indirect.gather [hbm4b:s6+s9], $0x80, s28, s9, $0xb8;
	[tilespmem:$0x1EA00] =	vst v63  }
0xe5: {  	_ =	swait.ge [sflag:s19], $0x4000  }
0xe6: {  	[sflag:s19] =	ssyncset.done $0x0  }
0xe7: {  	s29 =	simm.s32 $0x8;
	[sflag:s19] =	ssyncadd.s32 $0xFFFFC000  }
0xe8: {  	_ =	swait.ge [sflag:s29], $0x80  }
0xe9: {  	[sflag:s29] =	ssyncset.done $0x0  }
0xea: {  	[sflag:s29] =	ssyncadd.s32 $0xFFFFFF80  }
0xeb: {  	_ =	swait.ge [sflag:s21], $0x4000  }
0xec: {  	[sflag:s21] =	ssyncset.done $0x0  }
0xed: {  	[sflag:s21] =	ssyncadd.s32 $0xFFFFC000  }
0xee: {  	[spmem:s2] =	stream.indirect.scatter.add.f32 [tilespmem:s18], [sflag:$0x4], $0x80, s23, s9, $0xb8;
	[tilespmem:$0x1EA00] =	vst v63  }
0xef: {  	_ =	swait.ge [sflag:s31], $0x4000  }
0xf0: {  	[sflag:s31] =	ssyncset.done $0x0  }
0xf1: {  	[sflag:s31] =	ssyncadd.s32 $0xFFFFC000  }
0xf2: {  	s30 =	sadd.s32 s25, s3;
	s31 =	simm.s32 $0x9;
	[bflag:$0x0] =	sbarrier.arrive $0xFFFF  }
0xf3: {  	[hbm:s30], [sflag:s4] =	dma.local [spmem:s5], $0x2800  }
0xf4: {  	_ =	swait.ge [sflag:s31], $0x2800  }
0xf5: {  	[sflag:s31] =	ssyncset.done $0x0  }
0xf6: {  	[sflag:s31] =	ssyncadd.s32 $0xFFFFD800  }
0xf7: {  	_ =	sfence.sel $0x180000  }
0xf8: {  	[bflag:$0x0] =	sbarrier.arrive $0xFFFF  }
0xf9: {  	_ =	strace $0x90000053  }
0xfa: {  	[bflag:$0x2] =	sbarrier.arrive $0xFFFF  }
0xfb: {  	p0 =	sne.s32 s1, $0x0;
	s0 =	rddreg [dreg:$0x3]  }
0xfc: {  	s0 =	sadd.s32 @!p0 $0x100000, s0  }
0xfd: {  	[sflag:s0] =	ssyncadd.tile.s32 @!p0 $0x1;
	_ =	shalt  }
.Lfunc_end2:
_tile_overlayer_lowered:
.L_overlay_start_2:
0xfe: {  	(tag) =	ssettag $0x2  }
0xff: {  	s0 =	rddreg [dreg:$0x0];
	s2 =	stileid.u32  }
0x100: {  	s1 =	rddreg [dreg:$0x1];
	p0 =	sne.s32 s2, $0x0  }
0x101: {  	s3 =	rddreg [dreg:$0x2];
	[bflag:$0x3] =	sbarrier.arrive $0xFFFF;
	s2 =	simm.s32 @!p0 $0x1C09  }
0x102: {  	[timem:s3], [sflag:s2] =	dma.local @!p0 [hbm:s0], s1  }
0x103: {  	s0 =	simm.s32 @!p0 $0x9  }
0x104: {  	_ =	swait.ge @!p0 [sflag:s0], s1  }
0x105: {  	s1 =	ssub.s32 @!p0 $0x0, s1;
	[sflag:s0] =	ssyncset.done @!p0 $0x0  }
0x106: {  	[sflag:s0] =	ssyncadd.s32 @!p0 s1  }
0x107: {  	[bflag:$0x3] =	sbarrier.arrive $0xFFFF  }
0x108: {  	_ =	shalt  }

// kernel: kernel.23.cloned.1.call-start
scs
__scs_entry_jumppad:
0x0: {  	(pc) =	sbr.rel $0x88, $3  }
0x1: {  	(tag) =	ssettag $0x0;
	lr =	simm.s32 $0x1  }
0x2: {  	[smem:$0x3F9B] =	sst lr;
	_ =	strace $0xD0000000  }
0x3: {  	_ = 	snop  }
0x4: {  	_ = 	snop  }
0x5: {  	_ = 	snop  }
0x6: {  	_ = 	snop  }
0x7: {  	_ = 	snop  }
__scs_overlays_trampoline_lowered:
0x8: {  	[smem:$0x3FAA] =	sst s0  }
0x9: {  	[smem:$0x3FAB] =	sst s1  }
0xa: {  	[smem:$0x3FAC] =	sst s2  }
0xb: {  	[smem:$0x3FAD] =	sst s3  }
0xc: {  	[smem:$0x3FAE] =	sst s4  }
0xd: {  	[smem:$0x3FAF] =	sst s5  }
0xe: {  	[smem:$0x3FB0] =	sst s6  }
0xf: {  	[smem:$0x3FB1] =	sst s7  }
0x10: {  	[smem:$0x3FB2] =	sst s8  }
0x11: {  	[smem:$0x3FB3] =	sst s9;
	s0 =	simm.s32 @!p0 $0x0  }
0x12: {  	s1 =	sld [smem:$0x3F99];
	s0 =	simm.s32 @p0 $0x1  }
0x13: {  	[smem:$0x3FB4] =	sst s0;
	s0 =	simm.s32 @!p1 $0x0  }
0x14: {  	s2 =	sld [smem:$0x3F98];
	s0 =	simm.s32 @p1 $0x1  }
0x15: {  	[smem:$0x3FB5] =	sst s0;
	s0 =	simm.s32 @!p2 $0x0  }
0x16: {  	s3 =	sld [smem:$0x3FDB];
	s0 =	simm.s32 @p2 $0x1  }
0x17: {  	s4 =	simm.s32 $0x1BF5;
	[smem:$0x3FB7] =	sst s0  }
0x18: {  	s0 =	sld [smem:$0x3F9A];
	_ =	swait.ge [sflag:s4], $0x0  }
0x19: {  	s7 =	sld [smem:$0x3F9B]  }
0x1a: {  	s8 =	sadd.s32 $0xFFFFE003, lr  }
0x1b: {  	s9 =	sadd.s32 $0xFFFFFEF7, lr;
	s5 =	simm.s32 $0xFFFFFFFF;
	p2 =	slt.u32 s8, $0xFFFFF086  }
0x1c: {  	p1 =	slt.u32 s9, $0xF7A;
	s5 =	simm.s32 @!p2 $0x0  }
0x1d: {  	s5 =	simm.s32 @p1 $0x1;
	p0 =	seq.s32 s7, s2  }
0x1e: {  	s7 =	smul.u32 @!p0 $0xF7A, s2;
	p2 =	seq.s32 @!p0 s5, $0x0  }
0x1f: {  	s9 =	smul.u32 $0xF7A, s1;
	s8 =	simm.s32 @!p0 $0x1BF5;
	p2 =	por !p2, p0  }
0x20: {  	[sflag:s8] =	ssyncset.s32 @!p0 $0xFFFFF086;
	s6 =	sadd.s32 @!p0 s3, s7;
	s7 =	simm.s32 @!p0 $0x108  }
0x21: {  	s3 =	sadd.s32 s3, s9;
	s6 =	sadd.s32 @!p0 $0x88, s6;
	s7 =	simm.s32 @p2 $0x1082  }
0x22: {  	[simem:s7], [sflag:s8] =	dma.local @!p0 [hbm:s6], $0xF7A  }
0x23: {  	s9 =	sor.u32 $0xD0000000, s2;
	s6 =	simm.s32 $0x108;
	_ =	swait.ge @!p0 [sflag:s8], $0x0  }
0x24: {  	s3 =	sadd.s32 $0x88, s3;
	s6 =	simm.s32 @!p1 $0x1082;
	[sflag:s4] =	ssyncset.s32 $0xFFFFF086  }
0x25: {  	[simem:s6], [sflag:s4] =	dma.local [hbm:s3], $0xF7A  }
0x26: {  	[smem:$0x3F9B] =	sst s1;
	(tag) =	ssettag s2;
	_ =	strace s9  }
0x27: {  	s1 =	sld [smem:$0x3FAB]  }
0x28: {  	s2 =	sld [smem:$0x3FAC]  }
0x29: {  	s4 =	sld [smem:$0x3FAE]  }
0x2a: {  	p0 =	seq.s32 s5, $0x0;
	s5 =	sld [smem:$0x3FAF]  }
0x2b: {  	s6 =	sld [smem:$0x3FB0]  }
0x2c: {  	s7 =	sld [smem:$0x3FB1]  }
0x2d: {  	s3 =	simm.s32 $0x108;
	s8 =	sld [smem:$0x3FB2]  }
0x2e: {  	s3 =	simm.s32 @!p0 $0x1082;
	s9 =	sld [smem:$0x3FB3]  }
0x2f: {  	lr =	sadd.s32 s0, s3;
	s0 =	sld [smem:$0x3FAA]  }
0x30: {  	s3 =	sld [smem:$0x3FAD]  }
0x31: {  	[smem:$0x3FB6] =	sst s10  }
0x32: {  	s10 =	sld [smem:$0x3FB4];
	_ =	sdelay $0x3  }
0x33: {  	p0 =	seq.s32 s10, $0x1;
	s10 =	sld [smem:$0x3FB6];
	_ =	sdelay $0x3  }
0x34: {  	[smem:$0x3FB6] =	sst s10  }
0x35: {  	s10 =	sld [smem:$0x3FB5];
	_ =	sdelay $0x3  }
0x36: {  	p1 =	seq.s32 s10, $0x1;
	s10 =	sld [smem:$0x3FB6];
	_ =	sdelay $0x3  }
0x37: {  	[smem:$0x3FB6] =	sst s10  }
0x38: {  	s10 =	sld [smem:$0x3FB7]  }
0x39: {  	_ = 	snop;
	(pc) =	sbr.ind lr, $3  }
0x3a: {  	_ = 	snop  }
0x3b: {  	_ = 	snop  }
0x3c: {  	p2 =	seq.s32 s10, $0x1;
	s10 =	sld [smem:$0x3FB6]  }
0x3d: {  	_ =	shalt  }
0x3e: {  	_ =	shalt  }
0x3f: {  	_ =	shalt  }
0x40: {  	_ =	shalt  }
0x41: {  	_ =	shalt  }
0x42: {  	_ =	shalt  }
0x43: {  	_ =	shalt  }
0x44: {  	_ =	shalt  }
0x45: {  	_ =	shalt  }
0x46: {  	_ =	shalt  }
0x47: {  	_ =	shalt  }
0x48: {  	_ =	shalt  }
0x49: {  	_ =	shalt  }
0x4a: {  	_ =	shalt  }
0x4b: {  	_ =	shalt  }
0x4c: {  	_ =	shalt  }
0x4d: {  	_ =	shalt  }
0x4e: {  	_ =	shalt  }
0x4f: {  	_ =	shalt  }
0x50: {  	_ =	shalt  }
0x51: {  	_ =	shalt  }
0x52: {  	_ =	shalt  }
0x53: {  	_ =	shalt  }
0x54: {  	_ =	shalt  }
0x55: {  	_ =	shalt  }
0x56: {  	_ =	shalt  }
0x57: {  	_ =	shalt  }
0x58: {  	_ =	shalt  }
0x59: {  	_ =	shalt  }
0x5a: {  	_ =	shalt  }
0x5b: {  	_ =	shalt  }
0x5c: {  	_ =	shalt  }
0x5d: {  	_ =	shalt  }
0x5e: {  	_ =	shalt  }
0x5f: {  	_ =	shalt  }
0x60: {  	_ =	shalt  }
0x61: {  	_ =	shalt  }
0x62: {  	_ =	shalt  }
0x63: {  	_ =	shalt  }
0x64: {  	_ =	shalt  }
0x65: {  	_ =	shalt  }
0x66: {  	_ =	shalt  }
0x67: {  	_ =	shalt  }
0x68: {  	_ =	shalt  }
0x69: {  	_ =	shalt  }
0x6a: {  	_ =	shalt  }
0x6b: {  	_ =	shalt  }
0x6c: {  	_ =	shalt  }
0x6d: {  	_ =	shalt  }
0x6e: {  	_ =	shalt  }
0x6f: {  	_ =	shalt  }
0x70: {  	_ =	shalt  }
0x71: {  	_ =	shalt  }
0x72: {  	_ =	shalt  }
0x73: {  	_ =	shalt  }
0x74: {  	_ =	shalt  }
0x75: {  	_ =	shalt  }
0x76: {  	_ =	shalt  }
0x77: {  	_ =	shalt  }
0x78: {  	_ =	shalt  }
0x79: {  	_ =	shalt  }
0x7a: {  	_ =	shalt  }
0x7b: {  	_ =	shalt  }
0x7c: {  	_ =	shalt  }
0x7d: {  	_ =	shalt  }
0x7e: {  	_ =	shalt  }
0x7f: {  	_ =	shalt  }
0x80: {  	_ =	shalt  }
0x81: {  	_ =	shalt  }
0x82: {  	_ =	shalt  }
0x83: {  	_ =	shalt  }
0x84: {  	_ =	shalt  }
0x85: {  	_ =	shalt  }
0x86: {  	_ =	shalt  }
0x87: {  	_ =	shalt  }
.Lfunc_end0:
.L_simem_size_0:
called_computation.4_lowered:
.L_overlay_start_0:
0x88: {  	s0 =	sld [smem:$0x3FD9]  }
0x89: {  	s1 =	sld [smem:$0x3FFE];
	_ =	sdelay $0x3  }
0x8a: {  	s0 =	sadd.s32 s1, s0  }
0x8b: {  	[smem:$0x3FC2] =	sst s0  }
0x8c: {  	_ = 	snop  }
0x8d: {  	(tm) =	ssettm $0x1  }
0x8e: {  	s15 =	sld [smem:$0x3FFB];
	_ =	sdelay $0x3  }
0x8f: {  	_ =	strace s15  }
0x90: {  	s0 =	sld [smem:$0x3FFC];
	_ =	sdelay $0x3  }
0x91: {  	_ =	strace s0  }
0x92: {  	s0 =	sld [smem:$0x3FFD];
	_ =	sdelay $0x3  }
0x93: {  	_ =	strace s0  }
0x94: {  	_ =	strace $0x8FFFFFFF  }
0x95: {  	s16 =	sld [smem:$0x3FDB];
	_ =	sdelay $0x1  }
0x96: {  	s17 =	simm.s32 $_scs_section_size  }
0x97: {  	s2 =	simm.s32 $_size__tile_overlayer_lowered;
	s3 =	simm.s32 $_tile_overlayer_lowered  }
0x98: {  	s20 =	simm.s32 $0x1BFF;
	s19 =	sshll.u32 s3, $0x1;
	s0 =	sadd.s32 s17, s16  }
0x99: {  	s4 =	simm.s32 $0x0;
	s18 =	sshll.u32 s2, $0x1;
	s2 =	sadd.s32 s19, s0  }
0x9a: {  	[timem:s4], [sflag:s20] =	dma.local [hbm:s2], s18  }
0x9b: {  	_ =	swait.ge [sflag:s20], s18  }
0x9c: {  	s1 =	ssub.s32 $0x0, s18;
	[sflag:s20] =	ssyncset.done $0x0  }
0x9d: {  	[sflag:s20] =	ssyncadd.s32 s1;
	_ =	sdelay $0x1  }
0x9e: {  	s21 =	simm.s32 $0x1B8B  }
0x9f: {  	_ =	swait.ge [sflag:s21], $0x1  }
0xa0: {  	[sflag:s21] =	ssyncset.done $0x0  }
0xa1: {  	s23 =	simm.s32 $0x1B8E;
	s22 =	sld [smem:$0x3FFE];
	[sflag:s21] =	ssyncadd.s32 $0xFFFFFFFF  }
0xa2: {  	s24 =	simm.s32 $execute0_lowered;
	[smem:$0x3FD2] =	sst s23  }
0xa3: {  	s2 =	sshll.u32 s24, $0x1;
	_ =	strace $0x8000004F;
	[dreg:$0x1] =	wrdreg $0xFFFFFFFF  }
0xa4: {  	s25 =	simm.s32 $_size_execute0_lowered;
	s0 =	sadd.s32 s0, s2;
	[dreg:$0x0] =	wrdreg $0x0  }
0xa5: {  	s2 =	sshll.u32 s25, $0x1;
	[dreg:$0x2] =	wrdreg s0  }
0xa6: {  	[dreg:$0x3] =	wrdreg s2  }
0xa7: {  	[dreg:$0x4] =	wrdreg $0xC0  }
0xa8: {  	_ =	task [dreg:s4], $0x5FFFF  }
0xa9: {  	[dreg:$0x1] =	wrdreg $0xFFFFFFFF  }
0xaa: {  	[dreg:$0x0] =	wrdreg $0x60  }
0xab: {  	[dreg:$0x2] =	wrdreg s22  }
0xac: {  	[dreg:$0x3] =	wrdreg $0xAA000  }
0xad: {  	[dreg:$0x4] =	wrdreg $0xA  }
0xae: {  	_ =	task.clear_ibuf [dreg:s4], $0x5FFFF;
	_ =	strace $0x9000004F  }
0xaf: {  	s26 =	simm.s32 $0xA;
	_ =	strace $0x80000051  }
0xb0: {  	_ =	swait.ge [sflag:s26], $0x1  }
0xb1: {  	[sflag:s26] =	ssyncadd.s32 $0xFFFFFFFF  }
0xb2: {  	_ =	strace $0x90000051  }
0xb3: {  	_ =	sfence  }
0xb4: {  	s28 =	sld [smem:$0x0];
	_ =	sdelay $0x1  }
0xb5: {  	s29 =	srdreg.scid  }
0xb6: {  	s30 =	sshll.u32 s29, $0xD;
	s31 =	sshrl.u32 s29, $0x2  }
0xb7: {  	s1 =	sand.u32 $0x1, s29;
	s2 =	sand.u32 $0x4000, s30;
	s0 =	sadd.s32 s31, s28  }
0xb8: {  	s1 =	sor.u32 s2, s1;
	s0 =	sshll.u32 s0, $0x11  }
0xb9: {  	s0 =	sor.u32 s0, s1  }
0xba: {  	s0 =	sadd.s32 $0x8F2B, s0  }
0xbb: {  	[sflag:s0] =	ssyncadd.remote.s32 $0x1  }
0xbc: {  	_ =	sfence.sel $0xFFFF  }
0xbd: {  	[dreg:$0x0] =	wrdreg $0xFFFFFFFF;
	(pc) =	sbr.abs _section_cstart, $3  }
0xbe: {  	[dreg:$0x1] =	wrdreg $0xFFFFFFFF  }
0xbf: {  	_ =	task.clear_ibuf [dreg:s4], $0x2FFFF;
	_ =	strace $0x9FFFFFFF  }
0xc0: {  	(tm) =	ssettm $0x7FFFFFFF  }
0xc1: {  	_ =	shalt  }
tec
execute0_lowered:
.L_overlay_start_1:
0x0: {  	(tag) =	ssettag $0x1  }
0x1: {  	s25 =	rddreg [dreg:$0x0];
	s1 =	stileid.u32  }
0x2: {  	s2 =	rddreg [dreg:$0x1];
	s8 =	simm.s32 $0x0;
	s4 =	smul.u32 $0x50000, s1  }
0x3: {  	s29 =	simm.s32 $0x9;
	[smem:$0x7FF] =	sst s8  }
0x4: {  	s3 =	smul.u32 $0x2800, s1;
	s6 =	sadd.s32 $0x14200, s25;
	s4 =	sshrl.u32 s4, $0x2  }
0x5: {  	s26 =	sshll.u32 s1, $0x6;
	_ =	strace $0x80000050;
	s5 =	sadd.s32 s4, s2  }
0x6: {  	s7 =	sadd.s32 s6, s3;
	s4 =	sor.u32 $0x1C09, s26;
	s5 =	sshrl.u32 s5, $0x3  }
0x7: {  	[spmem:s5], [sflag:s4] =	dma.local [hbm:s7], $0x2800  }
0x8: {  	s10 =	sshrl.u32 s3, $0x3;
	_ =	swait.ge [sflag:s29], $0x2800  }
0x9: {  	s9 =	sadd.s32 s10, s25;
	[sflag:s29] =	ssyncset.done $0x0  }
0xa: {  	s9 =	sadd.s32 $0xF200, s9;
	[sflag:s29] =	ssyncadd.s32 $0xFFFFD800  }
0xb: {  	[tilespmem:s8], [sflag:$0x9] =	stream.linear.gather [hbm4b:s9+s8], $0x2800, $0x38;
	[tilespmem:$0x1EA00] =	vst v63  }
0xc: {  	_ =	swait.ge [sflag:s29], $0x2800  }
0xd: {  	[sflag:s29] =	ssyncset.done $0x0  }
0xe: {  	s9 =	sadd.s32 $0x9200, s25;
	[sflag:s29] =	ssyncadd.s32 $0xFFFFD800  }
0xf: {  	s7 =	sadd.s32 s9, s10;
	s10 =	simm.s32 $0x2800;
	[bflag:$0x0] =	sbarrier.arrive $0xFFFF  }
0x10: {  	[tilespmem:s10], [sflag:$0x5] =	stream.linear.gather [hbm4b:s7+s8], $0x80, $0x38;
	[tilespmem:$0x1EA00] =	vst v63  }
0x11: {  	s11 =	simm.s32 $0x2880;
	s12 =	sadd.s32 $0x10, s7  }
0x12: {  	[tilespmem:s11], [sflag:$0x6] =	stream.linear.gather [hbm4b:s12+s8], $0x80, $0x38;
	[tilespmem:$0x1EA00] =	vst v63  }
0x13: {  	s13 =	sadd.s32 $0x20, s7;
	s12 =	simm.s32 $0x2900  }
0x14: {  	[tilespmem:s12], [sflag:$0x7] =	stream.linear.gather [hbm4b:s13+s8], $0x80, $0x38;
	[tilespmem:$0x1EA00] =	vst v63  }
0x15: {  	s14 =	sadd.s32 $0x30, s7;
	s13 =	simm.s32 $0x2980  }
0x16: {  	[tilespmem:s13], [sflag:$0x8] =	stream.linear.gather [hbm4b:s14+s8], $0x80, $0x38;
	[tilespmem:$0x1EA00] =	vst v63  }
0x17: {  	s15 =	simm.s32 $0x2A00;
	s16 =	simm.s32 $0x1;
	s14 =	simm.s32 $0x80  }
0x18: {  	[tilespmem:s15], [sflag:$0x1] =	stream.indirect.gather [hbm4b:s6+s14], $0x80, s8, s14, $0xb8;
	[tilespmem:$0x1EA00] =	vst v63  }
0x19: {  	_ =	swait.ge [sflag:s16], $0x4000  }
0x1a: {  	[sflag:s16] =	ssyncset.done $0x0  }
0x1b: {  	s17 =	simm.s32 $0x5;
	[sflag:s16] =	ssyncadd.s32 $0xFFFFC000  }
0x1c: {  	_ =	swait.ge [sflag:s17], $0x80  }
0x1d: {  	[sflag:s17] =	ssyncset.done $0x0  }
0x1e: {  	[sflag:s17] =	ssyncadd.s32 $0xFFFFFF80  }
0x1f: {  	[spmem:s2] =	stream.indirect.scatter.add.f32 [tilespmem:s15], [sflag:$0x3], $0x80, s10, s14, $0xb8;
	[tilespmem:$0x1EA00] =	vst v63  }
0x20: {  	s18 =	simm.s32 $0x6A00;
	s19 =	simm.s32 $0x2  }
0x21: {  	[tilespmem:s18], [sflag:$0x2] =	stream.indirect.gather [hbm4b:s6+s14], $0x80, s14, s14, $0xb8;
	[tilespmem:$0x1EA00] =	vst v63  }
0x22: {  	_ =	swait.ge [sflag:s19], $0x4000  }
0x23: {  	[sflag:s19] =	ssyncset.done $0x0  }
0x24: {  	s20 =	simm.s32 $0x6;
	[sflag:s19] =	ssyncadd.s32 $0xFFFFC000  }
0x25: {  	_ =	swait.ge [sflag:s20], $0x80  }
0x26: {  	[sflag:s20] =	ssyncset.done $0x0  }
0x27: {  	s21 =	simm.s32 $0x3;
	[sflag:s20] =	ssyncadd.s32 $0xFFFFFF80  }
0x28: {  	_ =	swait.ge [sflag:s21], $0x4000  }
0x29: {  	[sflag:s21] =	ssyncset.done $0x0  }
0x2a: {  	[sflag:s21] =	ssyncadd.s32 $0xFFFFC000  }
0x2b: {  	[spmem:s2] =	stream.indirect.scatter.add.f32 [tilespmem:s18], [sflag:$0x4], $0x80, s11, s14, $0xb8;
	[tilespmem:$0x1EA00] =	vst v63  }
0x2c: {  	s22 =	simm.s32 $0x100  }
0x2d: {  	[tilespmem:s15], [sflag:$0x1] =	stream.indirect.gather [hbm4b:s6+s14], $0x80, s22, s14, $0xb8;
	[tilespmem:$0x1EA00] =	vst v63  }
0x2e: {  	_ =	swait.ge [sflag:s16], $0x4000  }
0x2f: {  	[sflag:s16] =	ssyncset.done $0x0  }
0x30: {  	s22 =	simm.s32 $0x7;
	[sflag:s16] =	ssyncadd.s32 $0xFFFFC000  }
0x31: {  	_ =	swait.ge [sflag:s22], $0x80  }
0x32: {  	[sflag:s22] =	ssyncset.done $0x0  }
0x33: {  	s23 =	simm.s32 $0x4;
	[sflag:s22] =	ssyncadd.s32 $0xFFFFFF80  }
0x34: {  	_ =	swait.ge [sflag:s23], $0x4000  }
0x35: {  	[sflag:s23] =	ssyncset.done $0x0  }
0x36: {  	[sflag:s23] =	ssyncadd.s32 $0xFFFFC000  }
0x37: {  	[spmem:s2] =	stream.indirect.scatter.add.f32 [tilespmem:s15], [sflag:$0x3], $0x80, s12, s14, $0xb8;
	[tilespmem:$0x1EA00] =	vst v63  }
0x38: {  	s24 =	sadd.s32 $0x40, s7  }
0x39: {  	[tilespmem:s10], [sflag:$0x5] =	stream.linear.gather [hbm4b:s24+s8], $0x80, $0x38;
	[tilespmem:$0x1EA00] =	vst v63  }
0x3a: {  	s31 =	simm.s32 $0x180  }
0x3b: {  	[tilespmem:s18], [sflag:$0x2] =	stream.indirect.gather [hbm4b:s6+s14], $0x80, s31, s14, $0xb8;
	[tilespmem:$0x1EA00] =	vst v63  }
0x3c: {  	_ =	swait.ge [sflag:s19], $0x4000  }
0x3d: {  	[sflag:s19] =	ssyncset.done $0x0  }
0x3e: {  	s24 =	simm.s32 $0x8;
	[sflag:s19] =	ssyncadd.s32 $0xFFFFC000  }
0x3f: {  	_ =	swait.ge [sflag:s24], $0x80  }
0x40: {  	[sflag:s24] =	ssyncset.done $0x0  }
0x41: {  	[sflag:s24] =	ssyncadd.s32 $0xFFFFFF80  }
0x42: {  	_ =	swait.ge [sflag:s21], $0x4000  }
0x43: {  	[sflag:s21] =	ssyncset.done $0x0  }
0x44: {  	[sflag:s21] =	ssyncadd.s32 $0xFFFFC000  }
0x45: {  	[spmem:s2] =	stream.indirect.scatter.add.f32 [tilespmem:s18], [sflag:$0x4], $0x80, s13, s14, $0xb8;
	[tilespmem:$0x1EA00] =	vst v63  }
0x46: {  	s26 =	sadd.s32 $0x50, s7  }
0x47: {  	[tilespmem:s11], [sflag:$0x6] =	stream.linear.gather [hbm4b:s26+s8], $0x80, $0x38;
	[tilespmem:$0x1EA00] =	vst v63  }
0x48: {  	s0 =	simm.s32 $0x200  }
0x49: {  	[tilespmem:s15], [sflag:$0x1] =	stream.indirect.gather [hbm4b:s6+s14], $0x80, s0, s14, $0xb8;
	[tilespmem:$0x1EA00] =	vst v63  }
0x4a: {  	_ =	swait.ge [sflag:s16], $0x4000  }
0x4b: {  	[sflag:s16] =	ssyncset.done $0x0  }
0x4c: {  	[sflag:s16] =	ssyncadd.s32 $0xFFFFC000  }
0x4d: {  	_ =	swait.ge [sflag:s17], $0x80  }
0x4e: {  	s29 =	simm.s32 $0x200;
	[sflag:s17] =	ssyncset.done $0x0  }
0x4f: {  	s28 =	simm.s32 $0x300;
	s26 =	sand.u32 $0x3C00, s29;
	[sflag:s17] =	ssyncadd.s32 $0xFFFFFF80  }
0x50: {  	s31 =	sand.u32 $0x300, s28;
	s29 =	sadd.s32 s3, s26;
	_ =	swait.ge [sflag:s23], $0x4000  }
0x51: {  	s26 =	sor.u32 s29, s31;
	[sflag:s23] =	ssyncset.done $0x0  }
0x52: {  	s26 =	sshrl.u32 s26, $0x3;
	[sflag:s23] =	ssyncadd.s32 $0xFFFFC000  }
0x53: {  	[spmem:s2] =	stream.indirect.scatter.add.f32 [tilespmem:s15], [sflag:$0x3], $0x80, s10, s14, $0xb8;
	[tilespmem:$0x1EA00] =	vst v63  }
0x54: {  	s26 =	sadd.s32 s9, s26  }
0x55: {  	[tilespmem:s12], [sflag:$0x7] =	stream.linear.gather [hbm4b:s26+s8], $0x80, $0x38;
	[tilespmem:$0x1EA00] =	vst v63  }
0x56: {  	s26 =	simm.s32 $0x280  }
0x57: {  	[tilespmem:s18], [sflag:$0x2] =	stream.indirect.gather [hbm4b:s6+s14], $0x80, s26, s14, $0xb8;
	[tilespmem:$0x1EA00] =	vst v63  }
0x58: {  	_ =	swait.ge [sflag:s19], $0x4000  }
0x59: {  	[sflag:s19] =	ssyncset.done $0x0  }
0x5a: {  	[sflag:s19] =	ssyncadd.s32 $0xFFFFC000  }
0x5b: {  	_ =	swait.ge [sflag:s20], $0x80  }
0x5c: {  	[sflag:s20] =	ssyncset.done $0x0  }
0x5d: {  	s28 =	simm.s32 $0x380;
	[sflag:s20] =	ssyncadd.s32 $0xFFFFFF80  }
0x5e: {  	s28 =	sand.u32 $0x380, s28;
	_ =	swait.ge [sflag:s21], $0x4000  }
0x5f: {  	s28 =	sor.u32 s29, s28;
	[sflag:s21] =	ssyncset.done $0x0  }
0x60: {  	s28 =	sshrl.u32 s28, $0x3;
	[sflag:s21] =	ssyncadd.s32 $0xFFFFC000  }
0x61: {  	[spmem:s2] =	stream.indirect.scatter.add.f32 [tilespmem:s18], [sflag:$0x4], $0x80, s11, s14, $0xb8;
	[tilespmem:$0x1EA00] =	vst v63  }
0x62: {  	s28 =	sadd.s32 s9, s28  }
0x63: {  	[tilespmem:s13], [sflag:$0x8] =	stream.linear.gather [hbm4b:s28+s8], $0x80, $0x38;
	[tilespmem:$0x1EA00] =	vst v63  }
0x64: {  	s28 =	simm.s32 $0x300  }
0x65: {  	[tilespmem:s15], [sflag:$0x1] =	stream.indirect.gather [hbm4b:s6+s14], $0x80, s28, s14, $0xb8;
	[tilespmem:$0x1EA00] =	vst v63  }
0x66: {  	_ =	swait.ge [sflag:s16], $0x4000  }
0x67: {  	[sflag:s16] =	ssyncset.done $0x0  }
0x68: {  	[sflag:s16] =	ssyncadd.s32 $0xFFFFC000  }
0x69: {  	_ =	swait.ge [sflag:s22], $0x80  }
0x6a: {  	s28 =	simm.s32 $0x400;
	[sflag:s22] =	ssyncset.done $0x0  }
0x6b: {  	s0 =	sand.u32 $0x7C00, s28;
	[sflag:s22] =	ssyncadd.s32 $0xFFFFFF80  }
0x6c: {  	s28 =	sand.u32 $0x200, s28;
	s29 =	sadd.s32 s3, s0;
	_ =	swait.ge [sflag:s23], $0x4000  }
0x6d: {  	s28 =	sor.u32 s28, s29;
	[sflag:s23] =	ssyncset.done $0x0  }
0x6e: {  	s28 =	sshrl.u32 s28, $0x3;
	[sflag:s23] =	ssyncadd.s32 $0xFFFFC000  }
0x6f: {  	[spmem:s2] =	stream.indirect.scatter.add.f32 [tilespmem:s15], [sflag:$0x3], $0x80, s12, s14, $0xb8;
	[tilespmem:$0x1EA00] =	vst v63  }
0x70: {  	s28 =	sadd.s32 s9, s28  }
0x71: {  	[tilespmem:s10], [sflag:$0x5] =	stream.linear.gather [hbm4b:s28+s8], $0x80, $0x38;
	[tilespmem:$0x1EA00] =	vst v63  }
0x72: {  	s28 =	simm.s32 $0x380  }
0x73: {  	[tilespmem:s18], [sflag:$0x2] =	stream.indirect.gather [hbm4b:s6+s14], $0x80, s28, s14, $0xb8;
	[tilespmem:$0x1EA00] =	vst v63  }
0x74: {  	_ =	swait.ge [sflag:s19], $0x4000  }
0x75: {  	[sflag:s19] =	ssyncset.done $0x0  }
0x76: {  	[sflag:s19] =	ssyncadd.s32 $0xFFFFC000  }
0x77: {  	_ =	swait.ge [sflag:s24], $0x80  }
0x78: {  	s28 =	simm.s32 $0x480;
	[sflag:s24] =	ssyncset.done $0x0  }
0x79: {  	s31 =	sand.u32 $0x7C00, s28;
	[sflag:s24] =	ssyncadd.s32 $0xFFFFFF80  }
0x7a: {  	s28 =	sand.u32 $0x280, s28;
	s29 =	sadd.s32 s3, s31;
	_ =	swait.ge [sflag:s21], $0x4000  }
0x7b: {  	s28 =	sor.u32 s28, s29;
	[sflag:s21] =	ssyncset.done $0x0  }
0x7c: {  	s28 =	sshrl.u32 s28, $0x3;
	[sflag:s21] =	ssyncadd.s32 $0xFFFFC000  }
0x7d: {  	[spmem:s2] =	stream.indirect.scatter.add.f32 [tilespmem:s18], [sflag:$0x4], $0x80, s13, s14, $0xb8;
	[tilespmem:$0x1EA00] =	vst v63  }
0x7e: {  	s28 =	sadd.s32 s9, s28  }
0x7f: {  	[tilespmem:s11], [sflag:$0x6] =	stream.linear.gather [hbm4b:s28+s8], $0x80, $0x38;
	[tilespmem:$0x1EA00] =	vst v63  }
0x80: {  	s30 =	simm.s32 $0x400;
	s25 =	sadd.s32 $0x64200, s25;
	s28 =	simm.s32 $0x680  }
.LBB2_1:
0x81: {  	p0 =	sne.s32 s28, $0x2680  }
0x82: {  	s26 =	sadd.s32 $0x200, s26;
	s29 =	smov.u32 s28;
	s28 =	sadd.s32 $0x200, s28  }
0x83: {  	[tilespmem:s15], [sflag:$0x1] =	stream.indirect.gather [hbm4b:s6+s14], $0x80, s30, s14, $0xb8;
	[tilespmem:$0x1EA00] =	vst v63  }
0x84: {  	_ =	swait.ge [sflag:s16], $0x4000  }
0x85: {  	[sflag:s16] =	ssyncset.done $0x0  }
0x86: {  	[sflag:s16] =	ssyncadd.s32 $0xFFFFC000  }
0x87: {  	s30 =	sadd.s32 $0xFFFFFE80, s29;
	_ =	swait.ge [sflag:s17], $0x80  }
0x88: {  	s31 =	sadd.s32 $0xFFFFFD80, s29;
	s0 =	sadd.s32 $0xFFFFFF00, s29;
	[sflag:s17] =	ssyncset.done $0x0  }
0x89: {  	s31 =	sand.u32 $0x3C00, s31;
	s0 =	sand.u32 $0x380, s0;
	[sflag:s17] =	ssyncadd.s32 $0xFFFFFF80  }
0x8a: {  	s30 =	sand.u32 $0x300, s30;
	s31 =	sadd.s32 s3, s31;
	_ =	swait.ge [sflag:s23], $0x4000  }
0x8b: {  	s30 =	sor.u32 s31, s30;
	s0 =	sor.u32 s31, s0;
	[sflag:s23] =	ssyncset.done $0x0  }
0x8c: {  	s30 =	sshrl.u32 s30, $0x3;
	s0 =	sshrl.u32 s0, $0x3;
	[sflag:s23] =	ssyncadd.s32 $0xFFFFC000  }
0x8d: {  	[spmem:s2] =	stream.indirect.scatter.add.f32 [tilespmem:s15], [sflag:$0x3], $0x80, s10, s14, $0xb8;
	[tilespmem:$0x1EA00] =	vst v63  }
0x8e: {  	s30 =	sadd.s32 s9, s30  }
0x8f: {  	[tilespmem:s12], [sflag:$0x7] =	stream.linear.gather [hbm4b:s30+s8], $0x80, $0x38;
	[tilespmem:$0x1EA00] =	vst v63  }
0x90: {  	_ = 	snop  }
0x91: {  	[tilespmem:s18], [sflag:$0x2] =	stream.indirect.gather [hbm4b:s6+s14], $0x80, s26, s14, $0xb8;
	[tilespmem:$0x1EA00] =	vst v63  }
0x92: {  	_ =	swait.ge [sflag:s19], $0x4000  }
0x93: {  	[sflag:s19] =	ssyncset.done $0x0  }
0x94: {  	[sflag:s19] =	ssyncadd.s32 $0xFFFFC000  }
0x95: {  	_ =	swait.ge [sflag:s20], $0x80  }
0x96: {  	[sflag:s20] =	ssyncset.done $0x0  }
0x97: {  	[sflag:s20] =	ssyncadd.s32 $0xFFFFFF80  }
0x98: {  	_ =	swait.ge [sflag:s21], $0x4000  }
0x99: {  	[sflag:s21] =	ssyncset.done $0x0  }
0x9a: {  	s0 =	sadd.s32 s9, s0;
	[sflag:s21] =	ssyncadd.s32 $0xFFFFC000  }
0x9b: {  	[spmem:s2] =	stream.indirect.scatter.add.f32 [tilespmem:s18], [sflag:$0x4], $0x80, s11, s14, $0xb8;
	[tilespmem:$0x1EA00] =	vst v63  }
0x9c: {  	s30 =	sadd.s32 $0x80, s26  }
0x9d: {  	[tilespmem:s13], [sflag:$0x8] =	stream.linear.gather [hbm4b:s0+s8], $0x80, $0x38;
	[tilespmem:$0x1EA00] =	vst v63  }
0x9e: {  	_ = 	snop  }
0x9f: {  	[tilespmem:s15], [sflag:$0x1] =	stream.indirect.gather [hbm4b:s6+s14], $0x80, s30, s14, $0xb8;
	[tilespmem:$0x1EA00] =	vst v63  }
0xa0: {  	_ =	swait.ge [sflag:s16], $0x4000  }
0xa1: {  	[sflag:s16] =	ssyncset.done $0x0  }
0xa2: {  	[sflag:s16] =	ssyncadd.s32 $0xFFFFC000  }
0xa3: {  	_ =	swait.ge [sflag:s22], $0x80  }
0xa4: {  	s0 =	sadd.s32 $0xFFFFFF80, s29;
	[sflag:s22] =	ssyncset.done $0x0  }
0xa5: {  	s30 =	sand.u32 $0x7C00, s0;
	[sflag:s22] =	ssyncadd.s32 $0xFFFFFF80  }
0xa6: {  	s0 =	sand.u32 $0x200, s0;
	s30 =	sadd.s32 s3, s30;
	_ =	swait.ge [sflag:s23], $0x4000  }
0xa7: {  	s0 =	sor.u32 s0, s30;
	[sflag:s23] =	ssyncset.done $0x0  }
0xa8: {  	s0 =	sshrl.u32 s0, $0x3;
	[sflag:s23] =	ssyncadd.s32 $0xFFFFC000  }
0xa9: {  	[spmem:s2] =	stream.indirect.scatter.add.f32 [tilespmem:s15], [sflag:$0x3], $0x80, s12, s14, $0xb8;
	[tilespmem:$0x1EA00] =	vst v63  }
0xaa: {  	s30 =	sadd.s32 $0x100, s26;
	s0 =	sadd.s32 s9, s0  }
0xab: {  	[tilespmem:s10], [sflag:$0x5] =	stream.linear.gather [hbm4b:s0+s8], $0x80, $0x38;
	[tilespmem:$0x1EA00] =	vst v63  }
0xac: {  	_ = 	snop  }
0xad: {  	[tilespmem:s18], [sflag:$0x2] =	stream.indirect.gather [hbm4b:s6+s14], $0x80, s30, s14, $0xb8;
	[tilespmem:$0x1EA00] =	vst v63  }
0xae: {  	_ =	swait.ge [sflag:s19], $0x4000  }
0xaf: {  	[sflag:s19] =	ssyncset.done $0x0  }
0xb0: {  	[sflag:s19] =	ssyncadd.s32 $0xFFFFC000  }
0xb1: {  	_ =	swait.ge [sflag:s24], $0x80  }
0xb2: {  	[sflag:s24] =	ssyncset.done $0x0  }
0xb3: {  	s0 =	sand.u32 $0x7C00, s29;
	[sflag:s24] =	ssyncadd.s32 $0xFFFFFF80  }
0xb4: {  	s29 =	sand.u32 $0x280, s29;
	s0 =	sadd.s32 s3, s0;
	_ =	swait.ge [sflag:s21], $0x4000  }
.Ltmp0:
0xb5: {  	s0 =	sor.u32 s29, s0;
	[sflag:s21] =	ssyncset.done $0x0;
	(pc) =	sbr.rel @p0 .LBB2_1-.Ltmp0, $4  }
0xb6: {  	s0 =	sshrl.u32 s0, $0x3;
	[sflag:s21] =	ssyncadd.s32 $0xFFFFC000  }
0xb7: {  	[spmem:s2] =	stream.indirect.scatter.add.f32 [tilespmem:s18], [sflag:$0x4], $0x80, s13, s14, $0xb8;
	[tilespmem:$0x1EA00] =	vst v63  }
0xb8: {  	s30 =	sadd.s32 $0x180, s26;
	s0 =	sadd.s32 s9, s0  }
0xb9: {  	[tilespmem:s11], [sflag:$0x6] =	stream.linear.gather [hbm4b:s0+s8], $0x80, $0x38;
	[tilespmem:$0x1EA00] =	vst v63  }
0xba: {  	[tilespmem:s15], [sflag:$0x1] =	stream.indirect.gather [hbm4b:s6+s14], $0x80, s30, s14, $0xb8;
	[tilespmem:$0x1EA00] =	vst v63  }
0xbb: {  	s0 =	simm.s32 $0x1  }
0xbc: {  	_ =	swait.ge [sflag:s0], $0x4000  }
0xbd: {  	[sflag:s0] =	ssyncset.done $0x0  }
0xbe: {  	s8 =	simm.s32 $0x5;
	[sflag:s0] =	ssyncadd.s32 $0xFFFFC000  }
0xbf: {  	_ =	swait.ge [sflag:s8], $0x80  }
0xc0: {  	[sflag:s8] =	ssyncset.done $0x0  }
0xc1: {  	s31 =	simm.s32 $0x4;
	[sflag:s8] =	ssyncadd.s32 $0xFFFFFF80  }
0xc2: {  	_ =	swait.ge [sflag:s31], $0x4000  }
0xc3: {  	s9 =	simm.s32 $0x80;
	[sflag:s31] =	ssyncset.done $0x0  }
0xc4: {  	s10 =	simm.s32 $0x2800;
	s11 =	simm.s32 $0x2A00;
	[sflag:s31] =	ssyncadd.s32 $0xFFFFC000  }
0xc5: {  	[spmem:s2] =	stream.indirect.scatter.add.f32 [tilespmem:s11], [sflag:$0x3], $0x80, s10, s9, $0xb8;
	[tilespmem:$0x1EA00] =	vst v63  }
0xc6: {  	s16 =	sadd.s32 $0x4E0, s7;
	s12 =	simm.s32 $0x0;
	s13 =	simm.s32 $0x2900  }
0xc7: {  	[tilespmem:s13], [sflag:$0x7] =	stream.linear.gather [hbm4b:s16+s12], $0x80, $0x38;
	[tilespmem:$0x1EA00] =	vst v63  }
0xc8: {  	s17 =	simm.s32 $0x2680;
	s18 =	simm.s32 $0x6A00;
	s19 =	simm.s32 $0x2  }
0xc9: {  	[tilespmem:s18], [sflag:$0x2] =	stream.indirect.gather [hbm4b:s6+s9], $0x80, s17, s9, $0xb8;
	[tilespmem:$0x1EA00] =	vst v63  }
0xca: {  	_ =	swait.ge [sflag:s19], $0x4000  }
0xcb: {  	[sflag:s19] =	ssyncset.done $0x0  }
0xcc: {  	s20 =	simm.s32 $0x6;
	[sflag:s19] =	ssyncadd.s32 $0xFFFFC000  }
0xcd: {  	_ =	swait.ge [sflag:s20], $0x80  }
0xce: {  	[sflag:s20] =	ssyncset.done $0x0  }
0xcf: {  	s21 =	simm.s32 $0x3;
	[sflag:s20] =	ssyncadd.s32 $0xFFFFFF80  }
0xd0: {  	_ =	swait.ge [sflag:s21], $0x4000  }
0xd1: {  	[sflag:s21] =	ssyncset.done $0x0  }
0xd2: {  	s16 =	simm.s32 $0x2880;
	[sflag:s21] =	ssyncadd.s32 $0xFFFFC000  }
0xd3: {  	[spmem:s2] =	stream.indirect.scatter.add.f32 [tilespmem:s18], [sflag:$0x4], $0x80, s16, s9, $0xb8;
	[tilespmem:$0x1EA00] =	vst v63  }
0xd4: {  	s22 =	sadd.s32 $0x4F0, s7;
	s23 =	simm.s32 $0x2980  }
0xd5: {  	[tilespmem:s23], [sflag:$0x8] =	stream.linear.gather [hbm4b:s22+s12], $0x80, $0x38;
	[tilespmem:$0x1EA00] =	vst v63  }
0xd6: {  	s24 =	simm.s32 $0x2700  }
0xd7: {  	[tilespmem:s11], [sflag:$0x1] =	stream.indirect.gather [hbm4b:s6+s9], $0x80, s24, s9, $0xb8;
	[tilespmem:$0x1EA00] =	vst v63  }
0xd8: {  	_ =	swait.ge [sflag:s0], $0x4000  }
0xd9: {  	[sflag:s0] =	ssyncset.done $0x0  }
0xda: {  	s26 =	simm.s32 $0x7;
	[sflag:s0] =	ssyncadd.s32 $0xFFFFC000  }
0xdb: {  	_ =	swait.ge [sflag:s26], $0x80  }
0xdc: {  	[sflag:s26] =	ssyncset.done $0x0  }
0xdd: {  	[sflag:s26] =	ssyncadd.s32 $0xFFFFFF80  }
0xde: {  	_ =	swait.ge [sflag:s31], $0x4000  }
0xdf: {  	[sflag:s31] =	ssyncset.done $0x0  }
0xe0: {  	[sflag:s31] =	ssyncadd.s32 $0xFFFFC000  }
0xe1: {  	[spmem:s2] =	stream.indirect.scatter.add.f32 [tilespmem:s11], [sflag:$0x3], $0x80, s13, s9, $0xb8;
	[tilespmem:$0x1EA00] =	vst v63  }
0xe2: {  	s28 =	simm.s32 $0x2780  }
0xe3: {  	[tilespmem:s18], [sflag:$0x2] =	stream.indirect.gather [hbm4b:s6+s9], $0x80, s28, s9, $0xb8;
	[tilespmem:$0x1EA00] =	vst v63  }
0xe4: {  	_ =	swait.ge [sflag:s19], $0x4000  }
0xe5: {  	[sflag:s19] =	ssyncset.done $0x0  }
0xe6: {  	s29 =	simm.s32 $0x8;
	[sflag:s19] =	ssyncadd.s32 $0xFFFFC000  }
0xe7: {  	_ =	swait.ge [sflag:s29], $0x80  }
0xe8: {  	[sflag:s29] =	ssyncset.done $0x0  }
0xe9: {  	[sflag:s29] =	ssyncadd.s32 $0xFFFFFF80  }
0xea: {  	_ =	swait.ge [sflag:s21], $0x4000  }
0xeb: {  	[sflag:s21] =	ssyncset.done $0x0  }
0xec: {  	[sflag:s21] =	ssyncadd.s32 $0xFFFFC000  }
0xed: {  	[spmem:s2] =	stream.indirect.scatter.add.f32 [tilespmem:s18], [sflag:$0x4], $0x80, s23, s9, $0xb8;
	[tilespmem:$0x1EA00] =	vst v63  }
0xee: {  	_ =	swait.ge [sflag:s31], $0x4000  }
0xef: {  	[sflag:s31] =	ssyncset.done $0x0  }
0xf0: {  	[sflag:s31] =	ssyncadd.s32 $0xFFFFC000  }
0xf1: {  	s30 =	sadd.s32 s25, s3;
	s31 =	simm.s32 $0x9;
	[bflag:$0x0] =	sbarrier.arrive $0xFFFF  }
0xf2: {  	[hbm:s30], [sflag:s4] =	dma.local [spmem:s5], $0x2800  }
0xf3: {  	_ =	swait.ge [sflag:s31], $0x2800  }
0xf4: {  	[sflag:s31] =	ssyncset.done $0x0  }
0xf5: {  	[sflag:s31] =	ssyncadd.s32 $0xFFFFD800  }
0xf6: {  	_ =	sfence.sel $0x180000  }
0xf7: {  	[bflag:$0x0] =	sbarrier.arrive $0xFFFF  }
0xf8: {  	_ =	strace $0x90000050  }
0xf9: {  	[bflag:$0x2] =	sbarrier.arrive $0xFFFF  }
0xfa: {  	p0 =	sne.s32 s1, $0x0;
	s0 =	rddreg [dreg:$0x2]  }
0xfb: {  	s0 =	sadd.s32 @!p0 $0x100000, s0  }
0xfc: {  	[sflag:s0] =	ssyncadd.tile.s32 @!p0 $0x1;
	_ =	shalt  }
.Lfunc_end2:
_tile_overlayer_lowered:
.L_overlay_start_2:
0xfd: {  	(tag) =	ssettag $0x2  }
0xfe: {  	s0 =	rddreg [dreg:$0x0];
	s2 =	stileid.u32  }
0xff: {  	s1 =	rddreg [dreg:$0x1];
	p0 =	sne.s32 s2, $0x0  }
0x100: {  	s3 =	rddreg [dreg:$0x2];
	[bflag:$0x3] =	sbarrier.arrive $0xFFFF;
	s2 =	simm.s32 @!p0 $0x1C09  }
0x101: {  	[timem:s3], [sflag:s2] =	dma.local @!p0 [hbm:s0], s1  }
0x102: {  	s0 =	simm.s32 @!p0 $0x9  }
0x103: {  	_ =	swait.ge @!p0 [sflag:s0], s1  }
0x104: {  	s1 =	ssub.s32 @!p0 $0x0, s1;
	[sflag:s0] =	ssyncset.done @!p0 $0x0  }
0x105: {  	[sflag:s0] =	ssyncadd.s32 @!p0 s1  }
0x106: {  	[bflag:$0x3] =	sbarrier.arrive $0xFFFF  }
0x107: {  	_ =	shalt  }

</sc_bundles>
